<compile_context>
chip_gen: v7x
topology: tpu7x:2x2x1
jax: 0.10.2.dev20260603
libtpu: 0.0.44.dev20260713+nightly
codegen_flags: <defaults>
</compile_context>

<pallas_src>
import functools
import jax
import jax.numpy as jnp
from jax import lax
from jax.experimental import pallas as pl
from jax.experimental.pallas import tpu as pltpu
from jax.experimental.pallas import tpu_sc as plsc

N0 = 10000
E0 = 320000
BG = 100
H = 128
DV = 600
NCLS = 10

NP1, NP2, NP3 = 10240, 5120, 2560
NW = 32
EW = E0 // NW
CH = 80
NCHUNK = EW // CH
VPC = CH // 16


def _mesh():
    return plsc.VectorSubcoreMesh(core_axis_name="c", subcore_axis_name="s")


def _make_sc_cnt():
    @functools.partial(
        pl.kernel, mesh=_mesh(),
        out_type=[jax.ShapeDtypeStruct((2 * NP1,), jnp.float32),
                  jax.ShapeDtypeStruct((2 * NP2,), jnp.float32),
                  jax.ShapeDtypeStruct((2 * NP3,), jnp.float32)],
        scratch_types=[pltpu.VMEM((CH,), jnp.int32),
                       pltpu.VMEM((CH,), jnp.int32),
                       pltpu.VMEM((CH,), jnp.float32),
                       pltpu.VMEM((NP1 // 16,), jnp.float32),
                       pltpu.VMEM_SHARED((NP1,), jnp.float32),
                       pltpu.VMEM_SHARED((NP2,), jnp.float32),
                       pltpu.VMEM_SHARED((NP3,), jnp.float32)],
    )
    def k(dst_hbm, o1, o2, o3, d_v, i_v, ones_v, z_v, a1, a2, a3):
        cid = lax.axis_index("c")
        sid = lax.axis_index("s")
        w = cid * 16 + sid
        zer = jnp.zeros((16,), jnp.float32)
        one = jnp.ones((16,), jnp.float32)

        def zfill(j, _):
            z_v[pl.ds(j * 16, 16)] = zer
            return 0
        lax.fori_loop(0, NP1 // 256, zfill, 0)

        def ofill(j, _):
            ones_v[pl.ds(j * 16, 16)] = one
            return 0
        lax.fori_loop(0, VPC, ofill, 0)

        pltpu.sync_copy(z_v, a1.at[pl.ds(sid * (NP1 // 16), NP1 // 16)])
        pltpu.sync_copy(z_v.at[pl.ds(0, NP2 // 16)],
                        a2.at[pl.ds(sid * (NP2 // 16), NP2 // 16)])
        pltpu.sync_copy(z_v.at[pl.ds(0, NP3 // 16)],
                        a3.at[pl.ds(sid * (NP3 // 16), NP3 // 16)])
        plsc.subcore_barrier()

        def chunk(c, _):
            base = w * EW + c * CH
            pltpu.sync_copy(dst_hbm.at[pl.ds(base, CH)], d_v)
            pltpu.sync_copy(ones_v, a1.at[d_v], add=True)

            def sh1(j, _):
                i_v[pl.ds(j * 16, 16)] = lax.shift_right_logical(
                    d_v[pl.ds(j * 16, 16)], 1)
                return 0
            lax.fori_loop(0, VPC, sh1, 0)
            pltpu.sync_copy(ones_v, a2.at[i_v], add=True)

            def sh2(j, _):
                i_v[pl.ds(j * 16, 16)] = lax.shift_right_logical(
                    i_v[pl.ds(j * 16, 16)], 1)
                return 0
            lax.fori_loop(0, VPC, sh2, 0)
            pltpu.sync_copy(ones_v, a3.at[i_v], add=True)
            return 0
        lax.fori_loop(0, NCHUNK, chunk, 0)
        plsc.subcore_barrier()

        pltpu.sync_copy(a1.at[pl.ds(sid * (NP1 // 16), NP1 // 16)], z_v)
        pltpu.sync_copy(z_v,
                        o1.at[pl.ds(cid * NP1 + sid * (NP1 // 16), NP1 // 16)])
        pltpu.sync_copy(a2.at[pl.ds(sid * (NP2 // 16), NP2 // 16)],
                        z_v.at[pl.ds(0, NP2 // 16)])
        pltpu.sync_copy(z_v.at[pl.ds(0, NP2 // 16)],
                        o2.at[pl.ds(cid * NP2 + sid * (NP2 // 16), NP2 // 16)])
        pltpu.sync_copy(a3.at[pl.ds(sid * (NP3 // 16), NP3 // 16)],
                        z_v.at[pl.ds(0, NP3 // 16)])
        pltpu.sync_copy(z_v.at[pl.ds(0, NP3 // 16)],
                        o3.at[pl.ds(cid * NP3 + sid * (NP3 // 16), NP3 // 16)])
    return k


def _make_sc_msg(shift, np_pad, ch):
    share = np_pad // 16
    nchunk = EW // ch

    @functools.partial(
        pl.kernel, mesh=_mesh(),
        out_type=jax.ShapeDtypeStruct((2 * np_pad, H), jnp.float32),
        scratch_types=[pltpu.VMEM((ch,), jnp.int32),
                       pltpu.VMEM((ch,), jnp.int32),
                       pltpu.VMEM((ch,), jnp.int32),
                       pltpu.VMEM((ch,), jnp.int32),
                       pltpu.VMEM((ch, H), jnp.float32),
                       pltpu.VMEM((ch, H), jnp.float32),
                       pltpu.VMEM((16, H), jnp.float32),
                       pltpu.VMEM_SHARED((np_pad, H), jnp.float32),
                       pltpu.SemaphoreType.DMA,
                       pltpu.SemaphoreType.DMA],
    )
    def k(y_hbm, src_hbm, dst_hbm, out, s_v0, d_v0, s_v1, d_v1,
          rows0, rows1, zrow, s_sh, sem0, sem1):
        cid = lax.axis_index("c")
        sid = lax.axis_index("s")
        w = cid * 16 + sid
        zer = jnp.zeros((16,), jnp.float32)

        def zfill(i, _):
            zrow[i // 8, pl.ds((i % 8) * 16, 16)] = zer
            return 0
        lax.fori_loop(0, 128, zfill, 0)

        def zcopy(kk, _):
            pltpu.sync_copy(zrow, s_sh.at[pl.ds(sid * share + kk * 16, 16), :])
            return 0
        lax.fori_loop(0, share // 16, zcopy, 0)
        plsc.subcore_barrier()

        def prep(c, s_v, d_v):
            base = w * EW + c * ch
            pltpu.sync_copy(src_hbm.at[pl.ds(base, ch)], s_v)
            pltpu.sync_copy(dst_hbm.at[pl.ds(base, ch)], d_v)
            if shift:
                def sh(j, _):
                    s_v[pl.ds(j * 16, 16)] = lax.shift_right_logical(
                        s_v[pl.ds(j * 16, 16)], shift)
                    d_v[pl.ds(j * 16, 16)] = lax.shift_right_logical(
                        d_v[pl.ds(j * 16, 16)], shift)
                    return 0
                lax.fori_loop(0, ch // 16, sh, 0)

        prep(0, s_v0, d_v0)
        pltpu.async_copy(y_hbm.at[s_v0], rows0, sem0)

        def pair(cc, _):
            c1 = 2 * cc + 1
            prep(c1, s_v1, d_v1)
            pltpu.async_copy(y_hbm.at[s_v1], rows1, sem1)
            pltpu.make_async_copy(y_hbm.at[s_v0], rows0, sem0).wait()
            pltpu.sync_copy(rows0, s_sh.at[d_v0], add=True)
            prep(c1 + 1, s_v0, d_v0)
            pltpu.async_copy(y_hbm.at[s_v0], rows0, sem0)
            pltpu.make_async_copy(y_hbm.at[s_v1], rows1, sem1).wait()
            pltpu.sync_copy(rows1, s_sh.at[d_v1], add=True)
            return 0
        lax.fori_loop(0, nchunk // 2, pair, 0)
        pltpu.make_async_copy(y_hbm.at[s_v0], rows0, sem0).wait()
        pltpu.sync_copy(rows0, s_sh.at[d_v0], add=True)
        plsc.subcore_barrier()

        pltpu.sync_copy(
            s_sh.at[pl.ds(sid * share, share), :],
            out.at[pl.ds(cid * np_pad + sid * share, share), :])
    return k


def _make_sc_esc(shift, np_pad):
    share = np_pad // 16

    @functools.partial(
        pl.kernel, mesh=_mesh(),
        out_type=jax.ShapeDtypeStruct((2 * np_pad,), jnp.float32),
        compiler_params=pltpu.CompilerParams(needs_layout_passes=False),
        scratch_types=[pltpu.VMEM((CH,), jnp.int32),
                       pltpu.VMEM((CH,), jnp.int32),
                       pltpu.VMEM((CH,), jnp.float32),
                       pltpu.VMEM((np_pad,), jnp.float32),
                       pltpu.VMEM((np_pad,), jnp.float32),
                       pltpu.VMEM((share,), jnp.float32),
                       pltpu.VMEM_SHARED((np_pad,), jnp.float32)],
    )
    def k(a_hbm, t_hbm, src_hbm, dst_hbm, out, s_v, d_v, vals_v,
          a_v, t_v, z_v, acc):
        cid = lax.axis_index("c")
        sid = lax.axis_index("s")
        w = cid * 16 + sid
        zer = jnp.zeros((16,), jnp.float32)
        pltpu.sync_copy(a_hbm, a_v)
        pltpu.sync_copy(t_hbm, t_v)

        def zfill(j, _):
            z_v[pl.ds(j * 16, 16)] = zer
            return 0
        lax.fori_loop(0, share // 16, zfill, 0)
        pltpu.sync_copy(z_v, acc.at[pl.ds(sid * share, share)])
        plsc.subcore_barrier()

        def chunk(c, _):
            base = w * EW + c * CH
            pltpu.sync_copy(src_hbm.at[pl.ds(base, CH)], s_v)
            pltpu.sync_copy(dst_hbm.at[pl.ds(base, CH)], d_v)

            def vreg(j, _):
                sv = s_v[pl.ds(j * 16, 16)]
                dv = d_v[pl.ds(j * 16, 16)]
                if shift:
                    sv = lax.shift_right_logical(sv, shift)
                    dv = lax.shift_right_logical(dv, shift)
                    d_v[pl.ds(j * 16, 16)] = dv
                av = plsc.load_gather(a_v, [sv])
                tv = plsc.load_gather(t_v, [dv])
                z = av + tv
                vals_v[pl.ds(j * 16, 16)] = 1.0 / (1.0 + jnp.exp(-z))
                return 0
            lax.fori_loop(0, VPC, vreg, 0)
            pltpu.sync_copy(vals_v, acc.at[d_v], add=True)
            return 0
        lax.fori_loop(0, NCHUNK, chunk, 0)
        plsc.subcore_barrier()

        pltpu.sync_copy(acc.at[pl.ds(sid * share, share)], z_v)
        pltpu.sync_copy(z_v, out.at[pl.ds(cid * np_pad + sid * share, share)])
    return k


def _tc_deg_body(c1a, c1b, c2a, c2b, c3a, c3b,
                 d1, d2, d3, l1, l2, l3):
    for ca, cb, d, l in ((c1a, c1b, d1, l1), (c2a, c2b, d2, l2),
                         (c3a, c3b, d3, l3)):
        c = ca[...] + cb[...]
        d[...] = lax.rsqrt(c + 1.0)
        l[...] = jnp.maximum(c, 1.0)


def _tc_deg(cp1, cp2, cp3):
    outs = [jax.ShapeDtypeStruct((n, 1), jnp.float32)
            for n in (NP1, NP2, NP3) for _ in (0, 1)]
    outs = [jax.ShapeDtypeStruct((NP1, 1), jnp.float32),
            jax.ShapeDtypeStruct((NP2, 1), jnp.float32),
            jax.ShapeDtypeStruct((NP3, 1), jnp.float32),
            jax.ShapeDtypeStruct((NP1, 1), jnp.float32),
            jax.ShapeDtypeStruct((NP2, 1), jnp.float32),
            jax.ShapeDtypeStruct((NP3, 1), jnp.float32)]
    fn = pl.pallas_call(
        lambda c1a, c1b, c2a, c2b, c3a, c3b, d1, d2, d3, l1, l2, l3:
        _tc_deg_body(c1a, c1b, c2a, c2b, c3a, c3b, d1, d2, d3, l1, l2, l3),
        out_shape=outs)
    return fn(cp1[:NP1].reshape(NP1, 1), cp1[NP1:].reshape(NP1, 1),
              cp2[:NP2].reshape(NP2, 1), cp2[NP2:].reshape(NP2, 1),
              cp3[:NP3].reshape(NP3, 1), cp3[NP3:].reshape(NP3, 1))


def _tc_img_body(img_ref, wd_ref, o1, o2, o3):
    x28 = img_ref[0]

    def hist_dvu(xim, n):
        idx = jnp.clip(jnp.floor(xim * DV).astype(jnp.int32), 0, DV - 1)
        bi = lax.broadcasted_iota(jnp.int32, (n, DV), 1)
        m = jnp.zeros((n, DV), jnp.float32)
        for q in range(n):
            m = m + (idx[:, q:q + 1] == bi).astype(jnp.float32)
        hrow = jnp.dot(jnp.ones((1, n), jnp.float32), m,
                       preferred_element_type=jnp.float32)
        return jnp.dot(hrow, wd_ref[...], preferred_element_type=jnp.float32)

    def pmat(n):
        r = lax.broadcasted_iota(jnp.int32, (n // 2, n), 0)
        c = lax.broadcasted_iota(jnp.int32, (n // 2, n), 1)
        return jnp.where((c == 2 * r) | (c == 2 * r + 1), 0.5, 0.0)

    hp = jax.lax.Precision.HIGHEST
    o1[...] = hist_dvu(x28, 28).reshape(1, 1, H)
    p14 = pmat(28)
    x14 = jnp.dot(jnp.dot(p14, x28, preferred_element_type=jnp.float32,
                          precision=hp),
                  p14.T, preferred_element_type=jnp.float32, precision=hp)
    o2[...] = hist_dvu(x14, 14).reshape(1, 1, H)
    p7 = pmat(14)
    x7 = jnp.dot(jnp.dot(p7, x14, preferred_element_type=jnp.float32,
                         precision=hp),
                 p7.T, preferred_element_type=jnp.float32, precision=hp)
    o3[...] = hist_dvu(x7, 7).reshape(1, 1, H)


def _tc_images(image, wu_d):
    outs = [jax.ShapeDtypeStruct((BG, 1, H), jnp.float32)] * 3
    fn = pl.pallas_call(
        _tc_img_body,
        grid=(BG,),
        in_specs=[pl.BlockSpec((1, 28, 28), lambda b: (b, 0, 0)),
                  pl.BlockSpec((DV, H), lambda b: (0, 0))],
        out_specs=[pl.BlockSpec((1, 1, H), lambda b: (b, 0, 0))] * 3,
        out_shape=outs)
    o1, o2, o3 = fn(image.reshape(BG, 28, 28), wu_d)
    return o1.reshape(BG, H), o2.reshape(BG, H), o3.reshape(BG, H)


def _tc_in_body(x_ref, w_ref, dinv_ref, y_ref):
    xw = jnp.dot(x_ref[...], w_ref[...], preferred_element_type=jnp.float32)
    y_ref[...] = xw * dinv_ref[...]


def _tc_in(x_pad, w, dinv):
    n = x_pad.shape[0]
    r = 2560
    fn = pl.pallas_call(
        _tc_in_body,
        grid=(n // r,),
        in_specs=[pl.BlockSpec((r, H), lambda i: (i, 0)),
                  pl.BlockSpec((H, H), lambda i: (0, 0)),
                  pl.BlockSpec((r, 1), lambda i: (i, 0))],
        out_specs=pl.BlockSpec((r, H), lambda i: (i, 0)),
        out_shape=jax.ShapeDtypeStruct((n, H), jnp.float32))
    return fn(x_pad, w, dinv)


def _tc_a_body(s0, s1, y, dinv, bvec, wux, dvu, bat, buv, wea, web, bev,
               h_ref, a_ref, t_ref):
    g = jnp.maximum(dinv[...] * (s0[...] + s1[...] + y[...]) + bvec[...], 0.0)
    bi = lax.broadcasted_iota(jnp.int32, (g.shape[0], BG), 1)
    oh = (bat[...] == bi).astype(jnp.float32)
    h = jnp.dot(g, wux[...], preferred_element_type=jnp.float32)
    h = h + jnp.dot(oh, dvu[...], preferred_element_type=jnp.float32)
    h = jnp.maximum(h + buv[...], 0.0)
    h_ref[...] = h
    a_ref[...] = jnp.dot(h, wea[...],
                         preferred_element_type=jnp.float32) + bev[...]
    t_ref[...] = jnp.dot(h, web[...], preferred_element_type=jnp.float32)


def _tc_a(np_pad, s0, s1, y, dinv, bvec, wux, dvu, bat, buv, wea, web, bev):
    r = 2560
    outs = [jax.ShapeDtypeStruct((np_pad, H), jnp.float32),
            jax.ShapeDtypeStruct((np_pad, 1), jnp.float32),
            jax.ShapeDtypeStruct((np_pad, 1), jnp.float32)]
    fn = pl.pallas_call(
        _tc_a_body,
        grid=(np_pad // r,),
        in_specs=[pl.BlockSpec((r, H), lambda i: (i, 0)),
                  pl.BlockSpec((r, H), lambda i: (i, 0)),
                  pl.BlockSpec((r, H), lambda i: (i, 0)),
                  pl.BlockSpec((r, 1), lambda i: (i, 0)),
                  pl.BlockSpec((1, H), lambda i: (0, 0)),
                  pl.BlockSpec((H, H), lambda i: (0, 0)),
                  pl.BlockSpec((BG, H), lambda i: (0, 0)),
                  pl.BlockSpec((r, 1), lambda i: (i, 0)),
                  pl.BlockSpec((1, H), lambda i: (0, 0)),
                  pl.BlockSpec((H, 1), lambda i: (0, 0)),
                  pl.BlockSpec((H, 1), lambda i: (0, 0)),
                  pl.BlockSpec((1, 1), lambda i: (0, 0))],
        out_specs=[pl.BlockSpec((r, H), lambda i: (i, 0)),
                   pl.BlockSpec((r, 1), lambda i: (i, 0)),
                   pl.BlockSpec((r, 1), lambda i: (i, 0))],
        out_shape=outs)
    return fn(s0, s1, y, dinv, bvec, wux, dvu, bat, buv, wea, web, bev)


def _tc_b_body(na, nb, cl, h, w2, dinv2, y2_ref):
    nsc = (na[...] + nb[...]) / cl[...]
    xg = h[...] * nsc
    r2 = y2_ref.shape[0]
    x2 = xg.reshape(r2, 2, H).sum(axis=1) * 0.5
    xw = jnp.dot(x2, w2[...], preferred_element_type=jnp.float32)
    y2_ref[...] = xw * dinv2[...]


def _tc_b(np_pad, na, nb, cl, h, w2, dinv2):
    r = 2560
    n2 = np_pad // 2
    fn = pl.pallas_call(
        _tc_b_body,
        grid=(n2 // r,),
        in_specs=[pl.BlockSpec((2 * r, 1), lambda i: (i, 0)),
                  pl.BlockSpec((2 * r, 1), lambda i: (i, 0)),
                  pl.BlockSpec((2 * r, 1), lambda i: (i, 0)),
                  pl.BlockSpec((2 * r, H), lambda i: (i, 0)),
                  pl.BlockSpec((H, H), lambda i: (0, 0)),
                  pl.BlockSpec((r, 1), lambda i: (i, 0))],
        out_specs=pl.BlockSpec((r, H), lambda i: (i, 0)),
        out_shape=jax.ShapeDtypeStruct((n2, H), jnp.float32))
    return fn(na, nb, cl, h, w2, dinv2)


def _tc_c_body(na, nb, cl, h, bat4, wc, bcv, out_ref):
    nsc = (na[...] + nb[...]) / cl[...]
    xg = h[...] * nsc
    x4 = xg.reshape(NP3 // 2, 2, H).sum(axis=1) * 0.5
    bi = lax.broadcasted_iota(jnp.int32, (NP3 // 2, BG), 1)
    ri = lax.broadcasted_iota(jnp.int32, (NP3 // 2, BG), 0)
    oh = ((bat4[...] == bi) & (ri < N0 // 8)).astype(jnp.float32)
    dn = (((0,), (0,)), ((), ()))
    gsum = lax.dot_general(oh, x4, dn, preferred_element_type=jnp.float32)
    gcnt = lax.dot_general(oh, jnp.ones((NP3 // 2, 1), jnp.float32), dn,
                           preferred_element_type=jnp.float32)
    gx = gsum / jnp.maximum(gcnt, 1.0)
    out_ref[...] = jnp.dot(gx, wc[...],
                           preferred_element_type=jnp.float32) + bcv[...]


def _tc_c(na, nb, cl, h, bat4, wc, bcv):
    fn = pl.pallas_call(
        _tc_c_body,
        out_shape=jax.ShapeDtypeStruct((BG, NCLS), jnp.float32))
    return fn(na, nb, cl, h, bat4, wc, bcv)


_NPS = (NP1, NP2, NP3)


def kernel(x, edge_index, batch, image, W1, b1, W2, b2, Wu, bu, We, be,
           Wc, bc):
    src = edge_index[0]
    dst = edge_index[1]
    sc_cnt = _make_sc_cnt()
    cp1, cp2, cp3 = sc_cnt(dst)
    d1, d2, d3, l1, l2, l3 = _tc_deg(cp1, cp2, cp3)
    dinvs = (d1, d2, d3)
    clips = (l1, l2, l3)

    dvu1, dvu2, dvu3 = _tc_images(image, Wu[H:])
    dvus = (dvu1, dvu2, dvu3)

    x_pad = jnp.pad(x, ((0, NP1 - N0), (0, 0)))
    y = _tc_in(x_pad, W1, d1)

    wu_x = Wu[:H]
    wea = We[:H]
    web = We[H:]
    bev = be.reshape(1, 1)
    buv = bu.reshape(1, H)
    bvecs = (b1.reshape(1, H), b2.reshape(1, H), b2.reshape(1, H))

    out = None
    for s in range(3):
        np_pad = _NPS[s]
        n = N0 >> s
        sp = _make_sc_msg(s, np_pad, CH)(y, src, dst)
        bat = jnp.pad(batch[::1 << s], (0, np_pad - n)).reshape(np_pad, 1)
        h, a, t = _tc_a(np_pad, sp[:np_pad], sp[np_pad:], y, dinvs[s],
                        bvecs[s], wu_x, dvus[s], bat, buv, wea, web, bev)
        np_part = _make_sc_esc(s, np_pad)(
            a.reshape(np_pad), t.reshape(np_pad), src, dst)
        na = np_part[:np_pad].reshape(np_pad, 1)
        nb = np_part[np_pad:].reshape(np_pad, 1)
        if s < 2:
            y = _tc_b(np_pad, na, nb, clips[s], h, W2, dinvs[s + 1])
        else:
            bat4 = jnp.pad(batch[::8], (0, NP3 // 2 - N0 // 8)).reshape(
                NP3 // 2, 1)
            out = _tc_c(na, nb, clips[2], h, bat4, Wc, bc.reshape(1, NCLS))
    return out

# --- scband reference (transcript-rebuilt; emitter-appended) ---
"""Pipeline reference for scband-multi-scale-gnn-86732569575642 (READ-ONLY COPY).

The authoritative reference and input builder live on the scoring server;
editing this copy changes nothing except your own understanding.
"""

import jax, jax.numpy as jnp
import numpy as np

N0 = 10000
E0 = 320000
B = 100
DIN = 128
H = 128
NC = 10
DV = 600


def _lin_init(k, fi, fo):
    return (jax.random.normal(k, (fi, fo)) * (1.0 / np.sqrt(fi))).astype(jnp.float32)


def setup_inputs(seed: int = 0) -> dict:
    key = jax.random.key(seed)
    ks = jax.random.split(key, 12)
    inp = {}
    inp["x"] = jax.random.normal(ks[0], (N0, DIN), dtype=jnp.float32)
    inp["edge_index"] = jax.random.randint(ks[1], (2, E0), 0, N0, dtype=jnp.int32)
    inp["batch"] = jnp.sort(jax.random.randint(ks[2], (N0,), 0, B, dtype=jnp.int32))
    inp["image"] = jax.random.uniform(ks[3], (B, 1, 28, 28), dtype=jnp.float32)
    inp["W1"] = _lin_init(ks[4], DIN, H)
    inp["b1"] = jnp.zeros((H,), jnp.float32)
    inp["W2"] = _lin_init(ks[5], H, H)
    inp["b2"] = jnp.zeros((H,), jnp.float32)
    inp["Wu"] = _lin_init(ks[6], H + DV, H)
    inp["bu"] = jnp.zeros((H,), jnp.float32)
    inp["We"] = _lin_init(ks[7], 2 * H, 1)
    inp["be"] = jnp.zeros((1,), jnp.float32)
    inp["Wc"] = _lin_init(ks[8], H, NC)
    inp["bc"] = jnp.zeros((NC,), jnp.float32)
    return inp


def gcn_layer(x, edge_index, W, b):
    N = x.shape[0]
    x = x @ W
    loops = jnp.arange(N, dtype=edge_index.dtype)
    src = jnp.concatenate([edge_index[0], loops])
    dst = jnp.concatenate([edge_index[1], loops])
    deg = jax.ops.segment_sum(jnp.ones_like(src, jnp.float32), dst, num_segments=N)
    dinv = 1.0 / jnp.sqrt(jnp.clip(deg, 1.0))
    norm = dinv[src] * dinv[dst]
    out = jax.ops.segment_sum(x[src] * norm[:, None], dst, num_segments=N) + b
    return jax.nn.relu(out)


def ph_vector(images):
    # Proxy for CubicalPersistence + BettiCurve: 600-bin pixel-intensity histogram per image
    Bq = images.shape[0]
    flat = images.reshape(Bq, -1)
    idx = jnp.clip(jnp.floor(flat * DV).astype(jnp.int32), 0, DV - 1)
    def hist(i):
        return jax.ops.segment_sum(jnp.ones_like(i, jnp.float32), i, num_segments=DV)
    return jax.vmap(hist)(idx)


def avg_pool2(img):
    return jax.lax.reduce_window(img, 0.0, jax.lax.add, (1, 1, 2, 2), (1, 1, 2, 2), 'VALID') / 4.0


def update_layer(x, dv, batch, Wu, bu):
    N = x.shape[0]
    counts = jnp.bincount(batch, length=B)
    rep = jnp.repeat(dv, counts, axis=0, total_repeat_length=N)
    h = jnp.concatenate([x, rep], axis=-1) @ Wu + bu
    return jax.nn.relu(h)


def edge_pool(x, edge_index, batch, We, be):
    # Simplified EdgePooling: edge scoring (gather + linear) -> node gating (scatter-mean)
    # -> deterministic pairwise contraction (cluster = node // 2)
    N = x.shape[0]
    src, dst = edge_index[0], edge_index[1]
    ef = jnp.concatenate([x[src], x[dst]], axis=-1)
    escore = jax.nn.sigmoid(ef @ We + be)[:, 0]
    nsum = jax.ops.segment_sum(escore, dst, num_segments=N)
    ncnt = jax.ops.segment_sum(jnp.ones_like(escore), dst, num_segments=N)
    nscore = nsum / jnp.clip(ncnt, 1.0)
    xg = x * nscore[:, None]
    cluster = jnp.arange(N, dtype=edge_index.dtype) // 2
    newN = N // 2
    nx = jax.ops.segment_sum(xg, cluster, num_segments=newN) / 2.0
    return nx, edge_index // 2, batch[::2]


def global_mean_pool(x, batch):
    gsum = jax.ops.segment_sum(x, batch, num_segments=B)
    gcnt = jax.ops.segment_sum(jnp.ones((x.shape[0],), jnp.float32), batch, num_segments=B)
    return gsum / jnp.clip(gcnt, 1.0)[:, None]


def reference(x, edge_index, batch, image, W1, b1, W2, b2, Wu, bu, We, be, Wc, bc):
    x = gcn_layer(x, edge_index, W1, b1)
    dv = ph_vector(image)
    img = avg_pool2(image)
    x = update_layer(x, dv, batch, Wu, bu)
    x, edge_index, batch = edge_pool(x, edge_index, batch, We, be)

    x = gcn_layer(x, edge_index, W2, b2)
    dv = ph_vector(img)
    img = avg_pool2(img)
    x = update_layer(x, dv, batch, Wu, bu)
    x, edge_index, batch = edge_pool(x, edge_index, batch, We, be)

    x = gcn_layer(x, edge_index, W2, b2)
    dv = ph_vector(img)
    x = update_layer(x, dv, batch, Wu, bu)
    x, edge_index, batch = edge_pool(x, edge_index, batch, We, be)

    gx = global_mean_pool(x, batch)
    return gx @ Wc + bc

if __name__ == "__main__":
    import jax
    _d = setup_inputs()
    print(jax.jit(kernel)(*tuple(_d.values())))

</pallas_src>

<mosaic_0001>
#map = affine_map<(d0, d1) -> (0)>
module attributes {stable_mosaic.version = 14 : i64} {
  func.func @k(%arg0: i32, %arg1: i32, %arg2: memref<320000xi32, #tpu.memory_space<hbm>>, %arg3: memref<20480xf32, #tpu.memory_space<hbm>>, %arg4: memref<10240xf32, #tpu.memory_space<hbm>>, %arg5: memref<5120xf32, #tpu.memory_space<hbm>>, %arg6: memref<80xi32, #tpu.memory_space<vmem>>, %arg7: memref<80xi32, #tpu.memory_space<vmem>>, %arg8: memref<80xf32, #tpu.memory_space<vmem>>, %arg9: memref<640xf32, #tpu.memory_space<vmem>>, %arg10: memref<10240xf32, #tpu.memory_space<vmem_shared>>, %arg11: memref<5120xf32, #tpu.memory_space<vmem_shared>>, %arg12: memref<2560xf32, #tpu.memory_space<vmem_shared>>) attributes {dimension_semantics = [#tpu.dimension_semantics<core_parallel>, #tpu.dimension_semantics<subcore_parallel>], iteration_bounds = array<i64: 2, 16>, scalar_prefetch = 0 : i64, scratch_operands = 7 : i64, tpu.core_type = #tpu.core_type<sc_vector_subcore>, window_params = [{transform_indices = #map}, {transform_indices = #map}, {transform_indices = #map}, {transform_indices = #map}]} {
    %mul3A = arith.constant 16 : i32
    %mul3A_0 = arith.muli %arg0, %mul3A : i32
    %add3A = arith.addi %mul3A_0, %arg1 : i32
    %broadcast_in_dim3A = arith.constant 0.000000e+00 : f32
    %broadcast_in_dim3A_1 = vector.broadcast %broadcast_in_dim3A : f32 to vector<16xf32>
    %broadcast_in_dim3A_2 = arith.constant 1.000000e+00 : f32
    %broadcast_in_dim3A_3 = vector.broadcast %broadcast_in_dim3A_2 : f32 to vector<16xf32>
    %scan3A = arith.constant 0 : i32
    %scan3A_4 = arith.constant 0 : i32
    %scan3A_5 = arith.constant 40 : i32
    %scan3A_6 = arith.addi %scan3A_4, %scan3A_5 : i32
    %scan3A_7 = arith.constant 1 : i32
    %scan3A_8 = scf.for %scan3A_52 = %scan3A_4 to %scan3A_6 step %scan3A_7 iter_args(%scan3A_53 = %scan3A) -> (i32)  : i32 {
      %mul3A_54 = arith.constant 16 : i32
      %mul3A_55 = arith.muli %scan3A_52, %mul3A_54 : i32
      %swap3A = arith.index_cast %mul3A_55 : i32 to index
      %swap3A_56 = tpu.vector_load %arg9[%swap3A] {strides = array<i32>} : memref<640xf32, #tpu.memory_space<vmem>>, vector<16xf32>,
      %swap3A_57 = vector.shape_cast %swap3A_56 : vector<16xf32> to vector<16xf32>
      %swap3A_58 = vector.shape_cast %broadcast_in_dim3A_1 : vector<16xf32> to vector<16xf32>
      tpu.vector_store %arg9[%swap3A], %swap3A_58 {strides = array<i32>} : memref<640xf32, #tpu.memory_space<vmem>>, vector<16xf32>,
      %scan3A_59 = arith.constant 0 : i32
      scf.yield %scan3A_59 : i32
    }
    %scan3A_9 = arith.constant 40 : i32
    %scan3A_10 = arith.constant 0 : i32
    %scan3A_11 = arith.constant 0 : i32
    %scan3A_12 = arith.constant 5 : i32
    %scan3A_13 = arith.addi %scan3A_11, %scan3A_12 : i32
    %scan3A_14 = arith.constant 1 : i32
    %scan3A_15 = scf.for %scan3A_52 = %scan3A_11 to %scan3A_13 step %scan3A_14 iter_args(%scan3A_53 = %scan3A_10) -> (i32)  : i32 {
      %mul3A_54 = arith.constant 16 : i32
      %mul3A_55 = arith.muli %scan3A_52, %mul3A_54 : i32
      %swap3A = arith.index_cast %mul3A_55 : i32 to index
      %swap3A_56 = tpu.vector_load %arg8[%swap3A] {strides = array<i32>} : memref<80xf32, #tpu.memory_space<vmem>>, vector<16xf32>,
      %swap3A_57 = vector.shape_cast %swap3A_56 : vector<16xf32> to vector<16xf32>
      %swap3A_58 = vector.shape_cast %broadcast_in_dim3A_3 : vector<16xf32> to vector<16xf32>
      tpu.vector_store %arg8[%swap3A], %swap3A_58 {strides = array<i32>} : memref<80xf32, #tpu.memory_space<vmem>>, vector<16xf32>,
      %scan3A_59 = arith.constant 0 : i32
      scf.yield %scan3A_59 : i32
    }
    %scan3A_16 = arith.constant 5 : i32
    %mul3A_17 = arith.constant 640 : i32
    %mul3A_18 = arith.muli %arg1, %mul3A_17 : i32
    "tpu.region"() ({
      %run_scoped3A = tpu.sem_alloc : memref<!tpu.dma_semaphore, #tpu.memory_space<semaphore_mem>>
      %dma_start3A = tpu.memref_slice %arg10[%mul3A_18] : memref<10240xf32, #tpu.memory_space<vmem_shared>> -> memref<640xf32, #tpu.memory_space<vmem_shared>>
      %dma_start3A_52 = tpu.memref_slice %arg10[%mul3A_18] : memref<10240xf32, #tpu.memory_space<vmem_shared>> -> memref<640xf32, #tpu.memory_space<vmem_shared>>
      tpu.enqueue_dma source(%arg9 : memref<640xf32, #tpu.memory_space<vmem>>) target(%dma_start3A_52 : memref<640xf32, #tpu.memory_space<vmem_shared>>) target_semaphore(%run_scoped3A : memref<!tpu.dma_semaphore, #tpu.memory_space<semaphore_mem>>)
      %dma_wait3A = tpu.memref_slice %arg10[%mul3A_18] : memref<10240xf32, #tpu.memory_space<vmem_shared>> -> memref<640xf32, #tpu.memory_space<vmem_shared>>
      %dma_wait3A_53 = tpu.memref_slice %arg10[%mul3A_18] : memref<10240xf32, #tpu.memory_space<vmem_shared>> -> memref<640xf32, #tpu.memory_space<vmem_shared>>
      tpu.wait_dma2 semaphore(%run_scoped3A : memref<!tpu.dma_semaphore, #tpu.memory_space<semaphore_mem>>) src(%arg9 : memref<640xf32, #tpu.memory_space<vmem>>) dst(%dma_wait3A_53 : memref<640xf32, #tpu.memory_space<vmem_shared>>)
      tpu.yield
    }) : () -> ()
    %mul3A_19 = arith.constant 320 : i32
    %mul3A_20 = arith.muli %arg1, %mul3A_19 : i32
    "tpu.region"() ({
      %run_scoped3A = tpu.sem_alloc : memref<!tpu.dma_semaphore, #tpu.memory_space<semaphore_mem>>
      %dma_start3A = arith.constant 0 : i32
      %dma_start3A_52 = tpu.memref_slice %arg9[%dma_start3A] : memref<640xf32, #tpu.memory_space<vmem>> -> memref<320xf32, #tpu.memory_space<vmem>>
      %dma_start3A_53 = tpu.memref_slice %arg11[%mul3A_20] : memref<5120xf32, #tpu.memory_space<vmem_shared>> -> memref<320xf32, #tpu.memory_space<vmem_shared>>
      %dma_start3A_54 = tpu.memref_slice %arg11[%mul3A_20] : memref<5120xf32, #tpu.memory_space<vmem_shared>> -> memref<320xf32, #tpu.memory_space<vmem_shared>>
      %dma_start3A_55 = arith.constant 0 : i32
      %dma_start3A_56 = tpu.memref_slice %arg9[%dma_start3A_55] : memref<640xf32, #tpu.memory_space<vmem>> -> memref<320xf32, #tpu.memory_space<vmem>>
      tpu.enqueue_dma source(%dma_start3A_56 : memref<320xf32, #tpu.memory_space<vmem>>) target(%dma_start3A_54 : memref<320xf32, #tpu.memory_space<vmem_shared>>) target_semaphore(%run_scoped3A : memref<!tpu.dma_semaphore, #tpu.memory_space<semaphore_mem>>)
      %dma_wait3A = arith.constant 0 : i32
      %dma_wait3A_57 = tpu.memref_slice %arg9[%dma_wait3A] : memref<640xf32, #tpu.memory_space<vmem>> -> memref<320xf32, #tpu.memory_space<vmem>>
      %dma_wait3A_58 = tpu.memref_slice %arg11[%mul3A_20] : memref<5120xf32, #tpu.memory_space<vmem_shared>> -> memref<320xf32, #tpu.memory_space<vmem_shared>>
      %dma_wait3A_59 = tpu.memref_slice %arg11[%mul3A_20] : memref<5120xf32, #tpu.memory_space<vmem_shared>> -> memref<320xf32, #tpu.memory_space<vmem_shared>>
      %dma_wait3A_60 = arith.constant 0 : i32
      %dma_wait3A_61 = tpu.memref_slice %arg9[%dma_wait3A_60] : memref<640xf32, #tpu.memory_space<vmem>> -> memref<320xf32, #tpu.memory_space<vmem>>
      tpu.wait_dma2 semaphore(%run_scoped3A : memref<!tpu.dma_semaphore, #tpu.memory_space<semaphore_mem>>) src(%dma_wait3A_61 : memref<320xf32, #tpu.memory_space<vmem>>) dst(%dma_wait3A_59 : memref<320xf32, #tpu.memory_space<vmem_shared>>)
      tpu.yield
    }) : () -> ()
    %mul3A_21 = arith.constant 160 : i32
    %mul3A_22 = arith.muli %arg1, %mul3A_21 : i32
    "tpu.region"() ({
      %run_scoped3A = tpu.sem_alloc : memref<!tpu.dma_semaphore, #tpu.memory_space<semaphore_mem>>
      %dma_start3A = arith.constant 0 : i32
      %dma_start3A_52 = tpu.memref_slice %arg9[%dma_start3A] : memref<640xf32, #tpu.memory_space<vmem>> -> memref<160xf32, #tpu.memory_space<vmem>>
      %dma_start3A_53 = tpu.memref_slice %arg12[%mul3A_22] : memref<2560xf32, #tpu.memory_space<vmem_shared>> -> memref<160xf32, #tpu.memory_space<vmem_shared>>
      %dma_start3A_54 = tpu.memref_slice %arg12[%mul3A_22] : memref<2560xf32, #tpu.memory_space<vmem_shared>> -> memref<160xf32, #tpu.memory_space<vmem_shared>>
      %dma_start3A_55 = arith.constant 0 : i32
      %dma_start3A_56 = tpu.memref_slice %arg9[%dma_start3A_55] : memref<640xf32, #tpu.memory_space<vmem>> -> memref<160xf32, #tpu.memory_space<vmem>>
      tpu.enqueue_dma source(%dma_start3A_56 : memref<160xf32, #tpu.memory_space<vmem>>) target(%dma_start3A_54 : memref<160xf32, #tpu.memory_space<vmem_shared>>) target_semaphore(%run_scoped3A : memref<!tpu.dma_semaphore, #tpu.memory_space<semaphore_mem>>)
      %dma_wait3A = arith.constant 0 : i32
      %dma_wait3A_57 = tpu.memref_slice %arg9[%dma_wait3A] : memref<640xf32, #tpu.memory_space<vmem>> -> memref<160xf32, #tpu.memory_space<vmem>>
      %dma_wait3A_58 = tpu.memref_slice %arg12[%mul3A_22] : memref<2560xf32, #tpu.memory_space<vmem_shared>> -> memref<160xf32, #tpu.memory_space<vmem_shared>>
      %dma_wait3A_59 = tpu.memref_slice %arg12[%mul3A_22] : memref<2560xf32, #tpu.memory_space<vmem_shared>> -> memref<160xf32, #tpu.memory_space<vmem_shared>>
      %dma_wait3A_60 = arith.constant 0 : i32
      %dma_wait3A_61 = tpu.memref_slice %arg9[%dma_wait3A_60] : memref<640xf32, #tpu.memory_space<vmem>> -> memref<160xf32, #tpu.memory_space<vmem>>
      tpu.wait_dma2 semaphore(%run_scoped3A : memref<!tpu.dma_semaphore, #tpu.memory_space<semaphore_mem>>) src(%dma_wait3A_61 : memref<160xf32, #tpu.memory_space<vmem>>) dst(%dma_wait3A_59 : memref<160xf32, #tpu.memory_space<vmem_shared>>)
      tpu.yield
    }) : () -> ()
    %barrier3A = arith.constant 0 : index
    tpu.barrier barrier_id(%barrier3A)
    %scan3A_23 = arith.constant 0 : i32
    %scan3A_24 = arith.constant 0 : i32
    %scan3A_25 = arith.constant 125 : i32
    %scan3A_26 = arith.addi %scan3A_24, %scan3A_25 : i32
    %scan3A_27 = arith.constant 1 : i32
    %scan3A_28 = scf.for %scan3A_52 = %scan3A_24 to %scan3A_26 step %scan3A_27 iter_args(%scan3A_53 = %scan3A_23) -> (i32)  : i32 {
      %mul3A_54 = arith.constant 10000 : i32
      %mul3A_55 = arith.muli %add3A, %mul3A_54 : i32
      %mul3A_56 = arith.constant 80 : i32
      %mul3A_57 = arith.muli %scan3A_52, %mul3A_56 : i32
      %add3A_58 = arith.addi %mul3A_55, %mul3A_57 : i32
      "tpu.region"() ({
        %run_scoped3A = tpu.sem_alloc : memref<!tpu.dma_semaphore, #tpu.memory_space<semaphore_mem>>
        %dma_start3A = tpu.memref_slice %arg2[%add3A_58] : memref<320000xi32, #tpu.memory_space<hbm>> -> memref<80xi32, #tpu.memory_space<hbm>>
        %dma_start3A_74 = tpu.memref_slice %arg2[%add3A_58] : memref<320000xi32, #tpu.memory_space<hbm>> -> memref<80xi32, #tpu.memory_space<hbm>>
        tpu.enqueue_dma source(%dma_start3A_74 : memref<80xi32, #tpu.memory_space<hbm>>) target(%arg6 : memref<80xi32, #tpu.memory_space<vmem>>) target_semaphore(%run_scoped3A : memref<!tpu.dma_semaphore, #tpu.memory_space<semaphore_mem>>)
        %dma_wait3A = tpu.memref_slice %arg2[%add3A_58] : memref<320000xi32, #tpu.memory_space<hbm>> -> memref<80xi32, #tpu.memory_space<hbm>>
        %dma_wait3A_75 = tpu.memref_slice %arg2[%add3A_58] : memref<320000xi32, #tpu.memory_space<hbm>> -> memref<80xi32, #tpu.memory_space<hbm>>
        tpu.wait_dma2 semaphore(%run_scoped3A : memref<!tpu.dma_semaphore, #tpu.memory_space<semaphore_mem>>) src(%dma_wait3A_75 : memref<80xi32, #tpu.memory_space<hbm>>) dst(%arg6 : memref<80xi32, #tpu.memory_space<vmem>>)
        tpu.yield
      }) : () -> ()
      "tpu.region"() ({
        %run_scoped3A = tpu.sem_alloc : memref<!tpu.dma_semaphore, #tpu.memory_space<semaphore_mem>>
        %dma_start3A = arith.constant 0 : i32
        %dma_start3A_74 = tpu.memref_slice %arg10[%dma_start3A] : memref<10240xf32, #tpu.memory_space<vmem_shared>> -> memref<10240xf32, #tpu.memory_space<vmem_shared>>
        tpu.enqueue_indirect_dma source(%arg8 : memref<80xf32, #tpu.memory_space<vmem>>) target(%dma_start3A_74 : memref<10240xf32, #tpu.memory_space<vmem_shared>>) offsets(%arg6 : memref<80xi32, #tpu.memory_space<vmem>>) semaphore(%run_scoped3A : memref<!tpu.dma_semaphore, #tpu.memory_space<semaphore_mem>>) {add = true}
        %dma_wait3A = arith.constant 0 : i32
        %dma_wait3A_75 = tpu.memref_slice %arg10[%dma_wait3A] : memref<10240xf32, #tpu.memory_space<vmem_shared>> -> memref<10240xf32, #tpu.memory_space<vmem_shared>>
        tpu.wait_indirect_dma semaphore(%run_scoped3A : memref<!tpu.dma_semaphore, #tpu.memory_space<semaphore_mem>>) src(%arg8 : memref<80xf32, #tpu.memory_space<vmem>>) dst(%dma_wait3A_75 : memref<10240xf32, #tpu.memory_space<vmem_shared>>)
        tpu.yield
      }) : () -> ()
      %scan3A_59 = arith.constant 0 : i32
      %scan3A_60 = arith.constant 0 : i32
      %scan3A_61 = arith.constant 5 : i32
      %scan3A_62 = arith.addi %scan3A_60, %scan3A_61 : i32
      %scan3A_63 = arith.constant 1 : i32
      %scan3A_64 = scf.for %scan3A_74 = %scan3A_60 to %scan3A_62 step %scan3A_63 iter_args(%scan3A_75 = %scan3A_59) -> (i32)  : i32 {
        %mul3A_76 = arith.constant 16 : i32
        %mul3A_77 = arith.muli %scan3A_74, %mul3A_76 : i32
        %get3A = arith.index_cast %mul3A_77 : i32 to index
        %get3A_78 = tpu.vector_load %arg6[%get3A] {strides = array<i32>} : memref<80xi32, #tpu.memory_space<vmem>>, vector<16xi32>,
        %get3A_79 = vector.shape_cast %get3A_78 : vector<16xi32> to vector<16xi32>
        %shift_right_logical3A = arith.constant 1 : i32
        %shift_right_logical3A_80 = vector.broadcast %shift_right_logical3A : i32 to vector<16xi32>
        %shift_right_logical3A_81 = arith.shrui %get3A_79, %shift_right_logical3A_80 : vector<16xi32>
        %mul3A_82 = arith.constant 16 : i32
        %mul3A_83 = arith.muli %scan3A_74, %mul3A_82 : i32
        %swap3A = arith.index_cast %mul3A_83 : i32 to index
        %swap3A_84 = tpu.vector_load %arg7[%swap3A] {strides = array<i32>} : memref<80xi32, #tpu.memory_space<vmem>>, vector<16xi32>,
        %swap3A_85 = vector.shape_cast %swap3A_84 : vector<16xi32> to vector<16xi32>
        %swap3A_86 = vector.shape_cast %shift_right_logical3A_81 : vector<16xi32> to vector<16xi32>
        tpu.vector_store %arg7[%swap3A], %swap3A_86 {strides = array<i32>} : memref<80xi32, #tpu.memory_space<vmem>>, vector<16xi32>,
        %scan3A_87 = arith.constant 0 : i32
        scf.yield %scan3A_87 : i32
      }
      %scan3A_65 = arith.constant 5 : i32
      "tpu.region"() ({
        %run_scoped3A = tpu.sem_alloc : memref<!tpu.dma_semaphore, #tpu.memory_space<semaphore_mem>>
        %dma_start3A = arith.constant 0 : i32
        %dma_start3A_74 = tpu.memref_slice %arg11[%dma_start3A] : memref<5120xf32, #tpu.memory_space<vmem_shared>> -> memref<5120xf32, #tpu.memory_space<vmem_shared>>
        tpu.enqueue_indirect_dma source(%arg8 : memref<80xf32, #tpu.memory_space<vmem>>) target(%dma_start3A_74 : memref<5120xf32, #tpu.memory_space<vmem_shared>>) offsets(%arg7 : memref<80xi32, #tpu.memory_space<vmem>>) semaphore(%run_scoped3A : memref<!tpu.dma_semaphore, #tpu.memory_space<semaphore_mem>>) {add = true}
        %dma_wait3A = arith.constant 0 : i32
        %dma_wait3A_75 = tpu.memref_slice %arg11[%dma_wait3A] : memref<5120xf32, #tpu.memory_space<vmem_shared>> -> memref<5120xf32, #tpu.memory_space<vmem_shared>>
        tpu.wait_indirect_dma semaphore(%run_scoped3A : memref<!tpu.dma_semaphore, #tpu.memory_space<semaphore_mem>>) src(%arg8 : memref<80xf32, #tpu.memory_space<vmem>>) dst(%dma_wait3A_75 : memref<5120xf32, #tpu.memory_space<vmem_shared>>)
        tpu.yield
      }) : () -> ()
      %scan3A_66 = arith.constant 0 : i32
      %scan3A_67 = arith.constant 0 : i32
      %scan3A_68 = arith.constant 5 : i32
      %scan3A_69 = arith.addi %scan3A_67, %scan3A_68 : i32
      %scan3A_70 = arith.constant 1 : i32
      %scan3A_71 = scf.for %scan3A_74 = %scan3A_67 to %scan3A_69 step %scan3A_70 iter_args(%scan3A_75 = %scan3A_66) -> (i32)  : i32 {
        %mul3A_76 = arith.constant 16 : i32
        %mul3A_77 = arith.muli %scan3A_74, %mul3A_76 : i32
        %get3A = arith.index_cast %mul3A_77 : i32 to index
        %get3A_78 = tpu.vector_load %arg7[%get3A] {strides = array<i32>} : memref<80xi32, #tpu.memory_space<vmem>>, vector<16xi32>,
        %get3A_79 = vector.shape_cast %get3A_78 : vector<16xi32> to vector<16xi32>
        %shift_right_logical3A = arith.constant 1 : i32
        %shift_right_logical3A_80 = vector.broadcast %shift_right_logical3A : i32 to vector<16xi32>
        %shift_right_logical3A_81 = arith.shrui %get3A_79, %shift_right_logical3A_80 : vector<16xi32>
        %mul3A_82 = arith.constant 16 : i32
        %mul3A_83 = arith.muli %scan3A_74, %mul3A_82 : i32
        %swap3A = arith.index_cast %mul3A_83 : i32 to index
        %swap3A_84 = tpu.vector_load %arg7[%swap3A] {strides = array<i32>} : memref<80xi32, #tpu.memory_space<vmem>>, vector<16xi32>,
        %swap3A_85 = vector.shape_cast %swap3A_84 : vector<16xi32> to vector<16xi32>
        %swap3A_86 = vector.shape_cast %shift_right_logical3A_81 : vector<16xi32> to vector<16xi32>
        tpu.vector_store %arg7[%swap3A], %swap3A_86 {strides = array<i32>} : memref<80xi32, #tpu.memory_space<vmem>>, vector<16xi32>,
        %scan3A_87 = arith.constant 0 : i32
        scf.yield %scan3A_87 : i32
      }
      %scan3A_72 = arith.constant 5 : i32
      "tpu.region"() ({
        %run_scoped3A = tpu.sem_alloc : memref<!tpu.dma_semaphore, #tpu.memory_space<semaphore_mem>>
        %dma_start3A = arith.constant 0 : i32
        %dma_start3A_74 = tpu.memref_slice %arg12[%dma_start3A] : memref<2560xf32, #tpu.memory_space<vmem_shared>> -> memref<2560xf32, #tpu.memory_space<vmem_shared>>
        tpu.enqueue_indirect_dma source(%arg8 : memref<80xf32, #tpu.memory_space<vmem>>) target(%dma_start3A_74 : memref<2560xf32, #tpu.memory_space<vmem_shared>>) offsets(%arg7 : memref<80xi32, #tpu.memory_space<vmem>>) semaphore(%run_scoped3A : memref<!tpu.dma_semaphore, #tpu.memory_space<semaphore_mem>>) {add = true}
        %dma_wait3A = arith.constant 0 : i32
        %dma_wait3A_75 = tpu.memref_slice %arg12[%dma_wait3A] : memref<2560xf32, #tpu.memory_space<vmem_shared>> -> memref<2560xf32, #tpu.memory_space<vmem_shared>>
        tpu.wait_indirect_dma semaphore(%run_scoped3A : memref<!tpu.dma_semaphore, #tpu.memory_space<semaphore_mem>>) src(%arg8 : memref<80xf32, #tpu.memory_space<vmem>>) dst(%dma_wait3A_75 : memref<2560xf32, #tpu.memory_space<vmem_shared>>)
        tpu.yield
      }) : () -> ()
      %scan3A_73 = arith.constant 0 : i32
      scf.yield %scan3A_73 : i32
    }
    %scan3A_29 = arith.constant 125 : i32
    %barrier3A_30 = arith.constant 0 : index
    tpu.barrier barrier_id(%barrier3A_30)
    %mul3A_31 = arith.constant 640 : i32
    %mul3A_32 = arith.muli %arg1, %mul3A_31 : i32
    "tpu.region"() ({
      %run_scoped3A = tpu.sem_alloc : memref<!tpu.dma_semaphore, #tpu.memory_space<semaphore_mem>>
      %dma_start3A = tpu.memref_slice %arg10[%mul3A_32] : memref<10240xf32, #tpu.memory_space<vmem_shared>> -> memref<640xf32, #tpu.memory_space<vmem_shared>>
      %dma_start3A_52 = tpu.memref_slice %arg10[%mul3A_32] : memref<10240xf32, #tpu.memory_space<vmem_shared>> -> memref<640xf32, #tpu.memory_space<vmem_shared>>
      tpu.enqueue_dma source(%dma_start3A_52 : memref<640xf32, #tpu.memory_space<vmem_shared>>) target(%arg9 : memref<640xf32, #tpu.memory_space<vmem>>) target_semaphore(%run_scoped3A : memref<!tpu.dma_semaphore, #tpu.memory_space<semaphore_mem>>)
      %dma_wait3A = tpu.memref_slice %arg10[%mul3A_32] : memref<10240xf32, #tpu.memory_space<vmem_shared>> -> memref<640xf32, #tpu.memory_space<vmem_shared>>
      %dma_wait3A_53 = tpu.memref_slice %arg10[%mul3A_32] : memref<10240xf32, #tpu.memory_space<vmem_shared>> -> memref<640xf32, #tpu.memory_space<vmem_shared>>
      tpu.wait_dma2 semaphore(%run_scoped3A : memref<!tpu.dma_semaphore, #tpu.memory_space<semaphore_mem>>) src(%dma_wait3A_53 : memref<640xf32, #tpu.memory_space<vmem_shared>>) dst(%arg9 : memref<640xf32, #tpu.memory_space<vmem>>)
      tpu.yield
    }) : () -> ()
    %mul3A_33 = arith.constant 10240 : i32
    %mul3A_34 = arith.muli %arg0, %mul3A_33 : i32
    %mul3A_35 = arith.constant 640 : i32
    %mul3A_36 = arith.muli %arg1, %mul3A_35 : i32
    %add3A_37 = arith.addi %mul3A_34, %mul3A_36 : i32
    "tpu.region"() ({
      %run_scoped3A = tpu.sem_alloc : memref<!tpu.dma_semaphore, #tpu.memory_space<semaphore_mem>>
      %dma_start3A = tpu.memref_slice %arg3[%add3A_37] : memref<20480xf32, #tpu.memory_space<hbm>> -> memref<640xf32, #tpu.memory_space<hbm>>
      %dma_start3A_52 = tpu.memref_slice %arg3[%add3A_37] : memref<20480xf32, #tpu.memory_space<hbm>> -> memref<640xf32, #tpu.memory_space<hbm>>
      tpu.enqueue_dma source(%arg9 : memref<640xf32, #tpu.memory_space<vmem>>) target(%dma_start3A_52 : memref<640xf32, #tpu.memory_space<hbm>>) target_semaphore(%run_scoped3A : memref<!tpu.dma_semaphore, #tpu.memory_space<semaphore_mem>>)
      %dma_wait3A = tpu.memref_slice %arg3[%add3A_37] : memref<20480xf32, #tpu.memory_space<hbm>> -> memref<640xf32, #tpu.memory_space<hbm>>
      %dma_wait3A_53 = tpu.memref_slice %arg3[%add3A_37] : memref<20480xf32, #tpu.memory_space<hbm>> -> memref<640xf32, #tpu.memory_space<hbm>>
      tpu.wait_dma2 semaphore(%run_scoped3A : memref<!tpu.dma_semaphore, #tpu.memory_space<semaphore_mem>>) src(%arg9 : memref<640xf32, #tpu.memory_space<vmem>>) dst(%dma_wait3A_53 : memref<640xf32, #tpu.memory_space<hbm>>)
      tpu.yield
    }) : () -> ()
    %mul3A_38 = arith.constant 320 : i32
    %mul3A_39 = arith.muli %arg1, %mul3A_38 : i32
    "tpu.region"() ({
      %run_scoped3A = tpu.sem_alloc : memref<!tpu.dma_semaphore, #tpu.memory_space<semaphore_mem>>
      %dma_start3A = arith.constant 0 : i32
      %dma_start3A_52 = tpu.memref_slice %arg9[%dma_start3A] : memref<640xf32, #tpu.memory_space<vmem>> -> memref<320xf32, #tpu.memory_space<vmem>>
      %dma_start3A_53 = tpu.memref_slice %arg11[%mul3A_39] : memref<5120xf32, #tpu.memory_space<vmem_shared>> -> memref<320xf32, #tpu.memory_space<vmem_shared>>
      %dma_start3A_54 = arith.constant 0 : i32
      %dma_start3A_55 = tpu.memref_slice %arg9[%dma_start3A_54] : memref<640xf32, #tpu.memory_space<vmem>> -> memref<320xf32, #tpu.memory_space<vmem>>
      %dma_start3A_56 = tpu.memref_slice %arg11[%mul3A_39] : memref<5120xf32, #tpu.memory_space<vmem_shared>> -> memref<320xf32, #tpu.memory_space<vmem_shared>>
      tpu.enqueue_dma source(%dma_start3A_56 : memref<320xf32, #tpu.memory_space<vmem_shared>>) target(%dma_start3A_55 : memref<320xf32, #tpu.memory_space<vmem>>) target_semaphore(%run_scoped3A : memref<!tpu.dma_semaphore, #tpu.memory_space<semaphore_mem>>)
      %dma_wait3A = arith.constant 0 : i32
      %dma_wait3A_57 = tpu.memref_slice %arg9[%dma_wait3A] : memref<640xf32, #tpu.memory_space<vmem>> -> memref<320xf32, #tpu.memory_space<vmem>>
      %dma_wait3A_58 = tpu.memref_slice %arg11[%mul3A_39] : memref<5120xf32, #tpu.memory_space<vmem_shared>> -> memref<320xf32, #tpu.memory_space<vmem_shared>>
      %dma_wait3A_59 = arith.constant 0 : i32
      %dma_wait3A_60 = tpu.memref_slice %arg9[%dma_wait3A_59] : memref<640xf32, #tpu.memory_space<vmem>> -> memref<320xf32, #tpu.memory_space<vmem>>
      %dma_wait3A_61 = tpu.memref_slice %arg11[%mul3A_39] : memref<5120xf32, #tpu.memory_space<vmem_shared>> -> memref<320xf32, #tpu.memory_space<vmem_shared>>
      tpu.wait_dma2 semaphore(%run_scoped3A : memref<!tpu.dma_semaphore, #tpu.memory_space<semaphore_mem>>) src(%dma_wait3A_61 : memref<320xf32, #tpu.memory_space<vmem_shared>>) dst(%dma_wait3A_60 : memref<320xf32, #tpu.memory_space<vmem>>)
      tpu.yield
    }) : () -> ()
    %mul3A_40 = arith.constant 5120 : i32
    %mul3A_41 = arith.muli %arg0, %mul3A_40 : i32
    %mul3A_42 = arith.constant 320 : i32
    %mul3A_43 = arith.muli %arg1, %mul3A_42 : i32
    %add3A_44 = arith.addi %mul3A_41, %mul3A_43 : i32
    "tpu.region"() ({
      %run_scoped3A = tpu.sem_alloc : memref<!tpu.dma_semaphore, #tpu.memory_space<semaphore_mem>>
      %dma_start3A = arith.constant 0 : i32
      %dma_start3A_52 = tpu.memref_slice %arg9[%dma_start3A] : memref<640xf32, #tpu.memory_space<vmem>> -> memref<320xf32, #tpu.memory_space<vmem>>
      %dma_start3A_53 = tpu.memref_slice %arg4[%add3A_44] : memref<10240xf32, #tpu.memory_space<hbm>> -> memref<320xf32, #tpu.memory_space<hbm>>
      %dma_start3A_54 = tpu.memref_slice %arg4[%add3A_44] : memref<10240xf32, #tpu.memory_space<hbm>> -> memref<320xf32, #tpu.memory_space<hbm>>
      %dma_start3A_55 = arith.constant 0 : i32
      %dma_start3A_56 = tpu.memref_slice %arg9[%dma_start3A_55] : memref<640xf32, #tpu.memory_space<vmem>> -> memref<320xf32, #tpu.memory_space<vmem>>
      tpu.enqueue_dma source(%dma_start3A_56 : memref<320xf32, #tpu.memory_space<vmem>>) target(%dma_start3A_54 : memref<320xf32, #tpu.memory_space<hbm>>) target_semaphore(%run_scoped3A : memref<!tpu.dma_semaphore, #tpu.memory_space<semaphore_mem>>)
      %dma_wait3A = arith.constant 0 : i32
      %dma_wait3A_57 = tpu.memref_slice %arg9[%dma_wait3A] : memref<640xf32, #tpu.memory_space<vmem>> -> memref<320xf32, #tpu.memory_space<vmem>>
      %dma_wait3A_58 = tpu.memref_slice %arg4[%add3A_44] : memref<10240xf32, #tpu.memory_space<hbm>> -> memref<320xf32, #tpu.memory_space<hbm>>
      %dma_wait3A_59 = tpu.memref_slice %arg4[%add3A_44] : memref<10240xf32, #tpu.memory_space<hbm>> -> memref<320xf32, #tpu.memory_space<hbm>>
      %dma_wait3A_60 = arith.constant 0 : i32
      %dma_wait3A_61 = tpu.memref_slice %arg9[%dma_wait3A_60] : memref<640xf32, #tpu.memory_space<vmem>> -> memref<320xf32, #tpu.memory_space<vmem>>
      tpu.wait_dma2 semaphore(%run_scoped3A : memref<!tpu.dma_semaphore, #tpu.memory_space<semaphore_mem>>) src(%dma_wait3A_61 : memref<320xf32, #tpu.memory_space<vmem>>) dst(%dma_wait3A_59 : memref<320xf32, #tpu.memory_space<hbm>>)
      tpu.yield
    }) : () -> ()
    %mul3A_45 = arith.constant 160 : i32
    %mul3A_46 = arith.muli %arg1, %mul3A_45 : i32
    "tpu.region"() ({
      %run_scoped3A = tpu.sem_alloc : memref<!tpu.dma_semaphore, #tpu.memory_space<semaphore_mem>>
      %dma_start3A = arith.constant 0 : i32
      %dma_start3A_52 = tpu.memref_slice %arg9[%dma_start3A] : memref<640xf32, #tpu.memory_space<vmem>> -> memref<160xf32, #tpu.memory_space<vmem>>
      %dma_start3A_53 = tpu.memref_slice %arg12[%mul3A_46] : memref<2560xf32, #tpu.memory_space<vmem_shared>> -> memref<160xf32, #tpu.memory_space<vmem_shared>>
      %dma_start3A_54 = arith.constant 0 : i32
      %dma_start3A_55 = tpu.memref_slice %arg9[%dma_start3A_54] : memref<640xf32, #tpu.memory_space<vmem>> -> memref<160xf32, #tpu.memory_space<vmem>>
      %dma_start3A_56 = tpu.memref_slice %arg12[%mul3A_46] : memref<2560xf32, #tpu.memory_space<vmem_shared>> -> memref<160xf32, #tpu.memory_space<vmem_shared>>
      tpu.enqueue_dma source(%dma_start3A_56 : memref<160xf32, #tpu.memory_space<vmem_shared>>) target(%dma_start3A_55 : memref<160xf32, #tpu.memory_space<vmem>>) target_semaphore(%run_scoped3A : memref<!tpu.dma_semaphore, #tpu.memory_space<semaphore_mem>>)
      %dma_wait3A = arith.constant 0 : i32
      %dma_wait3A_57 = tpu.memref_slice %arg9[%dma_wait3A] : memref<640xf32, #tpu.memory_space<vmem>> -> memref<160xf32, #tpu.memory_space<vmem>>
      %dma_wait3A_58 = tpu.memref_slice %arg12[%mul3A_46] : memref<2560xf32, #tpu.memory_space<vmem_shared>> -> memref<160xf32, #tpu.memory_space<vmem_shared>>
      %dma_wait3A_59 = arith.constant 0 : i32
      %dma_wait3A_60 = tpu.memref_slice %arg9[%dma_wait3A_59] : memref<640xf32, #tpu.memory_space<vmem>> -> memref<160xf32, #tpu.memory_space<vmem>>
      %dma_wait3A_61 = tpu.memref_slice %arg12[%mul3A_46] : memref<2560xf32, #tpu.memory_space<vmem_shared>> -> memref<160xf32, #tpu.memory_space<vmem_shared>>
      tpu.wait_dma2 semaphore(%run_scoped3A : memref<!tpu.dma_semaphore, #tpu.memory_space<semaphore_mem>>) src(%dma_wait3A_61 : memref<160xf32, #tpu.memory_space<vmem_shared>>) dst(%dma_wait3A_60 : memref<160xf32, #tpu.memory_space<vmem>>)
      tpu.yield
    }) : () -> ()
    %mul3A_47 = arith.constant 2560 : i32
    %mul3A_48 = arith.muli %arg0, %mul3A_47 : i32
    %mul3A_49 = arith.constant 160 : i32
    %mul3A_50 = arith.muli %arg1, %mul3A_49 : i32
    %add3A_51 = arith.addi %mul3A_48, %mul3A_50 : i32
    "tpu.region"() ({
      %run_scoped3A = tpu.sem_alloc : memref<!tpu.dma_semaphore, #tpu.memory_space<semaphore_mem>>
      %dma_start3A = arith.constant 0 : i32
      %dma_start3A_52 = tpu.memref_slice %arg9[%dma_start3A] : memref<640xf32, #tpu.memory_space<vmem>> -> memref<160xf32, #tpu.memory_space<vmem>>
      %dma_start3A_53 = tpu.memref_slice %arg5[%add3A_51] : memref<5120xf32, #tpu.memory_space<hbm>> -> memref<160xf32, #tpu.memory_space<hbm>>
      %dma_start3A_54 = tpu.memref_slice %arg5[%add3A_51] : memref<5120xf32, #tpu.memory_space<hbm>> -> memref<160xf32, #tpu.memory_space<hbm>>
      %dma_start3A_55 = arith.constant 0 : i32
      %dma_start3A_56 = tpu.memref_slice %arg9[%dma_start3A_55] : memref<640xf32, #tpu.memory_space<vmem>> -> memref<160xf32, #tpu.memory_space<vmem>>
      tpu.enqueue_dma source(%dma_start3A_56 : memref<160xf32, #tpu.memory_space<vmem>>) target(%dma_start3A_54 : memref<160xf32, #tpu.memory_space<hbm>>) target_semaphore(%run_scoped3A : memref<!tpu.dma_semaphore, #tpu.memory_space<semaphore_mem>>)
      %dma_wait3A = arith.constant 0 : i32
      %dma_wait3A_57 = tpu.memref_slice %arg9[%dma_wait3A] : memref<640xf32, #tpu.memory_space<vmem>> -> memref<160xf32, #tpu.memory_space<vmem>>
      %dma_wait3A_58 = tpu.memref_slice %arg5[%add3A_51] : memref<5120xf32, #tpu.memory_space<hbm>> -> memref<160xf32, #tpu.memory_space<hbm>>
      %dma_wait3A_59 = tpu.memref_slice %arg5[%add3A_51] : memref<5120xf32, #tpu.memory_space<hbm>> -> memref<160xf32, #tpu.memory_space<hbm>>
      %dma_wait3A_60 = arith.constant 0 : i32
      %dma_wait3A_61 = tpu.memref_slice %arg9[%dma_wait3A_60] : memref<640xf32, #tpu.memory_space<vmem>> -> memref<160xf32, #tpu.memory_space<vmem>>
      tpu.wait_dma2 semaphore(%run_scoped3A : memref<!tpu.dma_semaphore, #tpu.memory_space<semaphore_mem>>) src(%dma_wait3A_61 : memref<160xf32, #tpu.memory_space<vmem>>) dst(%dma_wait3A_59 : memref<160xf32, #tpu.memory_space<hbm>>)
      tpu.yield
    }) : () -> ()
    return
  }
}

#map = affine_map<(d0, d1) -> (0)>
module attributes {stable_mosaic.version = 14 : i64} {
  func.func @k(%arg0: i32, %arg1: i32, %arg2: memref<10240xf32, #tpu.memory_space<hbm>>, %arg3: memref<10240xf32, #tpu.memory_space<hbm>>, %arg4: memref<320000xi32, #tpu.memory_space<hbm>>, %arg5: memref<320000xi32, #tpu.memory_space<hbm>>, %arg6: memref<20480xf32, #tpu.memory_space<hbm>>, %arg7: memref<80xi32, #tpu.memory_space<vmem>>, %arg8: memref<80xi32, #tpu.memory_space<vmem>>, %arg9: memref<80xf32, #tpu.memory_space<vmem>>, %arg10: memref<10240xf32, #tpu.memory_space<vmem>>, %arg11: memref<10240xf32, #tpu.memory_space<vmem>>, %arg12: memref<640xf32, #tpu.memory_space<vmem>>, %arg13: memref<10240xf32, #tpu.memory_space<vmem_shared>>) attributes {dimension_semantics = [#tpu.dimension_semantics<core_parallel>, #tpu.dimension_semantics<subcore_parallel>], iteration_bounds = array<i64: 2, 16>, scalar_prefetch = 0 : i64, scratch_operands = 7 : i64, tpu.core_type = #tpu.core_type<sc_vector_subcore>, window_params = [{transform_indices = #map}, {transform_indices = #map}, {transform_indices = #map}, {transform_indices = #map}, {transform_indices = #map}]} {
    %mul3A = arith.constant 16 : i32
    %mul3A_0 = arith.muli %arg0, %mul3A : i32
    %add3A = arith.addi %mul3A_0, %arg1 : i32
    %broadcast_in_dim3A = arith.constant 0.000000e+00 : f32
    %broadcast_in_dim3A_1 = vector.broadcast %broadcast_in_dim3A : f32 to vector<16xf32>
    "tpu.region"() ({
      %run_scoped3A = tpu.sem_alloc : memref<!tpu.dma_semaphore, #tpu.memory_space<semaphore_mem>>
      tpu.enqueue_dma source(%arg2 : memref<10240xf32, #tpu.memory_space<hbm>>) target(%arg10 : memref<10240xf32, #tpu.memory_space<vmem>>) target_semaphore(%run_scoped3A : memref<!tpu.dma_semaphore, #tpu.memory_space<semaphore_mem>>)
      tpu.wait_dma2 semaphore(%run_scoped3A : memref<!tpu.dma_semaphore, #tpu.memory_space<semaphore_mem>>) src(%arg2 : memref<10240xf32, #tpu.memory_space<hbm>>) dst(%arg10 : memref<10240xf32, #tpu.memory_space<vmem>>)
      tpu.yield
    }) : () -> ()
    "tpu.region"() ({
      %run_scoped3A = tpu.sem_alloc : memref<!tpu.dma_semaphore, #tpu.memory_space<semaphore_mem>>
      tpu.enqueue_dma source(%arg3 : memref<10240xf32, #tpu.memory_space<hbm>>) target(%arg11 : memref<10240xf32, #tpu.memory_space<vmem>>) target_semaphore(%run_scoped3A : memref<!tpu.dma_semaphore, #tpu.memory_space<semaphore_mem>>)
      tpu.wait_dma2 semaphore(%run_scoped3A : memref<!tpu.dma_semaphore, #tpu.memory_space<semaphore_mem>>) src(%arg3 : memref<10240xf32, #tpu.memory_space<hbm>>) dst(%arg11 : memref<10240xf32, #tpu.memory_space<vmem>>)
      tpu.yield
    }) : () -> ()
    %scan3A = arith.constant 0 : i32
    %scan3A_2 = arith.constant 0 : i32
    %scan3A_3 = arith.constant 40 : i32
    %scan3A_4 = arith.addi %scan3A_2, %scan3A_3 : i32
    %scan3A_5 = arith.constant 1 : i32
    %scan3A_6 = scf.for %scan3A_25 = %scan3A_2 to %scan3A_4 step %scan3A_5 iter_args(%scan3A_26 = %scan3A) -> (i32)  : i32 {
      %mul3A_27 = arith.constant 16 : i32
      %mul3A_28 = arith.muli %scan3A_25, %mul3A_27 : i32
      %swap3A = arith.index_cast %mul3A_28 : i32 to index
      %swap3A_29 = tpu.vector_load %arg12[%swap3A] {strides = array<i32>} : memref<640xf32, #tpu.memory_space<vmem>>, vector<16xf32>,
      %swap3A_30 = vector.shape_cast %swap3A_29 : vector<16xf32> to vector<16xf32>
      %swap3A_31 = vector.shape_cast %broadcast_in_dim3A_1 : vector<16xf32> to vector<16xf32>
      tpu.vector_store %arg12[%swap3A], %swap3A_31 {strides = array<i32>} : memref<640xf32, #tpu.memory_space<vmem>>, vector<16xf32>,
      %scan3A_32 = arith.constant 0 : i32
      scf.yield %scan3A_32 : i32
    }
    %scan3A_7 = arith.constant 40 : i32
    %mul3A_8 = arith.constant 640 : i32
    %mul3A_9 = arith.muli %arg1, %mul3A_8 : i32
    "tpu.region"() ({
      %run_scoped3A = tpu.sem_alloc : memref<!tpu.dma_semaphore, #tpu.memory_space<semaphore_mem>>
      %dma_start3A = tpu.memref_slice %arg13[%mul3A_9] : memref<10240xf32, #tpu.memory_space<vmem_shared>> -> memref<640xf32, #tpu.memory_space<vmem_shared>>
      %dma_start3A_25 = tpu.memref_slice %arg13[%mul3A_9] : memref<10240xf32, #tpu.memory_space<vmem_shared>> -> memref<640xf32, #tpu.memory_space<vmem_shared>>
      tpu.enqueue_dma source(%arg12 : memref<640xf32, #tpu.memory_space<vmem>>) target(%dma_start3A_25 : memref<640xf32, #tpu.memory_space<vmem_shared>>) target_semaphore(%run_scoped3A : memref<!tpu.dma_semaphore, #tpu.memory_space<semaphore_mem>>)
      %dma_wait3A = tpu.memref_slice %arg13[%mul3A_9] : memref<10240xf32, #tpu.memory_space<vmem_shared>> -> memref<640xf32, #tpu.memory_space<vmem_shared>>
      %dma_wait3A_26 = tpu.memref_slice %arg13[%mul3A_9] : memref<10240xf32, #tpu.memory_space<vmem_shared>> -> memref<640xf32, #tpu.memory_space<vmem_shared>>
      tpu.wait_dma2 semaphore(%run_scoped3A : memref<!tpu.dma_semaphore, #tpu.memory_space<semaphore_mem>>) src(%arg12 : memref<640xf32, #tpu.memory_space<vmem>>) dst(%dma_wait3A_26 : memref<640xf32, #tpu.memory_space<vmem_shared>>)
      tpu.yield
    }) : () -> ()
    %barrier3A = arith.constant 0 : index
    tpu.barrier barrier_id(%barrier3A)
    %scan3A_10 = arith.constant 0 : i32
    %scan3A_11 = arith.constant 0 : i32
    %scan3A_12 = arith.constant 125 : i32
    %scan3A_13 = arith.addi %scan3A_11, %scan3A_12 : i32
    %scan3A_14 = arith.constant 1 : i32
    %scan3A_15 = scf.for %scan3A_25 = %scan3A_11 to %scan3A_13 step %scan3A_14 iter_args(%scan3A_26 = %scan3A_10) -> (i32)  : i32 {
      %mul3A_27 = arith.constant 10000 : i32
      %mul3A_28 = arith.muli %add3A, %mul3A_27 : i32
      %mul3A_29 = arith.constant 80 : i32
      %mul3A_30 = arith.muli %scan3A_25, %mul3A_29 : i32
      %add3A_31 = arith.addi %mul3A_28, %mul3A_30 : i32
      "tpu.region"() ({
        %run_scoped3A = tpu.sem_alloc : memref<!tpu.dma_semaphore, #tpu.memory_space<semaphore_mem>>
        %dma_start3A = tpu.memref_slice %arg4[%add3A_31] : memref<320000xi32, #tpu.memory_space<hbm>> -> memref<80xi32, #tpu.memory_space<hbm>>
        %dma_start3A_40 = tpu.memref_slice %arg4[%add3A_31] : memref<320000xi32, #tpu.memory_space<hbm>> -> memref<80xi32, #tpu.memory_space<hbm>>
        tpu.enqueue_dma source(%dma_start3A_40 : memref<80xi32, #tpu.memory_space<hbm>>) target(%arg7 : memref<80xi32, #tpu.memory_space<vmem>>) target_semaphore(%run_scoped3A : memref<!tpu.dma_semaphore, #tpu.memory_space<semaphore_mem>>)
        %dma_wait3A = tpu.memref_slice %arg4[%add3A_31] : memref<320000xi32, #tpu.memory_space<hbm>> -> memref<80xi32, #tpu.memory_space<hbm>>
        %dma_wait3A_41 = tpu.memref_slice %arg4[%add3A_31] : memref<320000xi32, #tpu.memory_space<hbm>> -> memref<80xi32, #tpu.memory_space<hbm>>
        tpu.wait_dma2 semaphore(%run_scoped3A : memref<!tpu.dma_semaphore, #tpu.memory_space<semaphore_mem>>) src(%dma_wait3A_41 : memref<80xi32, #tpu.memory_space<hbm>>) dst(%arg7 : memref<80xi32, #tpu.memory_space<vmem>>)
        tpu.yield
      }) : () -> ()
      "tpu.region"() ({
        %run_scoped3A = tpu.sem_alloc : memref<!tpu.dma_semaphore, #tpu.memory_space<semaphore_mem>>
        %dma_start3A = tpu.memref_slice %arg5[%add3A_31] : memref<320000xi32, #tpu.memory_space<hbm>> -> memref<80xi32, #tpu.memory_space<hbm>>
        %dma_start3A_40 = tpu.memref_slice %arg5[%add3A_31] : memref<320000xi32, #tpu.memory_space<hbm>> -> memref<80xi32, #tpu.memory_space<hbm>>
        tpu.enqueue_dma source(%dma_start3A_40 : memref<80xi32, #tpu.memory_space<hbm>>) target(%arg8 : memref<80xi32, #tpu.memory_space<vmem>>) target_semaphore(%run_scoped3A : memref<!tpu.dma_semaphore, #tpu.memory_space<semaphore_mem>>)
        %dma_wait3A = tpu.memref_slice %arg5[%add3A_31] : memref<320000xi32, #tpu.memory_space<hbm>> -> memref<80xi32, #tpu.memory_space<hbm>>
        %dma_wait3A_41 = tpu.memref_slice %arg5[%add3A_31] : memref<320000xi32, #tpu.memory_space<hbm>> -> memref<80xi32, #tpu.memory_space<hbm>>
        tpu.wait_dma2 semaphore(%run_scoped3A : memref<!tpu.dma_semaphore, #tpu.memory_space<semaphore_mem>>) src(%dma_wait3A_41 : memref<80xi32, #tpu.memory_space<hbm>>) dst(%arg8 : memref<80xi32, #tpu.memory_space<vmem>>)
        tpu.yield
      }) : () -> ()
      %scan3A_32 = arith.constant 0 : i32
      %scan3A_33 = arith.constant 0 : i32
      %scan3A_34 = arith.constant 5 : i32
      %scan3A_35 = arith.addi %scan3A_33, %scan3A_34 : i32
      %scan3A_36 = arith.constant 1 : i32
      %scan3A_37 = scf.for %scan3A_40 = %scan3A_33 to %scan3A_35 step %scan3A_36 iter_args(%scan3A_41 = %scan3A_32) -> (i32)  : i32 {
        %mul3A_42 = arith.constant 16 : i32
        %mul3A_43 = arith.muli %scan3A_40, %mul3A_42 : i32
        %get3A = arith.index_cast %mul3A_43 : i32 to index
        %get3A_44 = tpu.vector_load %arg7[%get3A] {strides = array<i32>} : memref<80xi32, #tpu.memory_space<vmem>>, vector<16xi32>,
        %get3A_45 = vector.shape_cast %get3A_44 : vector<16xi32> to vector<16xi32>
        %mul3A_46 = arith.constant 16 : i32
        %mul3A_47 = arith.muli %scan3A_40, %mul3A_46 : i32
        %get3A_48 = arith.index_cast %mul3A_47 : i32 to index
        %get3A_49 = tpu.vector_load %arg8[%get3A_48] {strides = array<i32>} : memref<80xi32, #tpu.memory_space<vmem>>, vector<16xi32>,
        %get3A_50 = vector.shape_cast %get3A_49 : vector<16xi32> to vector<16xi32>
        %gather3A = tpu.vector_load_idx %arg10[%get3A_45] : memref<10240xf32, #tpu.memory_space<vmem>>[vector<16xi32>], vector<16xf32>,
        %gather3A_51 = tpu.vector_load_idx %arg11[%get3A_50] : memref<10240xf32, #tpu.memory_space<vmem>>[vector<16xi32>], vector<16xf32>,
        %add3A_52 = arith.addf %gather3A, %gather3A_51 : vector<16xf32>
        %neg3A = arith.constant 0.000000e+00 : f32
        %neg3A_53 = vector.broadcast %neg3A : f32 to vector<16xf32>
        %neg3A_54 = arith.subf %neg3A_53, %add3A_52 : vector<16xf32>
        %exp3A = math.exp %neg3A_54 : vector<16xf32>
        %add3A_55 = arith.constant 1.000000e+00 : f32
        %add3A_56 = vector.broadcast %add3A_55 : f32 to vector<16xf32>
        %add3A_57 = arith.addf %add3A_56, %exp3A : vector<16xf32>
        %div3A = arith.constant 1.000000e+00 : f32
        %div3A_58 = vector.broadcast %div3A : f32 to vector<16xf32>
        %div3A_59 = arith.divf %div3A_58, %add3A_57 : vector<16xf32>
        %mul3A_60 = arith.constant 16 : i32
        %mul3A_61 = arith.muli %scan3A_40, %mul3A_60 : i32
        %swap3A = arith.index_cast %mul3A_61 : i32 to index
        %swap3A_62 = tpu.vector_load %arg9[%swap3A] {strides = array<i32>} : memref<80xf32, #tpu.memory_space<vmem>>, vector<16xf32>,
        %swap3A_63 = vector.shape_cast %swap3A_62 : vector<16xf32> to vector<16xf32>
        %swap3A_64 = vector.shape_cast %div3A_59 : vector<16xf32> to vector<16xf32>
        tpu.vector_store %arg9[%swap3A], %swap3A_64 {strides = array<i32>} : memref<80xf32, #tpu.memory_space<vmem>>, vector<16xf32>,
        %scan3A_65 = arith.constant 0 : i32
        scf.yield %scan3A_65 : i32
      }
      %scan3A_38 = arith.constant 5 : i32
      "tpu.region"() ({
        %run_scoped3A = tpu.sem_alloc : memref<!tpu.dma_semaphore, #tpu.memory_space<semaphore_mem>>
        %dma_start3A = arith.constant 0 : i32
        %dma_start3A_40 = tpu.memref_slice %arg13[%dma_start3A] : memref<10240xf32, #tpu.memory_space<vmem_shared>> -> memref<10240xf32, #tpu.memory_space<vmem_shared>>
        tpu.enqueue_indirect_dma source(%arg9 : memref<80xf32, #tpu.memory_space<vmem>>) target(%dma_start3A_40 : memref<10240xf32, #tpu.memory_space<vmem_shared>>) offsets(%arg8 : memref<80xi32, #tpu.memory_space<vmem>>) semaphore(%run_scoped3A : memref<!tpu.dma_semaphore, #tpu.memory_space<semaphore_mem>>) {add = true}
        %dma_wait3A = arith.constant 0 : i32
        %dma_wait3A_41 = tpu.memref_slice %arg13[%dma_wait3A] : memref<10240xf32, #tpu.memory_space<vmem_shared>> -> memref<10240xf32, #tpu.memory_space<vmem_shared>>
        tpu.wait_indirect_dma semaphore(%run_scoped3A : memref<!tpu.dma_semaphore, #tpu.memory_space<semaphore_mem>>) src(%arg9 : memref<80xf32, #tpu.memory_space<vmem>>) dst(%dma_wait3A_41 : memref<10240xf32, #tpu.memory_space<vmem_shared>>)
        tpu.yield
      }) : () -> ()
      %scan3A_39 = arith.constant 0 : i32
      scf.yield %scan3A_39 : i32
    }
    %scan3A_16 = arith.constant 125 : i32
    %barrier3A_17 = arith.constant 0 : index
    tpu.barrier barrier_id(%barrier3A_17)
    %mul3A_18 = arith.constant 640 : i32
    %mul3A_19 = arith.muli %arg1, %mul3A_18 : i32
    "tpu.region"() ({
      %run_scoped3A = tpu.sem_alloc : memref<!tpu.dma_semaphore, #tpu.memory_space<semaphore_mem>>
      %dma_start3A = tpu.memref_slice %arg13[%mul3A_19] : memref<10240xf32, #tpu.memory_space<vmem_shared>> -> memref<640xf32, #tpu.memory_space<vmem_shared>>
      %dma_start3A_25 = tpu.memref_slice %arg13[%mul3A_19] : memref<10240xf32, #tpu.memory_space<vmem_shared>> -> memref<640xf32, #tpu.memory_space<vmem_shared>>
      tpu.enqueue_dma source(%dma_start3A_25 : memref<640xf32, #tpu.memory_space<vmem_shared>>) target(%arg12 : memref<640xf32, #tpu.memory_space<vmem>>) target_semaphore(%run_scoped3A : memref<!tpu.dma_semaphore, #tpu.memory_space<semaphore_mem>>)
      %dma_wait3A = tpu.memref_slice %arg13[%mul3A_19] : memref<10240xf32, #tpu.memory_space<vmem_shared>> -> memref<640xf32, #tpu.memory_space<vmem_shared>>
      %dma_wait3A_26 = tpu.memref_slice %arg13[%mul3A_19] : memref<10240xf32, #tpu.memory_space<vmem_shared>> -> memref<640xf32, #tpu.memory_space<vmem_shared>>
      tpu.wait_dma2 semaphore(%run_scoped3A : memref<!tpu.dma_semaphore, #tpu.memory_space<semaphore_mem>>) src(%dma_wait3A_26 : memref<640xf32, #tpu.memory_space<vmem_shared>>) dst(%arg12 : memref<640xf32, #tpu.memory_space<vmem>>)
      tpu.yield
    }) : () -> ()
    %mul3A_20 = arith.constant 10240 : i32
    %mul3A_21 = arith.muli %arg0, %mul3A_20 : i32
    %mul3A_22 = arith.constant 640 : i32
    %mul3A_23 = arith.muli %arg1, %mul3A_22 : i32
    %add3A_24 = arith.addi %mul3A_21, %mul3A_23 : i32
    "tpu.region"() ({
      %run_scoped3A = tpu.sem_alloc : memref<!tpu.dma_semaphore, #tpu.memory_space<semaphore_mem>>
      %dma_start3A = tpu.memref_slice %arg6[%add3A_24] : memref<20480xf32, #tpu.memory_space<hbm>> -> memref<640xf32, #tpu.memory_space<hbm>>
      %dma_start3A_25 = tpu.memref_slice %arg6[%add3A_24] : memref<20480xf32, #tpu.memory_space<hbm>> -> memref<640xf32, #tpu.memory_space<hbm>>
      tpu.enqueue_dma source(%arg12 : memref<640xf32, #tpu.memory_space<vmem>>) target(%dma_start3A_25 : memref<640xf32, #tpu.memory_space<hbm>>) target_semaphore(%run_scoped3A : memref<!tpu.dma_semaphore, #tpu.memory_space<semaphore_mem>>)
      %dma_wait3A = tpu.memref_slice %arg6[%add3A_24] : memref<20480xf32, #tpu.memory_space<hbm>> -> memref<640xf32, #tpu.memory_space<hbm>>
      %dma_wait3A_26 = tpu.memref_slice %arg6[%add3A_24] : memref<20480xf32, #tpu.memory_space<hbm>> -> memref<640xf32, #tpu.memory_space<hbm>>
      tpu.wait_dma2 semaphore(%run_scoped3A : memref<!tpu.dma_semaphore, #tpu.memory_space<semaphore_mem>>) src(%arg12 : memref<640xf32, #tpu.memory_space<vmem>>) dst(%dma_wait3A_26 : memref<640xf32, #tpu.memory_space<hbm>>)
      tpu.yield
    }) : () -> ()
    return
  }
}

#map = affine_map<(d0, d1) -> (0, 0)>
#map1 = affine_map<(d0, d1) -> (0)>
module attributes {stable_mosaic.version = 14 : i64} {
  func.func @k(%arg0: i32, %arg1: i32, %arg2: memref<5120x128xf32, #tpu.memory_space<hbm>>, %arg3: memref<320000xi32, #tpu.memory_space<hbm>>, %arg4: memref<320000xi32, #tpu.memory_space<hbm>>, %arg5: memref<10240x128xf32, #tpu.memory_space<hbm>>, %arg6: memref<80xi32, #tpu.memory_space<vmem>>, %arg7: memref<80xi32, #tpu.memory_space<vmem>>, %arg8: memref<80xi32, #tpu.memory_space<vmem>>, %arg9: memref<80xi32, #tpu.memory_space<vmem>>, %arg10: memref<80x128xf32, #tpu.memory_space<vmem>>, %arg11: memref<80x128xf32, #tpu.memory_space<vmem>>, %arg12: memref<16x128xf32, #tpu.memory_space<vmem>>, %arg13: memref<5120x128xf32, #tpu.memory_space<vmem_shared>>, %arg14: memref<!tpu.dma_semaphore, #tpu.memory_space<semaphore_mem>>, %arg15: memref<!tpu.dma_semaphore, #tpu.memory_space<semaphore_mem>>) attributes {dimension_semantics = [#tpu.dimension_semantics<core_parallel>, #tpu.dimension_semantics<subcore_parallel>], iteration_bounds = array<i64: 2, 16>, scalar_prefetch = 0 : i64, scratch_operands = 10 : i64, tpu.core_type = #tpu.core_type<sc_vector_subcore>, window_params = [{transform_indices = #map}, {transform_indices = #map1}, {transform_indices = #map1}, {transform_indices = #map}]} {
    %mul3A = arith.constant 16 : i32
    %mul3A_0 = arith.muli %arg0, %mul3A : i32
    %add3A = arith.addi %mul3A_0, %arg1 : i32
    %broadcast_in_dim3A = arith.constant 0.000000e+00 : f32
    %broadcast_in_dim3A_1 = vector.broadcast %broadcast_in_dim3A : f32 to vector<16xf32>
    %scan3A = arith.constant 0 : i32
    %scan3A_2 = arith.constant 0 : i32
    %scan3A_3 = arith.constant 128 : i32
    %scan3A_4 = arith.addi %scan3A_2, %scan3A_3 : i32
    %scan3A_5 = arith.constant 1 : i32
    %scan3A_6 = scf.for %scan3A_45 = %scan3A_2 to %scan3A_4 step %scan3A_5 iter_args(%scan3A_46 = %scan3A) -> (i32)  : i32 {
      %jit3A = arith.constant 8 : i32
      %div3A = arith.divsi %scan3A_45, %jit3A : i32
      %sign3A = arith.constant 0 : i32
      %sign3A_47 = arith.cmpi sgt, %scan3A_45, %sign3A : i32
      %sign3A_48 = arith.extui %sign3A_47 : i1 to i32
      %sign3A_49 = arith.constant 0 : i32
      %sign3A_50 = arith.cmpi slt, %scan3A_45, %sign3A_49 : i32
      %sign3A_51 = arith.extui %sign3A_50 : i1 to i32
      %sign3A_52 = arith.subi %sign3A_48, %sign3A_51 : i32
      %sign3A_53 = arith.constant 0 : i32
      %sign3A_54 = arith.cmpi sgt, %jit3A, %sign3A_53 : i32
      %sign3A_55 = arith.extui %sign3A_54 : i1 to i32
      %sign3A_56 = arith.constant 0 : i32
      %sign3A_57 = arith.cmpi slt, %jit3A, %sign3A_56 : i32
      %sign3A_58 = arith.extui %sign3A_57 : i1 to i32
      %sign3A_59 = arith.subi %sign3A_55, %sign3A_58 : i32
      %ne3A = arith.cmpi ne, %sign3A_52, %sign3A_59 : i32
      %rem3A = arith.remsi %scan3A_45, %jit3A : i32
      %ne3A_60 = arith.constant 0 : i32
      %ne3A_61 = arith.cmpi ne, %rem3A, %ne3A_60 : i32
      %and3A = arith.andi %ne3A, %ne3A_61 : i1
      %sub3A = arith.constant 1 : i32
      %sub3A_62 = arith.subi %div3A, %sub3A : i32
      %select_n3A = arith.select %and3A, %sub3A_62, %div3A : i32
      %jit3A_63 = arith.constant 8 : i32
      %eq3A = arith.constant 0 : i32
      %eq3A_64 = arith.cmpi eq, %jit3A_63, %eq3A : i32
      %jit3A_65 = arith.constant 1 : i32
      %select_n3A_66 = arith.select %eq3A_64, %jit3A_65, %jit3A_63 : i32
      %rem3A_67 = arith.remsi %scan3A_45, %select_n3A_66 : i32
      %ne3A_68 = arith.constant 0 : i32
      %ne3A_69 = arith.cmpi ne, %rem3A_67, %ne3A_68 : i32
      %lt3A = arith.constant 0 : i32
      %lt3A_70 = arith.cmpi slt, %rem3A_67, %lt3A : i32
      %lt3A_71 = arith.constant 0 : i32
      %lt3A_72 = arith.cmpi slt, %select_n3A_66, %lt3A_71 : i32
      %ne3A_73 = arith.xori %lt3A_70, %lt3A_72 : i1
      %and3A_74 = arith.andi %ne3A_73, %ne3A_69 : i1
      %add3A_75 = arith.addi %rem3A_67, %select_n3A_66 : i32
      %select_n3A_76 = arith.select %and3A_74, %add3A_75, %rem3A_67 : i32
      %mul3A_77 = arith.constant 16 : i32
      %mul3A_78 = arith.muli %select_n3A_76, %mul3A_77 : i32
      %swap3A = arith.index_cast %select_n3A : i32 to index
      %swap3A_79 = arith.index_cast %mul3A_78 : i32 to index
      %swap3A_80 = tpu.vector_load %arg12[%swap3A, %swap3A_79] {strides = array<i32>} : memref<16x128xf32, #tpu.memory_space<vmem>>, vector<1x16xf32>,
      %swap3A_81 = vector.shape_cast %swap3A_80 : vector<1x16xf32> to vector<16xf32>
      %swap3A_82 = vector.shape_cast %broadcast_in_dim3A_1 : vector<16xf32> to vector<1x16xf32>
      tpu.vector_store %arg12[%swap3A, %swap3A_79], %swap3A_82 {strides = array<i32>} : memref<16x128xf32, #tpu.memory_space<vmem>>, vector<1x16xf32>,
      %scan3A_83 = arith.constant 0 : i32
      scf.yield %scan3A_83 : i32
    }
    %scan3A_7 = arith.constant 128 : i32
    %scan3A_8 = arith.constant 0 : i32
    %scan3A_9 = arith.constant 0 : i32
    %scan3A_10 = arith.constant 20 : i32
    %scan3A_11 = arith.addi %scan3A_9, %scan3A_10 : i32
    %scan3A_12 = arith.constant 1 : i32
    %scan3A_13 = scf.for %scan3A_45 = %scan3A_9 to %scan3A_11 step %scan3A_12 iter_args(%scan3A_46 = %scan3A_8) -> (i32)  : i32 {
      %mul3A_47 = arith.constant 320 : i32
      %mul3A_48 = arith.muli %arg1, %mul3A_47 : i32
      %mul3A_49 = arith.constant 16 : i32
      %mul3A_50 = arith.muli %scan3A_45, %mul3A_49 : i32
      %add3A_51 = arith.addi %mul3A_48, %mul3A_50 : i32
      "tpu.region"() ({
        %run_scoped3A = tpu.sem_alloc : memref<!tpu.dma_semaphore, #tpu.memory_space<semaphore_mem>>
        %dma_start3A_53 = arith.constant 0 : i32
        %dma_start3A_54 = tpu.memref_slice %arg13[%add3A_51, %dma_start3A_53] : memref<5120x128xf32, #tpu.memory_space<vmem_shared>> -> memref<16x128xf32, #tpu.memory_space<vmem_shared>>
        %dma_start3A_55 = arith.constant 0 : i32
        %dma_start3A_56 = tpu.memref_slice %arg13[%add3A_51, %dma_start3A_55] : memref<5120x128xf32, #tpu.memory_space<vmem_shared>> -> memref<16x128xf32, #tpu.memory_space<vmem_shared>>
        tpu.enqueue_dma source(%arg12 : memref<16x128xf32, #tpu.memory_space<vmem>>) target(%dma_start3A_56 : memref<16x128xf32, #tpu.memory_space<vmem_shared>>) target_semaphore(%run_scoped3A : memref<!tpu.dma_semaphore, #tpu.memory_space<semaphore_mem>>)
        %dma_wait3A_57 = arith.constant 0 : i32
        %dma_wait3A_58 = tpu.memref_slice %arg13[%add3A_51, %dma_wait3A_57] : memref<5120x128xf32, #tpu.memory_space<vmem_shared>> -> memref<16x128xf32, #tpu.memory_space<vmem_shared>>
        %dma_wait3A_59 = arith.constant 0 : i32
        %dma_wait3A_60 = tpu.memref_slice %arg13[%add3A_51, %dma_wait3A_59] : memref<5120x128xf32, #tpu.memory_space<vmem_shared>> -> memref<16x128xf32, #tpu.memory_space<vmem_shared>>
        tpu.wait_dma2 semaphore(%run_scoped3A : memref<!tpu.dma_semaphore, #tpu.memory_space<semaphore_mem>>) src(%arg12 : memref<16x128xf32, #tpu.memory_space<vmem>>) dst(%dma_wait3A_60 : memref<16x128xf32, #tpu.memory_space<vmem_shared>>)
        tpu.yield
      }) : () -> ()
      %scan3A_52 = arith.constant 0 : i32
      scf.yield %scan3A_52 : i32
    }
    %scan3A_14 = arith.constant 20 : i32
    %barrier3A = arith.constant 0 : index
    tpu.barrier barrier_id(%barrier3A)
    %mul3A_15 = arith.constant 10000 : i32
    %mul3A_16 = arith.muli %add3A, %mul3A_15 : i32
    %add3A_17 = arith.constant 0 : i32
    %add3A_18 = arith.addi %mul3A_16, %add3A_17 : i32
    "tpu.region"() ({
      %run_scoped3A = tpu.sem_alloc : memref<!tpu.dma_semaphore, #tpu.memory_space<semaphore_mem>>
      %dma_start3A_45 = tpu.memref_slice %arg3[%add3A_18] : memref<320000xi32, #tpu.memory_space<hbm>> -> memref<80xi32, #tpu.memory_space<hbm>>
      %dma_start3A_46 = tpu.memref_slice %arg3[%add3A_18] : memref<320000xi32, #tpu.memory_space<hbm>> -> memref<80xi32, #tpu.memory_space<hbm>>
      tpu.enqueue_dma source(%dma_start3A_46 : memref<80xi32, #tpu.memory_space<hbm>>) target(%arg6 : memref<80xi32, #tpu.memory_space<vmem>>) target_semaphore(%run_scoped3A : memref<!tpu.dma_semaphore, #tpu.memory_space<semaphore_mem>>)
      %dma_wait3A_47 = tpu.memref_slice %arg3[%add3A_18] : memref<320000xi32, #tpu.memory_space<hbm>> -> memref<80xi32, #tpu.memory_space<hbm>>
      %dma_wait3A_48 = tpu.memref_slice %arg3[%add3A_18] : memref<320000xi32, #tpu.memory_space<hbm>> -> memref<80xi32, #tpu.memory_space<hbm>>
      tpu.wait_dma2 semaphore(%run_scoped3A : memref<!tpu.dma_semaphore, #tpu.memory_space<semaphore_mem>>) src(%dma_wait3A_48 : memref<80xi32, #tpu.memory_space<hbm>>) dst(%arg6 : memref<80xi32, #tpu.memory_space<vmem>>)
      tpu.yield
    }) : () -> ()
    "tpu.region"() ({
      %run_scoped3A = tpu.sem_alloc : memref<!tpu.dma_semaphore, #tpu.memory_space<semaphore_mem>>
      %dma_start3A_45 = tpu.memref_slice %arg4[%add3A_18] : memref<320000xi32, #tpu.memory_space<hbm>> -> memref<80xi32, #tpu.memory_space<hbm>>
      %dma_start3A_46 = tpu.memref_slice %arg4[%add3A_18] : memref<320000xi32, #tpu.memory_space<hbm>> -> memref<80xi32, #tpu.memory_space<hbm>>
      tpu.enqueue_dma source(%dma_start3A_46 : memref<80xi32, #tpu.memory_space<hbm>>) target(%arg7 : memref<80xi32, #tpu.memory_space<vmem>>) target_semaphore(%run_scoped3A : memref<!tpu.dma_semaphore, #tpu.memory_space<semaphore_mem>>)
      %dma_wait3A_47 = tpu.memref_slice %arg4[%add3A_18] : memref<320000xi32, #tpu.memory_space<hbm>> -> memref<80xi32, #tpu.memory_space<hbm>>
      %dma_wait3A_48 = tpu.memref_slice %arg4[%add3A_18] : memref<320000xi32, #tpu.memory_space<hbm>> -> memref<80xi32, #tpu.memory_space<hbm>>
      tpu.wait_dma2 semaphore(%run_scoped3A : memref<!tpu.dma_semaphore, #tpu.memory_space<semaphore_mem>>) src(%dma_wait3A_48 : memref<80xi32, #tpu.memory_space<hbm>>) dst(%arg7 : memref<80xi32, #tpu.memory_space<vmem>>)
      tpu.yield
    }) : () -> ()
    %scan3A_19 = arith.constant 0 : i32
    %scan3A_20 = arith.constant 0 : i32
    %scan3A_21 = arith.constant 5 : i32
    %scan3A_22 = arith.addi %scan3A_20, %scan3A_21 : i32
    %scan3A_23 = arith.constant 1 : i32
    %scan3A_24 = scf.for %scan3A_45 = %scan3A_20 to %scan3A_22 step %scan3A_23 iter_args(%scan3A_46 = %scan3A_19) -> (i32)  : i32 {
      %mul3A_47 = arith.constant 16 : i32
      %mul3A_48 = arith.muli %scan3A_45, %mul3A_47 : i32
      %get3A = arith.index_cast %mul3A_48 : i32 to index
      %get3A_49 = tpu.vector_load %arg6[%get3A] {strides = array<i32>} : memref<80xi32, #tpu.memory_space<vmem>>, vector<16xi32>,
      %get3A_50 = vector.shape_cast %get3A_49 : vector<16xi32> to vector<16xi32>
      %shift_right_logical3A = arith.constant 1 : i32
      %shift_right_logical3A_51 = vector.broadcast %shift_right_logical3A : i32 to vector<16xi32>
      %shift_right_logical3A_52 = arith.shrui %get3A_50, %shift_right_logical3A_51 : vector<16xi32>
      %mul3A_53 = arith.constant 16 : i32
      %mul3A_54 = arith.muli %scan3A_45, %mul3A_53 : i32
      %swap3A = arith.index_cast %mul3A_54 : i32 to index
      %swap3A_55 = tpu.vector_load %arg6[%swap3A] {strides = array<i32>} : memref<80xi32, #tpu.memory_space<vmem>>, vector<16xi32>,
      %swap3A_56 = vector.shape_cast %swap3A_55 : vector<16xi32> to vector<16xi32>
      %swap3A_57 = vector.shape_cast %shift_right_logical3A_52 : vector<16xi32> to vector<16xi32>
      tpu.vector_store %arg6[%swap3A], %swap3A_57 {strides = array<i32>} : memref<80xi32, #tpu.memory_space<vmem>>, vector<16xi32>,
      %mul3A_58 = arith.constant 16 : i32
      %mul3A_59 = arith.muli %scan3A_45, %mul3A_58 : i32
      %get3A_60 = arith.index_cast %mul3A_59 : i32 to index
      %get3A_61 = tpu.vector_load %arg7[%get3A_60] {strides = array<i32>} : memref<80xi32, #tpu.memory_space<vmem>>, vector<16xi32>,
      %get3A_62 = vector.shape_cast %get3A_61 : vector<16xi32> to vector<16xi32>
      %shift_right_logical3A_63 = arith.constant 1 : i32
      %shift_right_logical3A_64 = vector.broadcast %shift_right_logical3A_63 : i32 to vector<16xi32>
      %shift_right_logical3A_65 = arith.shrui %get3A_62, %shift_right_logical3A_64 : vector<16xi32>
      %mul3A_66 = arith.constant 16 : i32
      %mul3A_67 = arith.muli %scan3A_45, %mul3A_66 : i32
      %swap3A_68 = arith.index_cast %mul3A_67 : i32 to index
      %swap3A_69 = tpu.vector_load %arg7[%swap3A_68] {strides = array<i32>} : memref<80xi32, #tpu.memory_space<vmem>>, vector<16xi32>,
      %swap3A_70 = vector.shape_cast %swap3A_69 : vector<16xi32> to vector<16xi32>
      %swap3A_71 = vector.shape_cast %shift_right_logical3A_65 : vector<16xi32> to vector<16xi32>
      tpu.vector_store %arg7[%swap3A_68], %swap3A_71 {strides = array<i32>} : memref<80xi32, #tpu.memory_space<vmem>>, vector<16xi32>,
      %scan3A_72 = arith.constant 0 : i32
      scf.yield %scan3A_72 : i32
    }
    %scan3A_25 = arith.constant 5 : i32
    %dma_start3A = arith.constant 0 : i32
    %dma_start3A_26 = arith.constant 0 : i32
    %dma_start3A_27 = tpu.memref_slice %arg2[%dma_start3A, %dma_start3A_26] : memref<5120x128xf32, #tpu.memory_space<hbm>> -> memref<5120x128xf32, #tpu.memory_space<hbm>>
    tpu.enqueue_indirect_dma source(%dma_start3A_27 : memref<5120x128xf32, #tpu.memory_space<hbm>>) target(%arg10 : memref<80x128xf32, #tpu.memory_space<vmem>>) offsets(%arg6 : memref<80xi32, #tpu.memory_space<vmem>>) semaphore(%arg14 : memref<!tpu.dma_semaphore, #tpu.memory_space<semaphore_mem>>)
    %scan3A_28 = arith.constant 0 : i32
    %scan3A_29 = arith.constant 0 : i32
    %scan3A_30 = arith.constant 62 : i32
    %scan3A_31 = arith.addi %scan3A_29, %scan3A_30 : i32
    %scan3A_32 = arith.constant 1 : i32
    %scan3A_33 = scf.for %scan3A_45 = %scan3A_29 to %scan3A_31 step %scan3A_32 iter_args(%scan3A_46 = %scan3A_28) -> (i32)  : i32 {
      %mul3A_47 = arith.constant 2 : i32
      %mul3A_48 = arith.muli %mul3A_47, %scan3A_45 : i32
      %add3A_49 = arith.constant 1 : i32
      %add3A_50 = arith.addi %mul3A_48, %add3A_49 : i32
      %mul3A_51 = arith.constant 10000 : i32
      %mul3A_52 = arith.muli %add3A, %mul3A_51 : i32
      %mul3A_53 = arith.constant 80 : i32
      %mul3A_54 = arith.muli %add3A_50, %mul3A_53 : i32
      %add3A_55 = arith.addi %mul3A_52, %mul3A_54 : i32
      "tpu.region"() ({
        %run_scoped3A = tpu.sem_alloc : memref<!tpu.dma_semaphore, #tpu.memory_space<semaphore_mem>>
        %dma_start3A_90 = tpu.memref_slice %arg3[%add3A_55] : memref<320000xi32, #tpu.memory_space<hbm>> -> memref<80xi32, #tpu.memory_space<hbm>>
        %dma_start3A_91 = tpu.memref_slice %arg3[%add3A_55] : memref<320000xi32, #tpu.memory_space<hbm>> -> memref<80xi32, #tpu.memory_space<hbm>>
        tpu.enqueue_dma source(%dma_start3A_91 : memref<80xi32, #tpu.memory_space<hbm>>) target(%arg8 : memref<80xi32, #tpu.memory_space<vmem>>) target_semaphore(%run_scoped3A : memref<!tpu.dma_semaphore, #tpu.memory_space<semaphore_mem>>)
        %dma_wait3A_92 = tpu.memref_slice %arg3[%add3A_55] : memref<320000xi32, #tpu.memory_space<hbm>> -> memref<80xi32, #tpu.memory_space<hbm>>
        %dma_wait3A_93 = tpu.memref_slice %arg3[%add3A_55] : memref<320000xi32, #tpu.memory_space<hbm>> -> memref<80xi32, #tpu.memory_space<hbm>>
        tpu.wait_dma2 semaphore(%run_scoped3A : memref<!tpu.dma_semaphore, #tpu.memory_space<semaphore_mem>>) src(%dma_wait3A_93 : memref<80xi32, #tpu.memory_space<hbm>>) dst(%arg8 : memref<80xi32, #tpu.memory_space<vmem>>)
        tpu.yield
      }) : () -> ()
      "tpu.region"() ({
        %run_scoped3A = tpu.sem_alloc : memref<!tpu.dma_semaphore, #tpu.memory_space<semaphore_mem>>
        %dma_start3A_90 = tpu.memref_slice %arg4[%add3A_55] : memref<320000xi32, #tpu.memory_space<hbm>> -> memref<80xi32, #tpu.memory_space<hbm>>
        %dma_start3A_91 = tpu.memref_slice %arg4[%add3A_55] : memref<320000xi32, #tpu.memory_space<hbm>> -> memref<80xi32, #tpu.memory_space<hbm>>
        tpu.enqueue_dma source(%dma_start3A_91 : memref<80xi32, #tpu.memory_space<hbm>>) target(%arg9 : memref<80xi32, #tpu.memory_space<vmem>>) target_semaphore(%run_scoped3A : memref<!tpu.dma_semaphore, #tpu.memory_space<semaphore_mem>>)
        %dma_wait3A_92 = tpu.memref_slice %arg4[%add3A_55] : memref<320000xi32, #tpu.memory_space<hbm>> -> memref<80xi32, #tpu.memory_space<hbm>>
        %dma_wait3A_93 = tpu.memref_slice %arg4[%add3A_55] : memref<320000xi32, #tpu.memory_space<hbm>> -> memref<80xi32, #tpu.memory_space<hbm>>
        tpu.wait_dma2 semaphore(%run_scoped3A : memref<!tpu.dma_semaphore, #tpu.memory_space<semaphore_mem>>) src(%dma_wait3A_93 : memref<80xi32, #tpu.memory_space<hbm>>) dst(%arg9 : memref<80xi32, #tpu.memory_space<vmem>>)
        tpu.yield
      }) : () -> ()
      %scan3A_56 = arith.constant 0 : i32
      %scan3A_57 = arith.constant 0 : i32
      %scan3A_58 = arith.constant 5 : i32
      %scan3A_59 = arith.addi %scan3A_57, %scan3A_58 : i32
      %scan3A_60 = arith.constant 1 : i32
      %scan3A_61 = scf.for %scan3A_90 = %scan3A_57 to %scan3A_59 step %scan3A_60 iter_args(%scan3A_91 = %scan3A_56) -> (i32)  : i32 {
        %mul3A_92 = arith.constant 16 : i32
        %mul3A_93 = arith.muli %scan3A_90, %mul3A_92 : i32
        %get3A = arith.index_cast %mul3A_93 : i32 to index
        %get3A_94 = tpu.vector_load %arg8[%get3A] {strides = array<i32>} : memref<80xi32, #tpu.memory_space<vmem>>, vector<16xi32>,
        %get3A_95 = vector.shape_cast %get3A_94 : vector<16xi32> to vector<16xi32>
        %shift_right_logical3A = arith.constant 1 : i32
        %shift_right_logical3A_96 = vector.broadcast %shift_right_logical3A : i32 to vector<16xi32>
        %shift_right_logical3A_97 = arith.shrui %get3A_95, %shift_right_logical3A_96 : vector<16xi32>
        %mul3A_98 = arith.constant 16 : i32
        %mul3A_99 = arith.muli %scan3A_90, %mul3A_98 : i32
        %swap3A = arith.index_cast %mul3A_99 : i32 to index
        %swap3A_100 = tpu.vector_load %arg8[%swap3A] {strides = array<i32>} : memref<80xi32, #tpu.memory_space<vmem>>, vector<16xi32>,
        %swap3A_101 = vector.shape_cast %swap3A_100 : vector<16xi32> to vector<16xi32>
        %swap3A_102 = vector.shape_cast %shift_right_logical3A_97 : vector<16xi32> to vector<16xi32>
        tpu.vector_store %arg8[%swap3A], %swap3A_102 {strides = array<i32>} : memref<80xi32, #tpu.memory_space<vmem>>, vector<16xi32>,
        %mul3A_103 = arith.constant 16 : i32
        %mul3A_104 = arith.muli %scan3A_90, %mul3A_103 : i32
        %get3A_105 = arith.index_cast %mul3A_104 : i32 to index
        %get3A_106 = tpu.vector_load %arg9[%get3A_105] {strides = array<i32>} : memref<80xi32, #tpu.memory_space<vmem>>, vector<16xi32>,
        %get3A_107 = vector.shape_cast %get3A_106 : vector<16xi32> to vector<16xi32>
        %shift_right_logical3A_108 = arith.constant 1 : i32
        %shift_right_logical3A_109 = vector.broadcast %shift_right_logical3A_108 : i32 to vector<16xi32>
        %shift_right_logical3A_110 = arith.shrui %get3A_107, %shift_right_logical3A_109 : vector<16xi32>
        %mul3A_111 = arith.constant 16 : i32
        %mul3A_112 = arith.muli %scan3A_90, %mul3A_111 : i32
        %swap3A_113 = arith.index_cast %mul3A_112 : i32 to index
        %swap3A_114 = tpu.vector_load %arg9[%swap3A_113] {strides = array<i32>} : memref<80xi32, #tpu.memory_space<vmem>>, vector<16xi32>,
        %swap3A_115 = vector.shape_cast %swap3A_114 : vector<16xi32> to vector<16xi32>
        %swap3A_116 = vector.shape_cast %shift_right_logical3A_110 : vector<16xi32> to vector<16xi32>
        tpu.vector_store %arg9[%swap3A_113], %swap3A_116 {strides = array<i32>} : memref<80xi32, #tpu.memory_space<vmem>>, vector<16xi32>,
        %scan3A_117 = arith.constant 0 : i32
        scf.yield %scan3A_117 : i32
      }
      %scan3A_62 = arith.constant 5 : i32
      %dma_start3A_63 = arith.constant 0 : i32
      %dma_start3A_64 = arith.constant 0 : i32
      %dma_start3A_65 = tpu.memref_slice %arg2[%dma_start3A_63, %dma_start3A_64] : memref<5120x128xf32, #tpu.memory_space<hbm>> -> memref<5120x128xf32, #tpu.memory_space<hbm>>
      tpu.enqueue_indirect_dma source(%dma_start3A_65 : memref<5120x128xf32, #tpu.memory_space<hbm>>) target(%arg11 : memref<80x128xf32, #tpu.memory_space<vmem>>) offsets(%arg8 : memref<80xi32, #tpu.memory_space<vmem>>) semaphore(%arg15 : memref<!tpu.dma_semaphore, #tpu.memory_space<semaphore_mem>>)
      %dma_wait3A_66 = arith.constant 0 : i32
      %dma_wait3A_67 = arith.constant 0 : i32
      %dma_wait3A_68 = tpu.memref_slice %arg2[%dma_wait3A_66, %dma_wait3A_67] : memref<5120x128xf32, #tpu.memory_space<hbm>> -> memref<5120x128xf32, #tpu.memory_space<hbm>>
      tpu.wait_indirect_dma semaphore(%arg14 : memref<!tpu.dma_semaphore, #tpu.memory_space<semaphore_mem>>) src(%dma_wait3A_68 : memref<5120x128xf32, #tpu.memory_space<hbm>>) dst(%arg10 : memref<80x128xf32, #tpu.memory_space<vmem>>)
      "tpu.region"() ({
        %run_scoped3A = tpu.sem_alloc : memref<!tpu.dma_semaphore, #tpu.memory_space<semaphore_mem>>
        %dma_start3A_90 = arith.constant 0 : i32
        %dma_start3A_91 = arith.constant 0 : i32
        %dma_start3A_92 = tpu.memref_slice %arg13[%dma_start3A_90, %dma_start3A_91] : memref<5120x128xf32, #tpu.memory_space<vmem_shared>> -> memref<5120x128xf32, #tpu.memory_space<vmem_shared>>
        tpu.enqueue_indirect_dma source(%arg10 : memref<80x128xf32, #tpu.memory_space<vmem>>) target(%dma_start3A_92 : memref<5120x128xf32, #tpu.memory_space<vmem_shared>>) offsets(%arg7 : memref<80xi32, #tpu.memory_space<vmem>>) semaphore(%run_scoped3A : memref<!tpu.dma_semaphore, #tpu.memory_space<semaphore_mem>>) {add = true}
        %dma_wait3A_93 = arith.constant 0 : i32
        %dma_wait3A_94 = arith.constant 0 : i32
        %dma_wait3A_95 = tpu.memref_slice %arg13[%dma_wait3A_93, %dma_wait3A_94] : memref<5120x128xf32, #tpu.memory_space<vmem_shared>> -> memref<5120x128xf32, #tpu.memory_space<vmem_shared>>
        tpu.wait_indirect_dma semaphore(%run_scoped3A : memref<!tpu.dma_semaphore, #tpu.memory_space<semaphore_mem>>) src(%arg10 : memref<80x128xf32, #tpu.memory_space<vmem>>) dst(%dma_wait3A_95 : memref<5120x128xf32, #tpu.memory_space<vmem_shared>>)
        tpu.yield
      }) : () -> ()
      %add3A_69 = arith.constant 1 : i32
      %add3A_70 = arith.addi %add3A_50, %add3A_69 : i32
      %mul3A_71 = arith.constant 10000 : i32
      %mul3A_72 = arith.muli %add3A, %mul3A_71 : i32
      %mul3A_73 = arith.constant 80 : i32
      %mul3A_74 = arith.muli %add3A_70, %mul3A_73 : i32
      %add3A_75 = arith.addi %mul3A_72, %mul3A_74 : i32
      "tpu.region"() ({
        %run_scoped3A = tpu.sem_alloc : memref<!tpu.dma_semaphore, #tpu.memory_space<semaphore_mem>>
        %dma_start3A_90 = tpu.memref_slice %arg3[%add3A_75] : memref<320000xi32, #tpu.memory_space<hbm>> -> memref<80xi32, #tpu.memory_space<hbm>>
        %dma_start3A_91 = tpu.memref_slice %arg3[%add3A_75] : memref<320000xi32, #tpu.memory_space<hbm>> -> memref<80xi32, #tpu.memory_space<hbm>>
        tpu.enqueue_dma source(%dma_start3A_91 : memref<80xi32, #tpu.memory_space<hbm>>) target(%arg6 : memref<80xi32, #tpu.memory_space<vmem>>) target_semaphore(%run_scoped3A : memref<!tpu.dma_semaphore, #tpu.memory_space<semaphore_mem>>)
        %dma_wait3A_92 = tpu.memref_slice %arg3[%add3A_75] : memref<320000xi32, #tpu.memory_space<hbm>> -> memref<80xi32, #tpu.memory_space<hbm>>
        %dma_wait3A_93 = tpu.memref_slice %arg3[%add3A_75] : memref<320000xi32, #tpu.memory_space<hbm>> -> memref<80xi32, #tpu.memory_space<hbm>>
        tpu.wait_dma2 semaphore(%run_scoped3A : memref<!tpu.dma_semaphore, #tpu.memory_space<semaphore_mem>>) src(%dma_wait3A_93 : memref<80xi32, #tpu.memory_space<hbm>>) dst(%arg6 : memref<80xi32, #tpu.memory_space<vmem>>)
        tpu.yield
      }) : () -> ()
      "tpu.region"() ({
        %run_scoped3A = tpu.sem_alloc : memref<!tpu.dma_semaphore, #tpu.memory_space<semaphore_mem>>
        %dma_start3A_90 = tpu.memref_slice %arg4[%add3A_75] : memref<320000xi32, #tpu.memory_space<hbm>> -> memref<80xi32, #tpu.memory_space<hbm>>
        %dma_start3A_91 = tpu.memref_slice %arg4[%add3A_75] : memref<320000xi32, #tpu.memory_space<hbm>> -> memref<80xi32, #tpu.memory_space<hbm>>
        tpu.enqueue_dma source(%dma_start3A_91 : memref<80xi32, #tpu.memory_space<hbm>>) target(%arg7 : memref<80xi32, #tpu.memory_space<vmem>>) target_semaphore(%run_scoped3A : memref<!tpu.dma_semaphore, #tpu.memory_space<semaphore_mem>>)
        %dma_wait3A_92 = tpu.memref_slice %arg4[%add3A_75] : memref<320000xi32, #tpu.memory_space<hbm>> -> memref<80xi32, #tpu.memory_space<hbm>>
        %dma_wait3A_93 = tpu.memref_slice %arg4[%add3A_75] : memref<320000xi32, #tpu.memory_space<hbm>> -> memref<80xi32, #tpu.memory_space<hbm>>
        tpu.wait_dma2 semaphore(%run_scoped3A : memref<!tpu.dma_semaphore, #tpu.memory_space<semaphore_mem>>) src(%dma_wait3A_93 : memref<80xi32, #tpu.memory_space<hbm>>) dst(%arg7 : memref<80xi32, #tpu.memory_space<vmem>>)
        tpu.yield
      }) : () -> ()
      %scan3A_76 = arith.constant 0 : i32
      %scan3A_77 = arith.constant 0 : i32
      %scan3A_78 = arith.constant 5 : i32
      %scan3A_79 = arith.addi %scan3A_77, %scan3A_78 : i32
      %scan3A_80 = arith.constant 1 : i32
      %scan3A_81 = scf.for %scan3A_90 = %scan3A_77 to %scan3A_79 step %scan3A_80 iter_args(%scan3A_91 = %scan3A_76) -> (i32)  : i32 {
        %mul3A_92 = arith.constant 16 : i32
        %mul3A_93 = arith.muli %scan3A_90, %mul3A_92 : i32
        %get3A = arith.index_cast %mul3A_93 : i32 to index
        %get3A_94 = tpu.vector_load %arg6[%get3A] {strides = array<i32>} : memref<80xi32, #tpu.memory_space<vmem>>, vector<16xi32>,
        %get3A_95 = vector.shape_cast %get3A_94 : vector<16xi32> to vector<16xi32>
        %shift_right_logical3A = arith.constant 1 : i32
        %shift_right_logical3A_96 = vector.broadcast %shift_right_logical3A : i32 to vector<16xi32>
        %shift_right_logical3A_97 = arith.shrui %get3A_95, %shift_right_logical3A_96 : vector<16xi32>
        %mul3A_98 = arith.constant 16 : i32
        %mul3A_99 = arith.muli %scan3A_90, %mul3A_98 : i32
        %swap3A = arith.index_cast %mul3A_99 : i32 to index
        %swap3A_100 = tpu.vector_load %arg6[%swap3A] {strides = array<i32>} : memref<80xi32, #tpu.memory_space<vmem>>, vector<16xi32>,
        %swap3A_101 = vector.shape_cast %swap3A_100 : vector<16xi32> to vector<16xi32>
        %swap3A_102 = vector.shape_cast %shift_right_logical3A_97 : vector<16xi32> to vector<16xi32>
        tpu.vector_store %arg6[%swap3A], %swap3A_102 {strides = array<i32>} : memref<80xi32, #tpu.memory_space<vmem>>, vector<16xi32>,
        %mul3A_103 = arith.constant 16 : i32
        %mul3A_104 = arith.muli %scan3A_90, %mul3A_103 : i32
        %get3A_105 = arith.index_cast %mul3A_104 : i32 to index
        %get3A_106 = tpu.vector_load %arg7[%get3A_105] {strides = array<i32>} : memref<80xi32, #tpu.memory_space<vmem>>, vector<16xi32>,
        %get3A_107 = vector.shape_cast %get3A_106 : vector<16xi32> to vector<16xi32>
        %shift_right_logical3A_108 = arith.constant 1 : i32
        %shift_right_logical3A_109 = vector.broadcast %shift_right_logical3A_108 : i32 to vector<16xi32>
        %shift_right_logical3A_110 = arith.shrui %get3A_107, %shift_right_logical3A_109 : vector<16xi32>
        %mul3A_111 = arith.constant 16 : i32
        %mul3A_112 = arith.muli %scan3A_90, %mul3A_111 : i32
        %swap3A_113 = arith.index_cast %mul3A_112 : i32 to index
        %swap3A_114 = tpu.vector_load %arg7[%swap3A_113] {strides = array<i32>} : memref<80xi32, #tpu.memory_space<vmem>>, vector<16xi32>,
        %swap3A_115 = vector.shape_cast %swap3A_114 : vector<16xi32> to vector<16xi32>
        %swap3A_116 = vector.shape_cast %shift_right_logical3A_110 : vector<16xi32> to vector<16xi32>
        tpu.vector_store %arg7[%swap3A_113], %swap3A_116 {strides = array<i32>} : memref<80xi32, #tpu.memory_space<vmem>>, vector<16xi32>,
        %scan3A_117 = arith.constant 0 : i32
        scf.yield %scan3A_117 : i32
      }
      %scan3A_82 = arith.constant 5 : i32
      %dma_start3A_83 = arith.constant 0 : i32
      %dma_start3A_84 = arith.constant 0 : i32
      %dma_start3A_85 = tpu.memref_slice %arg2[%dma_start3A_83, %dma_start3A_84] : memref<5120x128xf32, #tpu.memory_space<hbm>> -> memref<5120x128xf32, #tpu.memory_space<hbm>>
      tpu.enqueue_indirect_dma source(%dma_start3A_85 : memref<5120x128xf32, #tpu.memory_space<hbm>>) target(%arg10 : memref<80x128xf32, #tpu.memory_space<vmem>>) offsets(%arg6 : memref<80xi32, #tpu.memory_space<vmem>>) semaphore(%arg14 : memref<!tpu.dma_semaphore, #tpu.memory_space<semaphore_mem>>)
      %dma_wait3A_86 = arith.constant 0 : i32
      %dma_wait3A_87 = arith.constant 0 : i32
      %dma_wait3A_88 = tpu.memref_slice %arg2[%dma_wait3A_86, %dma_wait3A_87] : memref<5120x128xf32, #tpu.memory_space<hbm>> -> memref<5120x128xf32, #tpu.memory_space<hbm>>
      tpu.wait_indirect_dma semaphore(%arg15 : memref<!tpu.dma_semaphore, #tpu.memory_space<semaphore_mem>>) src(%dma_wait3A_88 : memref<5120x128xf32, #tpu.memory_space<hbm>>) dst(%arg11 : memref<80x128xf32, #tpu.memory_space<vmem>>)
      "tpu.region"() ({
        %run_scoped3A = tpu.sem_alloc : memref<!tpu.dma_semaphore, #tpu.memory_space<semaphore_mem>>
        %dma_start3A_90 = arith.constant 0 : i32
        %dma_start3A_91 = arith.constant 0 : i32
        %dma_start3A_92 = tpu.memref_slice %arg13[%dma_start3A_90, %dma_start3A_91] : memref<5120x128xf32, #tpu.memory_space<vmem_shared>> -> memref<5120x128xf32, #tpu.memory_space<vmem_shared>>
        tpu.enqueue_indirect_dma source(%arg11 : memref<80x128xf32, #tpu.memory_space<vmem>>) target(%dma_start3A_92 : memref<5120x128xf32, #tpu.memory_space<vmem_shared>>) offsets(%arg9 : memref<80xi32, #tpu.memory_space<vmem>>) semaphore(%run_scoped3A : memref<!tpu.dma_semaphore, #tpu.memory_space<semaphore_mem>>) {add = true}
        %dma_wait3A_93 = arith.constant 0 : i32
        %dma_wait3A_94 = arith.constant 0 : i32
        %dma_wait3A_95 = tpu.memref_slice %arg13[%dma_wait3A_93, %dma_wait3A_94] : memref<5120x128xf32, #tpu.memory_space<vmem_shared>> -> memref<5120x128xf32, #tpu.memory_space<vmem_shared>>
        tpu.wait_indirect_dma semaphore(%run_scoped3A : memref<!tpu.dma_semaphore, #tpu.memory_space<semaphore_mem>>) src(%arg11 : memref<80x128xf32, #tpu.memory_space<vmem>>) dst(%dma_wait3A_95 : memref<5120x128xf32, #tpu.memory_space<vmem_shared>>)
        tpu.yield
      }) : () -> ()
      %scan3A_89 = arith.constant 0 : i32
      scf.yield %scan3A_89 : i32
    }
    %scan3A_34 = arith.constant 62 : i32
    %dma_wait3A = arith.constant 0 : i32
    %dma_wait3A_35 = arith.constant 0 : i32
    %dma_wait3A_36 = tpu.memref_slice %arg2[%dma_wait3A, %dma_wait3A_35] : memref<5120x128xf32, #tpu.memory_space<hbm>> -> memref<5120x128xf32, #tpu.memory_space<hbm>>
    tpu.wait_indirect_dma semaphore(%arg14 : memref<!tpu.dma_semaphore, #tpu.memory_space<semaphore_mem>>) src(%dma_wait3A_36 : memref<5120x128xf32, #tpu.memory_space<hbm>>) dst(%arg10 : memref<80x128xf32, #tpu.memory_space<vmem>>)
    "tpu.region"() ({
      %run_scoped3A = tpu.sem_alloc : memref<!tpu.dma_semaphore, #tpu.memory_space<semaphore_mem>>
      %dma_start3A_45 = arith.constant 0 : i32
      %dma_start3A_46 = arith.constant 0 : i32
      %dma_start3A_47 = tpu.memref_slice %arg13[%dma_start3A_45, %dma_start3A_46] : memref<5120x128xf32, #tpu.memory_space<vmem_shared>> -> memref<5120x128xf32, #tpu.memory_space<vmem_shared>>
      tpu.enqueue_indirect_dma source(%arg10 : memref<80x128xf32, #tpu.memory_space<vmem>>) target(%dma_start3A_47 : memref<5120x128xf32, #tpu.memory_space<vmem_shared>>) offsets(%arg7 : memref<80xi32, #tpu.memory_space<vmem>>) semaphore(%run_scoped3A : memref<!tpu.dma_semaphore, #tpu.memory_space<semaphore_mem>>) {add = true}
      %dma_wait3A_48 = arith.constant 0 : i32
      %dma_wait3A_49 = arith.constant 0 : i32
      %dma_wait3A_50 = tpu.memref_slice %arg13[%dma_wait3A_48, %dma_wait3A_49] : memref<5120x128xf32, #tpu.memory_space<vmem_shared>> -> memref<5120x128xf32, #tpu.memory_space<vmem_shared>>
      tpu.wait_indirect_dma semaphore(%run_scoped3A : memref<!tpu.dma_semaphore, #tpu.memory_space<semaphore_mem>>) src(%arg10 : memref<80x128xf32, #tpu.memory_space<vmem>>) dst(%dma_wait3A_50 : memref<5120x128xf32, #tpu.memory_space<vmem_shared>>)
      tpu.yield
    }) : () -> ()
    %barrier3A_37 = arith.constant 0 : index
    tpu.barrier barrier_id(%barrier3A_37)
    %mul3A_38 = arith.constant 320 : i32
    %mul3A_39 = arith.muli %arg1, %mul3A_38 : i32
    %mul3A_40 = arith.constant 5120 : i32
    %mul3A_41 = arith.muli %arg0, %mul3A_40 : i32
    %mul3A_42 = arith.constant 320 : i32
    %mul3A_43 = arith.muli %arg1, %mul3A_42 : i32
    %add3A_44 = arith.addi %mul3A_41, %mul3A_43 : i32
    "tpu.region"() ({
      %run_scoped3A = tpu.sem_alloc : memref<!tpu.dma_semaphore, #tpu.memory_space<semaphore_mem>>
      %dma_start3A_45 = arith.constant 0 : i32
      %dma_start3A_46 = tpu.memref_slice %arg5[%add3A_44, %dma_start3A_45] : memref<10240x128xf32, #tpu.memory_space<hbm>> -> memref<320x128xf32, #tpu.memory_space<hbm>>
      %dma_start3A_47 = arith.constant 0 : i32
      %dma_start3A_48 = tpu.memref_slice %arg13[%mul3A_39, %dma_start3A_47] : memref<5120x128xf32, #tpu.memory_space<vmem_shared>> -> memref<320x128xf32, #tpu.memory_space<vmem_shared>>
      tpu.enqueue_dma source(%dma_start3A_48 : memref<320x128xf32, #tpu.memory_space<vmem_shared>>) target(%dma_start3A_46 : memref<320x128xf32, #tpu.memory_space<hbm>>) target_semaphore(%run_scoped3A : memref<!tpu.dma_semaphore, #tpu.memory_space<semaphore_mem>>)
      %dma_wait3A_49 = arith.constant 0 : i32
      %dma_wait3A_50 = tpu.memref_slice %arg5[%add3A_44, %dma_wait3A_49] : memref<10240x128xf32, #tpu.memory_space<hbm>> -> memref<320x128xf32, #tpu.memory_space<hbm>>
      %dma_wait3A_51 = arith.constant 0 : i32
      %dma_wait3A_52 = tpu.memref_slice %arg13[%mul3A_39, %dma_wait3A_51] : memref<5120x128xf32, #tpu.memory_space<vmem_shared>> -> memref<320x128xf32, #tpu.memory_space<vmem_shared>>
      tpu.wait_dma2 semaphore(%run_scoped3A : memref<!tpu.dma_semaphore, #tpu.memory_space<semaphore_mem>>) src(%dma_wait3A_52 : memref<320x128xf32, #tpu.memory_space<vmem_shared>>) dst(%dma_wait3A_50 : memref<320x128xf32, #tpu.memory_space<hbm>>)
      tpu.yield
    }) : () -> ()
    return
  }
}

#map = affine_map<(d0, d1) -> (0, 0)>
#map1 = affine_map<(d0, d1) -> (0)>
module attributes {stable_mosaic.version = 14 : i64} {
  func.func @k(%arg0: i32, %arg1: i32, %arg2: memref<10240x128xf32, #tpu.memory_space<hbm>>, %arg3: memref<320000xi32, #tpu.memory_space<hbm>>, %arg4: memref<320000xi32, #tpu.memory_space<hbm>>, %arg5: memref<20480x128xf32, #tpu.memory_space<hbm>>, %arg6: memref<80xi32, #tpu.memory_space<vmem>>, %arg7: memref<80xi32, #tpu.memory_space<vmem>>, %arg8: memref<80xi32, #tpu.memory_space<vmem>>, %arg9: memref<80xi32, #tpu.memory_space<vmem>>, %arg10: memref<80x128xf32, #tpu.memory_space<vmem>>, %arg11: memref<80x128xf32, #tpu.memory_space<vmem>>, %arg12: memref<16x128xf32, #tpu.memory_space<vmem>>, %arg13: memref<10240x128xf32, #tpu.memory_space<vmem_shared>>, %arg14: memref<!tpu.dma_semaphore, #tpu.memory_space<semaphore_mem>>, %arg15: memref<!tpu.dma_semaphore, #tpu.memory_space<semaphore_mem>>) attributes {dimension_semantics = [#tpu.dimension_semantics<core_parallel>, #tpu.dimension_semantics<subcore_parallel>], iteration_bounds = array<i64: 2, 16>, scalar_prefetch = 0 : i64, scratch_operands = 10 : i64, tpu.core_type = #tpu.core_type<sc_vector_subcore>, window_params = [{transform_indices = #map}, {transform_indices = #map1}, {transform_indices = #map1}, {transform_indices = #map}]} {
    %mul3A = arith.constant 16 : i32
    %mul3A_0 = arith.muli %arg0, %mul3A : i32
    %add3A = arith.addi %mul3A_0, %arg1 : i32
    %broadcast_in_dim3A = arith.constant 0.000000e+00 : f32
    %broadcast_in_dim3A_1 = vector.broadcast %broadcast_in_dim3A : f32 to vector<16xf32>
    %scan3A = arith.constant 0 : i32
    %scan3A_2 = arith.constant 0 : i32
    %scan3A_3 = arith.constant 128 : i32
    %scan3A_4 = arith.addi %scan3A_2, %scan3A_3 : i32
    %scan3A_5 = arith.constant 1 : i32
    %scan3A_6 = scf.for %scan3A_38 = %scan3A_2 to %scan3A_4 step %scan3A_5 iter_args(%scan3A_39 = %scan3A) -> (i32)  : i32 {
      %jit3A = arith.constant 8 : i32
      %div3A = arith.divsi %scan3A_38, %jit3A : i32
      %sign3A = arith.constant 0 : i32
      %sign3A_40 = arith.cmpi sgt, %scan3A_38, %sign3A : i32
      %sign3A_41 = arith.extui %sign3A_40 : i1 to i32
      %sign3A_42 = arith.constant 0 : i32
      %sign3A_43 = arith.cmpi slt, %scan3A_38, %sign3A_42 : i32
      %sign3A_44 = arith.extui %sign3A_43 : i1 to i32
      %sign3A_45 = arith.subi %sign3A_41, %sign3A_44 : i32
      %sign3A_46 = arith.constant 0 : i32
      %sign3A_47 = arith.cmpi sgt, %jit3A, %sign3A_46 : i32
      %sign3A_48 = arith.extui %sign3A_47 : i1 to i32
      %sign3A_49 = arith.constant 0 : i32
      %sign3A_50 = arith.cmpi slt, %jit3A, %sign3A_49 : i32
      %sign3A_51 = arith.extui %sign3A_50 : i1 to i32
      %sign3A_52 = arith.subi %sign3A_48, %sign3A_51 : i32
      %ne3A = arith.cmpi ne, %sign3A_45, %sign3A_52 : i32
      %rem3A = arith.remsi %scan3A_38, %jit3A : i32
      %ne3A_53 = arith.constant 0 : i32
      %ne3A_54 = arith.cmpi ne, %rem3A, %ne3A_53 : i32
      %and3A = arith.andi %ne3A, %ne3A_54 : i1
      %sub3A = arith.constant 1 : i32
      %sub3A_55 = arith.subi %div3A, %sub3A : i32
      %select_n3A = arith.select %and3A, %sub3A_55, %div3A : i32
      %jit3A_56 = arith.constant 8 : i32
      %eq3A = arith.constant 0 : i32
      %eq3A_57 = arith.cmpi eq, %jit3A_56, %eq3A : i32
      %jit3A_58 = arith.constant 1 : i32
      %select_n3A_59 = arith.select %eq3A_57, %jit3A_58, %jit3A_56 : i32
      %rem3A_60 = arith.remsi %scan3A_38, %select_n3A_59 : i32
      %ne3A_61 = arith.constant 0 : i32
      %ne3A_62 = arith.cmpi ne, %rem3A_60, %ne3A_61 : i32
      %lt3A = arith.constant 0 : i32
      %lt3A_63 = arith.cmpi slt, %rem3A_60, %lt3A : i32
      %lt3A_64 = arith.constant 0 : i32
      %lt3A_65 = arith.cmpi slt, %select_n3A_59, %lt3A_64 : i32
      %ne3A_66 = arith.xori %lt3A_63, %lt3A_65 : i1
      %and3A_67 = arith.andi %ne3A_66, %ne3A_62 : i1
      %add3A_68 = arith.addi %rem3A_60, %select_n3A_59 : i32
      %select_n3A_69 = arith.select %and3A_67, %add3A_68, %rem3A_60 : i32
      %mul3A_70 = arith.constant 16 : i32
      %mul3A_71 = arith.muli %select_n3A_69, %mul3A_70 : i32
      %swap3A = arith.index_cast %select_n3A : i32 to index
      %swap3A_72 = arith.index_cast %mul3A_71 : i32 to index
      %swap3A_73 = tpu.vector_load %arg12[%swap3A, %swap3A_72] {strides = array<i32>} : memref<16x128xf32, #tpu.memory_space<vmem>>, vector<1x16xf32>,
      %swap3A_74 = vector.shape_cast %swap3A_73 : vector<1x16xf32> to vector<16xf32>
      %swap3A_75 = vector.shape_cast %broadcast_in_dim3A_1 : vector<16xf32> to vector<1x16xf32>
      tpu.vector_store %arg12[%swap3A, %swap3A_72], %swap3A_75 {strides = array<i32>} : memref<16x128xf32, #tpu.memory_space<vmem>>, vector<1x16xf32>,
      %scan3A_76 = arith.constant 0 : i32
      scf.yield %scan3A_76 : i32
    }
    %scan3A_7 = arith.constant 128 : i32
    %scan3A_8 = arith.constant 0 : i32
    %scan3A_9 = arith.constant 0 : i32
    %scan3A_10 = arith.constant 40 : i32
    %scan3A_11 = arith.addi %scan3A_9, %scan3A_10 : i32
    %scan3A_12 = arith.constant 1 : i32
    %scan3A_13 = scf.for %scan3A_38 = %scan3A_9 to %scan3A_11 step %scan3A_12 iter_args(%scan3A_39 = %scan3A_8) -> (i32)  : i32 {
      %mul3A_40 = arith.constant 640 : i32
      %mul3A_41 = arith.muli %arg1, %mul3A_40 : i32
      %mul3A_42 = arith.constant 16 : i32
      %mul3A_43 = arith.muli %scan3A_38, %mul3A_42 : i32
      %add3A_44 = arith.addi %mul3A_41, %mul3A_43 : i32
      "tpu.region"() ({
        %run_scoped3A = tpu.sem_alloc : memref<!tpu.dma_semaphore, #tpu.memory_space<semaphore_mem>>
        %dma_start3A_46 = arith.constant 0 : i32
        %dma_start3A_47 = tpu.memref_slice %arg13[%add3A_44, %dma_start3A_46] : memref<10240x128xf32, #tpu.memory_space<vmem_shared>> -> memref<16x128xf32, #tpu.memory_space<vmem_shared>>
        %dma_start3A_48 = arith.constant 0 : i32
        %dma_start3A_49 = tpu.memref_slice %arg13[%add3A_44, %dma_start3A_48] : memref<10240x128xf32, #tpu.memory_space<vmem_shared>> -> memref<16x128xf32, #tpu.memory_space<vmem_shared>>
        tpu.enqueue_dma source(%arg12 : memref<16x128xf32, #tpu.memory_space<vmem>>) target(%dma_start3A_49 : memref<16x128xf32, #tpu.memory_space<vmem_shared>>) target_semaphore(%run_scoped3A : memref<!tpu.dma_semaphore, #tpu.memory_space<semaphore_mem>>)
        %dma_wait3A_50 = arith.constant 0 : i32
        %dma_wait3A_51 = tpu.memref_slice %arg13[%add3A_44, %dma_wait3A_50] : memref<10240x128xf32, #tpu.memory_space<vmem_shared>> -> memref<16x128xf32, #tpu.memory_space<vmem_shared>>
        %dma_wait3A_52 = arith.constant 0 : i32
        %dma_wait3A_53 = tpu.memref_slice %arg13[%add3A_44, %dma_wait3A_52] : memref<10240x128xf32, #tpu.memory_space<vmem_shared>> -> memref<16x128xf32, #tpu.memory_space<vmem_shared>>
        tpu.wait_dma2 semaphore(%run_scoped3A : memref<!tpu.dma_semaphore, #tpu.memory_space<semaphore_mem>>) src(%arg12 : memref<16x128xf32, #tpu.memory_space<vmem>>) dst(%dma_wait3A_53 : memref<16x128xf32, #tpu.memory_space<vmem_shared>>)
        tpu.yield
      }) : () -> ()
      %scan3A_45 = arith.constant 0 : i32
      scf.yield %scan3A_45 : i32
    }
    %scan3A_14 = arith.constant 40 : i32
    %barrier3A = arith.constant 0 : index
    tpu.barrier barrier_id(%barrier3A)
    %mul3A_15 = arith.constant 10000 : i32
    %mul3A_16 = arith.muli %add3A, %mul3A_15 : i32
    %add3A_17 = arith.constant 0 : i32
    %add3A_18 = arith.addi %mul3A_16, %add3A_17 : i32
    "tpu.region"() ({
      %run_scoped3A = tpu.sem_alloc : memref<!tpu.dma_semaphore, #tpu.memory_space<semaphore_mem>>
      %dma_start3A_38 = tpu.memref_slice %arg3[%add3A_18] : memref<320000xi32, #tpu.memory_space<hbm>> -> memref<80xi32, #tpu.memory_space<hbm>>
      %dma_start3A_39 = tpu.memref_slice %arg3[%add3A_18] : memref<320000xi32, #tpu.memory_space<hbm>> -> memref<80xi32, #tpu.memory_space<hbm>>
      tpu.enqueue_dma source(%dma_start3A_39 : memref<80xi32, #tpu.memory_space<hbm>>) target(%arg6 : memref<80xi32, #tpu.memory_space<vmem>>) target_semaphore(%run_scoped3A : memref<!tpu.dma_semaphore, #tpu.memory_space<semaphore_mem>>)
      %dma_wait3A_40 = tpu.memref_slice %arg3[%add3A_18] : memref<320000xi32, #tpu.memory_space<hbm>> -> memref<80xi32, #tpu.memory_space<hbm>>
      %dma_wait3A_41 = tpu.memref_slice %arg3[%add3A_18] : memref<320000xi32, #tpu.memory_space<hbm>> -> memref<80xi32, #tpu.memory_space<hbm>>
      tpu.wait_dma2 semaphore(%run_scoped3A : memref<!tpu.dma_semaphore, #tpu.memory_space<semaphore_mem>>) src(%dma_wait3A_41 : memref<80xi32, #tpu.memory_space<hbm>>) dst(%arg6 : memref<80xi32, #tpu.memory_space<vmem>>)
      tpu.yield
    }) : () -> ()
    "tpu.region"() ({
      %run_scoped3A = tpu.sem_alloc : memref<!tpu.dma_semaphore, #tpu.memory_space<semaphore_mem>>
      %dma_start3A_38 = tpu.memref_slice %arg4[%add3A_18] : memref<320000xi32, #tpu.memory_space<hbm>> -> memref<80xi32, #tpu.memory_space<hbm>>
      %dma_start3A_39 = tpu.memref_slice %arg4[%add3A_18] : memref<320000xi32, #tpu.memory_space<hbm>> -> memref<80xi32, #tpu.memory_space<hbm>>
      tpu.enqueue_dma source(%dma_start3A_39 : memref<80xi32, #tpu.memory_space<hbm>>) target(%arg7 : memref<80xi32, #tpu.memory_space<vmem>>) target_semaphore(%run_scoped3A : memref<!tpu.dma_semaphore, #tpu.memory_space<semaphore_mem>>)
      %dma_wait3A_40 = tpu.memref_slice %arg4[%add3A_18] : memref<320000xi32, #tpu.memory_space<hbm>> -> memref<80xi32, #tpu.memory_space<hbm>>
      %dma_wait3A_41 = tpu.memref_slice %arg4[%add3A_18] : memref<320000xi32, #tpu.memory_space<hbm>> -> memref<80xi32, #tpu.memory_space<hbm>>
      tpu.wait_dma2 semaphore(%run_scoped3A : memref<!tpu.dma_semaphore, #tpu.memory_space<semaphore_mem>>) src(%dma_wait3A_41 : memref<80xi32, #tpu.memory_space<hbm>>) dst(%arg7 : memref<80xi32, #tpu.memory_space<vmem>>)
      tpu.yield
    }) : () -> ()
    %dma_start3A = arith.constant 0 : i32
    %dma_start3A_19 = arith.constant 0 : i32
    %dma_start3A_20 = tpu.memref_slice %arg2[%dma_start3A, %dma_start3A_19] : memref<10240x128xf32, #tpu.memory_space<hbm>> -> memref<10240x128xf32, #tpu.memory_space<hbm>>
    tpu.enqueue_indirect_dma source(%dma_start3A_20 : memref<10240x128xf32, #tpu.memory_space<hbm>>) target(%arg10 : memref<80x128xf32, #tpu.memory_space<vmem>>) offsets(%arg6 : memref<80xi32, #tpu.memory_space<vmem>>) semaphore(%arg14 : memref<!tpu.dma_semaphore, #tpu.memory_space<semaphore_mem>>)
    %scan3A_21 = arith.constant 0 : i32
    %scan3A_22 = arith.constant 0 : i32
    %scan3A_23 = arith.constant 62 : i32
    %scan3A_24 = arith.addi %scan3A_22, %scan3A_23 : i32
    %scan3A_25 = arith.constant 1 : i32
    %scan3A_26 = scf.for %scan3A_38 = %scan3A_22 to %scan3A_24 step %scan3A_25 iter_args(%scan3A_39 = %scan3A_21) -> (i32)  : i32 {
      %mul3A_40 = arith.constant 2 : i32
      %mul3A_41 = arith.muli %mul3A_40, %scan3A_38 : i32
      %add3A_42 = arith.constant 1 : i32
      %add3A_43 = arith.addi %mul3A_41, %add3A_42 : i32
      %mul3A_44 = arith.constant 10000 : i32
      %mul3A_45 = arith.muli %add3A, %mul3A_44 : i32
      %mul3A_46 = arith.constant 80 : i32
      %mul3A_47 = arith.muli %add3A_43, %mul3A_46 : i32
      %add3A_48 = arith.addi %mul3A_45, %mul3A_47 : i32
      "tpu.region"() ({
        %run_scoped3A = tpu.sem_alloc : memref<!tpu.dma_semaphore, #tpu.memory_space<semaphore_mem>>
        %dma_start3A_69 = tpu.memref_slice %arg3[%add3A_48] : memref<320000xi32, #tpu.memory_space<hbm>> -> memref<80xi32, #tpu.memory_space<hbm>>
        %dma_start3A_70 = tpu.memref_slice %arg3[%add3A_48] : memref<320000xi32, #tpu.memory_space<hbm>> -> memref<80xi32, #tpu.memory_space<hbm>>
        tpu.enqueue_dma source(%dma_start3A_70 : memref<80xi32, #tpu.memory_space<hbm>>) target(%arg8 : memref<80xi32, #tpu.memory_space<vmem>>) target_semaphore(%run_scoped3A : memref<!tpu.dma_semaphore, #tpu.memory_space<semaphore_mem>>)
        %dma_wait3A_71 = tpu.memref_slice %arg3[%add3A_48] : memref<320000xi32, #tpu.memory_space<hbm>> -> memref<80xi32, #tpu.memory_space<hbm>>
        %dma_wait3A_72 = tpu.memref_slice %arg3[%add3A_48] : memref<320000xi32, #tpu.memory_space<hbm>> -> memref<80xi32, #tpu.memory_space<hbm>>
        tpu.wait_dma2 semaphore(%run_scoped3A : memref<!tpu.dma_semaphore, #tpu.memory_space<semaphore_mem>>) src(%dma_wait3A_72 : memref<80xi32, #tpu.memory_space<hbm>>) dst(%arg8 : memref<80xi32, #tpu.memory_space<vmem>>)
        tpu.yield
      }) : () -> ()
      "tpu.region"() ({
        %run_scoped3A = tpu.sem_alloc : memref<!tpu.dma_semaphore, #tpu.memory_space<semaphore_mem>>
        %dma_start3A_69 = tpu.memref_slice %arg4[%add3A_48] : memref<320000xi32, #tpu.memory_space<hbm>> -> memref<80xi32, #tpu.memory_space<hbm>>
        %dma_start3A_70 = tpu.memref_slice %arg4[%add3A_48] : memref<320000xi32, #tpu.memory_space<hbm>> -> memref<80xi32, #tpu.memory_space<hbm>>
        tpu.enqueue_dma source(%dma_start3A_70 : memref<80xi32, #tpu.memory_space<hbm>>) target(%arg9 : memref<80xi32, #tpu.memory_space<vmem>>) target_semaphore(%run_scoped3A : memref<!tpu.dma_semaphore, #tpu.memory_space<semaphore_mem>>)
        %dma_wait3A_71 = tpu.memref_slice %arg4[%add3A_48] : memref<320000xi32, #tpu.memory_space<hbm>> -> memref<80xi32, #tpu.memory_space<hbm>>
        %dma_wait3A_72 = tpu.memref_slice %arg4[%add3A_48] : memref<320000xi32, #tpu.memory_space<hbm>> -> memref<80xi32, #tpu.memory_space<hbm>>
        tpu.wait_dma2 semaphore(%run_scoped3A : memref<!tpu.dma_semaphore, #tpu.memory_space<semaphore_mem>>) src(%dma_wait3A_72 : memref<80xi32, #tpu.memory_space<hbm>>) dst(%arg9 : memref<80xi32, #tpu.memory_space<vmem>>)
        tpu.yield
      }) : () -> ()
      %dma_start3A_49 = arith.constant 0 : i32
      %dma_start3A_50 = arith.constant 0 : i32
      %dma_start3A_51 = tpu.memref_slice %arg2[%dma_start3A_49, %dma_start3A_50] : memref<10240x128xf32, #tpu.memory_space<hbm>> -> memref<10240x128xf32, #tpu.memory_space<hbm>>
      tpu.enqueue_indirect_dma source(%dma_start3A_51 : memref<10240x128xf32, #tpu.memory_space<hbm>>) target(%arg11 : memref<80x128xf32, #tpu.memory_space<vmem>>) offsets(%arg8 : memref<80xi32, #tpu.memory_space<vmem>>) semaphore(%arg15 : memref<!tpu.dma_semaphore, #tpu.memory_space<semaphore_mem>>)
      %dma_wait3A_52 = arith.constant 0 : i32
      %dma_wait3A_53 = arith.constant 0 : i32
      %dma_wait3A_54 = tpu.memref_slice %arg2[%dma_wait3A_52, %dma_wait3A_53] : memref<10240x128xf32, #tpu.memory_space<hbm>> -> memref<10240x128xf32, #tpu.memory_space<hbm>>
      tpu.wait_indirect_dma semaphore(%arg14 : memref<!tpu.dma_semaphore, #tpu.memory_space<semaphore_mem>>) src(%dma_wait3A_54 : memref<10240x128xf32, #tpu.memory_space<hbm>>) dst(%arg10 : memref<80x128xf32, #tpu.memory_space<vmem>>)
      "tpu.region"() ({
        %run_scoped3A = tpu.sem_alloc : memref<!tpu.dma_semaphore, #tpu.memory_space<semaphore_mem>>
        %dma_start3A_69 = arith.constant 0 : i32
        %dma_start3A_70 = arith.constant 0 : i32
        %dma_start3A_71 = tpu.memref_slice %arg13[%dma_start3A_69, %dma_start3A_70] : memref<10240x128xf32, #tpu.memory_space<vmem_shared>> -> memref<10240x128xf32, #tpu.memory_space<vmem_shared>>
        tpu.enqueue_indirect_dma source(%arg10 : memref<80x128xf32, #tpu.memory_space<vmem>>) target(%dma_start3A_71 : memref<10240x128xf32, #tpu.memory_space<vmem_shared>>) offsets(%arg7 : memref<80xi32, #tpu.memory_space<vmem>>) semaphore(%run_scoped3A : memref<!tpu.dma_semaphore, #tpu.memory_space<semaphore_mem>>) {add = true}
        %dma_wait3A_72 = arith.constant 0 : i32
        %dma_wait3A_73 = arith.constant 0 : i32
        %dma_wait3A_74 = tpu.memref_slice %arg13[%dma_wait3A_72, %dma_wait3A_73] : memref<10240x128xf32, #tpu.memory_space<vmem_shared>> -> memref<10240x128xf32, #tpu.memory_space<vmem_shared>>
        tpu.wait_indirect_dma semaphore(%run_scoped3A : memref<!tpu.dma_semaphore, #tpu.memory_space<semaphore_mem>>) src(%arg10 : memref<80x128xf32, #tpu.memory_space<vmem>>) dst(%dma_wait3A_74 : memref<10240x128xf32, #tpu.memory_space<vmem_shared>>)
        tpu.yield
      }) : () -> ()
      %add3A_55 = arith.constant 1 : i32
      %add3A_56 = arith.addi %add3A_43, %add3A_55 : i32
      %mul3A_57 = arith.constant 10000 : i32
      %mul3A_58 = arith.muli %add3A, %mul3A_57 : i32
      %mul3A_59 = arith.constant 80 : i32
      %mul3A_60 = arith.muli %add3A_56, %mul3A_59 : i32
      %add3A_61 = arith.addi %mul3A_58, %mul3A_60 : i32
      "tpu.region"() ({
        %run_scoped3A = tpu.sem_alloc : memref<!tpu.dma_semaphore, #tpu.memory_space<semaphore_mem>>
        %dma_start3A_69 = tpu.memref_slice %arg3[%add3A_61] : memref<320000xi32, #tpu.memory_space<hbm>> -> memref<80xi32, #tpu.memory_space<hbm>>
        %dma_start3A_70 = tpu.memref_slice %arg3[%add3A_61] : memref<320000xi32, #tpu.memory_space<hbm>> -> memref<80xi32, #tpu.memory_space<hbm>>
        tpu.enqueue_dma source(%dma_start3A_70 : memref<80xi32, #tpu.memory_space<hbm>>) target(%arg6 : memref<80xi32, #tpu.memory_space<vmem>>) target_semaphore(%run_scoped3A : memref<!tpu.dma_semaphore, #tpu.memory_space<semaphore_mem>>)
        %dma_wait3A_71 = tpu.memref_slice %arg3[%add3A_61] : memref<320000xi32, #tpu.memory_space<hbm>> -> memref<80xi32, #tpu.memory_space<hbm>>
        %dma_wait3A_72 = tpu.memref_slice %arg3[%add3A_61] : memref<320000xi32, #tpu.memory_space<hbm>> -> memref<80xi32, #tpu.memory_space<hbm>>
        tpu.wait_dma2 semaphore(%run_scoped3A : memref<!tpu.dma_semaphore, #tpu.memory_space<semaphore_mem>>) src(%dma_wait3A_72 : memref<80xi32, #tpu.memory_space<hbm>>) dst(%arg6 : memref<80xi32, #tpu.memory_space<vmem>>)
        tpu.yield
      }) : () -> ()
      "tpu.region"() ({
        %run_scoped3A = tpu.sem_alloc : memref<!tpu.dma_semaphore, #tpu.memory_space<semaphore_mem>>
        %dma_start3A_69 = tpu.memref_slice %arg4[%add3A_61] : memref<320000xi32, #tpu.memory_space<hbm>> -> memref<80xi32, #tpu.memory_space<hbm>>
        %dma_start3A_70 = tpu.memref_slice %arg4[%add3A_61] : memref<320000xi32, #tpu.memory_space<hbm>> -> memref<80xi32, #tpu.memory_space<hbm>>
        tpu.enqueue_dma source(%dma_start3A_70 : memref<80xi32, #tpu.memory_space<hbm>>) target(%arg7 : memref<80xi32, #tpu.memory_space<vmem>>) target_semaphore(%run_scoped3A : memref<!tpu.dma_semaphore, #tpu.memory_space<semaphore_mem>>)
        %dma_wait3A_71 = tpu.memref_slice %arg4[%add3A_61] : memref<320000xi32, #tpu.memory_space<hbm>> -> memref<80xi32, #tpu.memory_space<hbm>>
        %dma_wait3A_72 = tpu.memref_slice %arg4[%add3A_61] : memref<320000xi32, #tpu.memory_space<hbm>> -> memref<80xi32, #tpu.memory_space<hbm>>
        tpu.wait_dma2 semaphore(%run_scoped3A : memref<!tpu.dma_semaphore, #tpu.memory_space<semaphore_mem>>) src(%dma_wait3A_72 : memref<80xi32, #tpu.memory_space<hbm>>) dst(%arg7 : memref<80xi32, #tpu.memory_space<vmem>>)
        tpu.yield
      }) : () -> ()
      %dma_start3A_62 = arith.constant 0 : i32
      %dma_start3A_63 = arith.constant 0 : i32
      %dma_start3A_64 = tpu.memref_slice %arg2[%dma_start3A_62, %dma_start3A_63] : memref<10240x128xf32, #tpu.memory_space<hbm>> -> memref<10240x128xf32, #tpu.memory_space<hbm>>
      tpu.enqueue_indirect_dma source(%dma_start3A_64 : memref<10240x128xf32, #tpu.memory_space<hbm>>) target(%arg10 : memref<80x128xf32, #tpu.memory_space<vmem>>) offsets(%arg6 : memref<80xi32, #tpu.memory_space<vmem>>) semaphore(%arg14 : memref<!tpu.dma_semaphore, #tpu.memory_space<semaphore_mem>>)
      %dma_wait3A_65 = arith.constant 0 : i32
      %dma_wait3A_66 = arith.constant 0 : i32
      %dma_wait3A_67 = tpu.memref_slice %arg2[%dma_wait3A_65, %dma_wait3A_66] : memref<10240x128xf32, #tpu.memory_space<hbm>> -> memref<10240x128xf32, #tpu.memory_space<hbm>>
      tpu.wait_indirect_dma semaphore(%arg15 : memref<!tpu.dma_semaphore, #tpu.memory_space<semaphore_mem>>) src(%dma_wait3A_67 : memref<10240x128xf32, #tpu.memory_space<hbm>>) dst(%arg11 : memref<80x128xf32, #tpu.memory_space<vmem>>)
      "tpu.region"() ({
        %run_scoped3A = tpu.sem_alloc : memref<!tpu.dma_semaphore, #tpu.memory_space<semaphore_mem>>
        %dma_start3A_69 = arith.constant 0 : i32
        %dma_start3A_70 = arith.constant 0 : i32
        %dma_start3A_71 = tpu.memref_slice %arg13[%dma_start3A_69, %dma_start3A_70] : memref<10240x128xf32, #tpu.memory_space<vmem_shared>> -> memref<10240x128xf32, #tpu.memory_space<vmem_shared>>
        tpu.enqueue_indirect_dma source(%arg11 : memref<80x128xf32, #tpu.memory_space<vmem>>) target(%dma_start3A_71 : memref<10240x128xf32, #tpu.memory_space<vmem_shared>>) offsets(%arg9 : memref<80xi32, #tpu.memory_space<vmem>>) semaphore(%run_scoped3A : memref<!tpu.dma_semaphore, #tpu.memory_space<semaphore_mem>>) {add = true}
        %dma_wait3A_72 = arith.constant 0 : i32
        %dma_wait3A_73 = arith.constant 0 : i32
        %dma_wait3A_74 = tpu.memref_slice %arg13[%dma_wait3A_72, %dma_wait3A_73] : memref<10240x128xf32, #tpu.memory_space<vmem_shared>> -> memref<10240x128xf32, #tpu.memory_space<vmem_shared>>
        tpu.wait_indirect_dma semaphore(%run_scoped3A : memref<!tpu.dma_semaphore, #tpu.memory_space<semaphore_mem>>) src(%arg11 : memref<80x128xf32, #tpu.memory_space<vmem>>) dst(%dma_wait3A_74 : memref<10240x128xf32, #tpu.memory_space<vmem_shared>>)
        tpu.yield
      }) : () -> ()
      %scan3A_68 = arith.constant 0 : i32
      scf.yield %scan3A_68 : i32
    }
    %scan3A_27 = arith.constant 62 : i32
    %dma_wait3A = arith.constant 0 : i32
    %dma_wait3A_28 = arith.constant 0 : i32
    %dma_wait3A_29 = tpu.memref_slice %arg2[%dma_wait3A, %dma_wait3A_28] : memref<10240x128xf32, #tpu.memory_space<hbm>> -> memref<10240x128xf32, #tpu.memory_space<hbm>>
    tpu.wait_indirect_dma semaphore(%arg14 : memref<!tpu.dma_semaphore, #tpu.memory_space<semaphore_mem>>) src(%dma_wait3A_29 : memref<10240x128xf32, #tpu.memory_space<hbm>>) dst(%arg10 : memref<80x128xf32, #tpu.memory_space<vmem>>)
    "tpu.region"() ({
      %run_scoped3A = tpu.sem_alloc : memref<!tpu.dma_semaphore, #tpu.memory_space<semaphore_mem>>
      %dma_start3A_38 = arith.constant 0 : i32
      %dma_start3A_39 = arith.constant 0 : i32
      %dma_start3A_40 = tpu.memref_slice %arg13[%dma_start3A_38, %dma_start3A_39] : memref<10240x128xf32, #tpu.memory_space<vmem_shared>> -> memref<10240x128xf32, #tpu.memory_space<vmem_shared>>
      tpu.enqueue_indirect_dma source(%arg10 : memref<80x128xf32, #tpu.memory_space<vmem>>) target(%dma_start3A_40 : memref<10240x128xf32, #tpu.memory_space<vmem_shared>>) offsets(%arg7 : memref<80xi32, #tpu.memory_space<vmem>>) semaphore(%run_scoped3A : memref<!tpu.dma_semaphore, #tpu.memory_space<semaphore_mem>>) {add = true}
      %dma_wait3A_41 = arith.constant 0 : i32
      %dma_wait3A_42 = arith.constant 0 : i32
      %dma_wait3A_43 = tpu.memref_slice %arg13[%dma_wait3A_41, %dma_wait3A_42] : memref<10240x128xf32, #tpu.memory_space<vmem_shared>> -> memref<10240x128xf32, #tpu.memory_space<vmem_shared>>
      tpu.wait_indirect_dma semaphore(%run_scoped3A : memref<!tpu.dma_semaphore, #tpu.memory_space<semaphore_mem>>) src(%arg10 : memref<80x128xf32, #tpu.memory_space<vmem>>) dst(%dma_wait3A_43 : memref<10240x128xf32, #tpu.memory_space<vmem_shared>>)
      tpu.yield
    }) : () -> ()
    %barrier3A_30 = arith.constant 0 : index
    tpu.barrier barrier_id(%barrier3A_30)
    %mul3A_31 = arith.constant 640 : i32
    %mul3A_32 = arith.muli %arg1, %mul3A_31 : i32
    %mul3A_33 = arith.constant 10240 : i32
    %mul3A_34 = arith.muli %arg0, %mul3A_33 : i32
    %mul3A_35 = arith.constant 640 : i32
    %mul3A_36 = arith.muli %arg1, %mul3A_35 : i32
    %add3A_37 = arith.addi %mul3A_34, %mul3A_36 : i32
    "tpu.region"() ({
      %run_scoped3A = tpu.sem_alloc : memref<!tpu.dma_semaphore, #tpu.memory_space<semaphore_mem>>
      %dma_start3A_38 = arith.constant 0 : i32
      %dma_start3A_39 = tpu.memref_slice %arg5[%add3A_37, %dma_start3A_38] : memref<20480x128xf32, #tpu.memory_space<hbm>> -> memref<640x128xf32, #tpu.memory_space<hbm>>
      %dma_start3A_40 = arith.constant 0 : i32
      %dma_start3A_41 = tpu.memref_slice %arg13[%mul3A_32, %dma_start3A_40] : memref<10240x128xf32, #tpu.memory_space<vmem_shared>> -> memref<640x128xf32, #tpu.memory_space<vmem_shared>>
      tpu.enqueue_dma source(%dma_start3A_41 : memref<640x128xf32, #tpu.memory_space<vmem_shared>>) target(%dma_start3A_39 : memref<640x128xf32, #tpu.memory_space<hbm>>) target_semaphore(%run_scoped3A : memref<!tpu.dma_semaphore, #tpu.memory_space<semaphore_mem>>)
      %dma_wait3A_42 = arith.constant 0 : i32
      %dma_wait3A_43 = tpu.memref_slice %arg5[%add3A_37, %dma_wait3A_42] : memref<20480x128xf32, #tpu.memory_space<hbm>> -> memref<640x128xf32, #tpu.memory_space<hbm>>
      %dma_wait3A_44 = arith.constant 0 : i32
      %dma_wait3A_45 = tpu.memref_slice %arg13[%mul3A_32, %dma_wait3A_44] : memref<10240x128xf32, #tpu.memory_space<vmem_shared>> -> memref<640x128xf32, #tpu.memory_space<vmem_shared>>
      tpu.wait_dma2 semaphore(%run_scoped3A : memref<!tpu.dma_semaphore, #tpu.memory_space<semaphore_mem>>) src(%dma_wait3A_45 : memref<640x128xf32, #tpu.memory_space<vmem_shared>>) dst(%dma_wait3A_43 : memref<640x128xf32, #tpu.memory_space<hbm>>)
      tpu.yield
    }) : () -> ()
    return
  }
}

#map = affine_map<(d0, d1) -> (0)>
module attributes {stable_mosaic.version = 14 : i64} {
  func.func @k(%arg0: i32, %arg1: i32, %arg2: memref<5120xf32, #tpu.memory_space<hbm>>, %arg3: memref<5120xf32, #tpu.memory_space<hbm>>, %arg4: memref<320000xi32, #tpu.memory_space<hbm>>, %arg5: memref<320000xi32, #tpu.memory_space<hbm>>, %arg6: memref<10240xf32, #tpu.memory_space<hbm>>, %arg7: memref<80xi32, #tpu.memory_space<vmem>>, %arg8: memref<80xi32, #tpu.memory_space<vmem>>, %arg9: memref<80xf32, #tpu.memory_space<vmem>>, %arg10: memref<5120xf32, #tpu.memory_space<vmem>>, %arg11: memref<5120xf32, #tpu.memory_space<vmem>>, %arg12: memref<320xf32, #tpu.memory_space<vmem>>, %arg13: memref<5120xf32, #tpu.memory_space<vmem_shared>>) attributes {dimension_semantics = [#tpu.dimension_semantics<core_parallel>, #tpu.dimension_semantics<subcore_parallel>], iteration_bounds = array<i64: 2, 16>, scalar_prefetch = 0 : i64, scratch_operands = 7 : i64, tpu.core_type = #tpu.core_type<sc_vector_subcore>, window_params = [{transform_indices = #map}, {transform_indices = #map}, {transform_indices = #map}, {transform_indices = #map}, {transform_indices = #map}]} {
    %mul3A = arith.constant 16 : i32
    %mul3A_0 = arith.muli %arg0, %mul3A : i32
    %add3A = arith.addi %mul3A_0, %arg1 : i32
    %broadcast_in_dim3A = arith.constant 0.000000e+00 : f32
    %broadcast_in_dim3A_1 = vector.broadcast %broadcast_in_dim3A : f32 to vector<16xf32>
    "tpu.region"() ({
      %run_scoped3A = tpu.sem_alloc : memref<!tpu.dma_semaphore, #tpu.memory_space<semaphore_mem>>
      tpu.enqueue_dma source(%arg2 : memref<5120xf32, #tpu.memory_space<hbm>>) target(%arg10 : memref<5120xf32, #tpu.memory_space<vmem>>) target_semaphore(%run_scoped3A : memref<!tpu.dma_semaphore, #tpu.memory_space<semaphore_mem>>)
      tpu.wait_dma2 semaphore(%run_scoped3A : memref<!tpu.dma_semaphore, #tpu.memory_space<semaphore_mem>>) src(%arg2 : memref<5120xf32, #tpu.memory_space<hbm>>) dst(%arg10 : memref<5120xf32, #tpu.memory_space<vmem>>)
      tpu.yield
    }) : () -> ()
    "tpu.region"() ({
      %run_scoped3A = tpu.sem_alloc : memref<!tpu.dma_semaphore, #tpu.memory_space<semaphore_mem>>
      tpu.enqueue_dma source(%arg3 : memref<5120xf32, #tpu.memory_space<hbm>>) target(%arg11 : memref<5120xf32, #tpu.memory_space<vmem>>) target_semaphore(%run_scoped3A : memref<!tpu.dma_semaphore, #tpu.memory_space<semaphore_mem>>)
      tpu.wait_dma2 semaphore(%run_scoped3A : memref<!tpu.dma_semaphore, #tpu.memory_space<semaphore_mem>>) src(%arg3 : memref<5120xf32, #tpu.memory_space<hbm>>) dst(%arg11 : memref<5120xf32, #tpu.memory_space<vmem>>)
      tpu.yield
    }) : () -> ()
    %scan3A = arith.constant 0 : i32
    %scan3A_2 = arith.constant 0 : i32
    %scan3A_3 = arith.constant 20 : i32
    %scan3A_4 = arith.addi %scan3A_2, %scan3A_3 : i32
    %scan3A_5 = arith.constant 1 : i32
    %scan3A_6 = scf.for %scan3A_25 = %scan3A_2 to %scan3A_4 step %scan3A_5 iter_args(%scan3A_26 = %scan3A) -> (i32)  : i32 {
      %mul3A_27 = arith.constant 16 : i32
      %mul3A_28 = arith.muli %scan3A_25, %mul3A_27 : i32
      %swap3A = arith.index_cast %mul3A_28 : i32 to index
      %swap3A_29 = tpu.vector_load %arg12[%swap3A] {strides = array<i32>} : memref<320xf32, #tpu.memory_space<vmem>>, vector<16xf32>,
      tpu.vector_store %arg12[%swap3A], %broadcast_in_dim3A_1 {strides = array<i32>} : memref<320xf32, #tpu.memory_space<vmem>>, vector<16xf32>,
      %scan3A_30 = arith.constant 0 : i32
      scf.yield %scan3A_30 : i32
    }
    %scan3A_7 = arith.constant 20 : i32
    %mul3A_8 = arith.constant 320 : i32
    %mul3A_9 = arith.muli %arg1, %mul3A_8 : i32
    "tpu.region"() ({
      %run_scoped3A = tpu.sem_alloc : memref<!tpu.dma_semaphore, #tpu.memory_space<semaphore_mem>>
      %dma_start3A = tpu.memref_slice %arg13[%mul3A_9] : memref<5120xf32, #tpu.memory_space<vmem_shared>> -> memref<320xf32, #tpu.memory_space<vmem_shared>>
      %dma_start3A_25 = tpu.memref_slice %arg13[%mul3A_9] : memref<5120xf32, #tpu.memory_space<vmem_shared>> -> memref<320xf32, #tpu.memory_space<vmem_shared>>
      tpu.enqueue_dma source(%arg12 : memref<320xf32, #tpu.memory_space<vmem>>) target(%dma_start3A_25 : memref<320xf32, #tpu.memory_space<vmem_shared>>) target_semaphore(%run_scoped3A : memref<!tpu.dma_semaphore, #tpu.memory_space<semaphore_mem>>)
      %dma_wait3A = tpu.memref_slice %arg13[%mul3A_9] : memref<5120xf32, #tpu.memory_space<vmem_shared>> -> memref<320xf32, #tpu.memory_space<vmem_shared>>
      %dma_wait3A_26 = tpu.memref_slice %arg13[%mul3A_9] : memref<5120xf32, #tpu.memory_space<vmem_shared>> -> memref<320xf32, #tpu.memory_space<vmem_shared>>
      tpu.wait_dma2 semaphore(%run_scoped3A : memref<!tpu.dma_semaphore, #tpu.memory_space<semaphore_mem>>) src(%arg12 : memref<320xf32, #tpu.memory_space<vmem>>) dst(%dma_wait3A_26 : memref<320xf32, #tpu.memory_space<vmem_shared>>)
      tpu.yield
    }) : () -> ()
    %barrier3A = arith.constant 0 : index
    tpu.barrier barrier_id(%barrier3A)
    %scan3A_10 = arith.constant 0 : i32
    %scan3A_11 = arith.constant 0 : i32
    %scan3A_12 = arith.constant 125 : i32
    %scan3A_13 = arith.addi %scan3A_11, %scan3A_12 : i32
    %scan3A_14 = arith.constant 1 : i32
    %scan3A_15 = scf.for %scan3A_25 = %scan3A_11 to %scan3A_13 step %scan3A_14 iter_args(%scan3A_26 = %scan3A_10) -> (i32)  : i32 {
      %mul3A_27 = arith.constant 10000 : i32
      %mul3A_28 = arith.muli %add3A, %mul3A_27 : i32
      %mul3A_29 = arith.constant 80 : i32
      %mul3A_30 = arith.muli %scan3A_25, %mul3A_29 : i32
      %add3A_31 = arith.addi %mul3A_28, %mul3A_30 : i32
      "tpu.region"() ({
        %run_scoped3A = tpu.sem_alloc : memref<!tpu.dma_semaphore, #tpu.memory_space<semaphore_mem>>
        %dma_start3A = tpu.memref_slice %arg4[%add3A_31] : memref<320000xi32, #tpu.memory_space<hbm>> -> memref<80xi32, #tpu.memory_space<hbm>>
        %dma_start3A_40 = tpu.memref_slice %arg4[%add3A_31] : memref<320000xi32, #tpu.memory_space<hbm>> -> memref<80xi32, #tpu.memory_space<hbm>>
        tpu.enqueue_dma source(%dma_start3A_40 : memref<80xi32, #tpu.memory_space<hbm>>) target(%arg7 : memref<80xi32, #tpu.memory_space<vmem>>) target_semaphore(%run_scoped3A : memref<!tpu.dma_semaphore, #tpu.memory_space<semaphore_mem>>)
        %dma_wait3A = tpu.memref_slice %arg4[%add3A_31] : memref<320000xi32, #tpu.memory_space<hbm>> -> memref<80xi32, #tpu.memory_space<hbm>>
        %dma_wait3A_41 = tpu.memref_slice %arg4[%add3A_31] : memref<320000xi32, #tpu.memory_space<hbm>> -> memref<80xi32, #tpu.memory_space<hbm>>
        tpu.wait_dma2 semaphore(%run_scoped3A : memref<!tpu.dma_semaphore, #tpu.memory_space<semaphore_mem>>) src(%dma_wait3A_41 : memref<80xi32, #tpu.memory_space<hbm>>) dst(%arg7 : memref<80xi32, #tpu.memory_space<vmem>>)
        tpu.yield
      }) : () -> ()
      "tpu.region"() ({
        %run_scoped3A = tpu.sem_alloc : memref<!tpu.dma_semaphore, #tpu.memory_space<semaphore_mem>>
        %dma_start3A = tpu.memref_slice %arg5[%add3A_31] : memref<320000xi32, #tpu.memory_space<hbm>> -> memref<80xi32, #tpu.memory_space<hbm>>
        %dma_start3A_40 = tpu.memref_slice %arg5[%add3A_31] : memref<320000xi32, #tpu.memory_space<hbm>> -> memref<80xi32, #tpu.memory_space<hbm>>
        tpu.enqueue_dma source(%dma_start3A_40 : memref<80xi32, #tpu.memory_space<hbm>>) target(%arg8 : memref<80xi32, #tpu.memory_space<vmem>>) target_semaphore(%run_scoped3A : memref<!tpu.dma_semaphore, #tpu.memory_space<semaphore_mem>>)
        %dma_wait3A = tpu.memref_slice %arg5[%add3A_31] : memref<320000xi32, #tpu.memory_space<hbm>> -> memref<80xi32, #tpu.memory_space<hbm>>
        %dma_wait3A_41 = tpu.memref_slice %arg5[%add3A_31] : memref<320000xi32, #tpu.memory_space<hbm>> -> memref<80xi32, #tpu.memory_space<hbm>>
        tpu.wait_dma2 semaphore(%run_scoped3A : memref<!tpu.dma_semaphore, #tpu.memory_space<semaphore_mem>>) src(%dma_wait3A_41 : memref<80xi32, #tpu.memory_space<hbm>>) dst(%arg8 : memref<80xi32, #tpu.memory_space<vmem>>)
        tpu.yield
      }) : () -> ()
      %scan3A_32 = arith.constant 0 : i32
      %scan3A_33 = arith.constant 0 : i32
      %scan3A_34 = arith.constant 5 : i32
      %scan3A_35 = arith.addi %scan3A_33, %scan3A_34 : i32
      %scan3A_36 = arith.constant 1 : i32
      %scan3A_37 = scf.for %scan3A_40 = %scan3A_33 to %scan3A_35 step %scan3A_36 iter_args(%scan3A_41 = %scan3A_32) -> (i32)  : i32 {
        %mul3A_42 = arith.constant 16 : i32
        %mul3A_43 = arith.muli %scan3A_40, %mul3A_42 : i32
        %get3A = arith.index_cast %mul3A_43 : i32 to index
        %get3A_44 = tpu.vector_load %arg7[%get3A] {strides = array<i32>} : memref<80xi32, #tpu.memory_space<vmem>>, vector<16xi32>,
        %get3A_45 = vector.shape_cast %get3A_44 : vector<16xi32> to vector<16xi32>
        %mul3A_46 = arith.constant 16 : i32
        %mul3A_47 = arith.muli %scan3A_40, %mul3A_46 : i32
        %get3A_48 = arith.index_cast %mul3A_47 : i32 to index
        %get3A_49 = tpu.vector_load %arg8[%get3A_48] {strides = array<i32>} : memref<80xi32, #tpu.memory_space<vmem>>, vector<16xi32>,
        %get3A_50 = vector.shape_cast %get3A_49 : vector<16xi32> to vector<16xi32>
        %shift_right_logical3A = arith.constant 1 : i32
        %shift_right_logical3A_51 = vector.broadcast %shift_right_logical3A : i32 to vector<16xi32>
        %shift_right_logical3A_52 = arith.shrui %get3A_45, %shift_right_logical3A_51 : vector<16xi32>
        %shift_right_logical3A_53 = arith.constant 1 : i32
        %shift_right_logical3A_54 = vector.broadcast %shift_right_logical3A_53 : i32 to vector<16xi32>
        %shift_right_logical3A_55 = arith.shrui %get3A_50, %shift_right_logical3A_54 : vector<16xi32>
        %mul3A_56 = arith.constant 16 : i32
        %mul3A_57 = arith.muli %scan3A_40, %mul3A_56 : i32
        %swap3A = arith.index_cast %mul3A_57 : i32 to index
        %swap3A_58 = tpu.vector_load %arg8[%swap3A] {strides = array<i32>} : memref<80xi32, #tpu.memory_space<vmem>>, vector<16xi32>,
        %swap3A_59 = vector.shape_cast %swap3A_58 : vector<16xi32> to vector<16xi32>
        %swap3A_60 = vector.shape_cast %shift_right_logical3A_55 : vector<16xi32> to vector<16xi32>
        tpu.vector_store %arg8[%swap3A], %swap3A_60 {strides = array<i32>} : memref<80xi32, #tpu.memory_space<vmem>>, vector<16xi32>,
        %gather3A = tpu.vector_load_idx %arg10[%shift_right_logical3A_52] : memref<5120xf32, #tpu.memory_space<vmem>>[vector<16xi32>], vector<16xf32>,
        %gather3A_61 = tpu.vector_load_idx %arg11[%shift_right_logical3A_55] : memref<5120xf32, #tpu.memory_space<vmem>>[vector<16xi32>], vector<16xf32>,
        %add3A_62 = arith.addf %gather3A, %gather3A_61 : vector<16xf32>
        %neg3A = arith.constant 0.000000e+00 : f32
        %neg3A_63 = vector.broadcast %neg3A : f32 to vector<16xf32>
        %neg3A_64 = arith.subf %neg3A_63, %add3A_62 : vector<16xf32>
        %exp3A = math.exp %neg3A_64 : vector<16xf32>
        %add3A_65 = arith.constant 1.000000e+00 : f32
        %add3A_66 = vector.broadcast %add3A_65 : f32 to vector<16xf32>
        %add3A_67 = arith.addf %add3A_66, %exp3A : vector<16xf32>
        %div3A = arith.constant 1.000000e+00 : f32
        %div3A_68 = vector.broadcast %div3A : f32 to vector<16xf32>
        %div3A_69 = arith.divf %div3A_68, %add3A_67 : vector<16xf32>
        %mul3A_70 = arith.constant 16 : i32
        %mul3A_71 = arith.muli %scan3A_40, %mul3A_70 : i32
        %swap3A_72 = arith.index_cast %mul3A_71 : i32 to index
        %swap3A_73 = tpu.vector_load %arg9[%swap3A_72] {strides = array<i32>} : memref<80xf32, #tpu.memory_space<vmem>>, vector<16xf32>,
        %swap3A_74 = vector.shape_cast %swap3A_73 : vector<16xf32> to vector<16xf32>
        %swap3A_75 = vector.shape_cast %div3A_69 : vector<16xf32> to vector<16xf32>
        tpu.vector_store %arg9[%swap3A_72], %swap3A_75 {strides = array<i32>} : memref<80xf32, #tpu.memory_space<vmem>>, vector<16xf32>,
        %scan3A_76 = arith.constant 0 : i32
        scf.yield %scan3A_76 : i32
      }
      %scan3A_38 = arith.constant 5 : i32
      "tpu.region"() ({
        %run_scoped3A = tpu.sem_alloc : memref<!tpu.dma_semaphore, #tpu.memory_space<semaphore_mem>>
        %dma_start3A = arith.constant 0 : i32
        %dma_start3A_40 = tpu.memref_slice %arg13[%dma_start3A] : memref<5120xf32, #tpu.memory_space<vmem_shared>> -> memref<5120xf32, #tpu.memory_space<vmem_shared>>
        tpu.enqueue_indirect_dma source(%arg9 : memref<80xf32, #tpu.memory_space<vmem>>) target(%dma_start3A_40 : memref<5120xf32, #tpu.memory_space<vmem_shared>>) offsets(%arg8 : memref<80xi32, #tpu.memory_space<vmem>>) semaphore(%run_scoped3A : memref<!tpu.dma_semaphore, #tpu.memory_space<semaphore_mem>>) {add = true}
        %dma_wait3A = arith.constant 0 : i32
        %dma_wait3A_41 = tpu.memref_slice %arg13[%dma_wait3A] : memref<5120xf32, #tpu.memory_space<vmem_shared>> -> memref<5120xf32, #tpu.memory_space<vmem_shared>>
        tpu.wait_indirect_dma semaphore(%run_scoped3A : memref<!tpu.dma_semaphore, #tpu.memory_space<semaphore_mem>>) src(%arg9 : memref<80xf32, #tpu.memory_space<vmem>>) dst(%dma_wait3A_41 : memref<5120xf32, #tpu.memory_space<vmem_shared>>)
        tpu.yield
      }) : () -> ()
      %scan3A_39 = arith.constant 0 : i32
      scf.yield %scan3A_39 : i32
    }
    %scan3A_16 = arith.constant 125 : i32
    %barrier3A_17 = arith.constant 0 : index
    tpu.barrier barrier_id(%barrier3A_17)
    %mul3A_18 = arith.constant 320 : i32
    %mul3A_19 = arith.muli %arg1, %mul3A_18 : i32
    "tpu.region"() ({
      %run_scoped3A = tpu.sem_alloc : memref<!tpu.dma_semaphore, #tpu.memory_space<semaphore_mem>>
      %dma_start3A = tpu.memref_slice %arg13[%mul3A_19] : memref<5120xf32, #tpu.memory_space<vmem_shared>> -> memref<320xf32, #tpu.memory_space<vmem_shared>>
      %dma_start3A_25 = tpu.memref_slice %arg13[%mul3A_19] : memref<5120xf32, #tpu.memory_space<vmem_shared>> -> memref<320xf32, #tpu.memory_space<vmem_shared>>
      tpu.enqueue_dma source(%dma_start3A_25 : memref<320xf32, #tpu.memory_space<vmem_shared>>) target(%arg12 : memref<320xf32, #tpu.memory_space<vmem>>) target_semaphore(%run_scoped3A : memref<!tpu.dma_semaphore, #tpu.memory_space<semaphore_mem>>)
      %dma_wait3A = tpu.memref_slice %arg13[%mul3A_19] : memref<5120xf32, #tpu.memory_space<vmem_shared>> -> memref<320xf32, #tpu.memory_space<vmem_shared>>
      %dma_wait3A_26 = tpu.memref_slice %arg13[%mul3A_19] : memref<5120xf32, #tpu.memory_space<vmem_shared>> -> memref<320xf32, #tpu.memory_space<vmem_shared>>
      tpu.wait_dma2 semaphore(%run_scoped3A : memref<!tpu.dma_semaphore, #tpu.memory_space<semaphore_mem>>) src(%dma_wait3A_26 : memref<320xf32, #tpu.memory_space<vmem_shared>>) dst(%arg12 : memref<320xf32, #tpu.memory_space<vmem>>)
      tpu.yield
    }) : () -> ()
    %mul3A_20 = arith.constant 5120 : i32
    %mul3A_21 = arith.muli %arg0, %mul3A_20 : i32
    %mul3A_22 = arith.constant 320 : i32
    %mul3A_23 = arith.muli %arg1, %mul3A_22 : i32
    %add3A_24 = arith.addi %mul3A_21, %mul3A_23 : i32
    "tpu.region"() ({
      %run_scoped3A = tpu.sem_alloc : memref<!tpu.dma_semaphore, #tpu.memory_space<semaphore_mem>>
      %dma_start3A = tpu.memref_slice %arg6[%add3A_24] : memref<10240xf32, #tpu.memory_space<hbm>> -> memref<320xf32, #tpu.memory_space<hbm>>
      %dma_start3A_25 = tpu.memref_slice %arg6[%add3A_24] : memref<10240xf32, #tpu.memory_space<hbm>> -> memref<320xf32, #tpu.memory_space<hbm>>
      tpu.enqueue_dma source(%arg12 : memref<320xf32, #tpu.memory_space<vmem>>) target(%dma_start3A_25 : memref<320xf32, #tpu.memory_space<hbm>>) target_semaphore(%run_scoped3A : memref<!tpu.dma_semaphore, #tpu.memory_space<semaphore_mem>>)
      %dma_wait3A = tpu.memref_slice %arg6[%add3A_24] : memref<10240xf32, #tpu.memory_space<hbm>> -> memref<320xf32, #tpu.memory_space<hbm>>
      %dma_wait3A_26 = tpu.memref_slice %arg6[%add3A_24] : memref<10240xf32, #tpu.memory_space<hbm>> -> memref<320xf32, #tpu.memory_space<hbm>>
      tpu.wait_dma2 semaphore(%run_scoped3A : memref<!tpu.dma_semaphore, #tpu.memory_space<semaphore_mem>>) src(%arg12 : memref<320xf32, #tpu.memory_space<vmem>>) dst(%dma_wait3A_26 : memref<320xf32, #tpu.memory_space<hbm>>)
      tpu.yield
    }) : () -> ()
    return
  }
}

#map = affine_map<(d0, d1) -> (0, 0)>
#map1 = affine_map<(d0, d1) -> (0)>
module attributes {stable_mosaic.version = 14 : i64} {
  func.func @k(%arg0: i32, %arg1: i32, %arg2: memref<2560x128xf32, #tpu.memory_space<hbm>>, %arg3: memref<320000xi32, #tpu.memory_space<hbm>>, %arg4: memref<320000xi32, #tpu.memory_space<hbm>>, %arg5: memref<5120x128xf32, #tpu.memory_space<hbm>>, %arg6: memref<80xi32, #tpu.memory_space<vmem>>, %arg7: memref<80xi32, #tpu.memory_space<vmem>>, %arg8: memref<80xi32, #tpu.memory_space<vmem>>, %arg9: memref<80xi32, #tpu.memory_space<vmem>>, %arg10: memref<80x128xf32, #tpu.memory_space<vmem>>, %arg11: memref<80x128xf32, #tpu.memory_space<vmem>>, %arg12: memref<16x128xf32, #tpu.memory_space<vmem>>, %arg13: memref<2560x128xf32, #tpu.memory_space<vmem_shared>>, %arg14: memref<!tpu.dma_semaphore, #tpu.memory_space<semaphore_mem>>, %arg15: memref<!tpu.dma_semaphore, #tpu.memory_space<semaphore_mem>>) attributes {dimension_semantics = [#tpu.dimension_semantics<core_parallel>, #tpu.dimension_semantics<subcore_parallel>], iteration_bounds = array<i64: 2, 16>, scalar_prefetch = 0 : i64, scratch_operands = 10 : i64, tpu.core_type = #tpu.core_type<sc_vector_subcore>, window_params = [{transform_indices = #map}, {transform_indices = #map1}, {transform_indices = #map1}, {transform_indices = #map}]} {
    %mul3A = arith.constant 16 : i32
    %mul3A_0 = arith.muli %arg0, %mul3A : i32
    %add3A = arith.addi %mul3A_0, %arg1 : i32
    %broadcast_in_dim3A = arith.constant 0.000000e+00 : f32
    %broadcast_in_dim3A_1 = vector.broadcast %broadcast_in_dim3A : f32 to vector<16xf32>
    %scan3A = arith.constant 0 : i32
    %scan3A_2 = arith.constant 0 : i32
    %scan3A_3 = arith.constant 128 : i32
    %scan3A_4 = arith.addi %scan3A_2, %scan3A_3 : i32
    %scan3A_5 = arith.constant 1 : i32
    %scan3A_6 = scf.for %scan3A_45 = %scan3A_2 to %scan3A_4 step %scan3A_5 iter_args(%scan3A_46 = %scan3A) -> (i32)  : i32 {
      %jit3A = arith.constant 8 : i32
      %div3A = arith.divsi %scan3A_45, %jit3A : i32
      %sign3A = arith.constant 0 : i32
      %sign3A_47 = arith.cmpi sgt, %scan3A_45, %sign3A : i32
      %sign3A_48 = arith.extui %sign3A_47 : i1 to i32
      %sign3A_49 = arith.constant 0 : i32
      %sign3A_50 = arith.cmpi slt, %scan3A_45, %sign3A_49 : i32
      %sign3A_51 = arith.extui %sign3A_50 : i1 to i32
      %sign3A_52 = arith.subi %sign3A_48, %sign3A_51 : i32
      %sign3A_53 = arith.constant 0 : i32
      %sign3A_54 = arith.cmpi sgt, %jit3A, %sign3A_53 : i32
      %sign3A_55 = arith.extui %sign3A_54 : i1 to i32
      %sign3A_56 = arith.constant 0 : i32
      %sign3A_57 = arith.cmpi slt, %jit3A, %sign3A_56 : i32
      %sign3A_58 = arith.extui %sign3A_57 : i1 to i32
      %sign3A_59 = arith.subi %sign3A_55, %sign3A_58 : i32
      %ne3A = arith.cmpi ne, %sign3A_52, %sign3A_59 : i32
      %rem3A = arith.remsi %scan3A_45, %jit3A : i32
      %ne3A_60 = arith.constant 0 : i32
      %ne3A_61 = arith.cmpi ne, %rem3A, %ne3A_60 : i32
      %and3A = arith.andi %ne3A, %ne3A_61 : i1
      %sub3A = arith.constant 1 : i32
      %sub3A_62 = arith.subi %div3A, %sub3A : i32
      %select_n3A = arith.select %and3A, %sub3A_62, %div3A : i32
      %jit3A_63 = arith.constant 8 : i32
      %eq3A = arith.constant 0 : i32
      %eq3A_64 = arith.cmpi eq, %jit3A_63, %eq3A : i32
      %jit3A_65 = arith.constant 1 : i32
      %select_n3A_66 = arith.select %eq3A_64, %jit3A_65, %jit3A_63 : i32
      %rem3A_67 = arith.remsi %scan3A_45, %select_n3A_66 : i32
      %ne3A_68 = arith.constant 0 : i32
      %ne3A_69 = arith.cmpi ne, %rem3A_67, %ne3A_68 : i32
      %lt3A = arith.constant 0 : i32
      %lt3A_70 = arith.cmpi slt, %rem3A_67, %lt3A : i32
      %lt3A_71 = arith.constant 0 : i32
      %lt3A_72 = arith.cmpi slt, %select_n3A_66, %lt3A_71 : i32
      %ne3A_73 = arith.xori %lt3A_70, %lt3A_72 : i1
      %and3A_74 = arith.andi %ne3A_73, %ne3A_69 : i1
      %add3A_75 = arith.addi %rem3A_67, %select_n3A_66 : i32
      %select_n3A_76 = arith.select %and3A_74, %add3A_75, %rem3A_67 : i32
      %mul3A_77 = arith.constant 16 : i32
      %mul3A_78 = arith.muli %select_n3A_76, %mul3A_77 : i32
      %swap3A = arith.index_cast %select_n3A : i32 to index
      %swap3A_79 = arith.index_cast %mul3A_78 : i32 to index
      %swap3A_80 = tpu.vector_load %arg12[%swap3A, %swap3A_79] {strides = array<i32>} : memref<16x128xf32, #tpu.memory_space<vmem>>, vector<1x16xf32>,
      %swap3A_81 = vector.shape_cast %swap3A_80 : vector<1x16xf32> to vector<16xf32>
      %swap3A_82 = vector.shape_cast %broadcast_in_dim3A_1 : vector<16xf32> to vector<1x16xf32>
      tpu.vector_store %arg12[%swap3A, %swap3A_79], %swap3A_82 {strides = array<i32>} : memref<16x128xf32, #tpu.memory_space<vmem>>, vector<1x16xf32>,
      %scan3A_83 = arith.constant 0 : i32
      scf.yield %scan3A_83 : i32
    }
    %scan3A_7 = arith.constant 128 : i32
    %scan3A_8 = arith.constant 0 : i32
    %scan3A_9 = arith.constant 0 : i32
    %scan3A_10 = arith.constant 10 : i32
    %scan3A_11 = arith.addi %scan3A_9, %scan3A_10 : i32
    %scan3A_12 = arith.constant 1 : i32
    %scan3A_13 = scf.for %scan3A_45 = %scan3A_9 to %scan3A_11 step %scan3A_12 iter_args(%scan3A_46 = %scan3A_8) -> (i32)  : i32 {
      %mul3A_47 = arith.constant 160 : i32
      %mul3A_48 = arith.muli %arg1, %mul3A_47 : i32
      %mul3A_49 = arith.constant 16 : i32
      %mul3A_50 = arith.muli %scan3A_45, %mul3A_49 : i32
      %add3A_51 = arith.addi %mul3A_48, %mul3A_50 : i32
      "tpu.region"() ({
        %run_scoped3A = tpu.sem_alloc : memref<!tpu.dma_semaphore, #tpu.memory_space<semaphore_mem>>
        %dma_start3A_53 = arith.constant 0 : i32
        %dma_start3A_54 = tpu.memref_slice %arg13[%add3A_51, %dma_start3A_53] : memref<2560x128xf32, #tpu.memory_space<vmem_shared>> -> memref<16x128xf32, #tpu.memory_space<vmem_shared>>
        %dma_start3A_55 = arith.constant 0 : i32
        %dma_start3A_56 = tpu.memref_slice %arg13[%add3A_51, %dma_start3A_55] : memref<2560x128xf32, #tpu.memory_space<vmem_shared>> -> memref<16x128xf32, #tpu.memory_space<vmem_shared>>
        tpu.enqueue_dma source(%arg12 : memref<16x128xf32, #tpu.memory_space<vmem>>) target(%dma_start3A_56 : memref<16x128xf32, #tpu.memory_space<vmem_shared>>) target_semaphore(%run_scoped3A : memref<!tpu.dma_semaphore, #tpu.memory_space<semaphore_mem>>)
        %dma_wait3A_57 = arith.constant 0 : i32
        %dma_wait3A_58 = tpu.memref_slice %arg13[%add3A_51, %dma_wait3A_57] : memref<2560x128xf32, #tpu.memory_space<vmem_shared>> -> memref<16x128xf32, #tpu.memory_space<vmem_shared>>
        %dma_wait3A_59 = arith.constant 0 : i32
        %dma_wait3A_60 = tpu.memref_slice %arg13[%add3A_51, %dma_wait3A_59] : memref<2560x128xf32, #tpu.memory_space<vmem_shared>> -> memref<16x128xf32, #tpu.memory_space<vmem_shared>>
        tpu.wait_dma2 semaphore(%run_scoped3A : memref<!tpu.dma_semaphore, #tpu.memory_space<semaphore_mem>>) src(%arg12 : memref<16x128xf32, #tpu.memory_space<vmem>>) dst(%dma_wait3A_60 : memref<16x128xf32, #tpu.memory_space<vmem_shared>>)
        tpu.yield
      }) : () -> ()
      %scan3A_52 = arith.constant 0 : i32
      scf.yield %scan3A_52 : i32
    }
    %scan3A_14 = arith.constant 10 : i32
    %barrier3A = arith.constant 0 : index
    tpu.barrier barrier_id(%barrier3A)
    %mul3A_15 = arith.constant 10000 : i32
    %mul3A_16 = arith.muli %add3A, %mul3A_15 : i32
    %add3A_17 = arith.constant 0 : i32
    %add3A_18 = arith.addi %mul3A_16, %add3A_17 : i32
    "tpu.region"() ({
      %run_scoped3A = tpu.sem_alloc : memref<!tpu.dma_semaphore, #tpu.memory_space<semaphore_mem>>
      %dma_start3A_45 = tpu.memref_slice %arg3[%add3A_18] : memref<320000xi32, #tpu.memory_space<hbm>> -> memref<80xi32, #tpu.memory_space<hbm>>
      %dma_start3A_46 = tpu.memref_slice %arg3[%add3A_18] : memref<320000xi32, #tpu.memory_space<hbm>> -> memref<80xi32, #tpu.memory_space<hbm>>
      tpu.enqueue_dma source(%dma_start3A_46 : memref<80xi32, #tpu.memory_space<hbm>>) target(%arg6 : memref<80xi32, #tpu.memory_space<vmem>>) target_semaphore(%run_scoped3A : memref<!tpu.dma_semaphore, #tpu.memory_space<semaphore_mem>>)
      %dma_wait3A_47 = tpu.memref_slice %arg3[%add3A_18] : memref<320000xi32, #tpu.memory_space<hbm>> -> memref<80xi32, #tpu.memory_space<hbm>>
      %dma_wait3A_48 = tpu.memref_slice %arg3[%add3A_18] : memref<320000xi32, #tpu.memory_space<hbm>> -> memref<80xi32, #tpu.memory_space<hbm>>
      tpu.wait_dma2 semaphore(%run_scoped3A : memref<!tpu.dma_semaphore, #tpu.memory_space<semaphore_mem>>) src(%dma_wait3A_48 : memref<80xi32, #tpu.memory_space<hbm>>) dst(%arg6 : memref<80xi32, #tpu.memory_space<vmem>>)
      tpu.yield
    }) : () -> ()
    "tpu.region"() ({
      %run_scoped3A = tpu.sem_alloc : memref<!tpu.dma_semaphore, #tpu.memory_space<semaphore_mem>>
      %dma_start3A_45 = tpu.memref_slice %arg4[%add3A_18] : memref<320000xi32, #tpu.memory_space<hbm>> -> memref<80xi32, #tpu.memory_space<hbm>>
      %dma_start3A_46 = tpu.memref_slice %arg4[%add3A_18] : memref<320000xi32, #tpu.memory_space<hbm>> -> memref<80xi32, #tpu.memory_space<hbm>>
      tpu.enqueue_dma source(%dma_start3A_46 : memref<80xi32, #tpu.memory_space<hbm>>) target(%arg7 : memref<80xi32, #tpu.memory_space<vmem>>) target_semaphore(%run_scoped3A : memref<!tpu.dma_semaphore, #tpu.memory_space<semaphore_mem>>)
      %dma_wait3A_47 = tpu.memref_slice %arg4[%add3A_18] : memref<320000xi32, #tpu.memory_space<hbm>> -> memref<80xi32, #tpu.memory_space<hbm>>
      %dma_wait3A_48 = tpu.memref_slice %arg4[%add3A_18] : memref<320000xi32, #tpu.memory_space<hbm>> -> memref<80xi32, #tpu.memory_space<hbm>>
      tpu.wait_dma2 semaphore(%run_scoped3A : memref<!tpu.dma_semaphore, #tpu.memory_space<semaphore_mem>>) src(%dma_wait3A_48 : memref<80xi32, #tpu.memory_space<hbm>>) dst(%arg7 : memref<80xi32, #tpu.memory_space<vmem>>)
      tpu.yield
    }) : () -> ()
    %scan3A_19 = arith.constant 0 : i32
    %scan3A_20 = arith.constant 0 : i32
    %scan3A_21 = arith.constant 5 : i32
    %scan3A_22 = arith.addi %scan3A_20, %scan3A_21 : i32
    %scan3A_23 = arith.constant 1 : i32
    %scan3A_24 = scf.for %scan3A_45 = %scan3A_20 to %scan3A_22 step %scan3A_23 iter_args(%scan3A_46 = %scan3A_19) -> (i32)  : i32 {
      %mul3A_47 = arith.constant 16 : i32
      %mul3A_48 = arith.muli %scan3A_45, %mul3A_47 : i32
      %get3A = arith.index_cast %mul3A_48 : i32 to index
      %get3A_49 = tpu.vector_load %arg6[%get3A] {strides = array<i32>} : memref<80xi32, #tpu.memory_space<vmem>>, vector<16xi32>,
      %get3A_50 = vector.shape_cast %get3A_49 : vector<16xi32> to vector<16xi32>
      %shift_right_logical3A = arith.constant 2 : i32
      %shift_right_logical3A_51 = vector.broadcast %shift_right_logical3A : i32 to vector<16xi32>
      %shift_right_logical3A_52 = arith.shrui %get3A_50, %shift_right_logical3A_51 : vector<16xi32>
      %mul3A_53 = arith.constant 16 : i32
      %mul3A_54 = arith.muli %scan3A_45, %mul3A_53 : i32
      %swap3A = arith.index_cast %mul3A_54 : i32 to index
      %swap3A_55 = tpu.vector_load %arg6[%swap3A] {strides = array<i32>} : memref<80xi32, #tpu.memory_space<vmem>>, vector<16xi32>,
      %swap3A_56 = vector.shape_cast %swap3A_55 : vector<16xi32> to vector<16xi32>
      %swap3A_57 = vector.shape_cast %shift_right_logical3A_52 : vector<16xi32> to vector<16xi32>
      tpu.vector_store %arg6[%swap3A], %swap3A_57 {strides = array<i32>} : memref<80xi32, #tpu.memory_space<vmem>>, vector<16xi32>,
      %mul3A_58 = arith.constant 16 : i32
      %mul3A_59 = arith.muli %scan3A_45, %mul3A_58 : i32
      %get3A_60 = arith.index_cast %mul3A_59 : i32 to index
      %get3A_61 = tpu.vector_load %arg7[%get3A_60] {strides = array<i32>} : memref<80xi32, #tpu.memory_space<vmem>>, vector<16xi32>,
      %get3A_62 = vector.shape_cast %get3A_61 : vector<16xi32> to vector<16xi32>
      %shift_right_logical3A_63 = arith.constant 2 : i32
      %shift_right_logical3A_64 = vector.broadcast %shift_right_logical3A_63 : i32 to vector<16xi32>
      %shift_right_logical3A_65 = arith.shrui %get3A_62, %shift_right_logical3A_64 : vector<16xi32>
      %mul3A_66 = arith.constant 16 : i32
      %mul3A_67 = arith.muli %scan3A_45, %mul3A_66 : i32
      %swap3A_68 = arith.index_cast %mul3A_67 : i32 to index
      %swap3A_69 = tpu.vector_load %arg7[%swap3A_68] {strides = array<i32>} : memref<80xi32, #tpu.memory_space<vmem>>, vector<16xi32>,
      %swap3A_70 = vector.shape_cast %swap3A_69 : vector<16xi32> to vector<16xi32>
      %swap3A_71 = vector.shape_cast %shift_right_logical3A_65 : vector<16xi32> to vector<16xi32>
      tpu.vector_store %arg7[%swap3A_68], %swap3A_71 {strides = array<i32>} : memref<80xi32, #tpu.memory_space<vmem>>, vector<16xi32>,
      %scan3A_72 = arith.constant 0 : i32
      scf.yield %scan3A_72 : i32
    }
    %scan3A_25 = arith.constant 5 : i32
    %dma_start3A = arith.constant 0 : i32
    %dma_start3A_26 = arith.constant 0 : i32
    %dma_start3A_27 = tpu.memref_slice %arg2[%dma_start3A, %dma_start3A_26] : memref<2560x128xf32, #tpu.memory_space<hbm>> -> memref<2560x128xf32, #tpu.memory_space<hbm>>
    tpu.enqueue_indirect_dma source(%dma_start3A_27 : memref<2560x128xf32, #tpu.memory_space<hbm>>) target(%arg10 : memref<80x128xf32, #tpu.memory_space<vmem>>) offsets(%arg6 : memref<80xi32, #tpu.memory_space<vmem>>) semaphore(%arg14 : memref<!tpu.dma_semaphore, #tpu.memory_space<semaphore_mem>>)
    %scan3A_28 = arith.constant 0 : i32
    %scan3A_29 = arith.constant 0 : i32
    %scan3A_30 = arith.constant 62 : i32
    %scan3A_31 = arith.addi %scan3A_29, %scan3A_30 : i32
    %scan3A_32 = arith.constant 1 : i32
    %scan3A_33 = scf.for %scan3A_45 = %scan3A_29 to %scan3A_31 step %scan3A_32 iter_args(%scan3A_46 = %scan3A_28) -> (i32)  : i32 {
      %mul3A_47 = arith.constant 2 : i32
      %mul3A_48 = arith.muli %mul3A_47, %scan3A_45 : i32
      %add3A_49 = arith.constant 1 : i32
      %add3A_50 = arith.addi %mul3A_48, %add3A_49 : i32
      %mul3A_51 = arith.constant 10000 : i32
      %mul3A_52 = arith.muli %add3A, %mul3A_51 : i32
      %mul3A_53 = arith.constant 80 : i32
      %mul3A_54 = arith.muli %add3A_50, %mul3A_53 : i32
      %add3A_55 = arith.addi %mul3A_52, %mul3A_54 : i32
      "tpu.region"() ({
        %run_scoped3A = tpu.sem_alloc : memref<!tpu.dma_semaphore, #tpu.memory_space<semaphore_mem>>
        %dma_start3A_90 = tpu.memref_slice %arg3[%add3A_55] : memref<320000xi32, #tpu.memory_space<hbm>> -> memref<80xi32, #tpu.memory_space<hbm>>
        %dma_start3A_91 = tpu.memref_slice %arg3[%add3A_55] : memref<320000xi32, #tpu.memory_space<hbm>> -> memref<80xi32, #tpu.memory_space<hbm>>
        tpu.enqueue_dma source(%dma_start3A_91 : memref<80xi32, #tpu.memory_space<hbm>>) target(%arg8 : memref<80xi32, #tpu.memory_space<vmem>>) target_semaphore(%run_scoped3A : memref<!tpu.dma_semaphore, #tpu.memory_space<semaphore_mem>>)
        %dma_wait3A_92 = tpu.memref_slice %arg3[%add3A_55] : memref<320000xi32, #tpu.memory_space<hbm>> -> memref<80xi32, #tpu.memory_space<hbm>>
        %dma_wait3A_93 = tpu.memref_slice %arg3[%add3A_55] : memref<320000xi32, #tpu.memory_space<hbm>> -> memref<80xi32, #tpu.memory_space<hbm>>
        tpu.wait_dma2 semaphore(%run_scoped3A : memref<!tpu.dma_semaphore, #tpu.memory_space<semaphore_mem>>) src(%dma_wait3A_93 : memref<80xi32, #tpu.memory_space<hbm>>) dst(%arg8 : memref<80xi32, #tpu.memory_space<vmem>>)
        tpu.yield
      }) : () -> ()
      "tpu.region"() ({
        %run_scoped3A = tpu.sem_alloc : memref<!tpu.dma_semaphore, #tpu.memory_space<semaphore_mem>>
        %dma_start3A_90 = tpu.memref_slice %arg4[%add3A_55] : memref<320000xi32, #tpu.memory_space<hbm>> -> memref<80xi32, #tpu.memory_space<hbm>>
        %dma_start3A_91 = tpu.memref_slice %arg4[%add3A_55] : memref<320000xi32, #tpu.memory_space<hbm>> -> memref<80xi32, #tpu.memory_space<hbm>>
        tpu.enqueue_dma source(%dma_start3A_91 : memref<80xi32, #tpu.memory_space<hbm>>) target(%arg9 : memref<80xi32, #tpu.memory_space<vmem>>) target_semaphore(%run_scoped3A : memref<!tpu.dma_semaphore, #tpu.memory_space<semaphore_mem>>)
        %dma_wait3A_92 = tpu.memref_slice %arg4[%add3A_55] : memref<320000xi32, #tpu.memory_space<hbm>> -> memref<80xi32, #tpu.memory_space<hbm>>
        %dma_wait3A_93 = tpu.memref_slice %arg4[%add3A_55] : memref<320000xi32, #tpu.memory_space<hbm>> -> memref<80xi32, #tpu.memory_space<hbm>>
        tpu.wait_dma2 semaphore(%run_scoped3A : memref<!tpu.dma_semaphore, #tpu.memory_space<semaphore_mem>>) src(%dma_wait3A_93 : memref<80xi32, #tpu.memory_space<hbm>>) dst(%arg9 : memref<80xi32, #tpu.memory_space<vmem>>)
        tpu.yield
      }) : () -> ()
      %scan3A_56 = arith.constant 0 : i32
      %scan3A_57 = arith.constant 0 : i32
      %scan3A_58 = arith.constant 5 : i32
      %scan3A_59 = arith.addi %scan3A_57, %scan3A_58 : i32
      %scan3A_60 = arith.constant 1 : i32
      %scan3A_61 = scf.for %scan3A_90 = %scan3A_57 to %scan3A_59 step %scan3A_60 iter_args(%scan3A_91 = %scan3A_56) -> (i32)  : i32 {
        %mul3A_92 = arith.constant 16 : i32
        %mul3A_93 = arith.muli %scan3A_90, %mul3A_92 : i32
        %get3A = arith.index_cast %mul3A_93 : i32 to index
        %get3A_94 = tpu.vector_load %arg8[%get3A] {strides = array<i32>} : memref<80xi32, #tpu.memory_space<vmem>>, vector<16xi32>,
        %get3A_95 = vector.shape_cast %get3A_94 : vector<16xi32> to vector<16xi32>
        %shift_right_logical3A = arith.constant 2 : i32
        %shift_right_logical3A_96 = vector.broadcast %shift_right_logical3A : i32 to vector<16xi32>
        %shift_right_logical3A_97 = arith.shrui %get3A_95, %shift_right_logical3A_96 : vector<16xi32>
        %mul3A_98 = arith.constant 16 : i32
        %mul3A_99 = arith.muli %scan3A_90, %mul3A_98 : i32
        %swap3A = arith.index_cast %mul3A_99 : i32 to index
        %swap3A_100 = tpu.vector_load %arg8[%swap3A] {strides = array<i32>} : memref<80xi32, #tpu.memory_space<vmem>>, vector<16xi32>,
        %swap3A_101 = vector.shape_cast %swap3A_100 : vector<16xi32> to vector<16xi32>
        %swap3A_102 = vector.shape_cast %shift_right_logical3A_97 : vector<16xi32> to vector<16xi32>
        tpu.vector_store %arg8[%swap3A], %swap3A_102 {strides = array<i32>} : memref<80xi32, #tpu.memory_space<vmem>>, vector<16xi32>,
        %mul3A_103 = arith.constant 16 : i32
        %mul3A_104 = arith.muli %scan3A_90, %mul3A_103 : i32
        %get3A_105 = arith.index_cast %mul3A_104 : i32 to index
        %get3A_106 = tpu.vector_load %arg9[%get3A_105] {strides = array<i32>} : memref<80xi32, #tpu.memory_space<vmem>>, vector<16xi32>,
        %get3A_107 = vector.shape_cast %get3A_106 : vector<16xi32> to vector<16xi32>
        %shift_right_logical3A_108 = arith.constant 2 : i32
        %shift_right_logical3A_109 = vector.broadcast %shift_right_logical3A_108 : i32 to vector<16xi32>
        %shift_right_logical3A_110 = arith.shrui %get3A_107, %shift_right_logical3A_109 : vector<16xi32>
        %mul3A_111 = arith.constant 16 : i32
        %mul3A_112 = arith.muli %scan3A_90, %mul3A_111 : i32
        %swap3A_113 = arith.index_cast %mul3A_112 : i32 to index
        %swap3A_114 = tpu.vector_load %arg9[%swap3A_113] {strides = array<i32>} : memref<80xi32, #tpu.memory_space<vmem>>, vector<16xi32>,
        %swap3A_115 = vector.shape_cast %swap3A_114 : vector<16xi32> to vector<16xi32>
        %swap3A_116 = vector.shape_cast %shift_right_logical3A_110 : vector<16xi32> to vector<16xi32>
        tpu.vector_store %arg9[%swap3A_113], %swap3A_116 {strides = array<i32>} : memref<80xi32, #tpu.memory_space<vmem>>, vector<16xi32>,
        %scan3A_117 = arith.constant 0 : i32
        scf.yield %scan3A_117 : i32
      }
      %scan3A_62 = arith.constant 5 : i32
      %dma_start3A_63 = arith.constant 0 : i32
      %dma_start3A_64 = arith.constant 0 : i32
      %dma_start3A_65 = tpu.memref_slice %arg2[%dma_start3A_63, %dma_start3A_64] : memref<2560x128xf32, #tpu.memory_space<hbm>> -> memref<2560x128xf32, #tpu.memory_space<hbm>>
      tpu.enqueue_indirect_dma source(%dma_start3A_65 : memref<2560x128xf32, #tpu.memory_space<hbm>>) target(%arg11 : memref<80x128xf32, #tpu.memory_space<vmem>>) offsets(%arg8 : memref<80xi32, #tpu.memory_space<vmem>>) semaphore(%arg15 : memref<!tpu.dma_semaphore, #tpu.memory_space<semaphore_mem>>)
      %dma_wait3A_66 = arith.constant 0 : i32
      %dma_wait3A_67 = arith.constant 0 : i32
      %dma_wait3A_68 = tpu.memref_slice %arg2[%dma_wait3A_66, %dma_wait3A_67] : memref<2560x128xf32, #tpu.memory_space<hbm>> -> memref<2560x128xf32, #tpu.memory_space<hbm>>
      tpu.wait_indirect_dma semaphore(%arg14 : memref<!tpu.dma_semaphore, #tpu.memory_space<semaphore_mem>>) src(%dma_wait3A_68 : memref<2560x128xf32, #tpu.memory_space<hbm>>) dst(%arg10 : memref<80x128xf32, #tpu.memory_space<vmem>>)
      "tpu.region"() ({
        %run_scoped3A = tpu.sem_alloc : memref<!tpu.dma_semaphore, #tpu.memory_space<semaphore_mem>>
        %dma_start3A_90 = arith.constant 0 : i32
        %dma_start3A_91 = arith.constant 0 : i32
        %dma_start3A_92 = tpu.memref_slice %arg13[%dma_start3A_90, %dma_start3A_91] : memref<2560x128xf32, #tpu.memory_space<vmem_shared>> -> memref<2560x128xf32, #tpu.memory_space<vmem_shared>>
        tpu.enqueue_indirect_dma source(%arg10 : memref<80x128xf32, #tpu.memory_space<vmem>>) target(%dma_start3A_92 : memref<2560x128xf32, #tpu.memory_space<vmem_shared>>) offsets(%arg7 : memref<80xi32, #tpu.memory_space<vmem>>) semaphore(%run_scoped3A : memref<!tpu.dma_semaphore, #tpu.memory_space<semaphore_mem>>) {add = true}
        %dma_wait3A_93 = arith.constant 0 : i32
        %dma_wait3A_94 = arith.constant 0 : i32
        %dma_wait3A_95 = tpu.memref_slice %arg13[%dma_wait3A_93, %dma_wait3A_94] : memref<2560x128xf32, #tpu.memory_space<vmem_shared>> -> memref<2560x128xf32, #tpu.memory_space<vmem_shared>>
        tpu.wait_indirect_dma semaphore(%run_scoped3A : memref<!tpu.dma_semaphore, #tpu.memory_space<semaphore_mem>>) src(%arg10 : memref<80x128xf32, #tpu.memory_space<vmem>>) dst(%dma_wait3A_95 : memref<2560x128xf32, #tpu.memory_space<vmem_shared>>)
        tpu.yield
      }) : () -> ()
      %add3A_69 = arith.constant 1 : i32
      %add3A_70 = arith.addi %add3A_50, %add3A_69 : i32
      %mul3A_71 = arith.constant 10000 : i32
      %mul3A_72 = arith.muli %add3A, %mul3A_71 : i32
      %mul3A_73 = arith.constant 80 : i32
      %mul3A_74 = arith.muli %add3A_70, %mul3A_73 : i32
      %add3A_75 = arith.addi %mul3A_72, %mul3A_74 : i32
      "tpu.region"() ({
        %run_scoped3A = tpu.sem_alloc : memref<!tpu.dma_semaphore, #tpu.memory_space<semaphore_mem>>
        %dma_start3A_90 = tpu.memref_slice %arg3[%add3A_75] : memref<320000xi32, #tpu.memory_space<hbm>> -> memref<80xi32, #tpu.memory_space<hbm>>
        %dma_start3A_91 = tpu.memref_slice %arg3[%add3A_75] : memref<320000xi32, #tpu.memory_space<hbm>> -> memref<80xi32, #tpu.memory_space<hbm>>
        tpu.enqueue_dma source(%dma_start3A_91 : memref<80xi32, #tpu.memory_space<hbm>>) target(%arg6 : memref<80xi32, #tpu.memory_space<vmem>>) target_semaphore(%run_scoped3A : memref<!tpu.dma_semaphore, #tpu.memory_space<semaphore_mem>>)
        %dma_wait3A_92 = tpu.memref_slice %arg3[%add3A_75] : memref<320000xi32, #tpu.memory_space<hbm>> -> memref<80xi32, #tpu.memory_space<hbm>>
        %dma_wait3A_93 = tpu.memref_slice %arg3[%add3A_75] : memref<320000xi32, #tpu.memory_space<hbm>> -> memref<80xi32, #tpu.memory_space<hbm>>
        tpu.wait_dma2 semaphore(%run_scoped3A : memref<!tpu.dma_semaphore, #tpu.memory_space<semaphore_mem>>) src(%dma_wait3A_93 : memref<80xi32, #tpu.memory_space<hbm>>) dst(%arg6 : memref<80xi32, #tpu.memory_space<vmem>>)
        tpu.yield
      }) : () -> ()
      "tpu.region"() ({
        %run_scoped3A = tpu.sem_alloc : memref<!tpu.dma_semaphore, #tpu.memory_space<semaphore_mem>>
        %dma_start3A_90 = tpu.memref_slice %arg4[%add3A_75] : memref<320000xi32, #tpu.memory_space<hbm>> -> memref<80xi32, #tpu.memory_space<hbm>>
        %dma_start3A_91 = tpu.memref_slice %arg4[%add3A_75] : memref<320000xi32, #tpu.memory_space<hbm>> -> memref<80xi32, #tpu.memory_space<hbm>>
        tpu.enqueue_dma source(%dma_start3A_91 : memref<80xi32, #tpu.memory_space<hbm>>) target(%arg7 : memref<80xi32, #tpu.memory_space<vmem>>) target_semaphore(%run_scoped3A : memref<!tpu.dma_semaphore, #tpu.memory_space<semaphore_mem>>)
        %dma_wait3A_92 = tpu.memref_slice %arg4[%add3A_75] : memref<320000xi32, #tpu.memory_space<hbm>> -> memref<80xi32, #tpu.memory_space<hbm>>
        %dma_wait3A_93 = tpu.memref_slice %arg4[%add3A_75] : memref<320000xi32, #tpu.memory_space<hbm>> -> memref<80xi32, #tpu.memory_space<hbm>>
        tpu.wait_dma2 semaphore(%run_scoped3A : memref<!tpu.dma_semaphore, #tpu.memory_space<semaphore_mem>>) src(%dma_wait3A_93 : memref<80xi32, #tpu.memory_space<hbm>>) dst(%arg7 : memref<80xi32, #tpu.memory_space<vmem>>)
        tpu.yield
      }) : () -> ()
      %scan3A_76 = arith.constant 0 : i32
      %scan3A_77 = arith.constant 0 : i32
      %scan3A_78 = arith.constant 5 : i32
      %scan3A_79 = arith.addi %scan3A_77, %scan3A_78 : i32
      %scan3A_80 = arith.constant 1 : i32
      %scan3A_81 = scf.for %scan3A_90 = %scan3A_77 to %scan3A_79 step %scan3A_80 iter_args(%scan3A_91 = %scan3A_76) -> (i32)  : i32 {
        %mul3A_92 = arith.constant 16 : i32
        %mul3A_93 = arith.muli %scan3A_90, %mul3A_92 : i32
        %get3A = arith.index_cast %mul3A_93 : i32 to index
        %get3A_94 = tpu.vector_load %arg6[%get3A] {strides = array<i32>} : memref<80xi32, #tpu.memory_space<vmem>>, vector<16xi32>,
        %get3A_95 = vector.shape_cast %get3A_94 : vector<16xi32> to vector<16xi32>
        %shift_right_logical3A = arith.constant 2 : i32
        %shift_right_logical3A_96 = vector.broadcast %shift_right_logical3A : i32 to vector<16xi32>
        %shift_right_logical3A_97 = arith.shrui %get3A_95, %shift_right_logical3A_96 : vector<16xi32>
        %mul3A_98 = arith.constant 16 : i32
        %mul3A_99 = arith.muli %scan3A_90, %mul3A_98 : i32
        %swap3A = arith.index_cast %mul3A_99 : i32 to index
        %swap3A_100 = tpu.vector_load %arg6[%swap3A] {strides = array<i32>} : memref<80xi32, #tpu.memory_space<vmem>>, vector<16xi32>,
        %swap3A_101 = vector.shape_cast %swap3A_100 : vector<16xi32> to vector<16xi32>
        %swap3A_102 = vector.shape_cast %shift_right_logical3A_97 : vector<16xi32> to vector<16xi32>
        tpu.vector_store %arg6[%swap3A], %swap3A_102 {strides = array<i32>} : memref<80xi32, #tpu.memory_space<vmem>>, vector<16xi32>,
        %mul3A_103 = arith.constant 16 : i32
        %mul3A_104 = arith.muli %scan3A_90, %mul3A_103 : i32
        %get3A_105 = arith.index_cast %mul3A_104 : i32 to index
        %get3A_106 = tpu.vector_load %arg7[%get3A_105] {strides = array<i32>} : memref<80xi32, #tpu.memory_space<vmem>>, vector<16xi32>,
        %get3A_107 = vector.shape_cast %get3A_106 : vector<16xi32> to vector<16xi32>
        %shift_right_logical3A_108 = arith.constant 2 : i32
        %shift_right_logical3A_109 = vector.broadcast %shift_right_logical3A_108 : i32 to vector<16xi32>
        %shift_right_logical3A_110 = arith.shrui %get3A_107, %shift_right_logical3A_109 : vector<16xi32>
        %mul3A_111 = arith.constant 16 : i32
        %mul3A_112 = arith.muli %scan3A_90, %mul3A_111 : i32
        %swap3A_113 = arith.index_cast %mul3A_112 : i32 to index
        %swap3A_114 = tpu.vector_load %arg7[%swap3A_113] {strides = array<i32>} : memref<80xi32, #tpu.memory_space<vmem>>, vector<16xi32>,
        %swap3A_115 = vector.shape_cast %swap3A_114 : vector<16xi32> to vector<16xi32>
        %swap3A_116 = vector.shape_cast %shift_right_logical3A_110 : vector<16xi32> to vector<16xi32>
        tpu.vector_store %arg7[%swap3A_113], %swap3A_116 {strides = array<i32>} : memref<80xi32, #tpu.memory_space<vmem>>, vector<16xi32>,
        %scan3A_117 = arith.constant 0 : i32
        scf.yield %scan3A_117 : i32
      }
      %scan3A_82 = arith.constant 5 : i32
      %dma_start3A_83 = arith.constant 0 : i32
      %dma_start3A_84 = arith.constant 0 : i32
      %dma_start3A_85 = tpu.memref_slice %arg2[%dma_start3A_83, %dma_start3A_84] : memref<2560x128xf32, #tpu.memory_space<hbm>> -> memref<2560x128xf32, #tpu.memory_space<hbm>>
      tpu.enqueue_indirect_dma source(%dma_start3A_85 : memref<2560x128xf32, #tpu.memory_space<hbm>>) target(%arg10 : memref<80x128xf32, #tpu.memory_space<vmem>>) offsets(%arg6 : memref<80xi32, #tpu.memory_space<vmem>>) semaphore(%arg14 : memref<!tpu.dma_semaphore, #tpu.memory_space<semaphore_mem>>)
      %dma_wait3A_86 = arith.constant 0 : i32
      %dma_wait3A_87 = arith.constant 0 : i32
      %dma_wait3A_88 = tpu.memref_slice %arg2[%dma_wait3A_86, %dma_wait3A_87] : memref<2560x128xf32, #tpu.memory_space<hbm>> -> memref<2560x128xf32, #tpu.memory_space<hbm>>
      tpu.wait_indirect_dma semaphore(%arg15 : memref<!tpu.dma_semaphore, #tpu.memory_space<semaphore_mem>>) src(%dma_wait3A_88 : memref<2560x128xf32, #tpu.memory_space<hbm>>) dst(%arg11 : memref<80x128xf32, #tpu.memory_space<vmem>>)
      "tpu.region"() ({
        %run_scoped3A = tpu.sem_alloc : memref<!tpu.dma_semaphore, #tpu.memory_space<semaphore_mem>>
        %dma_start3A_90 = arith.constant 0 : i32
        %dma_start3A_91 = arith.constant 0 : i32
        %dma_start3A_92 = tpu.memref_slice %arg13[%dma_start3A_90, %dma_start3A_91] : memref<2560x128xf32, #tpu.memory_space<vmem_shared>> -> memref<2560x128xf32, #tpu.memory_space<vmem_shared>>
        tpu.enqueue_indirect_dma source(%arg11 : memref<80x128xf32, #tpu.memory_space<vmem>>) target(%dma_start3A_92 : memref<2560x128xf32, #tpu.memory_space<vmem_shared>>) offsets(%arg9 : memref<80xi32, #tpu.memory_space<vmem>>) semaphore(%run_scoped3A : memref<!tpu.dma_semaphore, #tpu.memory_space<semaphore_mem>>) {add = true}
        %dma_wait3A_93 = arith.constant 0 : i32
        %dma_wait3A_94 = arith.constant 0 : i32
        %dma_wait3A_95 = tpu.memref_slice %arg13[%dma_wait3A_93, %dma_wait3A_94] : memref<2560x128xf32, #tpu.memory_space<vmem_shared>> -> memref<2560x128xf32, #tpu.memory_space<vmem_shared>>
        tpu.wait_indirect_dma semaphore(%run_scoped3A : memref<!tpu.dma_semaphore, #tpu.memory_space<semaphore_mem>>) src(%arg11 : memref<80x128xf32, #tpu.memory_space<vmem>>) dst(%dma_wait3A_95 : memref<2560x128xf32, #tpu.memory_space<vmem_shared>>)
        tpu.yield
      }) : () -> ()
      %scan3A_89 = arith.constant 0 : i32
      scf.yield %scan3A_89 : i32
    }
    %scan3A_34 = arith.constant 62 : i32
    %dma_wait3A = arith.constant 0 : i32
    %dma_wait3A_35 = arith.constant 0 : i32
    %dma_wait3A_36 = tpu.memref_slice %arg2[%dma_wait3A, %dma_wait3A_35] : memref<2560x128xf32, #tpu.memory_space<hbm>> -> memref<2560x128xf32, #tpu.memory_space<hbm>>
    tpu.wait_indirect_dma semaphore(%arg14 : memref<!tpu.dma_semaphore, #tpu.memory_space<semaphore_mem>>) src(%dma_wait3A_36 : memref<2560x128xf32, #tpu.memory_space<hbm>>) dst(%arg10 : memref<80x128xf32, #tpu.memory_space<vmem>>)
    "tpu.region"() ({
      %run_scoped3A = tpu.sem_alloc : memref<!tpu.dma_semaphore, #tpu.memory_space<semaphore_mem>>
      %dma_start3A_45 = arith.constant 0 : i32
      %dma_start3A_46 = arith.constant 0 : i32
      %dma_start3A_47 = tpu.memref_slice %arg13[%dma_start3A_45, %dma_start3A_46] : memref<2560x128xf32, #tpu.memory_space<vmem_shared>> -> memref<2560x128xf32, #tpu.memory_space<vmem_shared>>
      tpu.enqueue_indirect_dma source(%arg10 : memref<80x128xf32, #tpu.memory_space<vmem>>) target(%dma_start3A_47 : memref<2560x128xf32, #tpu.memory_space<vmem_shared>>) offsets(%arg7 : memref<80xi32, #tpu.memory_space<vmem>>) semaphore(%run_scoped3A : memref<!tpu.dma_semaphore, #tpu.memory_space<semaphore_mem>>) {add = true}
      %dma_wait3A_48 = arith.constant 0 : i32
      %dma_wait3A_49 = arith.constant 0 : i32
      %dma_wait3A_50 = tpu.memref_slice %arg13[%dma_wait3A_48, %dma_wait3A_49] : memref<2560x128xf32, #tpu.memory_space<vmem_shared>> -> memref<2560x128xf32, #tpu.memory_space<vmem_shared>>
      tpu.wait_indirect_dma semaphore(%run_scoped3A : memref<!tpu.dma_semaphore, #tpu.memory_space<semaphore_mem>>) src(%arg10 : memref<80x128xf32, #tpu.memory_space<vmem>>) dst(%dma_wait3A_50 : memref<2560x128xf32, #tpu.memory_space<vmem_shared>>)
      tpu.yield
    }) : () -> ()
    %barrier3A_37 = arith.constant 0 : index
    tpu.barrier barrier_id(%barrier3A_37)
    %mul3A_38 = arith.constant 160 : i32
    %mul3A_39 = arith.muli %arg1, %mul3A_38 : i32
    %mul3A_40 = arith.constant 2560 : i32
    %mul3A_41 = arith.muli %arg0, %mul3A_40 : i32
    %mul3A_42 = arith.constant 160 : i32
    %mul3A_43 = arith.muli %arg1, %mul3A_42 : i32
    %add3A_44 = arith.addi %mul3A_41, %mul3A_43 : i32
    "tpu.region"() ({
      %run_scoped3A = tpu.sem_alloc : memref<!tpu.dma_semaphore, #tpu.memory_space<semaphore_mem>>
      %dma_start3A_45 = arith.constant 0 : i32
      %dma_start3A_46 = tpu.memref_slice %arg5[%add3A_44, %dma_start3A_45] : memref<5120x128xf32, #tpu.memory_space<hbm>> -> memref<160x128xf32, #tpu.memory_space<hbm>>
      %dma_start3A_47 = arith.constant 0 : i32
      %dma_start3A_48 = tpu.memref_slice %arg13[%mul3A_39, %dma_start3A_47] : memref<2560x128xf32, #tpu.memory_space<vmem_shared>> -> memref<160x128xf32, #tpu.memory_space<vmem_shared>>
      tpu.enqueue_dma source(%dma_start3A_48 : memref<160x128xf32, #tpu.memory_space<vmem_shared>>) target(%dma_start3A_46 : memref<160x128xf32, #tpu.memory_space<hbm>>) target_semaphore(%run_scoped3A : memref<!tpu.dma_semaphore, #tpu.memory_space<semaphore_mem>>)
      %dma_wait3A_49 = arith.constant 0 : i32
      %dma_wait3A_50 = tpu.memref_slice %arg5[%add3A_44, %dma_wait3A_49] : memref<5120x128xf32, #tpu.memory_space<hbm>> -> memref<160x128xf32, #tpu.memory_space<hbm>>
      %dma_wait3A_51 = arith.constant 0 : i32
      %dma_wait3A_52 = tpu.memref_slice %arg13[%mul3A_39, %dma_wait3A_51] : memref<2560x128xf32, #tpu.memory_space<vmem_shared>> -> memref<160x128xf32, #tpu.memory_space<vmem_shared>>
      tpu.wait_dma2 semaphore(%run_scoped3A : memref<!tpu.dma_semaphore, #tpu.memory_space<semaphore_mem>>) src(%dma_wait3A_52 : memref<160x128xf32, #tpu.memory_space<vmem_shared>>) dst(%dma_wait3A_50 : memref<160x128xf32, #tpu.memory_space<hbm>>)
      tpu.yield
    }) : () -> ()
    return
  }
}

#map = affine_map<(d0, d1) -> (0)>
module attributes {stable_mosaic.version = 14 : i64} {
  func.func @k(%arg0: i32, %arg1: i32, %arg2: memref<2560xf32, #tpu.memory_space<hbm>>, %arg3: memref<2560xf32, #tpu.memory_space<hbm>>, %arg4: memref<320000xi32, #tpu.memory_space<hbm>>, %arg5: memref<320000xi32, #tpu.memory_space<hbm>>, %arg6: memref<5120xf32, #tpu.memory_space<hbm>>, %arg7: memref<80xi32, #tpu.memory_space<vmem>>, %arg8: memref<80xi32, #tpu.memory_space<vmem>>, %arg9: memref<80xf32, #tpu.memory_space<vmem>>, %arg10: memref<2560xf32, #tpu.memory_space<vmem>>, %arg11: memref<2560xf32, #tpu.memory_space<vmem>>, %arg12: memref<160xf32, #tpu.memory_space<vmem>>, %arg13: memref<2560xf32, #tpu.memory_space<vmem_shared>>) attributes {dimension_semantics = [#tpu.dimension_semantics<core_parallel>, #tpu.dimension_semantics<subcore_parallel>], iteration_bounds = array<i64: 2, 16>, scalar_prefetch = 0 : i64, scratch_operands = 7 : i64, tpu.core_type = #tpu.core_type<sc_vector_subcore>, window_params = [{transform_indices = #map}, {transform_indices = #map}, {transform_indices = #map}, {transform_indices = #map}, {transform_indices = #map}]} {
    %mul3A = arith.constant 16 : i32
    %mul3A_0 = arith.muli %arg0, %mul3A : i32
    %add3A = arith.addi %mul3A_0, %arg1 : i32
    %broadcast_in_dim3A = arith.constant 0.000000e+00 : f32
    %broadcast_in_dim3A_1 = vector.broadcast %broadcast_in_dim3A : f32 to vector<16xf32>
    "tpu.region"() ({
      %run_scoped3A = tpu.sem_alloc : memref<!tpu.dma_semaphore, #tpu.memory_space<semaphore_mem>>
      tpu.enqueue_dma source(%arg2 : memref<2560xf32, #tpu.memory_space<hbm>>) target(%arg10 : memref<2560xf32, #tpu.memory_space<vmem>>) target_semaphore(%run_scoped3A : memref<!tpu.dma_semaphore, #tpu.memory_space<semaphore_mem>>)
      tpu.wait_dma2 semaphore(%run_scoped3A : memref<!tpu.dma_semaphore, #tpu.memory_space<semaphore_mem>>) src(%arg2 : memref<2560xf32, #tpu.memory_space<hbm>>) dst(%arg10 : memref<2560xf32, #tpu.memory_space<vmem>>)
      tpu.yield
    }) : () -> ()
    "tpu.region"() ({
      %run_scoped3A = tpu.sem_alloc : memref<!tpu.dma_semaphore, #tpu.memory_space<semaphore_mem>>
      tpu.enqueue_dma source(%arg3 : memref<2560xf32, #tpu.memory_space<hbm>>) target(%arg11 : memref<2560xf32, #tpu.memory_space<vmem>>) target_semaphore(%run_scoped3A : memref<!tpu.dma_semaphore, #tpu.memory_space<semaphore_mem>>)
      tpu.wait_dma2 semaphore(%run_scoped3A : memref<!tpu.dma_semaphore, #tpu.memory_space<semaphore_mem>>) src(%arg3 : memref<2560xf32, #tpu.memory_space<hbm>>) dst(%arg11 : memref<2560xf32, #tpu.memory_space<vmem>>)
      tpu.yield
    }) : () -> ()
    %scan3A = arith.constant 0 : i32
    %scan3A_2 = arith.constant 0 : i32
    %scan3A_3 = arith.constant 10 : i32
    %scan3A_4 = arith.addi %scan3A_2, %scan3A_3 : i32
    %scan3A_5 = arith.constant 1 : i32
    %scan3A_6 = scf.for %scan3A_25 = %scan3A_2 to %scan3A_4 step %scan3A_5 iter_args(%scan3A_26 = %scan3A) -> (i32)  : i32 {
      %mul3A_27 = arith.constant 16 : i32
      %mul3A_28 = arith.muli %scan3A_25, %mul3A_27 : i32
      %swap3A = arith.index_cast %mul3A_28 : i32 to index
      %swap3A_29 = tpu.vector_load %arg12[%swap3A] {strides = array<i32>} : memref<160xf32, #tpu.memory_space<vmem>>, vector<16xf32>,
      tpu.vector_store %arg12[%swap3A], %broadcast_in_dim3A_1 {strides = array<i32>} : memref<160xf32, #tpu.memory_space<vmem>>, vector<16xf32>,
      %scan3A_30 = arith.constant 0 : i32
      scf.yield %scan3A_30 : i32
    }
    %scan3A_7 = arith.constant 10 : i32
    %mul3A_8 = arith.constant 160 : i32
    %mul3A_9 = arith.muli %arg1, %mul3A_8 : i32
    "tpu.region"() ({
      %run_scoped3A = tpu.sem_alloc : memref<!tpu.dma_semaphore, #tpu.memory_space<semaphore_mem>>
      %dma_start3A = tpu.memref_slice %arg13[%mul3A_9] : memref<2560xf32, #tpu.memory_space<vmem_shared>> -> memref<160xf32, #tpu.memory_space<vmem_shared>>
      %dma_start3A_25 = tpu.memref_slice %arg13[%mul3A_9] : memref<2560xf32, #tpu.memory_space<vmem_shared>> -> memref<160xf32, #tpu.memory_space<vmem_shared>>
      tpu.enqueue_dma source(%arg12 : memref<160xf32, #tpu.memory_space<vmem>>) target(%dma_start3A_25 : memref<160xf32, #tpu.memory_space<vmem_shared>>) target_semaphore(%run_scoped3A : memref<!tpu.dma_semaphore, #tpu.memory_space<semaphore_mem>>)
      %dma_wait3A = tpu.memref_slice %arg13[%mul3A_9] : memref<2560xf32, #tpu.memory_space<vmem_shared>> -> memref<160xf32, #tpu.memory_space<vmem_shared>>
      %dma_wait3A_26 = tpu.memref_slice %arg13[%mul3A_9] : memref<2560xf32, #tpu.memory_space<vmem_shared>> -> memref<160xf32, #tpu.memory_space<vmem_shared>>
      tpu.wait_dma2 semaphore(%run_scoped3A : memref<!tpu.dma_semaphore, #tpu.memory_space<semaphore_mem>>) src(%arg12 : memref<160xf32, #tpu.memory_space<vmem>>) dst(%dma_wait3A_26 : memref<160xf32, #tpu.memory_space<vmem_shared>>)
      tpu.yield
    }) : () -> ()
    %barrier3A = arith.constant 0 : index
    tpu.barrier barrier_id(%barrier3A)
    %scan3A_10 = arith.constant 0 : i32
    %scan3A_11 = arith.constant 0 : i32
    %scan3A_12 = arith.constant 125 : i32
    %scan3A_13 = arith.addi %scan3A_11, %scan3A_12 : i32
    %scan3A_14 = arith.constant 1 : i32
    %scan3A_15 = scf.for %scan3A_25 = %scan3A_11 to %scan3A_13 step %scan3A_14 iter_args(%scan3A_26 = %scan3A_10) -> (i32)  : i32 {
      %mul3A_27 = arith.constant 10000 : i32
      %mul3A_28 = arith.muli %add3A, %mul3A_27 : i32
      %mul3A_29 = arith.constant 80 : i32
      %mul3A_30 = arith.muli %scan3A_25, %mul3A_29 : i32
      %add3A_31 = arith.addi %mul3A_28, %mul3A_30 : i32
      "tpu.region"() ({
        %run_scoped3A = tpu.sem_alloc : memref<!tpu.dma_semaphore, #tpu.memory_space<semaphore_mem>>
        %dma_start3A = tpu.memref_slice %arg4[%add3A_31] : memref<320000xi32, #tpu.memory_space<hbm>> -> memref<80xi32, #tpu.memory_space<hbm>>
        %dma_start3A_40 = tpu.memref_slice %arg4[%add3A_31] : memref<320000xi32, #tpu.memory_space<hbm>> -> memref<80xi32, #tpu.memory_space<hbm>>
        tpu.enqueue_dma source(%dma_start3A_40 : memref<80xi32, #tpu.memory_space<hbm>>) target(%arg7 : memref<80xi32, #tpu.memory_space<vmem>>) target_semaphore(%run_scoped3A : memref<!tpu.dma_semaphore, #tpu.memory_space<semaphore_mem>>)
        %dma_wait3A = tpu.memref_slice %arg4[%add3A_31] : memref<320000xi32, #tpu.memory_space<hbm>> -> memref<80xi32, #tpu.memory_space<hbm>>
        %dma_wait3A_41 = tpu.memref_slice %arg4[%add3A_31] : memref<320000xi32, #tpu.memory_space<hbm>> -> memref<80xi32, #tpu.memory_space<hbm>>
        tpu.wait_dma2 semaphore(%run_scoped3A : memref<!tpu.dma_semaphore, #tpu.memory_space<semaphore_mem>>) src(%dma_wait3A_41 : memref<80xi32, #tpu.memory_space<hbm>>) dst(%arg7 : memref<80xi32, #tpu.memory_space<vmem>>)
        tpu.yield
      }) : () -> ()
      "tpu.region"() ({
        %run_scoped3A = tpu.sem_alloc : memref<!tpu.dma_semaphore, #tpu.memory_space<semaphore_mem>>
        %dma_start3A = tpu.memref_slice %arg5[%add3A_31] : memref<320000xi32, #tpu.memory_space<hbm>> -> memref<80xi32, #tpu.memory_space<hbm>>
        %dma_start3A_40 = tpu.memref_slice %arg5[%add3A_31] : memref<320000xi32, #tpu.memory_space<hbm>> -> memref<80xi32, #tpu.memory_space<hbm>>
        tpu.enqueue_dma source(%dma_start3A_40 : memref<80xi32, #tpu.memory_space<hbm>>) target(%arg8 : memref<80xi32, #tpu.memory_space<vmem>>) target_semaphore(%run_scoped3A : memref<!tpu.dma_semaphore, #tpu.memory_space<semaphore_mem>>)
        %dma_wait3A = tpu.memref_slice %arg5[%add3A_31] : memref<320000xi32, #tpu.memory_space<hbm>> -> memref<80xi32, #tpu.memory_space<hbm>>
        %dma_wait3A_41 = tpu.memref_slice %arg5[%add3A_31] : memref<320000xi32, #tpu.memory_space<hbm>> -> memref<80xi32, #tpu.memory_space<hbm>>
        tpu.wait_dma2 semaphore(%run_scoped3A : memref<!tpu.dma_semaphore, #tpu.memory_space<semaphore_mem>>) src(%dma_wait3A_41 : memref<80xi32, #tpu.memory_space<hbm>>) dst(%arg8 : memref<80xi32, #tpu.memory_space<vmem>>)
        tpu.yield
      }) : () -> ()
      %scan3A_32 = arith.constant 0 : i32
      %scan3A_33 = arith.constant 0 : i32
      %scan3A_34 = arith.constant 5 : i32
      %scan3A_35 = arith.addi %scan3A_33, %scan3A_34 : i32
      %scan3A_36 = arith.constant 1 : i32
      %scan3A_37 = scf.for %scan3A_40 = %scan3A_33 to %scan3A_35 step %scan3A_36 iter_args(%scan3A_41 = %scan3A_32) -> (i32)  : i32 {
        %mul3A_42 = arith.constant 16 : i32
        %mul3A_43 = arith.muli %scan3A_40, %mul3A_42 : i32
        %get3A = arith.index_cast %mul3A_43 : i32 to index
        %get3A_44 = tpu.vector_load %arg7[%get3A] {strides = array<i32>} : memref<80xi32, #tpu.memory_space<vmem>>, vector<16xi32>,
        %get3A_45 = vector.shape_cast %get3A_44 : vector<16xi32> to vector<16xi32>
        %mul3A_46 = arith.constant 16 : i32
        %mul3A_47 = arith.muli %scan3A_40, %mul3A_46 : i32
        %get3A_48 = arith.index_cast %mul3A_47 : i32 to index
        %get3A_49 = tpu.vector_load %arg8[%get3A_48] {strides = array<i32>} : memref<80xi32, #tpu.memory_space<vmem>>, vector<16xi32>,
        %get3A_50 = vector.shape_cast %get3A_49 : vector<16xi32> to vector<16xi32>
        %shift_right_logical3A = arith.constant 2 : i32
        %shift_right_logical3A_51 = vector.broadcast %shift_right_logical3A : i32 to vector<16xi32>
        %shift_right_logical3A_52 = arith.shrui %get3A_45, %shift_right_logical3A_51 : vector<16xi32>
        %shift_right_logical3A_53 = arith.constant 2 : i32
        %shift_right_logical3A_54 = vector.broadcast %shift_right_logical3A_53 : i32 to vector<16xi32>
        %shift_right_logical3A_55 = arith.shrui %get3A_50, %shift_right_logical3A_54 : vector<16xi32>
        %mul3A_56 = arith.constant 16 : i32
        %mul3A_57 = arith.muli %scan3A_40, %mul3A_56 : i32
        %swap3A = arith.index_cast %mul3A_57 : i32 to index
        %swap3A_58 = tpu.vector_load %arg8[%swap3A] {strides = array<i32>} : memref<80xi32, #tpu.memory_space<vmem>>, vector<16xi32>,
        %swap3A_59 = vector.shape_cast %swap3A_58 : vector<16xi32> to vector<16xi32>
        %swap3A_60 = vector.shape_cast %shift_right_logical3A_55 : vector<16xi32> to vector<16xi32>
        tpu.vector_store %arg8[%swap3A], %swap3A_60 {strides = array<i32>} : memref<80xi32, #tpu.memory_space<vmem>>, vector<16xi32>,
        %gather3A = tpu.vector_load_idx %arg10[%shift_right_logical3A_52] : memref<2560xf32, #tpu.memory_space<vmem>>[vector<16xi32>], vector<16xf32>,
        %gather3A_61 = tpu.vector_load_idx %arg11[%shift_right_logical3A_55] : memref<2560xf32, #tpu.memory_space<vmem>>[vector<16xi32>], vector<16xf32>,
        %add3A_62 = arith.addf %gather3A, %gather3A_61 : vector<16xf32>
        %neg3A = arith.constant 0.000000e+00 : f32
        %neg3A_63 = vector.broadcast %neg3A : f32 to vector<16xf32>
        %neg3A_64 = arith.subf %neg3A_63, %add3A_62 : vector<16xf32>
        %exp3A = math.exp %neg3A_64 : vector<16xf32>
        %add3A_65 = arith.constant 1.000000e+00 : f32
        %add3A_66 = vector.broadcast %add3A_65 : f32 to vector<16xf32>
        %add3A_67 = arith.addf %add3A_66, %exp3A : vector<16xf32>
        %div3A = arith.constant 1.000000e+00 : f32
        %div3A_68 = vector.broadcast %div3A : f32 to vector<16xf32>
        %div3A_69 = arith.divf %div3A_68, %add3A_67 : vector<16xf32>
        %mul3A_70 = arith.constant 16 : i32
        %mul3A_71 = arith.muli %scan3A_40, %mul3A_70 : i32
        %swap3A_72 = arith.index_cast %mul3A_71 : i32 to index
        %swap3A_73 = tpu.vector_load %arg9[%swap3A_72] {strides = array<i32>} : memref<80xf32, #tpu.memory_space<vmem>>, vector<16xf32>,
        %swap3A_74 = vector.shape_cast %swap3A_73 : vector<16xf32> to vector<16xf32>
        %swap3A_75 = vector.shape_cast %div3A_69 : vector<16xf32> to vector<16xf32>
        tpu.vector_store %arg9[%swap3A_72], %swap3A_75 {strides = array<i32>} : memref<80xf32, #tpu.memory_space<vmem>>, vector<16xf32>,
        %scan3A_76 = arith.constant 0 : i32
        scf.yield %scan3A_76 : i32
      }
      %scan3A_38 = arith.constant 5 : i32
      "tpu.region"() ({
        %run_scoped3A = tpu.sem_alloc : memref<!tpu.dma_semaphore, #tpu.memory_space<semaphore_mem>>
        %dma_start3A = arith.constant 0 : i32
        %dma_start3A_40 = tpu.memref_slice %arg13[%dma_start3A] : memref<2560xf32, #tpu.memory_space<vmem_shared>> -> memref<2560xf32, #tpu.memory_space<vmem_shared>>
        tpu.enqueue_indirect_dma source(%arg9 : memref<80xf32, #tpu.memory_space<vmem>>) target(%dma_start3A_40 : memref<2560xf32, #tpu.memory_space<vmem_shared>>) offsets(%arg8 : memref<80xi32, #tpu.memory_space<vmem>>) semaphore(%run_scoped3A : memref<!tpu.dma_semaphore, #tpu.memory_space<semaphore_mem>>) {add = true}
        %dma_wait3A = arith.constant 0 : i32
        %dma_wait3A_41 = tpu.memref_slice %arg13[%dma_wait3A] : memref<2560xf32, #tpu.memory_space<vmem_shared>> -> memref<2560xf32, #tpu.memory_space<vmem_shared>>
        tpu.wait_indirect_dma semaphore(%run_scoped3A : memref<!tpu.dma_semaphore, #tpu.memory_space<semaphore_mem>>) src(%arg9 : memref<80xf32, #tpu.memory_space<vmem>>) dst(%dma_wait3A_41 : memref<2560xf32, #tpu.memory_space<vmem_shared>>)
        tpu.yield
      }) : () -> ()
      %scan3A_39 = arith.constant 0 : i32
      scf.yield %scan3A_39 : i32
    }
    %scan3A_16 = arith.constant 125 : i32
    %barrier3A_17 = arith.constant 0 : index
    tpu.barrier barrier_id(%barrier3A_17)
    %mul3A_18 = arith.constant 160 : i32
    %mul3A_19 = arith.muli %arg1, %mul3A_18 : i32
    "tpu.region"() ({
      %run_scoped3A = tpu.sem_alloc : memref<!tpu.dma_semaphore, #tpu.memory_space<semaphore_mem>>
      %dma_start3A = tpu.memref_slice %arg13[%mul3A_19] : memref<2560xf32, #tpu.memory_space<vmem_shared>> -> memref<160xf32, #tpu.memory_space<vmem_shared>>
      %dma_start3A_25 = tpu.memref_slice %arg13[%mul3A_19] : memref<2560xf32, #tpu.memory_space<vmem_shared>> -> memref<160xf32, #tpu.memory_space<vmem_shared>>
      tpu.enqueue_dma source(%dma_start3A_25 : memref<160xf32, #tpu.memory_space<vmem_shared>>) target(%arg12 : memref<160xf32, #tpu.memory_space<vmem>>) target_semaphore(%run_scoped3A : memref<!tpu.dma_semaphore, #tpu.memory_space<semaphore_mem>>)
      %dma_wait3A = tpu.memref_slice %arg13[%mul3A_19] : memref<2560xf32, #tpu.memory_space<vmem_shared>> -> memref<160xf32, #tpu.memory_space<vmem_shared>>
      %dma_wait3A_26 = tpu.memref_slice %arg13[%mul3A_19] : memref<2560xf32, #tpu.memory_space<vmem_shared>> -> memref<160xf32, #tpu.memory_space<vmem_shared>>
      tpu.wait_dma2 semaphore(%run_scoped3A : memref<!tpu.dma_semaphore, #tpu.memory_space<semaphore_mem>>) src(%dma_wait3A_26 : memref<160xf32, #tpu.memory_space<vmem_shared>>) dst(%arg12 : memref<160xf32, #tpu.memory_space<vmem>>)
      tpu.yield
    }) : () -> ()
    %mul3A_20 = arith.constant 2560 : i32
    %mul3A_21 = arith.muli %arg0, %mul3A_20 : i32
    %mul3A_22 = arith.constant 160 : i32
    %mul3A_23 = arith.muli %arg1, %mul3A_22 : i32
    %add3A_24 = arith.addi %mul3A_21, %mul3A_23 : i32
    "tpu.region"() ({
      %run_scoped3A = tpu.sem_alloc : memref<!tpu.dma_semaphore, #tpu.memory_space<semaphore_mem>>
      %dma_start3A = tpu.memref_slice %arg6[%add3A_24] : memref<5120xf32, #tpu.memory_space<hbm>> -> memref<160xf32, #tpu.memory_space<hbm>>
      %dma_start3A_25 = tpu.memref_slice %arg6[%add3A_24] : memref<5120xf32, #tpu.memory_space<hbm>> -> memref<160xf32, #tpu.memory_space<hbm>>
      tpu.enqueue_dma source(%arg12 : memref<160xf32, #tpu.memory_space<vmem>>) target(%dma_start3A_25 : memref<160xf32, #tpu.memory_space<hbm>>) target_semaphore(%run_scoped3A : memref<!tpu.dma_semaphore, #tpu.memory_space<semaphore_mem>>)
      %dma_wait3A = tpu.memref_slice %arg6[%add3A_24] : memref<5120xf32, #tpu.memory_space<hbm>> -> memref<160xf32, #tpu.memory_space<hbm>>
      %dma_wait3A_26 = tpu.memref_slice %arg6[%add3A_24] : memref<5120xf32, #tpu.memory_space<hbm>> -> memref<160xf32, #tpu.memory_space<hbm>>
      tpu.wait_dma2 semaphore(%run_scoped3A : memref<!tpu.dma_semaphore, #tpu.memory_space<semaphore_mem>>) src(%arg12 : memref<160xf32, #tpu.memory_space<vmem>>) dst(%dma_wait3A_26 : memref<160xf32, #tpu.memory_space<hbm>>)
      tpu.yield
    }) : () -> ()
    return
  }
}

module attributes {stable_mosaic.version = 14 : i64} {
  func.func @_lambda_(%arg0: memref<10240x1xf32, #tpu.memory_space<vmem>>, %arg1: memref<10240x1xf32, #tpu.memory_space<vmem>>, %arg2: memref<5120x1xf32, #tpu.memory_space<vmem>>, %arg3: memref<5120x1xf32, #tpu.memory_space<vmem>>, %arg4: memref<2560x1xf32, #tpu.memory_space<vmem>>, %arg5: memref<2560x1xf32, #tpu.memory_space<vmem>>, %arg6: memref<10240x1xf32, #tpu.memory_space<vmem>>, %arg7: memref<5120x1xf32, #tpu.memory_space<vmem>>, %arg8: memref<2560x1xf32, #tpu.memory_space<vmem>>, %arg9: memref<10240x1xf32, #tpu.memory_space<vmem>>, %arg10: memref<5120x1xf32, #tpu.memory_space<vmem>>, %arg11: memref<2560x1xf32, #tpu.memory_space<vmem>>) attributes {dimension_semantics = [], scalar_prefetch = 0 : i64, scratch_operands = 0 : i64, tpu.core_type = #tpu.core_type<tc>} {
    %get3A = arith.constant 0 : index
    %get3A_0 = arith.constant 0 : index
    %get3A_1 = vector.load %arg0[%get3A, %get3A_0] : memref<10240x1xf32, #tpu.memory_space<vmem>>, vector<10240x1xf32>
    %get3A_2 = arith.constant 0 : index
    %get3A_3 = arith.constant 0 : index
    %get3A_4 = vector.load %arg1[%get3A_2, %get3A_3] : memref<10240x1xf32, #tpu.memory_space<vmem>>, vector<10240x1xf32>
    %add3A = arith.addf %get3A_1, %get3A_4 : vector<10240x1xf32>
    %add3A_5 = arith.constant 1.000000e+00 : f32
    %add3A_6 = vector.broadcast %add3A_5 : f32 to vector<10240x1xf32>
    %add3A_7 = arith.addf %add3A, %add3A_6 : vector<10240x1xf32>
    %rsqrt3A = math.rsqrt %add3A_7 : vector<10240x1xf32>
    %swap3A = arith.constant 0 : index
    %swap3A_8 = arith.constant 0 : index
    %swap3A_9 = vector.load %arg6[%swap3A, %swap3A_8] : memref<10240x1xf32, #tpu.memory_space<vmem>>, vector<10240x1xf32>
    tpu.vector_store %arg6[%swap3A, %swap3A_8], %rsqrt3A {strides = array<i32>} : memref<10240x1xf32, #tpu.memory_space<vmem>>, vector<10240x1xf32>,
    %max3A = arith.constant 1.000000e+00 : f32
    %max3A_10 = vector.broadcast %max3A : f32 to vector<10240x1xf32>
    %max3A_11 = arith.maximumf %add3A, %max3A_10 : vector<10240x1xf32>
    %swap3A_12 = arith.constant 0 : index
    %swap3A_13 = arith.constant 0 : index
    %swap3A_14 = vector.load %arg9[%swap3A_12, %swap3A_13] : memref<10240x1xf32, #tpu.memory_space<vmem>>, vector<10240x1xf32>
    tpu.vector_store %arg9[%swap3A_12, %swap3A_13], %max3A_11 {strides = array<i32>} : memref<10240x1xf32, #tpu.memory_space<vmem>>, vector<10240x1xf32>,
    %get3A_15 = arith.constant 0 : index
    %get3A_16 = arith.constant 0 : index
    %get3A_17 = vector.load %arg2[%get3A_15, %get3A_16] : memref<5120x1xf32, #tpu.memory_space<vmem>>, vector<5120x1xf32>
    %get3A_18 = arith.constant 0 : index
    %get3A_19 = arith.constant 0 : index
    %get3A_20 = vector.load %arg3[%get3A_18, %get3A_19] : memref<5120x1xf32, #tpu.memory_space<vmem>>, vector<5120x1xf32>
    %add3A_21 = arith.addf %get3A_17, %get3A_20 : vector<5120x1xf32>
    %add3A_22 = arith.constant 1.000000e+00 : f32
    %add3A_23 = vector.broadcast %add3A_22 : f32 to vector<5120x1xf32>
    %add3A_24 = arith.addf %add3A_21, %add3A_23 : vector<5120x1xf32>
    %rsqrt3A_25 = math.rsqrt %add3A_24 : vector<5120x1xf32>
    %swap3A_26 = arith.constant 0 : index
    %swap3A_27 = arith.constant 0 : index
    %swap3A_28 = vector.load %arg7[%swap3A_26, %swap3A_27] : memref<5120x1xf32, #tpu.memory_space<vmem>>, vector<5120x1xf32>
    tpu.vector_store %arg7[%swap3A_26, %swap3A_27], %rsqrt3A_25 {strides = array<i32>} : memref<5120x1xf32, #tpu.memory_space<vmem>>, vector<5120x1xf32>,
    %max3A_29 = arith.constant 1.000000e+00 : f32
    %max3A_30 = vector.broadcast %max3A_29 : f32 to vector<5120x1xf32>
    %max3A_31 = arith.maximumf %add3A_21, %max3A_30 : vector<5120x1xf32>
    %swap3A_32 = arith.constant 0 : index
    %swap3A_33 = arith.constant 0 : index
    %swap3A_34 = vector.load %arg10[%swap3A_32, %swap3A_33] : memref<5120x1xf32, #tpu.memory_space<vmem>>, vector<5120x1xf32>
    tpu.vector_store %arg10[%swap3A_32, %swap3A_33], %max3A_31 {strides = array<i32>} : memref<5120x1xf32, #tpu.memory_space<vmem>>, vector<5120x1xf32>,
    %get3A_35 = arith.constant 0 : index
    %get3A_36 = arith.constant 0 : index
    %get3A_37 = vector.load %arg4[%get3A_35, %get3A_36] : memref<2560x1xf32, #tpu.memory_space<vmem>>, vector<2560x1xf32>
    %get3A_38 = arith.constant 0 : index
    %get3A_39 = arith.constant 0 : index
    %get3A_40 = vector.load %arg5[%get3A_38, %get3A_39] : memref<2560x1xf32, #tpu.memory_space<vmem>>, vector<2560x1xf32>
    %add3A_41 = arith.addf %get3A_37, %get3A_40 : vector<2560x1xf32>
    %add3A_42 = arith.constant 1.000000e+00 : f32
    %add3A_43 = vector.broadcast %add3A_42 : f32 to vector<2560x1xf32>
    %add3A_44 = arith.addf %add3A_41, %add3A_43 : vector<2560x1xf32>
    %rsqrt3A_45 = math.rsqrt %add3A_44 : vector<2560x1xf32>
    %swap3A_46 = arith.constant 0 : index
    %swap3A_47 = arith.constant 0 : index
    %swap3A_48 = vector.load %arg8[%swap3A_46, %swap3A_47] : memref<2560x1xf32, #tpu.memory_space<vmem>>, vector<2560x1xf32>
    tpu.vector_store %arg8[%swap3A_46, %swap3A_47], %rsqrt3A_45 {strides = array<i32>} : memref<2560x1xf32, #tpu.memory_space<vmem>>, vector<2560x1xf32>,
    %max3A_49 = arith.constant 1.000000e+00 : f32
    %max3A_50 = vector.broadcast %max3A_49 : f32 to vector<2560x1xf32>
    %max3A_51 = arith.maximumf %add3A_41, %max3A_50 : vector<2560x1xf32>
    %swap3A_52 = arith.constant 0 : index
    %swap3A_53 = arith.constant 0 : index
    %swap3A_54 = vector.load %arg11[%swap3A_52, %swap3A_53] : memref<2560x1xf32, #tpu.memory_space<vmem>>, vector<2560x1xf32>
    tpu.vector_store %arg11[%swap3A_52, %swap3A_53], %max3A_51 {strides = array<i32>} : memref<2560x1xf32, #tpu.memory_space<vmem>>, vector<2560x1xf32>,
    return
  }
}

module attributes {stable_mosaic.version = 14 : i64} {
  func.func @_tc_in_body(%arg0: i32, %arg1: memref<2560x128xf32, #tpu.memory_space<vmem>>, %arg2: memref<128x128xf32, #tpu.memory_space<vmem>>, %arg3: memref<2560x1xf32, #tpu.memory_space<vmem>>, %arg4: memref<2560x128xf32, #tpu.memory_space<vmem>>) attributes {dimension_semantics = [#tpu.dimension_semantics<arbitrary>], iteration_bounds = array<i64: 4>, scalar_prefetch = 0 : i64, scratch_operands = 0 : i64, tpu.core_type = #tpu.core_type<tc>, window_params = [{transform_indices = @transform_0, window_bounds = array<i64: 2560, 128>}, {pipeline_mode = #tpu.pipeline_mode<synchronous>, transform_indices = @transform_1, window_bounds = array<i64: 128, 128>}, {transform_indices = @transform_2, window_bounds = array<i64: 2560, 1>}, {transform_indices = @transform_3, window_bounds = array<i64: 2560, 128>}]} {
    %get3A = arith.constant 0 : index
    %get3A_0 = arith.constant 0 : index
    %get3A_1 = vector.load %arg1[%get3A, %get3A_0] : memref<2560x128xf32, #tpu.memory_space<vmem>>, vector<2560x128xf32>
    %get3A_2 = arith.constant 0 : index
    %get3A_3 = arith.constant 0 : index
    %get3A_4 = vector.load %arg2[%get3A_2, %get3A_3] : memref<128x128xf32, #tpu.memory_space<vmem>>, vector<128x128xf32>
    %dot_general3A = arith.constant dense<0.000000e+00> : vector<2560x128xf32>
    %dot_general3A_5 = tpu.matmul %get3A_1, %get3A_4, %dot_general3A {dimension_numbers = #tpu.dot_dimension_numbers<[1], [0], [0], [1], [0, 0, 1, 1], [], []>, transpose_lhs_hint = false} : vector<2560x128xf32>, vector<128x128xf32>, vector<2560x128xf32> -> vector<2560x128xf32>
    %get3A_6 = arith.constant 0 : index
    %get3A_7 = arith.constant 0 : index
    %get3A_8 = vector.load %arg3[%get3A_6, %get3A_7] : memref<2560x1xf32, #tpu.memory_space<vmem>>, vector<2560x1xf32>
    %mul3A = vector.broadcast %get3A_8 : vector<2560x1xf32> to vector<2560x128xf32>
    %mul3A_9 = arith.mulf %dot_general3A_5, %mul3A : vector<2560x128xf32>
    %swap3A = arith.constant 0 : index
    %swap3A_10 = arith.constant 0 : index
    %swap3A_11 = vector.load %arg4[%swap3A, %swap3A_10] : memref<2560x128xf32, #tpu.memory_space<vmem>>, vector<2560x128xf32>
    tpu.vector_store %arg4[%swap3A, %swap3A_10], %mul3A_9 {strides = array<i32>} : memref<2560x128xf32, #tpu.memory_space<vmem>>, vector<2560x128xf32>,
    return
  }
  func.func @transform_0(%arg0: i32) -> (i32, i32) {
    %c0_i32 = arith.constant 0 : i32
    %c0_i32_0 = arith.constant 0 : i32
    return %arg0, %c0_i32 : i32, i32
  }
  func.func @transform_1(%arg0: i32) -> (i32, i32) {
    %c0_i32 = arith.constant 0 : i32
    %c0_i32_0 = arith.constant 0 : i32
    %c0_i32_1 = arith.constant 0 : i32
    return %c0_i32, %c0_i32_0 : i32, i32
  }
  func.func @transform_2(%arg0: i32) -> (i32, i32) {
    %c0_i32 = arith.constant 0 : i32
    %c0_i32_0 = arith.constant 0 : i32
    return %arg0, %c0_i32 : i32, i32
  }
  func.func @transform_3(%arg0: i32) -> (i32, i32) {
    %c0_i32 = arith.constant 0 : i32
    %c0_i32_0 = arith.constant 0 : i32
    return %arg0, %c0_i32 : i32, i32
  }
}

module attributes {stable_mosaic.version = 14 : i64} {
  func.func @_tc_img_body(%arg0: i32, %arg1: memref<1x28x28xf32, #tpu.memory_space<vmem>>, %arg2: memref<600x128xf32, #tpu.memory_space<vmem>>, %arg3: memref<1x1x128xf32, #tpu.memory_space<vmem>>, %arg4: memref<1x1x128xf32, #tpu.memory_space<vmem>>, %arg5: memref<1x1x128xf32, #tpu.memory_space<vmem>>) attributes {dimension_semantics = [#tpu.dimension_semantics<arbitrary>], iteration_bounds = array<i64: 100>, scalar_prefetch = 0 : i64, scratch_operands = 0 : i64, tpu.core_type = #tpu.core_type<tc>, window_params = [{transform_indices = @transform_0, window_bounds = array<i64: 1, 28, 28>}, {pipeline_mode = #tpu.pipeline_mode<synchronous>, transform_indices = @transform_1, window_bounds = array<i64: 600, 128>}, {transform_indices = @transform_2, window_bounds = array<i64: 1, 1, 128>}, {transform_indices = @transform_3, window_bounds = array<i64: 1, 1, 128>}, {transform_indices = @transform_4, window_bounds = array<i64: 1, 1, 128>}]} {
    %get3A = arith.constant 0 : index
    %get3A_0 = arith.constant 0 : index
    %get3A_1 = arith.constant 0 : index
    %get3A_2 = vector.load %arg1[%get3A, %get3A_0, %get3A_1] : memref<1x28x28xf32, #tpu.memory_space<vmem>>, vector<1x28x28xf32>
    %get3A_3 = vector.shape_cast %get3A_2 : vector<1x28x28xf32> to vector<28x28xf32>
    %mul3A = arith.constant 6.000000e+02 : f32
    %mul3A_4 = vector.broadcast %mul3A : f32 to vector<28x28xf32>
    %mul3A_5 = arith.mulf %get3A_3, %mul3A_4 : vector<28x28xf32>
    %floor3A = math.floor %mul3A_5 : vector<28x28xf32>
    %convert_element_type3A = arith.fptosi %floor3A : vector<28x28xf32> to vector<28x28xi32>
    %jit3A = arith.constant 0 : i32
    %jit3A_6 = arith.constant 599 : i32
    %max3A = vector.broadcast %jit3A : i32 to vector<28x28xi32>
    %max3A_7 = arith.maxsi %max3A, %convert_element_type3A : vector<28x28xi32>
    %min3A = vector.broadcast %jit3A_6 : i32 to vector<28x28xi32>
    %min3A_8 = arith.minsi %min3A, %max3A_7 : vector<28x28xi32>
    %iota3A = tpu.iota {dimensions = array<i32: 1>} : vector<28x600xi32>
    %broadcast_in_dim3A = arith.constant 0.000000e+00 : f32
    %broadcast_in_dim3A_9 = vector.broadcast %broadcast_in_dim3A : f32 to vector<28x600xf32>
    %slice3A = vector.extract_strided_slice %min3A_8 {offsets = [0, 0], sizes = [28, 1], strides = [1, 1]} : vector<28x28xi32> to vector<28x1xi32>
    %eq3A = vector.broadcast %slice3A : vector<28x1xi32> to vector<28x600xi32>
    %eq3A_10 = arith.cmpi eq, %eq3A, %iota3A : vector<28x600xi32>
    %convert_element_type3A_11 = arith.extui %eq3A_10 : vector<28x600xi1> to vector<28x600xi32>
    %convert_element_type3A_12 = arith.sitofp %convert_element_type3A_11 : vector<28x600xi32> to vector<28x600xf32>
    %add3A = arith.addf %broadcast_in_dim3A_9, %convert_element_type3A_12 : vector<28x600xf32>
    %slice3A_13 = vector.extract_strided_slice %min3A_8 {offsets = [0, 1], sizes = [28, 1], strides = [1, 1]} : vector<28x28xi32> to vector<28x1xi32>
    %eq3A_14 = vector.broadcast %slice3A_13 : vector<28x1xi32> to vector<28x600xi32>
    %eq3A_15 = arith.cmpi eq, %eq3A_14, %iota3A : vector<28x600xi32>
    %convert_element_type3A_16 = arith.extui %eq3A_15 : vector<28x600xi1> to vector<28x600xi32>
    %convert_element_type3A_17 = arith.sitofp %convert_element_type3A_16 : vector<28x600xi32> to vector<28x600xf32>
    %add3A_18 = arith.addf %add3A, %convert_element_type3A_17 : vector<28x600xf32>
    %slice3A_19 = vector.extract_strided_slice %min3A_8 {offsets = [0, 2], sizes = [28, 1], strides = [1, 1]} : vector<28x28xi32> to vector<28x1xi32>
    %eq3A_20 = vector.broadcast %slice3A_19 : vector<28x1xi32> to vector<28x600xi32>
    %eq3A_21 = arith.cmpi eq, %eq3A_20, %iota3A : vector<28x600xi32>
    %convert_element_type3A_22 = arith.extui %eq3A_21 : vector<28x600xi1> to vector<28x600xi32>
    %convert_element_type3A_23 = arith.sitofp %convert_element_type3A_22 : vector<28x600xi32> to vector<28x600xf32>
    %add3A_24 = arith.addf %add3A_18, %convert_element_type3A_23 : vector<28x600xf32>
    %slice3A_25 = vector.extract_strided_slice %min3A_8 {offsets = [0, 3], sizes = [28, 1], strides = [1, 1]} : vector<28x28xi32> to vector<28x1xi32>
    %eq3A_26 = vector.broadcast %slice3A_25 : vector<28x1xi32> to vector<28x600xi32>
    %eq3A_27 = arith.cmpi eq, %eq3A_26, %iota3A : vector<28x600xi32>
    %convert_element_type3A_28 = arith.extui %eq3A_27 : vector<28x600xi1> to vector<28x600xi32>
    %convert_element_type3A_29 = arith.sitofp %convert_element_type3A_28 : vector<28x600xi32> to vector<28x600xf32>
    %add3A_30 = arith.addf %add3A_24, %convert_element_type3A_29 : vector<28x600xf32>
    %slice3A_31 = vector.extract_strided_slice %min3A_8 {offsets = [0, 4], sizes = [28, 1], strides = [1, 1]} : vector<28x28xi32> to vector<28x1xi32>
    %eq3A_32 = vector.broadcast %slice3A_31 : vector<28x1xi32> to vector<28x600xi32>
    %eq3A_33 = arith.cmpi eq, %eq3A_32, %iota3A : vector<28x600xi32>
    %convert_element_type3A_34 = arith.extui %eq3A_33 : vector<28x600xi1> to vector<28x600xi32>
    %convert_element_type3A_35 = arith.sitofp %convert_element_type3A_34 : vector<28x600xi32> to vector<28x600xf32>
    %add3A_36 = arith.addf %add3A_30, %convert_element_type3A_35 : vector<28x600xf32>
    %slice3A_37 = vector.extract_strided_slice %min3A_8 {offsets = [0, 5], sizes = [28, 1], strides = [1, 1]} : vector<28x28xi32> to vector<28x1xi32>
    %eq3A_38 = vector.broadcast %slice3A_37 : vector<28x1xi32> to vector<28x600xi32>
    %eq3A_39 = arith.cmpi eq, %eq3A_38, %iota3A : vector<28x600xi32>
    %convert_element_type3A_40 = arith.extui %eq3A_39 : vector<28x600xi1> to vector<28x600xi32>
    %convert_element_type3A_41 = arith.sitofp %convert_element_type3A_40 : vector<28x600xi32> to vector<28x600xf32>
    %add3A_42 = arith.addf %add3A_36, %convert_element_type3A_41 : vector<28x600xf32>
    %slice3A_43 = vector.extract_strided_slice %min3A_8 {offsets = [0, 6], sizes = [28, 1], strides = [1, 1]} : vector<28x28xi32> to vector<28x1xi32>
    %eq3A_44 = vector.broadcast %slice3A_43 : vector<28x1xi32> to vector<28x600xi32>
    %eq3A_45 = arith.cmpi eq, %eq3A_44, %iota3A : vector<28x600xi32>
    %convert_element_type3A_46 = arith.extui %eq3A_45 : vector<28x600xi1> to vector<28x600xi32>
    %convert_element_type3A_47 = arith.sitofp %convert_element_type3A_46 : vector<28x600xi32> to vector<28x600xf32>
    %add3A_48 = arith.addf %add3A_42, %convert_element_type3A_47 : vector<28x600xf32>
    %slice3A_49 = vector.extract_strided_slice %min3A_8 {offsets = [0, 7], sizes = [28, 1], strides = [1, 1]} : vector<28x28xi32> to vector<28x1xi32>
    %eq3A_50 = vector.broadcast %slice3A_49 : vector<28x1xi32> to vector<28x600xi32>
    %eq3A_51 = arith.cmpi eq, %eq3A_50, %iota3A : vector<28x600xi32>
    %convert_element_type3A_52 = arith.extui %eq3A_51 : vector<28x600xi1> to vector<28x600xi32>
    %convert_element_type3A_53 = arith.sitofp %convert_element_type3A_52 : vector<28x600xi32> to vector<28x600xf32>
    %add3A_54 = arith.addf %add3A_48, %convert_element_type3A_53 : vector<28x600xf32>
    %slice3A_55 = vector.extract_strided_slice %min3A_8 {offsets = [0, 8], sizes = [28, 1], strides = [1, 1]} : vector<28x28xi32> to vector<28x1xi32>
    %eq3A_56 = vector.broadcast %slice3A_55 : vector<28x1xi32> to vector<28x600xi32>
    %eq3A_57 = arith.cmpi eq, %eq3A_56, %iota3A : vector<28x600xi32>
    %convert_element_type3A_58 = arith.extui %eq3A_57 : vector<28x600xi1> to vector<28x600xi32>
    %convert_element_type3A_59 = arith.sitofp %convert_element_type3A_58 : vector<28x600xi32> to vector<28x600xf32>
    %add3A_60 = arith.addf %add3A_54, %convert_element_type3A_59 : vector<28x600xf32>
    %slice3A_61 = vector.extract_strided_slice %min3A_8 {offsets = [0, 9], sizes = [28, 1], strides = [1, 1]} : vector<28x28xi32> to vector<28x1xi32>
    %eq3A_62 = vector.broadcast %slice3A_61 : vector<28x1xi32> to vector<28x600xi32>
    %eq3A_63 = arith.cmpi eq, %eq3A_62, %iota3A : vector<28x600xi32>
    %convert_element_type3A_64 = arith.extui %eq3A_63 : vector<28x600xi1> to vector<28x600xi32>
    %convert_element_type3A_65 = arith.sitofp %convert_element_type3A_64 : vector<28x600xi32> to vector<28x600xf32>
    %add3A_66 = arith.addf %add3A_60, %convert_element_type3A_65 : vector<28x600xf32>
    %slice3A_67 = vector.extract_strided_slice %min3A_8 {offsets = [0, 10], sizes = [28, 1], strides = [1, 1]} : vector<28x28xi32> to vector<28x1xi32>
    %eq3A_68 = vector.broadcast %slice3A_67 : vector<28x1xi32> to vector<28x600xi32>
    %eq3A_69 = arith.cmpi eq, %eq3A_68, %iota3A : vector<28x600xi32>
    %convert_element_type3A_70 = arith.extui %eq3A_69 : vector<28x600xi1> to vector<28x600xi32>
    %convert_element_type3A_71 = arith.sitofp %convert_element_type3A_70 : vector<28x600xi32> to vector<28x600xf32>
    %add3A_72 = arith.addf %add3A_66, %convert_element_type3A_71 : vector<28x600xf32>
    %slice3A_73 = vector.extract_strided_slice %min3A_8 {offsets = [0, 11], sizes = [28, 1], strides = [1, 1]} : vector<28x28xi32> to vector<28x1xi32>
    %eq3A_74 = vector.broadcast %slice3A_73 : vector<28x1xi32> to vector<28x600xi32>
    %eq3A_75 = arith.cmpi eq, %eq3A_74, %iota3A : vector<28x600xi32>
    %convert_element_type3A_76 = arith.extui %eq3A_75 : vector<28x600xi1> to vector<28x600xi32>
    %convert_element_type3A_77 = arith.sitofp %convert_element_type3A_76 : vector<28x600xi32> to vector<28x600xf32>
    %add3A_78 = arith.addf %add3A_72, %convert_element_type3A_77 : vector<28x600xf32>
    %slice3A_79 = vector.extract_strided_slice %min3A_8 {offsets = [0, 12], sizes = [28, 1], strides = [1, 1]} : vector<28x28xi32> to vector<28x1xi32>
    %eq3A_80 = vector.broadcast %slice3A_79 : vector<28x1xi32> to vector<28x600xi32>
    %eq3A_81 = arith.cmpi eq, %eq3A_80, %iota3A : vector<28x600xi32>
    %convert_element_type3A_82 = arith.extui %eq3A_81 : vector<28x600xi1> to vector<28x600xi32>
    %convert_element_type3A_83 = arith.sitofp %convert_element_type3A_82 : vector<28x600xi32> to vector<28x600xf32>
    %add3A_84 = arith.addf %add3A_78, %convert_element_type3A_83 : vector<28x600xf32>
    %slice3A_85 = vector.extract_strided_slice %min3A_8 {offsets = [0, 13], sizes = [28, 1], strides = [1, 1]} : vector<28x28xi32> to vector<28x1xi32>
    %eq3A_86 = vector.broadcast %slice3A_85 : vector<28x1xi32> to vector<28x600xi32>
    %eq3A_87 = arith.cmpi eq, %eq3A_86, %iota3A : vector<28x600xi32>
    %convert_element_type3A_88 = arith.extui %eq3A_87 : vector<28x600xi1> to vector<28x600xi32>
    %convert_element_type3A_89 = arith.sitofp %convert_element_type3A_88 : vector<28x600xi32> to vector<28x600xf32>
    %add3A_90 = arith.addf %add3A_84, %convert_element_type3A_89 : vector<28x600xf32>
    %slice3A_91 = vector.extract_strided_slice %min3A_8 {offsets = [0, 14], sizes = [28, 1], strides = [1, 1]} : vector<28x28xi32> to vector<28x1xi32>
    %eq3A_92 = vector.broadcast %slice3A_91 : vector<28x1xi32> to vector<28x600xi32>
    %eq3A_93 = arith.cmpi eq, %eq3A_92, %iota3A : vector<28x600xi32>
    %convert_element_type3A_94 = arith.extui %eq3A_93 : vector<28x600xi1> to vector<28x600xi32>
    %convert_element_type3A_95 = arith.sitofp %convert_element_type3A_94 : vector<28x600xi32> to vector<28x600xf32>
    %add3A_96 = arith.addf %add3A_90, %convert_element_type3A_95 : vector<28x600xf32>
    %slice3A_97 = vector.extract_strided_slice %min3A_8 {offsets = [0, 15], sizes = [28, 1], strides = [1, 1]} : vector<28x28xi32> to vector<28x1xi32>
    %eq3A_98 = vector.broadcast %slice3A_97 : vector<28x1xi32> to vector<28x600xi32>
    %eq3A_99 = arith.cmpi eq, %eq3A_98, %iota3A : vector<28x600xi32>
    %convert_element_type3A_100 = arith.extui %eq3A_99 : vector<28x600xi1> to vector<28x600xi32>
    %convert_element_type3A_101 = arith.sitofp %convert_element_type3A_100 : vector<28x600xi32> to vector<28x600xf32>
    %add3A_102 = arith.addf %add3A_96, %convert_element_type3A_101 : vector<28x600xf32>
    %slice3A_103 = vector.extract_strided_slice %min3A_8 {offsets = [0, 16], sizes = [28, 1], strides = [1, 1]} : vector<28x28xi32> to vector<28x1xi32>
    %eq3A_104 = vector.broadcast %slice3A_103 : vector<28x1xi32> to vector<28x600xi32>
    %eq3A_105 = arith.cmpi eq, %eq3A_104, %iota3A : vector<28x600xi32>
    %convert_element_type3A_106 = arith.extui %eq3A_105 : vector<28x600xi1> to vector<28x600xi32>
    %convert_element_type3A_107 = arith.sitofp %convert_element_type3A_106 : vector<28x600xi32> to vector<28x600xf32>
    %add3A_108 = arith.addf %add3A_102, %convert_element_type3A_107 : vector<28x600xf32>
    %slice3A_109 = vector.extract_strided_slice %min3A_8 {offsets = [0, 17], sizes = [28, 1], strides = [1, 1]} : vector<28x28xi32> to vector<28x1xi32>
    %eq3A_110 = vector.broadcast %slice3A_109 : vector<28x1xi32> to vector<28x600xi32>
    %eq3A_111 = arith.cmpi eq, %eq3A_110, %iota3A : vector<28x600xi32>
    %convert_element_type3A_112 = arith.extui %eq3A_111 : vector<28x600xi1> to vector<28x600xi32>
    %convert_element_type3A_113 = arith.sitofp %convert_element_type3A_112 : vector<28x600xi32> to vector<28x600xf32>
    %add3A_114 = arith.addf %add3A_108, %convert_element_type3A_113 : vector<28x600xf32>
    %slice3A_115 = vector.extract_strided_slice %min3A_8 {offsets = [0, 18], sizes = [28, 1], strides = [1, 1]} : vector<28x28xi32> to vector<28x1xi32>
    %eq3A_116 = vector.broadcast %slice3A_115 : vector<28x1xi32> to vector<28x600xi32>
    %eq3A_117 = arith.cmpi eq, %eq3A_116, %iota3A : vector<28x600xi32>
    %convert_element_type3A_118 = arith.extui %eq3A_117 : vector<28x600xi1> to vector<28x600xi32>
    %convert_element_type3A_119 = arith.sitofp %convert_element_type3A_118 : vector<28x600xi32> to vector<28x600xf32>
    %add3A_120 = arith.addf %add3A_114, %convert_element_type3A_119 : vector<28x600xf32>
    %slice3A_121 = vector.extract_strided_slice %min3A_8 {offsets = [0, 19], sizes = [28, 1], strides = [1, 1]} : vector<28x28xi32> to vector<28x1xi32>
    %eq3A_122 = vector.broadcast %slice3A_121 : vector<28x1xi32> to vector<28x600xi32>
    %eq3A_123 = arith.cmpi eq, %eq3A_122, %iota3A : vector<28x600xi32>
    %convert_element_type3A_124 = arith.extui %eq3A_123 : vector<28x600xi1> to vector<28x600xi32>
    %convert_element_type3A_125 = arith.sitofp %convert_element_type3A_124 : vector<28x600xi32> to vector<28x600xf32>
    %add3A_126 = arith.addf %add3A_120, %convert_element_type3A_125 : vector<28x600xf32>
    %slice3A_127 = vector.extract_strided_slice %min3A_8 {offsets = [0, 20], sizes = [28, 1], strides = [1, 1]} : vector<28x28xi32> to vector<28x1xi32>
    %eq3A_128 = vector.broadcast %slice3A_127 : vector<28x1xi32> to vector<28x600xi32>
    %eq3A_129 = arith.cmpi eq, %eq3A_128, %iota3A : vector<28x600xi32>
    %convert_element_type3A_130 = arith.extui %eq3A_129 : vector<28x600xi1> to vector<28x600xi32>
    %convert_element_type3A_131 = arith.sitofp %convert_element_type3A_130 : vector<28x600xi32> to vector<28x600xf32>
    %add3A_132 = arith.addf %add3A_126, %convert_element_type3A_131 : vector<28x600xf32>
    %slice3A_133 = vector.extract_strided_slice %min3A_8 {offsets = [0, 21], sizes = [28, 1], strides = [1, 1]} : vector<28x28xi32> to vector<28x1xi32>
    %eq3A_134 = vector.broadcast %slice3A_133 : vector<28x1xi32> to vector<28x600xi32>
    %eq3A_135 = arith.cmpi eq, %eq3A_134, %iota3A : vector<28x600xi32>
    %convert_element_type3A_136 = arith.extui %eq3A_135 : vector<28x600xi1> to vector<28x600xi32>
    %convert_element_type3A_137 = arith.sitofp %convert_element_type3A_136 : vector<28x600xi32> to vector<28x600xf32>
    %add3A_138 = arith.addf %add3A_132, %convert_element_type3A_137 : vector<28x600xf32>
    %slice3A_139 = vector.extract_strided_slice %min3A_8 {offsets = [0, 22], sizes = [28, 1], strides = [1, 1]} : vector<28x28xi32> to vector<28x1xi32>
    %eq3A_140 = vector.broadcast %slice3A_139 : vector<28x1xi32> to vector<28x600xi32>
    %eq3A_141 = arith.cmpi eq, %eq3A_140, %iota3A : vector<28x600xi32>
    %convert_element_type3A_142 = arith.extui %eq3A_141 : vector<28x600xi1> to vector<28x600xi32>
    %convert_element_type3A_143 = arith.sitofp %convert_element_type3A_142 : vector<28x600xi32> to vector<28x600xf32>
    %add3A_144 = arith.addf %add3A_138, %convert_element_type3A_143 : vector<28x600xf32>
    %slice3A_145 = vector.extract_strided_slice %min3A_8 {offsets = [0, 23], sizes = [28, 1], strides = [1, 1]} : vector<28x28xi32> to vector<28x1xi32>
    %eq3A_146 = vector.broadcast %slice3A_145 : vector<28x1xi32> to vector<28x600xi32>
    %eq3A_147 = arith.cmpi eq, %eq3A_146, %iota3A : vector<28x600xi32>
    %convert_element_type3A_148 = arith.extui %eq3A_147 : vector<28x600xi1> to vector<28x600xi32>
    %convert_element_type3A_149 = arith.sitofp %convert_element_type3A_148 : vector<28x600xi32> to vector<28x600xf32>
    %add3A_150 = arith.addf %add3A_144, %convert_element_type3A_149 : vector<28x600xf32>
    %slice3A_151 = vector.extract_strided_slice %min3A_8 {offsets = [0, 24], sizes = [28, 1], strides = [1, 1]} : vector<28x28xi32> to vector<28x1xi32>
    %eq3A_152 = vector.broadcast %slice3A_151 : vector<28x1xi32> to vector<28x600xi32>
    %eq3A_153 = arith.cmpi eq, %eq3A_152, %iota3A : vector<28x600xi32>
    %convert_element_type3A_154 = arith.extui %eq3A_153 : vector<28x600xi1> to vector<28x600xi32>
    %convert_element_type3A_155 = arith.sitofp %convert_element_type3A_154 : vector<28x600xi32> to vector<28x600xf32>
    %add3A_156 = arith.addf %add3A_150, %convert_element_type3A_155 : vector<28x600xf32>
    %slice3A_157 = vector.extract_strided_slice %min3A_8 {offsets = [0, 25], sizes = [28, 1], strides = [1, 1]} : vector<28x28xi32> to vector<28x1xi32>
    %eq3A_158 = vector.broadcast %slice3A_157 : vector<28x1xi32> to vector<28x600xi32>
    %eq3A_159 = arith.cmpi eq, %eq3A_158, %iota3A : vector<28x600xi32>
    %convert_element_type3A_160 = arith.extui %eq3A_159 : vector<28x600xi1> to vector<28x600xi32>
    %convert_element_type3A_161 = arith.sitofp %convert_element_type3A_160 : vector<28x600xi32> to vector<28x600xf32>
    %add3A_162 = arith.addf %add3A_156, %convert_element_type3A_161 : vector<28x600xf32>
    %slice3A_163 = vector.extract_strided_slice %min3A_8 {offsets = [0, 26], sizes = [28, 1], strides = [1, 1]} : vector<28x28xi32> to vector<28x1xi32>
    %eq3A_164 = vector.broadcast %slice3A_163 : vector<28x1xi32> to vector<28x600xi32>
    %eq3A_165 = arith.cmpi eq, %eq3A_164, %iota3A : vector<28x600xi32>
    %convert_element_type3A_166 = arith.extui %eq3A_165 : vector<28x600xi1> to vector<28x600xi32>
    %convert_element_type3A_167 = arith.sitofp %convert_element_type3A_166 : vector<28x600xi32> to vector<28x600xf32>
    %add3A_168 = arith.addf %add3A_162, %convert_element_type3A_167 : vector<28x600xf32>
    %slice3A_169 = vector.extract_strided_slice %min3A_8 {offsets = [0, 27], sizes = [28, 1], strides = [1, 1]} : vector<28x28xi32> to vector<28x1xi32>
    %eq3A_170 = vector.broadcast %slice3A_169 : vector<28x1xi32> to vector<28x600xi32>
    %eq3A_171 = arith.cmpi eq, %eq3A_170, %iota3A : vector<28x600xi32>
    %convert_element_type3A_172 = arith.extui %eq3A_171 : vector<28x600xi1> to vector<28x600xi32>
    %convert_element_type3A_173 = arith.sitofp %convert_element_type3A_172 : vector<28x600xi32> to vector<28x600xf32>
    %add3A_174 = arith.addf %add3A_168, %convert_element_type3A_173 : vector<28x600xf32>
    %broadcast_in_dim3A_175 = arith.constant 1.000000e+00 : f32
    %broadcast_in_dim3A_176 = vector.broadcast %broadcast_in_dim3A_175 : f32 to vector<1x28xf32>
    %dot_general3A = arith.constant dense<0.000000e+00> : vector<1x600xf32>
    %dot_general3A_177 = tpu.matmul %broadcast_in_dim3A_176, %add3A_174, %dot_general3A {dimension_numbers = #tpu.dot_dimension_numbers<[1], [0], [0], [1], [0, 0, 1, 1], [], []>, transpose_lhs_hint = false} : vector<1x28xf32>, vector<28x600xf32>, vector<1x600xf32> -> vector<1x600xf32>
    %get3A_178 = arith.constant 0 : index
    %get3A_179 = arith.constant 0 : index
    %get3A_180 = vector.load %arg2[%get3A_178, %get3A_179] : memref<600x128xf32, #tpu.memory_space<vmem>>, vector<600x128xf32>
    %dot_general3A_181 = arith.constant dense<0.000000e+00> : vector<1x128xf32>
    %dot_general3A_182 = tpu.matmul %dot_general3A_177, %get3A_180, %dot_general3A_181 {dimension_numbers = #tpu.dot_dimension_numbers<[1], [0], [0], [1], [0, 0, 1, 1], [], []>, transpose_lhs_hint = false} : vector<1x600xf32>, vector<600x128xf32>, vector<1x128xf32> -> vector<1x128xf32>
    %reshape3A = vector.shape_cast %dot_general3A_182 : vector<1x128xf32> to vector<1x1x128xf32>
    %swap3A = arith.constant 0 : index
    %swap3A_183 = arith.constant 0 : index
    %swap3A_184 = arith.constant 0 : index
    %swap3A_185 = vector.load %arg3[%swap3A, %swap3A_183, %swap3A_184] : memref<1x1x128xf32, #tpu.memory_space<vmem>>, vector<1x1x128xf32>
    tpu.vector_store %arg3[%swap3A, %swap3A_183, %swap3A_184], %reshape3A {strides = array<i32>} : memref<1x1x128xf32, #tpu.memory_space<vmem>>, vector<1x1x128xf32>,
    %iota3A_186 = tpu.iota {dimensions = array<i32: 0>} : vector<14x28xi32>
    %iota3A_187 = tpu.iota {dimensions = array<i32: 1>} : vector<14x28xi32>
    %mul3A_188 = arith.constant 2 : i32
    %mul3A_189 = vector.broadcast %mul3A_188 : i32 to vector<14x28xi32>
    %mul3A_190 = arith.muli %mul3A_189, %iota3A_186 : vector<14x28xi32>
    %eq3A_191 = arith.cmpi eq, %iota3A_187, %mul3A_190 : vector<14x28xi32>
    %mul3A_192 = arith.constant 2 : i32
    %mul3A_193 = vector.broadcast %mul3A_192 : i32 to vector<14x28xi32>
    %mul3A_194 = arith.muli %mul3A_193, %iota3A_186 : vector<14x28xi32>
    %add3A_195 = arith.constant 1 : i32
    %add3A_196 = vector.broadcast %add3A_195 : i32 to vector<14x28xi32>
    %add3A_197 = arith.addi %mul3A_194, %add3A_196 : vector<14x28xi32>
    %eq3A_198 = arith.cmpi eq, %iota3A_187, %add3A_197 : vector<14x28xi32>
    %or3A = arith.ori %eq3A_191, %eq3A_198 : vector<14x28xi1>
    %jit3A_199 = arith.constant 5.000000e-01 : f32
    %jit3A_200 = arith.constant 0.000000e+00 : f32
    %broadcast_in_dim3A_201 = vector.broadcast %jit3A_199 : f32 to vector<14x28xf32>
    %broadcast_in_dim3A_202 = vector.broadcast %jit3A_200 : f32 to vector<14x28xf32>
    %select_n3A = arith.select %or3A, %broadcast_in_dim3A_201, %broadcast_in_dim3A_202 : vector<14x28xi1>, vector<14x28xf32>
    %dot_general3A_203 = arith.constant dense<0.000000e+00> : vector<14x28xf32>
    %dot_general3A_204 = tpu.matmul %select_n3A, %get3A_3, %dot_general3A_203 {dimension_numbers = #tpu.dot_dimension_numbers<[1], [0], [0], [1], [0, 0, 1, 1], [], []>, precision = #tpu.contract_precision<fp32>, transpose_lhs_hint = false} : vector<14x28xf32>, vector<28x28xf32>, vector<14x28xf32> -> vector<14x28xf32>
    %transpose3A = tpu.transpose %select_n3A, [1, 0] : vector<14x28xf32> -> vector<28x14xf32>
    %dot_general3A_205 = arith.constant dense<0.000000e+00> : vector<14x14xf32>
    %dot_general3A_206 = tpu.matmul %dot_general3A_204, %transpose3A, %dot_general3A_205 {dimension_numbers = #tpu.dot_dimension_numbers<[1], [0], [0], [1], [0, 0, 1, 1], [], []>, precision = #tpu.contract_precision<fp32>, transpose_lhs_hint = false} : vector<14x28xf32>, vector<28x14xf32>, vector<14x14xf32> -> vector<14x14xf32>
    %mul3A_207 = arith.constant 6.000000e+02 : f32
    %mul3A_208 = vector.broadcast %mul3A_207 : f32 to vector<14x14xf32>
    %mul3A_209 = arith.mulf %dot_general3A_206, %mul3A_208 : vector<14x14xf32>
    %floor3A_210 = math.floor %mul3A_209 : vector<14x14xf32>
    %convert_element_type3A_211 = arith.fptosi %floor3A_210 : vector<14x14xf32> to vector<14x14xi32>
    %jit3A_212 = arith.constant 0 : i32
    %jit3A_213 = arith.constant 599 : i32
    %max3A_214 = vector.broadcast %jit3A_212 : i32 to vector<14x14xi32>
    %max3A_215 = arith.maxsi %max3A_214, %convert_element_type3A_211 : vector<14x14xi32>
    %min3A_216 = vector.broadcast %jit3A_213 : i32 to vector<14x14xi32>
    %min3A_217 = arith.minsi %min3A_216, %max3A_215 : vector<14x14xi32>
    %iota3A_218 = tpu.iota {dimensions = array<i32: 1>} : vector<14x600xi32>
    %broadcast_in_dim3A_219 = arith.constant 0.000000e+00 : f32
    %broadcast_in_dim3A_220 = vector.broadcast %broadcast_in_dim3A_219 : f32 to vector<14x600xf32>
    %slice3A_221 = vector.extract_strided_slice %min3A_217 {offsets = [0, 0], sizes = [14, 1], strides = [1, 1]} : vector<14x14xi32> to vector<14x1xi32>
    %eq3A_222 = vector.broadcast %slice3A_221 : vector<14x1xi32> to vector<14x600xi32>
    %eq3A_223 = arith.cmpi eq, %eq3A_222, %iota3A_218 : vector<14x600xi32>
    %convert_element_type3A_224 = arith.extui %eq3A_223 : vector<14x600xi1> to vector<14x600xi32>
    %convert_element_type3A_225 = arith.sitofp %convert_element_type3A_224 : vector<14x600xi32> to vector<14x600xf32>
    %add3A_226 = arith.addf %broadcast_in_dim3A_220, %convert_element_type3A_225 : vector<14x600xf32>
    %slice3A_227 = vector.extract_strided_slice %min3A_217 {offsets = [0, 1], sizes = [14, 1], strides = [1, 1]} : vector<14x14xi32> to vector<14x1xi32>
    %eq3A_228 = vector.broadcast %slice3A_227 : vector<14x1xi32> to vector<14x600xi32>
    %eq3A_229 = arith.cmpi eq, %eq3A_228, %iota3A_218 : vector<14x600xi32>
    %convert_element_type3A_230 = arith.extui %eq3A_229 : vector<14x600xi1> to vector<14x600xi32>
    %convert_element_type3A_231 = arith.sitofp %convert_element_type3A_230 : vector<14x600xi32> to vector<14x600xf32>
    %add3A_232 = arith.addf %add3A_226, %convert_element_type3A_231 : vector<14x600xf32>
    %slice3A_233 = vector.extract_strided_slice %min3A_217 {offsets = [0, 2], sizes = [14, 1], strides = [1, 1]} : vector<14x14xi32> to vector<14x1xi32>
    %eq3A_234 = vector.broadcast %slice3A_233 : vector<14x1xi32> to vector<14x600xi32>
    %eq3A_235 = arith.cmpi eq, %eq3A_234, %iota3A_218 : vector<14x600xi32>
    %convert_element_type3A_236 = arith.extui %eq3A_235 : vector<14x600xi1> to vector<14x600xi32>
    %convert_element_type3A_237 = arith.sitofp %convert_element_type3A_236 : vector<14x600xi32> to vector<14x600xf32>
    %add3A_238 = arith.addf %add3A_232, %convert_element_type3A_237 : vector<14x600xf32>
    %slice3A_239 = vector.extract_strided_slice %min3A_217 {offsets = [0, 3], sizes = [14, 1], strides = [1, 1]} : vector<14x14xi32> to vector<14x1xi32>
    %eq3A_240 = vector.broadcast %slice3A_239 : vector<14x1xi32> to vector<14x600xi32>
    %eq3A_241 = arith.cmpi eq, %eq3A_240, %iota3A_218 : vector<14x600xi32>
    %convert_element_type3A_242 = arith.extui %eq3A_241 : vector<14x600xi1> to vector<14x600xi32>
    %convert_element_type3A_243 = arith.sitofp %convert_element_type3A_242 : vector<14x600xi32> to vector<14x600xf32>
    %add3A_244 = arith.addf %add3A_238, %convert_element_type3A_243 : vector<14x600xf32>
    %slice3A_245 = vector.extract_strided_slice %min3A_217 {offsets = [0, 4], sizes = [14, 1], strides = [1, 1]} : vector<14x14xi32> to vector<14x1xi32>
    %eq3A_246 = vector.broadcast %slice3A_245 : vector<14x1xi32> to vector<14x600xi32>
    %eq3A_247 = arith.cmpi eq, %eq3A_246, %iota3A_218 : vector<14x600xi32>
    %convert_element_type3A_248 = arith.extui %eq3A_247 : vector<14x600xi1> to vector<14x600xi32>
    %convert_element_type3A_249 = arith.sitofp %convert_element_type3A_248 : vector<14x600xi32> to vector<14x600xf32>
    %add3A_250 = arith.addf %add3A_244, %convert_element_type3A_249 : vector<14x600xf32>
    %slice3A_251 = vector.extract_strided_slice %min3A_217 {offsets = [0, 5], sizes = [14, 1], strides = [1, 1]} : vector<14x14xi32> to vector<14x1xi32>
    %eq3A_252 = vector.broadcast %slice3A_251 : vector<14x1xi32> to vector<14x600xi32>
    %eq3A_253 = arith.cmpi eq, %eq3A_252, %iota3A_218 : vector<14x600xi32>
    %convert_element_type3A_254 = arith.extui %eq3A_253 : vector<14x600xi1> to vector<14x600xi32>
    %convert_element_type3A_255 = arith.sitofp %convert_element_type3A_254 : vector<14x600xi32> to vector<14x600xf32>
    %add3A_256 = arith.addf %add3A_250, %convert_element_type3A_255 : vector<14x600xf32>
    %slice3A_257 = vector.extract_strided_slice %min3A_217 {offsets = [0, 6], sizes = [14, 1], strides = [1, 1]} : vector<14x14xi32> to vector<14x1xi32>
    %eq3A_258 = vector.broadcast %slice3A_257 : vector<14x1xi32> to vector<14x600xi32>
    %eq3A_259 = arith.cmpi eq, %eq3A_258, %iota3A_218 : vector<14x600xi32>
    %convert_element_type3A_260 = arith.extui %eq3A_259 : vector<14x600xi1> to vector<14x600xi32>
    %convert_element_type3A_261 = arith.sitofp %convert_element_type3A_260 : vector<14x600xi32> to vector<14x600xf32>
    %add3A_262 = arith.addf %add3A_256, %convert_element_type3A_261 : vector<14x600xf32>
    %slice3A_263 = vector.extract_strided_slice %min3A_217 {offsets = [0, 7], sizes = [14, 1], strides = [1, 1]} : vector<14x14xi32> to vector<14x1xi32>
    %eq3A_264 = vector.broadcast %slice3A_263 : vector<14x1xi32> to vector<14x600xi32>
    %eq3A_265 = arith.cmpi eq, %eq3A_264, %iota3A_218 : vector<14x600xi32>
    %convert_element_type3A_266 = arith.extui %eq3A_265 : vector<14x600xi1> to vector<14x600xi32>
    %convert_element_type3A_267 = arith.sitofp %convert_element_type3A_266 : vector<14x600xi32> to vector<14x600xf32>
    %add3A_268 = arith.addf %add3A_262, %convert_element_type3A_267 : vector<14x600xf32>
    %slice3A_269 = vector.extract_strided_slice %min3A_217 {offsets = [0, 8], sizes = [14, 1], strides = [1, 1]} : vector<14x14xi32> to vector<14x1xi32>
    %eq3A_270 = vector.broadcast %slice3A_269 : vector<14x1xi32> to vector<14x600xi32>
    %eq3A_271 = arith.cmpi eq, %eq3A_270, %iota3A_218 : vector<14x600xi32>
    %convert_element_type3A_272 = arith.extui %eq3A_271 : vector<14x600xi1> to vector<14x600xi32>
    %convert_element_type3A_273 = arith.sitofp %convert_element_type3A_272 : vector<14x600xi32> to vector<14x600xf32>
    %add3A_274 = arith.addf %add3A_268, %convert_element_type3A_273 : vector<14x600xf32>
    %slice3A_275 = vector.extract_strided_slice %min3A_217 {offsets = [0, 9], sizes = [14, 1], strides = [1, 1]} : vector<14x14xi32> to vector<14x1xi32>
    %eq3A_276 = vector.broadcast %slice3A_275 : vector<14x1xi32> to vector<14x600xi32>
    %eq3A_277 = arith.cmpi eq, %eq3A_276, %iota3A_218 : vector<14x600xi32>
    %convert_element_type3A_278 = arith.extui %eq3A_277 : vector<14x600xi1> to vector<14x600xi32>
    %convert_element_type3A_279 = arith.sitofp %convert_element_type3A_278 : vector<14x600xi32> to vector<14x600xf32>
    %add3A_280 = arith.addf %add3A_274, %convert_element_type3A_279 : vector<14x600xf32>
    %slice3A_281 = vector.extract_strided_slice %min3A_217 {offsets = [0, 10], sizes = [14, 1], strides = [1, 1]} : vector<14x14xi32> to vector<14x1xi32>
    %eq3A_282 = vector.broadcast %slice3A_281 : vector<14x1xi32> to vector<14x600xi32>
    %eq3A_283 = arith.cmpi eq, %eq3A_282, %iota3A_218 : vector<14x600xi32>
    %convert_element_type3A_284 = arith.extui %eq3A_283 : vector<14x600xi1> to vector<14x600xi32>
    %convert_element_type3A_285 = arith.sitofp %convert_element_type3A_284 : vector<14x600xi32> to vector<14x600xf32>
    %add3A_286 = arith.addf %add3A_280, %convert_element_type3A_285 : vector<14x600xf32>
    %slice3A_287 = vector.extract_strided_slice %min3A_217 {offsets = [0, 11], sizes = [14, 1], strides = [1, 1]} : vector<14x14xi32> to vector<14x1xi32>
    %eq3A_288 = vector.broadcast %slice3A_287 : vector<14x1xi32> to vector<14x600xi32>
    %eq3A_289 = arith.cmpi eq, %eq3A_288, %iota3A_218 : vector<14x600xi32>
    %convert_element_type3A_290 = arith.extui %eq3A_289 : vector<14x600xi1> to vector<14x600xi32>
    %convert_element_type3A_291 = arith.sitofp %convert_element_type3A_290 : vector<14x600xi32> to vector<14x600xf32>
    %add3A_292 = arith.addf %add3A_286, %convert_element_type3A_291 : vector<14x600xf32>
    %slice3A_293 = vector.extract_strided_slice %min3A_217 {offsets = [0, 12], sizes = [14, 1], strides = [1, 1]} : vector<14x14xi32> to vector<14x1xi32>
    %eq3A_294 = vector.broadcast %slice3A_293 : vector<14x1xi32> to vector<14x600xi32>
    %eq3A_295 = arith.cmpi eq, %eq3A_294, %iota3A_218 : vector<14x600xi32>
    %convert_element_type3A_296 = arith.extui %eq3A_295 : vector<14x600xi1> to vector<14x600xi32>
    %convert_element_type3A_297 = arith.sitofp %convert_element_type3A_296 : vector<14x600xi32> to vector<14x600xf32>
    %add3A_298 = arith.addf %add3A_292, %convert_element_type3A_297 : vector<14x600xf32>
    %slice3A_299 = vector.extract_strided_slice %min3A_217 {offsets = [0, 13], sizes = [14, 1], strides = [1, 1]} : vector<14x14xi32> to vector<14x1xi32>
    %eq3A_300 = vector.broadcast %slice3A_299 : vector<14x1xi32> to vector<14x600xi32>
    %eq3A_301 = arith.cmpi eq, %eq3A_300, %iota3A_218 : vector<14x600xi32>
    %convert_element_type3A_302 = arith.extui %eq3A_301 : vector<14x600xi1> to vector<14x600xi32>
    %convert_element_type3A_303 = arith.sitofp %convert_element_type3A_302 : vector<14x600xi32> to vector<14x600xf32>
    %add3A_304 = arith.addf %add3A_298, %convert_element_type3A_303 : vector<14x600xf32>
    %broadcast_in_dim3A_305 = arith.constant 1.000000e+00 : f32
    %broadcast_in_dim3A_306 = vector.broadcast %broadcast_in_dim3A_305 : f32 to vector<1x14xf32>
    %dot_general3A_307 = arith.constant dense<0.000000e+00> : vector<1x600xf32>
    %dot_general3A_308 = tpu.matmul %broadcast_in_dim3A_306, %add3A_304, %dot_general3A_307 {dimension_numbers = #tpu.dot_dimension_numbers<[1], [0], [0], [1], [0, 0, 1, 1], [], []>, transpose_lhs_hint = false} : vector<1x14xf32>, vector<14x600xf32>, vector<1x600xf32> -> vector<1x600xf32>
    %get3A_309 = arith.constant 0 : index
    %get3A_310 = arith.constant 0 : index
    %get3A_311 = vector.load %arg2[%get3A_309, %get3A_310] : memref<600x128xf32, #tpu.memory_space<vmem>>, vector<600x128xf32>
    %dot_general3A_312 = arith.constant dense<0.000000e+00> : vector<1x128xf32>
    %dot_general3A_313 = tpu.matmul %dot_general3A_308, %get3A_311, %dot_general3A_312 {dimension_numbers = #tpu.dot_dimension_numbers<[1], [0], [0], [1], [0, 0, 1, 1], [], []>, transpose_lhs_hint = false} : vector<1x600xf32>, vector<600x128xf32>, vector<1x128xf32> -> vector<1x128xf32>
    %reshape3A_314 = vector.shape_cast %dot_general3A_313 : vector<1x128xf32> to vector<1x1x128xf32>
    %swap3A_315 = arith.constant 0 : index
    %swap3A_316 = arith.constant 0 : index
    %swap3A_317 = arith.constant 0 : index
    %swap3A_318 = vector.load %arg4[%swap3A_315, %swap3A_316, %swap3A_317] : memref<1x1x128xf32, #tpu.memory_space<vmem>>, vector<1x1x128xf32>
    tpu.vector_store %arg4[%swap3A_315, %swap3A_316, %swap3A_317], %reshape3A_314 {strides = array<i32>} : memref<1x1x128xf32, #tpu.memory_space<vmem>>, vector<1x1x128xf32>,
    %iota3A_319 = tpu.iota {dimensions = array<i32: 0>} : vector<7x14xi32>
    %iota3A_320 = tpu.iota {dimensions = array<i32: 1>} : vector<7x14xi32>
    %mul3A_321 = arith.constant 2 : i32
    %mul3A_322 = vector.broadcast %mul3A_321 : i32 to vector<7x14xi32>
    %mul3A_323 = arith.muli %mul3A_322, %iota3A_319 : vector<7x14xi32>
    %eq3A_324 = arith.cmpi eq, %iota3A_320, %mul3A_323 : vector<7x14xi32>
    %mul3A_325 = arith.constant 2 : i32
    %mul3A_326 = vector.broadcast %mul3A_325 : i32 to vector<7x14xi32>
    %mul3A_327 = arith.muli %mul3A_326, %iota3A_319 : vector<7x14xi32>
    %add3A_328 = arith.constant 1 : i32
    %add3A_329 = vector.broadcast %add3A_328 : i32 to vector<7x14xi32>
    %add3A_330 = arith.addi %mul3A_327, %add3A_329 : vector<7x14xi32>
    %eq3A_331 = arith.cmpi eq, %iota3A_320, %add3A_330 : vector<7x14xi32>
    %or3A_332 = arith.ori %eq3A_324, %eq3A_331 : vector<7x14xi1>
    %jit3A_333 = arith.constant 5.000000e-01 : f32
    %jit3A_334 = arith.constant 0.000000e+00 : f32
    %broadcast_in_dim3A_335 = vector.broadcast %jit3A_333 : f32 to vector<7x14xf32>
    %broadcast_in_dim3A_336 = vector.broadcast %jit3A_334 : f32 to vector<7x14xf32>
    %select_n3A_337 = arith.select %or3A_332, %broadcast_in_dim3A_335, %broadcast_in_dim3A_336 : vector<7x14xi1>, vector<7x14xf32>
    %dot_general3A_338 = arith.constant dense<0.000000e+00> : vector<7x14xf32>
    %dot_general3A_339 = tpu.matmul %select_n3A_337, %dot_general3A_206, %dot_general3A_338 {dimension_numbers = #tpu.dot_dimension_numbers<[1], [0], [0], [1], [0, 0, 1, 1], [], []>, precision = #tpu.contract_precision<fp32>, transpose_lhs_hint = false} : vector<7x14xf32>, vector<14x14xf32>, vector<7x14xf32> -> vector<7x14xf32>
    %transpose3A_340 = tpu.transpose %select_n3A_337, [1, 0] : vector<7x14xf32> -> vector<14x7xf32>
    %dot_general3A_341 = arith.constant dense<0.000000e+00> : vector<7x7xf32>
    %dot_general3A_342 = tpu.matmul %dot_general3A_339, %transpose3A_340, %dot_general3A_341 {dimension_numbers = #tpu.dot_dimension_numbers<[1], [0], [0], [1], [0, 0, 1, 1], [], []>, precision = #tpu.contract_precision<fp32>, transpose_lhs_hint = false} : vector<7x14xf32>, vector<14x7xf32>, vector<7x7xf32> -> vector<7x7xf32>
    %mul3A_343 = arith.constant 6.000000e+02 : f32
    %mul3A_344 = vector.broadcast %mul3A_343 : f32 to vector<7x7xf32>
    %mul3A_345 = arith.mulf %dot_general3A_342, %mul3A_344 : vector<7x7xf32>
    %floor3A_346 = math.floor %mul3A_345 : vector<7x7xf32>
    %convert_element_type3A_347 = arith.fptosi %floor3A_346 : vector<7x7xf32> to vector<7x7xi32>
    %jit3A_348 = arith.constant 0 : i32
    %jit3A_349 = arith.constant 599 : i32
    %max3A_350 = vector.broadcast %jit3A_348 : i32 to vector<7x7xi32>
    %max3A_351 = arith.maxsi %max3A_350, %convert_element_type3A_347 : vector<7x7xi32>
    %min3A_352 = vector.broadcast %jit3A_349 : i32 to vector<7x7xi32>
    %min3A_353 = arith.minsi %min3A_352, %max3A_351 : vector<7x7xi32>
    %iota3A_354 = tpu.iota {dimensions = array<i32: 1>} : vector<7x600xi32>
    %broadcast_in_dim3A_355 = arith.constant 0.000000e+00 : f32
    %broadcast_in_dim3A_356 = vector.broadcast %broadcast_in_dim3A_355 : f32 to vector<7x600xf32>
    %slice3A_357 = vector.extract_strided_slice %min3A_353 {offsets = [0, 0], sizes = [7, 1], strides = [1, 1]} : vector<7x7xi32> to vector<7x1xi32>
    %eq3A_358 = vector.broadcast %slice3A_357 : vector<7x1xi32> to vector<7x600xi32>
    %eq3A_359 = arith.cmpi eq, %eq3A_358, %iota3A_354 : vector<7x600xi32>
    %convert_element_type3A_360 = arith.extui %eq3A_359 : vector<7x600xi1> to vector<7x600xi32>
    %convert_element_type3A_361 = arith.sitofp %convert_element_type3A_360 : vector<7x600xi32> to vector<7x600xf32>
    %add3A_362 = arith.addf %broadcast_in_dim3A_356, %convert_element_type3A_361 : vector<7x600xf32>
    %slice3A_363 = vector.extract_strided_slice %min3A_353 {offsets = [0, 1], sizes = [7, 1], strides = [1, 1]} : vector<7x7xi32> to vector<7x1xi32>
    %eq3A_364 = vector.broadcast %slice3A_363 : vector<7x1xi32> to vector<7x600xi32>
    %eq3A_365 = arith.cmpi eq, %eq3A_364, %iota3A_354 : vector<7x600xi32>
    %convert_element_type3A_366 = arith.extui %eq3A_365 : vector<7x600xi1> to vector<7x600xi32>
    %convert_element_type3A_367 = arith.sitofp %convert_element_type3A_366 : vector<7x600xi32> to vector<7x600xf32>
    %add3A_368 = arith.addf %add3A_362, %convert_element_type3A_367 : vector<7x600xf32>
    %slice3A_369 = vector.extract_strided_slice %min3A_353 {offsets = [0, 2], sizes = [7, 1], strides = [1, 1]} : vector<7x7xi32> to vector<7x1xi32>
    %eq3A_370 = vector.broadcast %slice3A_369 : vector<7x1xi32> to vector<7x600xi32>
    %eq3A_371 = arith.cmpi eq, %eq3A_370, %iota3A_354 : vector<7x600xi32>
    %convert_element_type3A_372 = arith.extui %eq3A_371 : vector<7x600xi1> to vector<7x600xi32>
    %convert_element_type3A_373 = arith.sitofp %convert_element_type3A_372 : vector<7x600xi32> to vector<7x600xf32>
    %add3A_374 = arith.addf %add3A_368, %convert_element_type3A_373 : vector<7x600xf32>
    %slice3A_375 = vector.extract_strided_slice %min3A_353 {offsets = [0, 3], sizes = [7, 1], strides = [1, 1]} : vector<7x7xi32> to vector<7x1xi32>
    %eq3A_376 = vector.broadcast %slice3A_375 : vector<7x1xi32> to vector<7x600xi32>
    %eq3A_377 = arith.cmpi eq, %eq3A_376, %iota3A_354 : vector<7x600xi32>
    %convert_element_type3A_378 = arith.extui %eq3A_377 : vector<7x600xi1> to vector<7x600xi32>
    %convert_element_type3A_379 = arith.sitofp %convert_element_type3A_378 : vector<7x600xi32> to vector<7x600xf32>
    %add3A_380 = arith.addf %add3A_374, %convert_element_type3A_379 : vector<7x600xf32>
    %slice3A_381 = vector.extract_strided_slice %min3A_353 {offsets = [0, 4], sizes = [7, 1], strides = [1, 1]} : vector<7x7xi32> to vector<7x1xi32>
    %eq3A_382 = vector.broadcast %slice3A_381 : vector<7x1xi32> to vector<7x600xi32>
    %eq3A_383 = arith.cmpi eq, %eq3A_382, %iota3A_354 : vector<7x600xi32>
    %convert_element_type3A_384 = arith.extui %eq3A_383 : vector<7x600xi1> to vector<7x600xi32>
    %convert_element_type3A_385 = arith.sitofp %convert_element_type3A_384 : vector<7x600xi32> to vector<7x600xf32>
    %add3A_386 = arith.addf %add3A_380, %convert_element_type3A_385 : vector<7x600xf32>
    %slice3A_387 = vector.extract_strided_slice %min3A_353 {offsets = [0, 5], sizes = [7, 1], strides = [1, 1]} : vector<7x7xi32> to vector<7x1xi32>
    %eq3A_388 = vector.broadcast %slice3A_387 : vector<7x1xi32> to vector<7x600xi32>
    %eq3A_389 = arith.cmpi eq, %eq3A_388, %iota3A_354 : vector<7x600xi32>
    %convert_element_type3A_390 = arith.extui %eq3A_389 : vector<7x600xi1> to vector<7x600xi32>
    %convert_element_type3A_391 = arith.sitofp %convert_element_type3A_390 : vector<7x600xi32> to vector<7x600xf32>
    %add3A_392 = arith.addf %add3A_386, %convert_element_type3A_391 : vector<7x600xf32>
    %slice3A_393 = vector.extract_strided_slice %min3A_353 {offsets = [0, 6], sizes = [7, 1], strides = [1, 1]} : vector<7x7xi32> to vector<7x1xi32>
    %eq3A_394 = vector.broadcast %slice3A_393 : vector<7x1xi32> to vector<7x600xi32>
    %eq3A_395 = arith.cmpi eq, %eq3A_394, %iota3A_354 : vector<7x600xi32>
    %convert_element_type3A_396 = arith.extui %eq3A_395 : vector<7x600xi1> to vector<7x600xi32>
    %convert_element_type3A_397 = arith.sitofp %convert_element_type3A_396 : vector<7x600xi32> to vector<7x600xf32>
    %add3A_398 = arith.addf %add3A_392, %convert_element_type3A_397 : vector<7x600xf32>
    %broadcast_in_dim3A_399 = arith.constant 1.000000e+00 : f32
    %broadcast_in_dim3A_400 = vector.broadcast %broadcast_in_dim3A_399 : f32 to vector<1x7xf32>
    %dot_general3A_401 = arith.constant dense<0.000000e+00> : vector<1x600xf32>
    %dot_general3A_402 = tpu.matmul %broadcast_in_dim3A_400, %add3A_398, %dot_general3A_401 {dimension_numbers = #tpu.dot_dimension_numbers<[1], [0], [0], [1], [0, 0, 1, 1], [], []>, transpose_lhs_hint = false} : vector<1x7xf32>, vector<7x600xf32>, vector<1x600xf32> -> vector<1x600xf32>
    %get3A_403 = arith.constant 0 : index
    %get3A_404 = arith.constant 0 : index
    %get3A_405 = vector.load %arg2[%get3A_403, %get3A_404] : memref<600x128xf32, #tpu.memory_space<vmem>>, vector<600x128xf32>
    %dot_general3A_406 = arith.constant dense<0.000000e+00> : vector<1x128xf32>
    %dot_general3A_407 = tpu.matmul %dot_general3A_402, %get3A_405, %dot_general3A_406 {dimension_numbers = #tpu.dot_dimension_numbers<[1], [0], [0], [1], [0, 0, 1, 1], [], []>, transpose_lhs_hint = false} : vector<1x600xf32>, vector<600x128xf32>, vector<1x128xf32> -> vector<1x128xf32>
    %reshape3A_408 = vector.shape_cast %dot_general3A_407 : vector<1x128xf32> to vector<1x1x128xf32>
    %swap3A_409 = arith.constant 0 : index
    %swap3A_410 = arith.constant 0 : index
    %swap3A_411 = arith.constant 0 : index
    %swap3A_412 = vector.load %arg5[%swap3A_409, %swap3A_410, %swap3A_411] : memref<1x1x128xf32, #tpu.memory_space<vmem>>, vector<1x1x128xf32>
    tpu.vector_store %arg5[%swap3A_409, %swap3A_410, %swap3A_411], %reshape3A_408 {strides = array<i32>} : memref<1x1x128xf32, #tpu.memory_space<vmem>>, vector<1x1x128xf32>,
    return
  }
  func.func @transform_0(%arg0: i32) -> (i32, i32, i32) {
    %c0_i32 = arith.constant 0 : i32
    %c0_i32_0 = arith.constant 0 : i32
    %c0_i32_1 = arith.constant 0 : i32
    return %arg0, %c0_i32, %c0_i32_0 : i32, i32, i32
  }
  func.func @transform_1(%arg0: i32) -> (i32, i32) {
    %c0_i32 = arith.constant 0 : i32
    %c0_i32_0 = arith.constant 0 : i32
    %c0_i32_1 = arith.constant 0 : i32
    return %c0_i32, %c0_i32_0 : i32, i32
  }
  func.func @transform_2(%arg0: i32) -> (i32, i32, i32) {
    %c0_i32 = arith.constant 0 : i32
    %c0_i32_0 = arith.constant 0 : i32
    %c0_i32_1 = arith.constant 0 : i32
    return %arg0, %c0_i32, %c0_i32_0 : i32, i32, i32
  }
  func.func @transform_3(%arg0: i32) -> (i32, i32, i32) {
    %c0_i32 = arith.constant 0 : i32
    %c0_i32_0 = arith.constant 0 : i32
    %c0_i32_1 = arith.constant 0 : i32
    return %arg0, %c0_i32, %c0_i32_0 : i32, i32, i32
  }
  func.func @transform_4(%arg0: i32) -> (i32, i32, i32) {
    %c0_i32 = arith.constant 0 : i32
    %c0_i32_0 = arith.constant 0 : i32
    %c0_i32_1 = arith.constant 0 : i32
    return %arg0, %c0_i32, %c0_i32_0 : i32, i32, i32
  }
}

module attributes {stable_mosaic.version = 14 : i64} {
  func.func @_tc_a_body(%arg0: i32, %arg1: memref<2560x128xf32, #tpu.memory_space<vmem>>, %arg2: memref<2560x128xf32, #tpu.memory_space<vmem>>, %arg3: memref<2560x128xf32, #tpu.memory_space<vmem>>, %arg4: memref<2560x1xf32, #tpu.memory_space<vmem>>, %arg5: memref<1x128xf32, #tpu.memory_space<vmem>>, %arg6: memref<128x128xf32, #tpu.memory_space<vmem>>, %arg7: memref<100x128xf32, #tpu.memory_space<vmem>>, %arg8: memref<2560x1xi32, #tpu.memory_space<vmem>>, %arg9: memref<1x128xf32, #tpu.memory_space<vmem>>, %arg10: memref<128x1xf32, #tpu.memory_space<vmem>>, %arg11: memref<128x1xf32, #tpu.memory_space<vmem>>, %arg12: memref<1x1xf32, #tpu.memory_space<vmem>>, %arg13: memref<2560x128xf32, #tpu.memory_space<vmem>>, %arg14: memref<2560x1xf32, #tpu.memory_space<vmem>>, %arg15: memref<2560x1xf32, #tpu.memory_space<vmem>>) attributes {dimension_semantics = [#tpu.dimension_semantics<arbitrary>], iteration_bounds = array<i64: 4>, scalar_prefetch = 0 : i64, scratch_operands = 0 : i64, tpu.core_type = #tpu.core_type<tc>, window_params = [{transform_indices = @transform_0, window_bounds = array<i64: 2560, 128>}, {transform_indices = @transform_1, window_bounds = array<i64: 2560, 128>}, {transform_indices = @transform_2, window_bounds = array<i64: 2560, 128>}, {transform_indices = @transform_3, window_bounds = array<i64: 2560, 1>}, {pipeline_mode = #tpu.pipeline_mode<synchronous>, transform_indices = @transform_4, window_bounds = array<i64: 1, 128>}, {pipeline_mode = #tpu.pipeline_mode<synchronous>, transform_indices = @transform_5, window_bounds = array<i64: 128, 128>}, {pipeline_mode = #tpu.pipeline_mode<synchronous>, transform_indices = @transform_6, window_bounds = array<i64: 100, 128>}, {transform_indices = @transform_7, window_bounds = array<i64: 2560, 1>}, {pipeline_mode = #tpu.pipeline_mode<synchronous>, transform_indices = @transform_8, window_bounds = array<i64: 1, 128>}, {pipeline_mode = #tpu.pipeline_mode<synchronous>, transform_indices = @transform_9, window_bounds = array<i64: 128, 1>}, {pipeline_mode = #tpu.pipeline_mode<synchronous>, transform_indices = @transform_10, window_bounds = array<i64: 128, 1>}, {pipeline_mode = #tpu.pipeline_mode<synchronous>, transform_indices = @transform_11, window_bounds = array<i64: 1, 1>}, {transform_indices = @transform_12, window_bounds = array<i64: 2560, 128>}, {transform_indices = @transform_13, window_bounds = array<i64: 2560, 1>}, {transform_indices = @transform_14, window_bounds = array<i64: 2560, 1>}]} {
    %get3A = arith.constant 0 : index
    %get3A_0 = arith.constant 0 : index
    %get3A_1 = vector.load %arg4[%get3A, %get3A_0] : memref<2560x1xf32, #tpu.memory_space<vmem>>, vector<2560x1xf32>
    %get3A_2 = arith.constant 0 : index
    %get3A_3 = arith.constant 0 : index
    %get3A_4 = vector.load %arg1[%get3A_2, %get3A_3] : memref<2560x128xf32, #tpu.memory_space<vmem>>, vector<2560x128xf32>
    %get3A_5 = arith.constant 0 : index
    %get3A_6 = arith.constant 0 : index
    %get3A_7 = vector.load %arg2[%get3A_5, %get3A_6] : memref<2560x128xf32, #tpu.memory_space<vmem>>, vector<2560x128xf32>
    %add3A = arith.addf %get3A_4, %get3A_7 : vector<2560x128xf32>
    %get3A_8 = arith.constant 0 : index
    %get3A_9 = arith.constant 0 : index
    %get3A_10 = vector.load %arg3[%get3A_8, %get3A_9] : memref<2560x128xf32, #tpu.memory_space<vmem>>, vector<2560x128xf32>
    %add3A_11 = arith.addf %add3A, %get3A_10 : vector<2560x128xf32>
    %mul3A = vector.broadcast %get3A_1 : vector<2560x1xf32> to vector<2560x128xf32>
    %mul3A_12 = arith.mulf %mul3A, %add3A_11 : vector<2560x128xf32>
    %get3A_13 = arith.constant 0 : index
    %get3A_14 = arith.constant 0 : index
    %get3A_15 = vector.load %arg5[%get3A_13, %get3A_14] : memref<1x128xf32, #tpu.memory_space<vmem>>, vector<1x128xf32>
    %add3A_16 = vector.broadcast %get3A_15 : vector<1x128xf32> to vector<2560x128xf32>
    %add3A_17 = arith.addf %mul3A_12, %add3A_16 : vector<2560x128xf32>
    %max3A = arith.constant 0.000000e+00 : f32
    %max3A_18 = vector.broadcast %max3A : f32 to vector<2560x128xf32>
    %max3A_19 = arith.maximumf %add3A_17, %max3A_18 : vector<2560x128xf32>
    %iota3A = tpu.iota {dimensions = array<i32: 1>} : vector<2560x100xi32>
    %get3A_20 = arith.constant 0 : index
    %get3A_21 = arith.constant 0 : index
    %get3A_22 = vector.load %arg8[%get3A_20, %get3A_21] : memref<2560x1xi32, #tpu.memory_space<vmem>>, vector<2560x1xi32>
    %eq3A = vector.broadcast %get3A_22 : vector<2560x1xi32> to vector<2560x100xi32>
    %eq3A_23 = arith.cmpi eq, %eq3A, %iota3A : vector<2560x100xi32>
    %convert_element_type3A = arith.extui %eq3A_23 : vector<2560x100xi1> to vector<2560x100xi32>
    %convert_element_type3A_24 = arith.sitofp %convert_element_type3A : vector<2560x100xi32> to vector<2560x100xf32>
    %get3A_25 = arith.constant 0 : index
    %get3A_26 = arith.constant 0 : index
    %get3A_27 = vector.load %arg6[%get3A_25, %get3A_26] : memref<128x128xf32, #tpu.memory_space<vmem>>, vector<128x128xf32>
    %dot_general3A = arith.constant dense<0.000000e+00> : vector<2560x128xf32>
    %dot_general3A_28 = tpu.matmul %max3A_19, %get3A_27, %dot_general3A {dimension_numbers = #tpu.dot_dimension_numbers<[1], [0], [0], [1], [0, 0, 1, 1], [], []>, transpose_lhs_hint = false} : vector<2560x128xf32>, vector<128x128xf32>, vector<2560x128xf32> -> vector<2560x128xf32>
    %get3A_29 = arith.constant 0 : index
    %get3A_30 = arith.constant 0 : index
    %get3A_31 = vector.load %arg7[%get3A_29, %get3A_30] : memref<100x128xf32, #tpu.memory_space<vmem>>, vector<100x128xf32>
    %dot_general3A_32 = arith.constant dense<0.000000e+00> : vector<2560x128xf32>
    %dot_general3A_33 = tpu.matmul %convert_element_type3A_24, %get3A_31, %dot_general3A_32 {dimension_numbers = #tpu.dot_dimension_numbers<[1], [0], [0], [1], [0, 0, 1, 1], [], []>, transpose_lhs_hint = false} : vector<2560x100xf32>, vector<100x128xf32>, vector<2560x128xf32> -> vector<2560x128xf32>
    %add3A_34 = arith.addf %dot_general3A_28, %dot_general3A_33 : vector<2560x128xf32>
    %get3A_35 = arith.constant 0 : index
    %get3A_36 = arith.constant 0 : index
    %get3A_37 = vector.load %arg9[%get3A_35, %get3A_36] : memref<1x128xf32, #tpu.memory_space<vmem>>, vector<1x128xf32>
    %add3A_38 = vector.broadcast %get3A_37 : vector<1x128xf32> to vector<2560x128xf32>
    %add3A_39 = arith.addf %add3A_34, %add3A_38 : vector<2560x128xf32>
    %max3A_40 = arith.constant 0.000000e+00 : f32
    %max3A_41 = vector.broadcast %max3A_40 : f32 to vector<2560x128xf32>
    %max3A_42 = arith.maximumf %add3A_39, %max3A_41 : vector<2560x128xf32>
    %swap3A = arith.constant 0 : index
    %swap3A_43 = arith.constant 0 : index
    %swap3A_44 = vector.load %arg13[%swap3A, %swap3A_43] : memref<2560x128xf32, #tpu.memory_space<vmem>>, vector<2560x128xf32>
    tpu.vector_store %arg13[%swap3A, %swap3A_43], %max3A_42 {strides = array<i32>} : memref<2560x128xf32, #tpu.memory_space<vmem>>, vector<2560x128xf32>,
    %get3A_45 = arith.constant 0 : index
    %get3A_46 = arith.constant 0 : index
    %get3A_47 = vector.load %arg10[%get3A_45, %get3A_46] : memref<128x1xf32, #tpu.memory_space<vmem>>, vector<128x1xf32>
    %dot_general3A_48 = arith.constant dense<0.000000e+00> : vector<2560x1xf32>
    %dot_general3A_49 = tpu.matmul %max3A_42, %get3A_47, %dot_general3A_48 {dimension_numbers = #tpu.dot_dimension_numbers<[1], [0], [0], [1], [0, 0, 1, 1], [], []>, transpose_lhs_hint = false} : vector<2560x128xf32>, vector<128x1xf32>, vector<2560x1xf32> -> vector<2560x1xf32>
    %get3A_50 = arith.constant 0 : index
    %get3A_51 = arith.constant 0 : index
    %get3A_52 = vector.load %arg12[%get3A_50, %get3A_51] : memref<1x1xf32, #tpu.memory_space<vmem>>, vector<1x1xf32>
    %add3A_53 = vector.broadcast %get3A_52 : vector<1x1xf32> to vector<2560x1xf32>
    %add3A_54 = arith.addf %dot_general3A_49, %add3A_53 : vector<2560x1xf32>
    %swap3A_55 = arith.constant 0 : index
    %swap3A_56 = arith.constant 0 : index
    %swap3A_57 = vector.load %arg14[%swap3A_55, %swap3A_56] : memref<2560x1xf32, #tpu.memory_space<vmem>>, vector<2560x1xf32>
    tpu.vector_store %arg14[%swap3A_55, %swap3A_56], %add3A_54 {strides = array<i32>} : memref<2560x1xf32, #tpu.memory_space<vmem>>, vector<2560x1xf32>,
    %get3A_58 = arith.constant 0 : index
    %get3A_59 = arith.constant 0 : index
    %get3A_60 = vector.load %arg11[%get3A_58, %get3A_59] : memref<128x1xf32, #tpu.memory_space<vmem>>, vector<128x1xf32>
    %dot_general3A_61 = arith.constant dense<0.000000e+00> : vector<2560x1xf32>
    %dot_general3A_62 = tpu.matmul %max3A_42, %get3A_60, %dot_general3A_61 {dimension_numbers = #tpu.dot_dimension_numbers<[1], [0], [0], [1], [0, 0, 1, 1], [], []>, transpose_lhs_hint = false} : vector<2560x128xf32>, vector<128x1xf32>, vector<2560x1xf32> -> vector<2560x1xf32>
    %swap3A_63 = arith.constant 0 : index
    %swap3A_64 = arith.constant 0 : index
    %swap3A_65 = vector.load %arg15[%swap3A_63, %swap3A_64] : memref<2560x1xf32, #tpu.memory_space<vmem>>, vector<2560x1xf32>
    tpu.vector_store %arg15[%swap3A_63, %swap3A_64], %dot_general3A_62 {strides = array<i32>} : memref<2560x1xf32, #tpu.memory_space<vmem>>, vector<2560x1xf32>,
    return
  }
  func.func @transform_0(%arg0: i32) -> (i32, i32) {
    %c0_i32 = arith.constant 0 : i32
    %c0_i32_0 = arith.constant 0 : i32
    return %arg0, %c0_i32 : i32, i32
  }
  func.func @transform_1(%arg0: i32) -> (i32, i32) {
    %c0_i32 = arith.constant 0 : i32
    %c0_i32_0 = arith.constant 0 : i32
    return %arg0, %c0_i32 : i32, i32
  }
  func.func @transform_2(%arg0: i32) -> (i32, i32) {
    %c0_i32 = arith.constant 0 : i32
    %c0_i32_0 = arith.constant 0 : i32
    return %arg0, %c0_i32 : i32, i32
  }
  func.func @transform_3(%arg0: i32) -> (i32, i32) {
    %c0_i32 = arith.constant 0 : i32
    %c0_i32_0 = arith.constant 0 : i32
    return %arg0, %c0_i32 : i32, i32
  }
  func.func @transform_4(%arg0: i32) -> (i32, i32) {
    %c0_i32 = arith.constant 0 : i32
    %c0_i32_0 = arith.constant 0 : i32
    %c0_i32_1 = arith.constant 0 : i32
    return %c0_i32, %c0_i32_0 : i32, i32
  }
  func.func @transform_5(%arg0: i32) -> (i32, i32) {
    %c0_i32 = arith.constant 0 : i32
    %c0_i32_0 = arith.constant 0 : i32
    %c0_i32_1 = arith.constant 0 : i32
    return %c0_i32, %c0_i32_0 : i32, i32
  }
  func.func @transform_6(%arg0: i32) -> (i32, i32) {
    %c0_i32 = arith.constant 0 : i32
    %c0_i32_0 = arith.constant 0 : i32
    %c0_i32_1 = arith.constant 0 : i32
    return %c0_i32, %c0_i32_0 : i32, i32
  }
  func.func @transform_7(%arg0: i32) -> (i32, i32) {
    %c0_i32 = arith.constant 0 : i32
    %c0_i32_0 = arith.constant 0 : i32
    return %arg0, %c0_i32 : i32, i32
  }
  func.func @transform_8(%arg0: i32) -> (i32, i32) {
    %c0_i32 = arith.constant 0 : i32
    %c0_i32_0 = arith.constant 0 : i32
    %c0_i32_1 = arith.constant 0 : i32
    return %c0_i32, %c0_i32_0 : i32, i32
  }
  func.func @transform_9(%arg0: i32) -> (i32, i32) {
    %c0_i32 = arith.constant 0 : i32
    %c0_i32_0 = arith.constant 0 : i32
    %c0_i32_1 = arith.constant 0 : i32
    return %c0_i32, %c0_i32_0 : i32, i32
  }
  func.func @transform_10(%arg0: i32) -> (i32, i32) {
    %c0_i32 = arith.constant 0 : i32
    %c0_i32_0 = arith.constant 0 : i32
    %c0_i32_1 = arith.constant 0 : i32
    return %c0_i32, %c0_i32_0 : i32, i32
  }
  func.func @transform_11(%arg0: i32) -> (i32, i32) {
    %c0_i32 = arith.constant 0 : i32
    %c0_i32_0 = arith.constant 0 : i32
    %c0_i32_1 = arith.constant 0 : i32
    return %c0_i32, %c0_i32_0 : i32, i32
  }
  func.func @transform_12(%arg0: i32) -> (i32, i32) {
    %c0_i32 = arith.constant 0 : i32
    %c0_i32_0 = arith.constant 0 : i32
    return %arg0, %c0_i32 : i32, i32
  }
  func.func @transform_13(%arg0: i32) -> (i32, i32) {
    %c0_i32 = arith.constant 0 : i32
    %c0_i32_0 = arith.constant 0 : i32
    return %arg0, %c0_i32 : i32, i32
  }
  func.func @transform_14(%arg0: i32) -> (i32, i32) {
    %c0_i32 = arith.constant 0 : i32
    %c0_i32_0 = arith.constant 0 : i32
    return %arg0, %c0_i32 : i32, i32
  }
}

module attributes {stable_mosaic.version = 14 : i64} {
  func.func @_tc_b_body(%arg0: i32, %arg1: memref<5120x1xf32, #tpu.memory_space<vmem>>, %arg2: memref<5120x1xf32, #tpu.memory_space<vmem>>, %arg3: memref<5120x1xf32, #tpu.memory_space<vmem>>, %arg4: memref<5120x128xf32, #tpu.memory_space<vmem>>, %arg5: memref<128x128xf32, #tpu.memory_space<vmem>>, %arg6: memref<2560x1xf32, #tpu.memory_space<vmem>>, %arg7: memref<2560x128xf32, #tpu.memory_space<vmem>>) attributes {dimension_semantics = [#tpu.dimension_semantics<arbitrary>], iteration_bounds = array<i64: 2>, scalar_prefetch = 0 : i64, scratch_operands = 0 : i64, tpu.core_type = #tpu.core_type<tc>, window_params = [{transform_indices = @transform_0, window_bounds = array<i64: 5120, 1>}, {transform_indices = @transform_1, window_bounds = array<i64: 5120, 1>}, {transform_indices = @transform_2, window_bounds = array<i64: 5120, 1>}, {transform_indices = @transform_3, window_bounds = array<i64: 5120, 128>}, {pipeline_mode = #tpu.pipeline_mode<synchronous>, transform_indices = @transform_4, window_bounds = array<i64: 128, 128>}, {transform_indices = @transform_5, window_bounds = array<i64: 2560, 1>}, {transform_indices = @transform_6, window_bounds = array<i64: 2560, 128>}]} {
    %get3A = arith.constant 0 : index
    %get3A_0 = arith.constant 0 : index
    %get3A_1 = vector.load %arg1[%get3A, %get3A_0] : memref<5120x1xf32, #tpu.memory_space<vmem>>, vector<5120x1xf32>
    %get3A_2 = arith.constant 0 : index
    %get3A_3 = arith.constant 0 : index
    %get3A_4 = vector.load %arg2[%get3A_2, %get3A_3] : memref<5120x1xf32, #tpu.memory_space<vmem>>, vector<5120x1xf32>
    %add3A = arith.addf %get3A_1, %get3A_4 : vector<5120x1xf32>
    %get3A_5 = arith.constant 0 : index
    %get3A_6 = arith.constant 0 : index
    %get3A_7 = vector.load %arg3[%get3A_5, %get3A_6] : memref<5120x1xf32, #tpu.memory_space<vmem>>, vector<5120x1xf32>
    %div3A = arith.divf %add3A, %get3A_7 : vector<5120x1xf32>
    %get3A_8 = arith.constant 0 : index
    %get3A_9 = arith.constant 0 : index
    %get3A_10 = vector.load %arg4[%get3A_8, %get3A_9] : memref<5120x128xf32, #tpu.memory_space<vmem>>, vector<5120x128xf32>
    %mul3A = vector.broadcast %div3A : vector<5120x1xf32> to vector<5120x128xf32>
    %mul3A_11 = arith.mulf %get3A_10, %mul3A : vector<5120x128xf32>
    %reshape3A = vector.shape_cast %mul3A_11 : vector<5120x128xf32> to vector<2560x2x128xf32>
    %reduce_sum3A = arith.constant dense<0.000000e+00> : vector<2560x128xf32>
    %reduce_sum3A_12 = vector.multi_reduction <add>, %reshape3A, %reduce_sum3A [1] : vector<2560x2x128xf32> to vector<2560x128xf32>
    %mul3A_13 = arith.constant 5.000000e-01 : f32
    %mul3A_14 = vector.broadcast %mul3A_13 : f32 to vector<2560x128xf32>
    %mul3A_15 = arith.mulf %reduce_sum3A_12, %mul3A_14 : vector<2560x128xf32>
    %get3A_16 = arith.constant 0 : index
    %get3A_17 = arith.constant 0 : index
    %get3A_18 = vector.load %arg5[%get3A_16, %get3A_17] : memref<128x128xf32, #tpu.memory_space<vmem>>, vector<128x128xf32>
    %dot_general3A = arith.constant dense<0.000000e+00> : vector<2560x128xf32>
    %dot_general3A_19 = tpu.matmul %mul3A_15, %get3A_18, %dot_general3A {dimension_numbers = #tpu.dot_dimension_numbers<[1], [0], [0], [1], [0, 0, 1, 1], [], []>, transpose_lhs_hint = false} : vector<2560x128xf32>, vector<128x128xf32>, vector<2560x128xf32> -> vector<2560x128xf32>
    %get3A_20 = arith.constant 0 : index
    %get3A_21 = arith.constant 0 : index
    %get3A_22 = vector.load %arg6[%get3A_20, %get3A_21] : memref<2560x1xf32, #tpu.memory_space<vmem>>, vector<2560x1xf32>
    %mul3A_23 = vector.broadcast %get3A_22 : vector<2560x1xf32> to vector<2560x128xf32>
    %mul3A_24 = arith.mulf %dot_general3A_19, %mul3A_23 : vector<2560x128xf32>
    %swap3A = arith.constant 0 : index
    %swap3A_25 = arith.constant 0 : index
    %swap3A_26 = vector.load %arg7[%swap3A, %swap3A_25] : memref<2560x128xf32, #tpu.memory_space<vmem>>, vector<2560x128xf32>
    tpu.vector_store %arg7[%swap3A, %swap3A_25], %mul3A_24 {strides = array<i32>} : memref<2560x128xf32, #tpu.memory_space<vmem>>, vector<2560x128xf32>,
    return
  }
  func.func @transform_0(%arg0: i32) -> (i32, i32) {
    %c0_i32 = arith.constant 0 : i32
    %c0_i32_0 = arith.constant 0 : i32
    return %arg0, %c0_i32 : i32, i32
  }
  func.func @transform_1(%arg0: i32) -> (i32, i32) {
    %c0_i32 = arith.constant 0 : i32
    %c0_i32_0 = arith.constant 0 : i32
    return %arg0, %c0_i32 : i32, i32
  }
  func.func @transform_2(%arg0: i32) -> (i32, i32) {
    %c0_i32 = arith.constant 0 : i32
    %c0_i32_0 = arith.constant 0 : i32
    return %arg0, %c0_i32 : i32, i32
  }
  func.func @transform_3(%arg0: i32) -> (i32, i32) {
    %c0_i32 = arith.constant 0 : i32
    %c0_i32_0 = arith.constant 0 : i32
    return %arg0, %c0_i32 : i32, i32
  }
  func.func @transform_4(%arg0: i32) -> (i32, i32) {
    %c0_i32 = arith.constant 0 : i32
    %c0_i32_0 = arith.constant 0 : i32
    %c0_i32_1 = arith.constant 0 : i32
    return %c0_i32, %c0_i32_0 : i32, i32
  }
  func.func @transform_5(%arg0: i32) -> (i32, i32) {
    %c0_i32 = arith.constant 0 : i32
    %c0_i32_0 = arith.constant 0 : i32
    return %arg0, %c0_i32 : i32, i32
  }
  func.func @transform_6(%arg0: i32) -> (i32, i32) {
    %c0_i32 = arith.constant 0 : i32
    %c0_i32_0 = arith.constant 0 : i32
    return %arg0, %c0_i32 : i32, i32
  }
}

module attributes {stable_mosaic.version = 14 : i64} {
  func.func @_tc_a_body(%arg0: i32, %arg1: memref<2560x128xf32, #tpu.memory_space<vmem>>, %arg2: memref<2560x128xf32, #tpu.memory_space<vmem>>, %arg3: memref<2560x128xf32, #tpu.memory_space<vmem>>, %arg4: memref<2560x1xf32, #tpu.memory_space<vmem>>, %arg5: memref<1x128xf32, #tpu.memory_space<vmem>>, %arg6: memref<128x128xf32, #tpu.memory_space<vmem>>, %arg7: memref<100x128xf32, #tpu.memory_space<vmem>>, %arg8: memref<2560x1xi32, #tpu.memory_space<vmem>>, %arg9: memref<1x128xf32, #tpu.memory_space<vmem>>, %arg10: memref<128x1xf32, #tpu.memory_space<vmem>>, %arg11: memref<128x1xf32, #tpu.memory_space<vmem>>, %arg12: memref<1x1xf32, #tpu.memory_space<vmem>>, %arg13: memref<2560x128xf32, #tpu.memory_space<vmem>>, %arg14: memref<2560x1xf32, #tpu.memory_space<vmem>>, %arg15: memref<2560x1xf32, #tpu.memory_space<vmem>>) attributes {dimension_semantics = [#tpu.dimension_semantics<arbitrary>], iteration_bounds = array<i64: 2>, scalar_prefetch = 0 : i64, scratch_operands = 0 : i64, tpu.core_type = #tpu.core_type<tc>, window_params = [{transform_indices = @transform_0, window_bounds = array<i64: 2560, 128>}, {transform_indices = @transform_1, window_bounds = array<i64: 2560, 128>}, {transform_indices = @transform_2, window_bounds = array<i64: 2560, 128>}, {transform_indices = @transform_3, window_bounds = array<i64: 2560, 1>}, {pipeline_mode = #tpu.pipeline_mode<synchronous>, transform_indices = @transform_4, window_bounds = array<i64: 1, 128>}, {pipeline_mode = #tpu.pipeline_mode<synchronous>, transform_indices = @transform_5, window_bounds = array<i64: 128, 128>}, {pipeline_mode = #tpu.pipeline_mode<synchronous>, transform_indices = @transform_6, window_bounds = array<i64: 100, 128>}, {transform_indices = @transform_7, window_bounds = array<i64: 2560, 1>}, {pipeline_mode = #tpu.pipeline_mode<synchronous>, transform_indices = @transform_8, window_bounds = array<i64: 1, 128>}, {pipeline_mode = #tpu.pipeline_mode<synchronous>, transform_indices = @transform_9, window_bounds = array<i64: 128, 1>}, {pipeline_mode = #tpu.pipeline_mode<synchronous>, transform_indices = @transform_10, window_bounds = array<i64: 128, 1>}, {pipeline_mode = #tpu.pipeline_mode<synchronous>, transform_indices = @transform_11, window_bounds = array<i64: 1, 1>}, {transform_indices = @transform_12, window_bounds = array<i64: 2560, 128>}, {transform_indices = @transform_13, window_bounds = array<i64: 2560, 1>}, {transform_indices = @transform_14, window_bounds = array<i64: 2560, 1>}]} {
    %get3A = arith.constant 0 : index
    %get3A_0 = arith.constant 0 : index
    %get3A_1 = vector.load %arg4[%get3A, %get3A_0] : memref<2560x1xf32, #tpu.memory_space<vmem>>, vector<2560x1xf32>
    %get3A_2 = arith.constant 0 : index
    %get3A_3 = arith.constant 0 : index
    %get3A_4 = vector.load %arg1[%get3A_2, %get3A_3] : memref<2560x128xf32, #tpu.memory_space<vmem>>, vector<2560x128xf32>
    %get3A_5 = arith.constant 0 : index
    %get3A_6 = arith.constant 0 : index
    %get3A_7 = vector.load %arg2[%get3A_5, %get3A_6] : memref<2560x128xf32, #tpu.memory_space<vmem>>, vector<2560x128xf32>
    %add3A = arith.addf %get3A_4, %get3A_7 : vector<2560x128xf32>
    %get3A_8 = arith.constant 0 : index
    %get3A_9 = arith.constant 0 : index
    %get3A_10 = vector.load %arg3[%get3A_8, %get3A_9] : memref<2560x128xf32, #tpu.memory_space<vmem>>, vector<2560x128xf32>
    %add3A_11 = arith.addf %add3A, %get3A_10 : vector<2560x128xf32>
    %mul3A = vector.broadcast %get3A_1 : vector<2560x1xf32> to vector<2560x128xf32>
    %mul3A_12 = arith.mulf %mul3A, %add3A_11 : vector<2560x128xf32>
    %get3A_13 = arith.constant 0 : index
    %get3A_14 = arith.constant 0 : index
    %get3A_15 = vector.load %arg5[%get3A_13, %get3A_14] : memref<1x128xf32, #tpu.memory_space<vmem>>, vector<1x128xf32>
    %add3A_16 = vector.broadcast %get3A_15 : vector<1x128xf32> to vector<2560x128xf32>
    %add3A_17 = arith.addf %mul3A_12, %add3A_16 : vector<2560x128xf32>
    %max3A = arith.constant 0.000000e+00 : f32
    %max3A_18 = vector.broadcast %max3A : f32 to vector<2560x128xf32>
    %max3A_19 = arith.maximumf %add3A_17, %max3A_18 : vector<2560x128xf32>
    %iota3A = tpu.iota {dimensions = array<i32: 1>} : vector<2560x100xi32>
    %get3A_20 = arith.constant 0 : index
    %get3A_21 = arith.constant 0 : index
    %get3A_22 = vector.load %arg8[%get3A_20, %get3A_21] : memref<2560x1xi32, #tpu.memory_space<vmem>>, vector<2560x1xi32>
    %eq3A = vector.broadcast %get3A_22 : vector<2560x1xi32> to vector<2560x100xi32>
    %eq3A_23 = arith.cmpi eq, %eq3A, %iota3A : vector<2560x100xi32>
    %convert_element_type3A = arith.extui %eq3A_23 : vector<2560x100xi1> to vector<2560x100xi32>
    %convert_element_type3A_24 = arith.sitofp %convert_element_type3A : vector<2560x100xi32> to vector<2560x100xf32>
    %get3A_25 = arith.constant 0 : index
    %get3A_26 = arith.constant 0 : index
    %get3A_27 = vector.load %arg6[%get3A_25, %get3A_26] : memref<128x128xf32, #tpu.memory_space<vmem>>, vector<128x128xf32>
    %dot_general3A = arith.constant dense<0.000000e+00> : vector<2560x128xf32>
    %dot_general3A_28 = tpu.matmul %max3A_19, %get3A_27, %dot_general3A {dimension_numbers = #tpu.dot_dimension_numbers<[1], [0], [0], [1], [0, 0, 1, 1], [], []>, transpose_lhs_hint = false} : vector<2560x128xf32>, vector<128x128xf32>, vector<2560x128xf32> -> vector<2560x128xf32>
    %get3A_29 = arith.constant 0 : index
    %get3A_30 = arith.constant 0 : index
    %get3A_31 = vector.load %arg7[%get3A_29, %get3A_30] : memref<100x128xf32, #tpu.memory_space<vmem>>, vector<100x128xf32>
    %dot_general3A_32 = arith.constant dense<0.000000e+00> : vector<2560x128xf32>
    %dot_general3A_33 = tpu.matmul %convert_element_type3A_24, %get3A_31, %dot_general3A_32 {dimension_numbers = #tpu.dot_dimension_numbers<[1], [0], [0], [1], [0, 0, 1, 1], [], []>, transpose_lhs_hint = false} : vector<2560x100xf32>, vector<100x128xf32>, vector<2560x128xf32> -> vector<2560x128xf32>
    %add3A_34 = arith.addf %dot_general3A_28, %dot_general3A_33 : vector<2560x128xf32>
    %get3A_35 = arith.constant 0 : index
    %get3A_36 = arith.constant 0 : index
    %get3A_37 = vector.load %arg9[%get3A_35, %get3A_36] : memref<1x128xf32, #tpu.memory_space<vmem>>, vector<1x128xf32>
    %add3A_38 = vector.broadcast %get3A_37 : vector<1x128xf32> to vector<2560x128xf32>
    %add3A_39 = arith.addf %add3A_34, %add3A_38 : vector<2560x128xf32>
    %max3A_40 = arith.constant 0.000000e+00 : f32
    %max3A_41 = vector.broadcast %max3A_40 : f32 to vector<2560x128xf32>
    %max3A_42 = arith.maximumf %add3A_39, %max3A_41 : vector<2560x128xf32>
    %swap3A = arith.constant 0 : index
    %swap3A_43 = arith.constant 0 : index
    %swap3A_44 = vector.load %arg13[%swap3A, %swap3A_43] : memref<2560x128xf32, #tpu.memory_space<vmem>>, vector<2560x128xf32>
    tpu.vector_store %arg13[%swap3A, %swap3A_43], %max3A_42 {strides = array<i32>} : memref<2560x128xf32, #tpu.memory_space<vmem>>, vector<2560x128xf32>,
    %get3A_45 = arith.constant 0 : index
    %get3A_46 = arith.constant 0 : index
    %get3A_47 = vector.load %arg10[%get3A_45, %get3A_46] : memref<128x1xf32, #tpu.memory_space<vmem>>, vector<128x1xf32>
    %dot_general3A_48 = arith.constant dense<0.000000e+00> : vector<2560x1xf32>
    %dot_general3A_49 = tpu.matmul %max3A_42, %get3A_47, %dot_general3A_48 {dimension_numbers = #tpu.dot_dimension_numbers<[1], [0], [0], [1], [0, 0, 1, 1], [], []>, transpose_lhs_hint = false} : vector<2560x128xf32>, vector<128x1xf32>, vector<2560x1xf32> -> vector<2560x1xf32>
    %get3A_50 = arith.constant 0 : index
    %get3A_51 = arith.constant 0 : index
    %get3A_52 = vector.load %arg12[%get3A_50, %get3A_51] : memref<1x1xf32, #tpu.memory_space<vmem>>, vector<1x1xf32>
    %add3A_53 = vector.broadcast %get3A_52 : vector<1x1xf32> to vector<2560x1xf32>
    %add3A_54 = arith.addf %dot_general3A_49, %add3A_53 : vector<2560x1xf32>
    %swap3A_55 = arith.constant 0 : index
    %swap3A_56 = arith.constant 0 : index
    %swap3A_57 = vector.load %arg14[%swap3A_55, %swap3A_56] : memref<2560x1xf32, #tpu.memory_space<vmem>>, vector<2560x1xf32>
    tpu.vector_store %arg14[%swap3A_55, %swap3A_56], %add3A_54 {strides = array<i32>} : memref<2560x1xf32, #tpu.memory_space<vmem>>, vector<2560x1xf32>,
    %get3A_58 = arith.constant 0 : index
    %get3A_59 = arith.constant 0 : index
    %get3A_60 = vector.load %arg11[%get3A_58, %get3A_59] : memref<128x1xf32, #tpu.memory_space<vmem>>, vector<128x1xf32>
    %dot_general3A_61 = arith.constant dense<0.000000e+00> : vector<2560x1xf32>
    %dot_general3A_62 = tpu.matmul %max3A_42, %get3A_60, %dot_general3A_61 {dimension_numbers = #tpu.dot_dimension_numbers<[1], [0], [0], [1], [0, 0, 1, 1], [], []>, transpose_lhs_hint = false} : vector<2560x128xf32>, vector<128x1xf32>, vector<2560x1xf32> -> vector<2560x1xf32>
    %swap3A_63 = arith.constant 0 : index
    %swap3A_64 = arith.constant 0 : index
    %swap3A_65 = vector.load %arg15[%swap3A_63, %swap3A_64] : memref<2560x1xf32, #tpu.memory_space<vmem>>, vector<2560x1xf32>
    tpu.vector_store %arg15[%swap3A_63, %swap3A_64], %dot_general3A_62 {strides = array<i32>} : memref<2560x1xf32, #tpu.memory_space<vmem>>, vector<2560x1xf32>,
    return
  }
  func.func @transform_0(%arg0: i32) -> (i32, i32) {
    %c0_i32 = arith.constant 0 : i32
    %c0_i32_0 = arith.constant 0 : i32
    return %arg0, %c0_i32 : i32, i32
  }
  func.func @transform_1(%arg0: i32) -> (i32, i32) {
    %c0_i32 = arith.constant 0 : i32
    %c0_i32_0 = arith.constant 0 : i32
    return %arg0, %c0_i32 : i32, i32
  }
  func.func @transform_2(%arg0: i32) -> (i32, i32) {
    %c0_i32 = arith.constant 0 : i32
    %c0_i32_0 = arith.constant 0 : i32
    return %arg0, %c0_i32 : i32, i32
  }
  func.func @transform_3(%arg0: i32) -> (i32, i32) {
    %c0_i32 = arith.constant 0 : i32
    %c0_i32_0 = arith.constant 0 : i32
    return %arg0, %c0_i32 : i32, i32
  }
  func.func @transform_4(%arg0: i32) -> (i32, i32) {
    %c0_i32 = arith.constant 0 : i32
    %c0_i32_0 = arith.constant 0 : i32
    %c0_i32_1 = arith.constant 0 : i32
    return %c0_i32, %c0_i32_0 : i32, i32
  }
  func.func @transform_5(%arg0: i32) -> (i32, i32) {
    %c0_i32 = arith.constant 0 : i32
    %c0_i32_0 = arith.constant 0 : i32
    %c0_i32_1 = arith.constant 0 : i32
    return %c0_i32, %c0_i32_0 : i32, i32
  }
  func.func @transform_6(%arg0: i32) -> (i32, i32) {
    %c0_i32 = arith.constant 0 : i32
    %c0_i32_0 = arith.constant 0 : i32
    %c0_i32_1 = arith.constant 0 : i32
    return %c0_i32, %c0_i32_0 : i32, i32
  }
  func.func @transform_7(%arg0: i32) -> (i32, i32) {
    %c0_i32 = arith.constant 0 : i32
    %c0_i32_0 = arith.constant 0 : i32
    return %arg0, %c0_i32 : i32, i32
  }
  func.func @transform_8(%arg0: i32) -> (i32, i32) {
    %c0_i32 = arith.constant 0 : i32
    %c0_i32_0 = arith.constant 0 : i32
    %c0_i32_1 = arith.constant 0 : i32
    return %c0_i32, %c0_i32_0 : i32, i32
  }
  func.func @transform_9(%arg0: i32) -> (i32, i32) {
    %c0_i32 = arith.constant 0 : i32
    %c0_i32_0 = arith.constant 0 : i32
    %c0_i32_1 = arith.constant 0 : i32
    return %c0_i32, %c0_i32_0 : i32, i32
  }
  func.func @transform_10(%arg0: i32) -> (i32, i32) {
    %c0_i32 = arith.constant 0 : i32
    %c0_i32_0 = arith.constant 0 : i32
    %c0_i32_1 = arith.constant 0 : i32
    return %c0_i32, %c0_i32_0 : i32, i32
  }
  func.func @transform_11(%arg0: i32) -> (i32, i32) {
    %c0_i32 = arith.constant 0 : i32
    %c0_i32_0 = arith.constant 0 : i32
    %c0_i32_1 = arith.constant 0 : i32
    return %c0_i32, %c0_i32_0 : i32, i32
  }
  func.func @transform_12(%arg0: i32) -> (i32, i32) {
    %c0_i32 = arith.constant 0 : i32
    %c0_i32_0 = arith.constant 0 : i32
    return %arg0, %c0_i32 : i32, i32
  }
  func.func @transform_13(%arg0: i32) -> (i32, i32) {
    %c0_i32 = arith.constant 0 : i32
    %c0_i32_0 = arith.constant 0 : i32
    return %arg0, %c0_i32 : i32, i32
  }
  func.func @transform_14(%arg0: i32) -> (i32, i32) {
    %c0_i32 = arith.constant 0 : i32
    %c0_i32_0 = arith.constant 0 : i32
    return %arg0, %c0_i32 : i32, i32
  }
}

module attributes {stable_mosaic.version = 14 : i64} {
  func.func @_tc_b_body(%arg0: i32, %arg1: memref<5120x1xf32, #tpu.memory_space<vmem>>, %arg2: memref<5120x1xf32, #tpu.memory_space<vmem>>, %arg3: memref<5120x1xf32, #tpu.memory_space<vmem>>, %arg4: memref<5120x128xf32, #tpu.memory_space<vmem>>, %arg5: memref<128x128xf32, #tpu.memory_space<vmem>>, %arg6: memref<2560x1xf32, #tpu.memory_space<vmem>>, %arg7: memref<2560x128xf32, #tpu.memory_space<vmem>>) attributes {dimension_semantics = [#tpu.dimension_semantics<arbitrary>], iteration_bounds = array<i64: 1>, scalar_prefetch = 0 : i64, scratch_operands = 0 : i64, tpu.core_type = #tpu.core_type<tc>, window_params = [{transform_indices = @transform_0, window_bounds = array<i64: 5120, 1>}, {transform_indices = @transform_1, window_bounds = array<i64: 5120, 1>}, {transform_indices = @transform_2, window_bounds = array<i64: 5120, 1>}, {transform_indices = @transform_3, window_bounds = array<i64: 5120, 128>}, {pipeline_mode = #tpu.pipeline_mode<synchronous>, transform_indices = @transform_4, window_bounds = array<i64: 128, 128>}, {transform_indices = @transform_5, window_bounds = array<i64: 2560, 1>}, {transform_indices = @transform_6, window_bounds = array<i64: 2560, 128>}]} {
    %get3A = arith.constant 0 : index
    %get3A_0 = arith.constant 0 : index
    %get3A_1 = vector.load %arg1[%get3A, %get3A_0] : memref<5120x1xf32, #tpu.memory_space<vmem>>, vector<5120x1xf32>
    %get3A_2 = arith.constant 0 : index
    %get3A_3 = arith.constant 0 : index
    %get3A_4 = vector.load %arg2[%get3A_2, %get3A_3] : memref<5120x1xf32, #tpu.memory_space<vmem>>, vector<5120x1xf32>
    %add3A = arith.addf %get3A_1, %get3A_4 : vector<5120x1xf32>
    %get3A_5 = arith.constant 0 : index
    %get3A_6 = arith.constant 0 : index
    %get3A_7 = vector.load %arg3[%get3A_5, %get3A_6] : memref<5120x1xf32, #tpu.memory_space<vmem>>, vector<5120x1xf32>
    %div3A = arith.divf %add3A, %get3A_7 : vector<5120x1xf32>
    %get3A_8 = arith.constant 0 : index
    %get3A_9 = arith.constant 0 : index
    %get3A_10 = vector.load %arg4[%get3A_8, %get3A_9] : memref<5120x128xf32, #tpu.memory_space<vmem>>, vector<5120x128xf32>
    %mul3A = vector.broadcast %div3A : vector<5120x1xf32> to vector<5120x128xf32>
    %mul3A_11 = arith.mulf %get3A_10, %mul3A : vector<5120x128xf32>
    %reshape3A = vector.shape_cast %mul3A_11 : vector<5120x128xf32> to vector<2560x2x128xf32>
    %reduce_sum3A = arith.constant dense<0.000000e+00> : vector<2560x128xf32>
    %reduce_sum3A_12 = vector.multi_reduction <add>, %reshape3A, %reduce_sum3A [1] : vector<2560x2x128xf32> to vector<2560x128xf32>
    %mul3A_13 = arith.constant 5.000000e-01 : f32
    %mul3A_14 = vector.broadcast %mul3A_13 : f32 to vector<2560x128xf32>
    %mul3A_15 = arith.mulf %reduce_sum3A_12, %mul3A_14 : vector<2560x128xf32>
    %get3A_16 = arith.constant 0 : index
    %get3A_17 = arith.constant 0 : index
    %get3A_18 = vector.load %arg5[%get3A_16, %get3A_17] : memref<128x128xf32, #tpu.memory_space<vmem>>, vector<128x128xf32>
    %dot_general3A = arith.constant dense<0.000000e+00> : vector<2560x128xf32>
    %dot_general3A_19 = tpu.matmul %mul3A_15, %get3A_18, %dot_general3A {dimension_numbers = #tpu.dot_dimension_numbers<[1], [0], [0], [1], [0, 0, 1, 1], [], []>, transpose_lhs_hint = false} : vector<2560x128xf32>, vector<128x128xf32>, vector<2560x128xf32> -> vector<2560x128xf32>
    %get3A_20 = arith.constant 0 : index
    %get3A_21 = arith.constant 0 : index
    %get3A_22 = vector.load %arg6[%get3A_20, %get3A_21] : memref<2560x1xf32, #tpu.memory_space<vmem>>, vector<2560x1xf32>
    %mul3A_23 = vector.broadcast %get3A_22 : vector<2560x1xf32> to vector<2560x128xf32>
    %mul3A_24 = arith.mulf %dot_general3A_19, %mul3A_23 : vector<2560x128xf32>
    %swap3A = arith.constant 0 : index
    %swap3A_25 = arith.constant 0 : index
    %swap3A_26 = vector.load %arg7[%swap3A, %swap3A_25] : memref<2560x128xf32, #tpu.memory_space<vmem>>, vector<2560x128xf32>
    tpu.vector_store %arg7[%swap3A, %swap3A_25], %mul3A_24 {strides = array<i32>} : memref<2560x128xf32, #tpu.memory_space<vmem>>, vector<2560x128xf32>,
    return
  }
  func.func @transform_0(%arg0: i32) -> (i32, i32) {
    %c0_i32 = arith.constant 0 : i32
    %c0_i32_0 = arith.constant 0 : i32
    return %arg0, %c0_i32 : i32, i32
  }
  func.func @transform_1(%arg0: i32) -> (i32, i32) {
    %c0_i32 = arith.constant 0 : i32
    %c0_i32_0 = arith.constant 0 : i32
    return %arg0, %c0_i32 : i32, i32
  }
  func.func @transform_2(%arg0: i32) -> (i32, i32) {
    %c0_i32 = arith.constant 0 : i32
    %c0_i32_0 = arith.constant 0 : i32
    return %arg0, %c0_i32 : i32, i32
  }
  func.func @transform_3(%arg0: i32) -> (i32, i32) {
    %c0_i32 = arith.constant 0 : i32
    %c0_i32_0 = arith.constant 0 : i32
    return %arg0, %c0_i32 : i32, i32
  }
  func.func @transform_4(%arg0: i32) -> (i32, i32) {
    %c0_i32 = arith.constant 0 : i32
    %c0_i32_0 = arith.constant 0 : i32
    %c0_i32_1 = arith.constant 0 : i32
    return %c0_i32, %c0_i32_0 : i32, i32
  }
  func.func @transform_5(%arg0: i32) -> (i32, i32) {
    %c0_i32 = arith.constant 0 : i32
    %c0_i32_0 = arith.constant 0 : i32
    return %arg0, %c0_i32 : i32, i32
  }
  func.func @transform_6(%arg0: i32) -> (i32, i32) {
    %c0_i32 = arith.constant 0 : i32
    %c0_i32_0 = arith.constant 0 : i32
    return %arg0, %c0_i32 : i32, i32
  }
}

module attributes {stable_mosaic.version = 14 : i64} {
  func.func @_tc_a_body(%arg0: i32, %arg1: memref<2560x128xf32, #tpu.memory_space<vmem>>, %arg2: memref<2560x128xf32, #tpu.memory_space<vmem>>, %arg3: memref<2560x128xf32, #tpu.memory_space<vmem>>, %arg4: memref<2560x1xf32, #tpu.memory_space<vmem>>, %arg5: memref<1x128xf32, #tpu.memory_space<vmem>>, %arg6: memref<128x128xf32, #tpu.memory_space<vmem>>, %arg7: memref<100x128xf32, #tpu.memory_space<vmem>>, %arg8: memref<2560x1xi32, #tpu.memory_space<vmem>>, %arg9: memref<1x128xf32, #tpu.memory_space<vmem>>, %arg10: memref<128x1xf32, #tpu.memory_space<vmem>>, %arg11: memref<128x1xf32, #tpu.memory_space<vmem>>, %arg12: memref<1x1xf32, #tpu.memory_space<vmem>>, %arg13: memref<2560x128xf32, #tpu.memory_space<vmem>>, %arg14: memref<2560x1xf32, #tpu.memory_space<vmem>>, %arg15: memref<2560x1xf32, #tpu.memory_space<vmem>>) attributes {dimension_semantics = [#tpu.dimension_semantics<arbitrary>], iteration_bounds = array<i64: 1>, scalar_prefetch = 0 : i64, scratch_operands = 0 : i64, tpu.core_type = #tpu.core_type<tc>, window_params = [{transform_indices = @transform_0, window_bounds = array<i64: 2560, 128>}, {transform_indices = @transform_1, window_bounds = array<i64: 2560, 128>}, {transform_indices = @transform_2, window_bounds = array<i64: 2560, 128>}, {transform_indices = @transform_3, window_bounds = array<i64: 2560, 1>}, {pipeline_mode = #tpu.pipeline_mode<synchronous>, transform_indices = @transform_4, window_bounds = array<i64: 1, 128>}, {pipeline_mode = #tpu.pipeline_mode<synchronous>, transform_indices = @transform_5, window_bounds = array<i64: 128, 128>}, {pipeline_mode = #tpu.pipeline_mode<synchronous>, transform_indices = @transform_6, window_bounds = array<i64: 100, 128>}, {transform_indices = @transform_7, window_bounds = array<i64: 2560, 1>}, {pipeline_mode = #tpu.pipeline_mode<synchronous>, transform_indices = @transform_8, window_bounds = array<i64: 1, 128>}, {pipeline_mode = #tpu.pipeline_mode<synchronous>, transform_indices = @transform_9, window_bounds = array<i64: 128, 1>}, {pipeline_mode = #tpu.pipeline_mode<synchronous>, transform_indices = @transform_10, window_bounds = array<i64: 128, 1>}, {pipeline_mode = #tpu.pipeline_mode<synchronous>, transform_indices = @transform_11, window_bounds = array<i64: 1, 1>}, {transform_indices = @transform_12, window_bounds = array<i64: 2560, 128>}, {transform_indices = @transform_13, window_bounds = array<i64: 2560, 1>}, {transform_indices = @transform_14, window_bounds = array<i64: 2560, 1>}]} {
    %get3A = arith.constant 0 : index
    %get3A_0 = arith.constant 0 : index
    %get3A_1 = vector.load %arg4[%get3A, %get3A_0] : memref<2560x1xf32, #tpu.memory_space<vmem>>, vector<2560x1xf32>
    %get3A_2 = arith.constant 0 : index
    %get3A_3 = arith.constant 0 : index
    %get3A_4 = vector.load %arg1[%get3A_2, %get3A_3] : memref<2560x128xf32, #tpu.memory_space<vmem>>, vector<2560x128xf32>
    %get3A_5 = arith.constant 0 : index
    %get3A_6 = arith.constant 0 : index
    %get3A_7 = vector.load %arg2[%get3A_5, %get3A_6] : memref<2560x128xf32, #tpu.memory_space<vmem>>, vector<2560x128xf32>
    %add3A = arith.addf %get3A_4, %get3A_7 : vector<2560x128xf32>
    %get3A_8 = arith.constant 0 : index
    %get3A_9 = arith.constant 0 : index
    %get3A_10 = vector.load %arg3[%get3A_8, %get3A_9] : memref<2560x128xf32, #tpu.memory_space<vmem>>, vector<2560x128xf32>
    %add3A_11 = arith.addf %add3A, %get3A_10 : vector<2560x128xf32>
    %mul3A = vector.broadcast %get3A_1 : vector<2560x1xf32> to vector<2560x128xf32>
    %mul3A_12 = arith.mulf %mul3A, %add3A_11 : vector<2560x128xf32>
    %get3A_13 = arith.constant 0 : index
    %get3A_14 = arith.constant 0 : index
    %get3A_15 = vector.load %arg5[%get3A_13, %get3A_14] : memref<1x128xf32, #tpu.memory_space<vmem>>, vector<1x128xf32>
    %add3A_16 = vector.broadcast %get3A_15 : vector<1x128xf32> to vector<2560x128xf32>
    %add3A_17 = arith.addf %mul3A_12, %add3A_16 : vector<2560x128xf32>
    %max3A = arith.constant 0.000000e+00 : f32
    %max3A_18 = vector.broadcast %max3A : f32 to vector<2560x128xf32>
    %max3A_19 = arith.maximumf %add3A_17, %max3A_18 : vector<2560x128xf32>
    %iota3A = tpu.iota {dimensions = array<i32: 1>} : vector<2560x100xi32>
    %get3A_20 = arith.constant 0 : index
    %get3A_21 = arith.constant 0 : index
    %get3A_22 = vector.load %arg8[%get3A_20, %get3A_21] : memref<2560x1xi32, #tpu.memory_space<vmem>>, vector<2560x1xi32>
    %eq3A = vector.broadcast %get3A_22 : vector<2560x1xi32> to vector<2560x100xi32>
    %eq3A_23 = arith.cmpi eq, %eq3A, %iota3A : vector<2560x100xi32>
    %convert_element_type3A = arith.extui %eq3A_23 : vector<2560x100xi1> to vector<2560x100xi32>
    %convert_element_type3A_24 = arith.sitofp %convert_element_type3A : vector<2560x100xi32> to vector<2560x100xf32>
    %get3A_25 = arith.constant 0 : index
    %get3A_26 = arith.constant 0 : index
    %get3A_27 = vector.load %arg6[%get3A_25, %get3A_26] : memref<128x128xf32, #tpu.memory_space<vmem>>, vector<128x128xf32>
    %dot_general3A = arith.constant dense<0.000000e+00> : vector<2560x128xf32>
    %dot_general3A_28 = tpu.matmul %max3A_19, %get3A_27, %dot_general3A {dimension_numbers = #tpu.dot_dimension_numbers<[1], [0], [0], [1], [0, 0, 1, 1], [], []>, transpose_lhs_hint = false} : vector<2560x128xf32>, vector<128x128xf32>, vector<2560x128xf32> -> vector<2560x128xf32>
    %get3A_29 = arith.constant 0 : index
    %get3A_30 = arith.constant 0 : index
    %get3A_31 = vector.load %arg7[%get3A_29, %get3A_30] : memref<100x128xf32, #tpu.memory_space<vmem>>, vector<100x128xf32>
    %dot_general3A_32 = arith.constant dense<0.000000e+00> : vector<2560x128xf32>
    %dot_general3A_33 = tpu.matmul %convert_element_type3A_24, %get3A_31, %dot_general3A_32 {dimension_numbers = #tpu.dot_dimension_numbers<[1], [0], [0], [1], [0, 0, 1, 1], [], []>, transpose_lhs_hint = false} : vector<2560x100xf32>, vector<100x128xf32>, vector<2560x128xf32> -> vector<2560x128xf32>
    %add3A_34 = arith.addf %dot_general3A_28, %dot_general3A_33 : vector<2560x128xf32>
    %get3A_35 = arith.constant 0 : index
    %get3A_36 = arith.constant 0 : index
    %get3A_37 = vector.load %arg9[%get3A_35, %get3A_36] : memref<1x128xf32, #tpu.memory_space<vmem>>, vector<1x128xf32>
    %add3A_38 = vector.broadcast %get3A_37 : vector<1x128xf32> to vector<2560x128xf32>
    %add3A_39 = arith.addf %add3A_34, %add3A_38 : vector<2560x128xf32>
    %max3A_40 = arith.constant 0.000000e+00 : f32
    %max3A_41 = vector.broadcast %max3A_40 : f32 to vector<2560x128xf32>
    %max3A_42 = arith.maximumf %add3A_39, %max3A_41 : vector<2560x128xf32>
    %swap3A = arith.constant 0 : index
    %swap3A_43 = arith.constant 0 : index
    %swap3A_44 = vector.load %arg13[%swap3A, %swap3A_43] : memref<2560x128xf32, #tpu.memory_space<vmem>>, vector<2560x128xf32>
    tpu.vector_store %arg13[%swap3A, %swap3A_43], %max3A_42 {strides = array<i32>} : memref<2560x128xf32, #tpu.memory_space<vmem>>, vector<2560x128xf32>,
    %get3A_45 = arith.constant 0 : index
    %get3A_46 = arith.constant 0 : index
    %get3A_47 = vector.load %arg10[%get3A_45, %get3A_46] : memref<128x1xf32, #tpu.memory_space<vmem>>, vector<128x1xf32>
    %dot_general3A_48 = arith.constant dense<0.000000e+00> : vector<2560x1xf32>
    %dot_general3A_49 = tpu.matmul %max3A_42, %get3A_47, %dot_general3A_48 {dimension_numbers = #tpu.dot_dimension_numbers<[1], [0], [0], [1], [0, 0, 1, 1], [], []>, transpose_lhs_hint = false} : vector<2560x128xf32>, vector<128x1xf32>, vector<2560x1xf32> -> vector<2560x1xf32>
    %get3A_50 = arith.constant 0 : index
    %get3A_51 = arith.constant 0 : index
    %get3A_52 = vector.load %arg12[%get3A_50, %get3A_51] : memref<1x1xf32, #tpu.memory_space<vmem>>, vector<1x1xf32>
    %add3A_53 = vector.broadcast %get3A_52 : vector<1x1xf32> to vector<2560x1xf32>
    %add3A_54 = arith.addf %dot_general3A_49, %add3A_53 : vector<2560x1xf32>
    %swap3A_55 = arith.constant 0 : index
    %swap3A_56 = arith.constant 0 : index
    %swap3A_57 = vector.load %arg14[%swap3A_55, %swap3A_56] : memref<2560x1xf32, #tpu.memory_space<vmem>>, vector<2560x1xf32>
    tpu.vector_store %arg14[%swap3A_55, %swap3A_56], %add3A_54 {strides = array<i32>} : memref<2560x1xf32, #tpu.memory_space<vmem>>, vector<2560x1xf32>,
    %get3A_58 = arith.constant 0 : index
    %get3A_59 = arith.constant 0 : index
    %get3A_60 = vector.load %arg11[%get3A_58, %get3A_59] : memref<128x1xf32, #tpu.memory_space<vmem>>, vector<128x1xf32>
    %dot_general3A_61 = arith.constant dense<0.000000e+00> : vector<2560x1xf32>
    %dot_general3A_62 = tpu.matmul %max3A_42, %get3A_60, %dot_general3A_61 {dimension_numbers = #tpu.dot_dimension_numbers<[1], [0], [0], [1], [0, 0, 1, 1], [], []>, transpose_lhs_hint = false} : vector<2560x128xf32>, vector<128x1xf32>, vector<2560x1xf32> -> vector<2560x1xf32>
    %swap3A_63 = arith.constant 0 : index
    %swap3A_64 = arith.constant 0 : index
    %swap3A_65 = vector.load %arg15[%swap3A_63, %swap3A_64] : memref<2560x1xf32, #tpu.memory_space<vmem>>, vector<2560x1xf32>
    tpu.vector_store %arg15[%swap3A_63, %swap3A_64], %dot_general3A_62 {strides = array<i32>} : memref<2560x1xf32, #tpu.memory_space<vmem>>, vector<2560x1xf32>,
    return
  }
  func.func @transform_0(%arg0: i32) -> (i32, i32) {
    %c0_i32 = arith.constant 0 : i32
    %c0_i32_0 = arith.constant 0 : i32
    return %arg0, %c0_i32 : i32, i32
  }
  func.func @transform_1(%arg0: i32) -> (i32, i32) {
    %c0_i32 = arith.constant 0 : i32
    %c0_i32_0 = arith.constant 0 : i32
    return %arg0, %c0_i32 : i32, i32
  }
  func.func @transform_2(%arg0: i32) -> (i32, i32) {
    %c0_i32 = arith.constant 0 : i32
    %c0_i32_0 = arith.constant 0 : i32
    return %arg0, %c0_i32 : i32, i32
  }
  func.func @transform_3(%arg0: i32) -> (i32, i32) {
    %c0_i32 = arith.constant 0 : i32
    %c0_i32_0 = arith.constant 0 : i32
    return %arg0, %c0_i32 : i32, i32
  }
  func.func @transform_4(%arg0: i32) -> (i32, i32) {
    %c0_i32 = arith.constant 0 : i32
    %c0_i32_0 = arith.constant 0 : i32
    %c0_i32_1 = arith.constant 0 : i32
    return %c0_i32, %c0_i32_0 : i32, i32
  }
  func.func @transform_5(%arg0: i32) -> (i32, i32) {
    %c0_i32 = arith.constant 0 : i32
    %c0_i32_0 = arith.constant 0 : i32
    %c0_i32_1 = arith.constant 0 : i32
    return %c0_i32, %c0_i32_0 : i32, i32
  }
  func.func @transform_6(%arg0: i32) -> (i32, i32) {
    %c0_i32 = arith.constant 0 : i32
    %c0_i32_0 = arith.constant 0 : i32
    %c0_i32_1 = arith.constant 0 : i32
    return %c0_i32, %c0_i32_0 : i32, i32
  }
  func.func @transform_7(%arg0: i32) -> (i32, i32) {
    %c0_i32 = arith.constant 0 : i32
    %c0_i32_0 = arith.constant 0 : i32
    return %arg0, %c0_i32 : i32, i32
  }
  func.func @transform_8(%arg0: i32) -> (i32, i32) {
    %c0_i32 = arith.constant 0 : i32
    %c0_i32_0 = arith.constant 0 : i32
    %c0_i32_1 = arith.constant 0 : i32
    return %c0_i32, %c0_i32_0 : i32, i32
  }
  func.func @transform_9(%arg0: i32) -> (i32, i32) {
    %c0_i32 = arith.constant 0 : i32
    %c0_i32_0 = arith.constant 0 : i32
    %c0_i32_1 = arith.constant 0 : i32
    return %c0_i32, %c0_i32_0 : i32, i32
  }
  func.func @transform_10(%arg0: i32) -> (i32, i32) {
    %c0_i32 = arith.constant 0 : i32
    %c0_i32_0 = arith.constant 0 : i32
    %c0_i32_1 = arith.constant 0 : i32
    return %c0_i32, %c0_i32_0 : i32, i32
  }
  func.func @transform_11(%arg0: i32) -> (i32, i32) {
    %c0_i32 = arith.constant 0 : i32
    %c0_i32_0 = arith.constant 0 : i32
    %c0_i32_1 = arith.constant 0 : i32
    return %c0_i32, %c0_i32_0 : i32, i32
  }
  func.func @transform_12(%arg0: i32) -> (i32, i32) {
    %c0_i32 = arith.constant 0 : i32
    %c0_i32_0 = arith.constant 0 : i32
    return %arg0, %c0_i32 : i32, i32
  }
  func.func @transform_13(%arg0: i32) -> (i32, i32) {
    %c0_i32 = arith.constant 0 : i32
    %c0_i32_0 = arith.constant 0 : i32
    return %arg0, %c0_i32 : i32, i32
  }
  func.func @transform_14(%arg0: i32) -> (i32, i32) {
    %c0_i32 = arith.constant 0 : i32
    %c0_i32_0 = arith.constant 0 : i32
    return %arg0, %c0_i32 : i32, i32
  }
}

module attributes {stable_mosaic.version = 14 : i64} {
  func.func @_tc_c_body(%arg0: memref<2560x1xf32, #tpu.memory_space<vmem>>, %arg1: memref<2560x1xf32, #tpu.memory_space<vmem>>, %arg2: memref<2560x1xf32, #tpu.memory_space<vmem>>, %arg3: memref<2560x128xf32, #tpu.memory_space<vmem>>, %arg4: memref<1280x1xi32, #tpu.memory_space<vmem>>, %arg5: memref<128x10xf32, #tpu.memory_space<vmem>>, %arg6: memref<1x10xf32, #tpu.memory_space<vmem>>, %arg7: memref<100x10xf32, #tpu.memory_space<vmem>>) attributes {dimension_semantics = [], scalar_prefetch = 0 : i64, scratch_operands = 0 : i64, tpu.core_type = #tpu.core_type<tc>} {
    %get3A = arith.constant 0 : index
    %get3A_0 = arith.constant 0 : index
    %get3A_1 = vector.load %arg0[%get3A, %get3A_0] : memref<2560x1xf32, #tpu.memory_space<vmem>>, vector<2560x1xf32>
    %get3A_2 = arith.constant 0 : index
    %get3A_3 = arith.constant 0 : index
    %get3A_4 = vector.load %arg1[%get3A_2, %get3A_3] : memref<2560x1xf32, #tpu.memory_space<vmem>>, vector<2560x1xf32>
    %add3A = arith.addf %get3A_1, %get3A_4 : vector<2560x1xf32>
    %get3A_5 = arith.constant 0 : index
    %get3A_6 = arith.constant 0 : index
    %get3A_7 = vector.load %arg2[%get3A_5, %get3A_6] : memref<2560x1xf32, #tpu.memory_space<vmem>>, vector<2560x1xf32>
    %div3A = arith.divf %add3A, %get3A_7 : vector<2560x1xf32>
    %get3A_8 = arith.constant 0 : index
    %get3A_9 = arith.constant 0 : index
    %get3A_10 = vector.load %arg3[%get3A_8, %get3A_9] : memref<2560x128xf32, #tpu.memory_space<vmem>>, vector<2560x128xf32>
    %mul3A = vector.broadcast %div3A : vector<2560x1xf32> to vector<2560x128xf32>
    %mul3A_11 = arith.mulf %get3A_10, %mul3A : vector<2560x128xf32>
    %reshape3A = vector.shape_cast %mul3A_11 : vector<2560x128xf32> to vector<1280x2x128xf32>
    %reduce_sum3A = arith.constant dense<0.000000e+00> : vector<1280x128xf32>
    %reduce_sum3A_12 = vector.multi_reduction <add>, %reshape3A, %reduce_sum3A [1] : vector<1280x2x128xf32> to vector<1280x128xf32>
    %mul3A_13 = arith.constant 5.000000e-01 : f32
    %mul3A_14 = vector.broadcast %mul3A_13 : f32 to vector<1280x128xf32>
    %mul3A_15 = arith.mulf %reduce_sum3A_12, %mul3A_14 : vector<1280x128xf32>
    %iota3A = tpu.iota {dimensions = array<i32: 1>} : vector<1280x100xi32>
    %iota3A_16 = tpu.iota {dimensions = array<i32: 0>} : vector<1280x100xi32>
    %get3A_17 = arith.constant 0 : index
    %get3A_18 = arith.constant 0 : index
    %get3A_19 = vector.load %arg4[%get3A_17, %get3A_18] : memref<1280x1xi32, #tpu.memory_space<vmem>>, vector<1280x1xi32>
    %eq3A = vector.broadcast %get3A_19 : vector<1280x1xi32> to vector<1280x100xi32>
    %eq3A_20 = arith.cmpi eq, %eq3A, %iota3A : vector<1280x100xi32>
    %lt3A = arith.constant 1250 : i32
    %lt3A_21 = vector.broadcast %lt3A : i32 to vector<1280x100xi32>
    %lt3A_22 = arith.cmpi slt, %iota3A_16, %lt3A_21 : vector<1280x100xi32>
    %and3A = arith.andi %eq3A_20, %lt3A_22 : vector<1280x100xi1>
    %convert_element_type3A = arith.extui %and3A : vector<1280x100xi1> to vector<1280x100xi32>
    %convert_element_type3A_23 = arith.sitofp %convert_element_type3A : vector<1280x100xi32> to vector<1280x100xf32>
    %dot_general3A = arith.constant dense<0.000000e+00> : vector<100x128xf32>
    %dot_general3A_24 = tpu.matmul %convert_element_type3A_23, %mul3A_15, %dot_general3A {dimension_numbers = #tpu.dot_dimension_numbers<[0], [0], [1], [1], [0, 1, 1, 1], [], []>, transpose_lhs_hint = false} : vector<1280x100xf32>, vector<1280x128xf32>, vector<100x128xf32> -> vector<100x128xf32>
    %broadcast_in_dim3A = arith.constant 1.000000e+00 : f32
    %broadcast_in_dim3A_25 = vector.broadcast %broadcast_in_dim3A : f32 to vector<1280x1xf32>
    %dot_general3A_26 = arith.constant dense<0.000000e+00> : vector<100x1xf32>
    %dot_general3A_27 = tpu.matmul %convert_element_type3A_23, %broadcast_in_dim3A_25, %dot_general3A_26 {dimension_numbers = #tpu.dot_dimension_numbers<[0], [0], [1], [1], [0, 1, 1, 1], [], []>, transpose_lhs_hint = false} : vector<1280x100xf32>, vector<1280x1xf32>, vector<100x1xf32> -> vector<100x1xf32>
    %max3A = arith.constant 1.000000e+00 : f32
    %max3A_28 = vector.broadcast %max3A : f32 to vector<100x1xf32>
    %max3A_29 = arith.maximumf %dot_general3A_27, %max3A_28 : vector<100x1xf32>
    %div3A_30 = vector.broadcast %max3A_29 : vector<100x1xf32> to vector<100x128xf32>
    %div3A_31 = arith.divf %dot_general3A_24, %div3A_30 : vector<100x128xf32>
    %get3A_32 = arith.constant 0 : index
    %get3A_33 = arith.constant 0 : index
    %get3A_34 = vector.load %arg5[%get3A_32, %get3A_33] : memref<128x10xf32, #tpu.memory_space<vmem>>, vector<128x10xf32>
    %dot_general3A_35 = arith.constant dense<0.000000e+00> : vector<100x10xf32>
    %dot_general3A_36 = tpu.matmul %div3A_31, %get3A_34, %dot_general3A_35 {dimension_numbers = #tpu.dot_dimension_numbers<[1], [0], [0], [1], [0, 0, 1, 1], [], []>, transpose_lhs_hint = false} : vector<100x128xf32>, vector<128x10xf32>, vector<100x10xf32> -> vector<100x10xf32>
    %get3A_37 = arith.constant 0 : index
    %get3A_38 = arith.constant 0 : index
    %get3A_39 = vector.load %arg6[%get3A_37, %get3A_38] : memref<1x10xf32, #tpu.memory_space<vmem>>, vector<1x10xf32>
    %add3A_40 = vector.broadcast %get3A_39 : vector<1x10xf32> to vector<100x10xf32>
    %add3A_41 = arith.addf %dot_general3A_36, %add3A_40 : vector<100x10xf32>
    %swap3A = arith.constant 0 : index
    %swap3A_42 = arith.constant 0 : index
    %swap3A_43 = vector.load %arg7[%swap3A, %swap3A_42] : memref<100x10xf32, #tpu.memory_space<vmem>>, vector<100x10xf32>
    tpu.vector_store %arg7[%swap3A, %swap3A_42], %add3A_41 {strides = array<i32>} : memref<100x10xf32, #tpu.memory_space<vmem>>, vector<100x10xf32>,
    return
  }
}

</mosaic_0001>

<sc_bundles>
// kernel: kernel.18.cloned.1.call-start
scs
__scs_entry_jumppad:
0x0: {  	(pc) =	sbr.rel $0x88, $3  }
0x1: {  	(tag) =	ssettag $0x0;
	lr =	simm.s32 $0x1  }
0x2: {  	[smem:$0x3F93] =	sst lr;
	_ =	strace $0xD0000000  }
0x3: {  	_ = 	snop  }
0x4: {  	_ = 	snop  }
0x5: {  	_ = 	snop  }
0x6: {  	_ = 	snop  }
0x7: {  	_ = 	snop  }
__scs_overlays_trampoline_lowered:
0x8: {  	[smem:$0x3FA2] =	sst s0  }
0x9: {  	[smem:$0x3FA3] =	sst s1  }
0xa: {  	[smem:$0x3FA4] =	sst s2  }
0xb: {  	[smem:$0x3FA5] =	sst s3  }
0xc: {  	[smem:$0x3FA6] =	sst s4  }
0xd: {  	[smem:$0x3FA7] =	sst s5  }
0xe: {  	[smem:$0x3FA8] =	sst s6  }
0xf: {  	[smem:$0x3FA9] =	sst s7  }
0x10: {  	[smem:$0x3FAA] =	sst s8  }
0x11: {  	[smem:$0x3FAB] =	sst s9;
	s0 =	simm.s32 @!p0 $0x0  }
0x12: {  	s1 =	sld [smem:$0x3F91];
	s0 =	simm.s32 @p0 $0x1  }
0x13: {  	[smem:$0x3FAC] =	sst s0;
	s0 =	simm.s32 @!p1 $0x0  }
0x14: {  	s2 =	sld [smem:$0x3F90];
	s0 =	simm.s32 @p1 $0x1  }
0x15: {  	[smem:$0x3FAD] =	sst s0;
	s0 =	simm.s32 @!p2 $0x0  }
0x16: {  	s3 =	sld [smem:$0x3FDB];
	s0 =	simm.s32 @p2 $0x1  }
0x17: {  	s4 =	simm.s32 $0x1BF5;
	[smem:$0x3FAF] =	sst s0  }
0x18: {  	s0 =	sld [smem:$0x3F92];
	_ =	swait.ge [sflag:s4], $0x0  }
0x19: {  	s7 =	sld [smem:$0x3F93]  }
0x1a: {  	s8 =	sadd.s32 $0xFFFFE003, lr  }
0x1b: {  	s9 =	sadd.s32 $0xFFFFFEF7, lr;
	s5 =	simm.s32 $0xFFFFFFFF;
	p2 =	slt.u32 s8, $0xFFFFF086  }
0x1c: {  	p1 =	slt.u32 s9, $0xF7A;
	s5 =	simm.s32 @!p2 $0x0  }
0x1d: {  	s5 =	simm.s32 @p1 $0x1;
	p0 =	seq.s32 s7, s2  }
0x1e: {  	s7 =	smul.u32 @!p0 $0xF7A, s2;
	p2 =	seq.s32 @!p0 s5, $0x0  }
0x1f: {  	s9 =	smul.u32 $0xF7A, s1;
	s8 =	simm.s32 @!p0 $0x1BF5;
	p2 =	por !p2, p0  }
0x20: {  	[sflag:s8] =	ssyncset.s32 @!p0 $0xFFFFF086;
	s6 =	sadd.s32 @!p0 s3, s7;
	s7 =	simm.s32 @!p0 $0x108  }
0x21: {  	s3 =	sadd.s32 s3, s9;
	s6 =	sadd.s32 @!p0 $0x88, s6;
	s7 =	simm.s32 @p2 $0x1082  }
0x22: {  	[simem:s7], [sflag:s8] =	dma.local @!p0 [hbm:s6], $0xF7A  }
0x23: {  	s9 =	sor.u32 $0xD0000000, s2;
	s6 =	simm.s32 $0x108;
	_ =	swait.ge @!p0 [sflag:s8], $0x0  }
0x24: {  	s3 =	sadd.s32 $0x88, s3;
	s6 =	simm.s32 @!p1 $0x1082;
	[sflag:s4] =	ssyncset.s32 $0xFFFFF086  }
0x25: {  	[simem:s6], [sflag:s4] =	dma.local [hbm:s3], $0xF7A  }
0x26: {  	[smem:$0x3F93] =	sst s1;
	(tag) =	ssettag s2;
	_ =	strace s9  }
0x27: {  	s1 =	sld [smem:$0x3FA3]  }
0x28: {  	s2 =	sld [smem:$0x3FA4]  }
0x29: {  	s4 =	sld [smem:$0x3FA6]  }
0x2a: {  	p0 =	seq.s32 s5, $0x0;
	s5 =	sld [smem:$0x3FA7]  }
0x2b: {  	s6 =	sld [smem:$0x3FA8]  }
0x2c: {  	s7 =	sld [smem:$0x3FA9]  }
0x2d: {  	s3 =	simm.s32 $0x108;
	s8 =	sld [smem:$0x3FAA]  }
0x2e: {  	s3 =	simm.s32 @!p0 $0x1082;
	s9 =	sld [smem:$0x3FAB]  }
0x2f: {  	lr =	sadd.s32 s0, s3;
	s0 =	sld [smem:$0x3FA2]  }
0x30: {  	s3 =	sld [smem:$0x3FA5]  }
0x31: {  	[smem:$0x3FAE] =	sst s10  }
0x32: {  	s10 =	sld [smem:$0x3FAC];
	_ =	sdelay $0x3  }
0x33: {  	p0 =	seq.s32 s10, $0x1;
	s10 =	sld [smem:$0x3FAE];
	_ =	sdelay $0x3  }
0x34: {  	[smem:$0x3FAE] =	sst s10  }
0x35: {  	s10 =	sld [smem:$0x3FAD];
	_ =	sdelay $0x3  }
0x36: {  	p1 =	seq.s32 s10, $0x1;
	s10 =	sld [smem:$0x3FAE];
	_ =	sdelay $0x3  }
0x37: {  	[smem:$0x3FAE] =	sst s10  }
0x38: {  	s10 =	sld [smem:$0x3FAF]  }
0x39: {  	_ = 	snop;
	(pc) =	sbr.ind lr, $3  }
0x3a: {  	_ = 	snop  }
0x3b: {  	_ = 	snop  }
0x3c: {  	p2 =	seq.s32 s10, $0x1;
	s10 =	sld [smem:$0x3FAE]  }
0x3d: {  	_ =	shalt  }
0x3e: {  	_ =	shalt  }
0x3f: {  	_ =	shalt  }
0x40: {  	_ =	shalt  }
0x41: {  	_ =	shalt  }
0x42: {  	_ =	shalt  }
0x43: {  	_ =	shalt  }
0x44: {  	_ =	shalt  }
0x45: {  	_ =	shalt  }
0x46: {  	_ =	shalt  }
0x47: {  	_ =	shalt  }
0x48: {  	_ =	shalt  }
0x49: {  	_ =	shalt  }
0x4a: {  	_ =	shalt  }
0x4b: {  	_ =	shalt  }
0x4c: {  	_ =	shalt  }
0x4d: {  	_ =	shalt  }
0x4e: {  	_ =	shalt  }
0x4f: {  	_ =	shalt  }
0x50: {  	_ =	shalt  }
0x51: {  	_ =	shalt  }
0x52: {  	_ =	shalt  }
0x53: {  	_ =	shalt  }
0x54: {  	_ =	shalt  }
0x55: {  	_ =	shalt  }
0x56: {  	_ =	shalt  }
0x57: {  	_ =	shalt  }
0x58: {  	_ =	shalt  }
0x59: {  	_ =	shalt  }
0x5a: {  	_ =	shalt  }
0x5b: {  	_ =	shalt  }
0x5c: {  	_ =	shalt  }
0x5d: {  	_ =	shalt  }
0x5e: {  	_ =	shalt  }
0x5f: {  	_ =	shalt  }
0x60: {  	_ =	shalt  }
0x61: {  	_ =	shalt  }
0x62: {  	_ =	shalt  }
0x63: {  	_ =	shalt  }
0x64: {  	_ =	shalt  }
0x65: {  	_ =	shalt  }
0x66: {  	_ =	shalt  }
0x67: {  	_ =	shalt  }
0x68: {  	_ =	shalt  }
0x69: {  	_ =	shalt  }
0x6a: {  	_ =	shalt  }
0x6b: {  	_ =	shalt  }
0x6c: {  	_ =	shalt  }
0x6d: {  	_ =	shalt  }
0x6e: {  	_ =	shalt  }
0x6f: {  	_ =	shalt  }
0x70: {  	_ =	shalt  }
0x71: {  	_ =	shalt  }
0x72: {  	_ =	shalt  }
0x73: {  	_ =	shalt  }
0x74: {  	_ =	shalt  }
0x75: {  	_ =	shalt  }
0x76: {  	_ =	shalt  }
0x77: {  	_ =	shalt  }
0x78: {  	_ =	shalt  }
0x79: {  	_ =	shalt  }
0x7a: {  	_ =	shalt  }
0x7b: {  	_ =	shalt  }
0x7c: {  	_ =	shalt  }
0x7d: {  	_ =	shalt  }
0x7e: {  	_ =	shalt  }
0x7f: {  	_ =	shalt  }
0x80: {  	_ =	shalt  }
0x81: {  	_ =	shalt  }
0x82: {  	_ =	shalt  }
0x83: {  	_ =	shalt  }
0x84: {  	_ =	shalt  }
0x85: {  	_ =	shalt  }
0x86: {  	_ =	shalt  }
0x87: {  	_ =	shalt  }
.Lfunc_end0:
.L_simem_size_0:
called_computation_lowered:
.L_overlay_start_0:
0x88: {  	s2 =	sld [smem:$0x3FD9]  }
0x89: {  	s3 =	sld [smem:$0x3FFE];
	_ =	sdelay $0x1  }
0x8a: {  	s1 =	srdreg.scid  }
0x8b: {  	s0 =	sand.u32 $0x1, s1  }
0x8c: {  	s16 =	sshll.u32 s0, $0xA;
	s2 =	sadd.s32 s3, s2  }
0x8d: {  	s2 =	sadd.s32 s2, s16  }
0x8e: {  	[smem:$0x3FBA] =	sst s2  }
0x8f: {  	_ = 	snop  }
0x90: {  	(tm) =	ssettm $0x1  }
0x91: {  	s17 =	sld [smem:$0x3FFB];
	_ =	sdelay $0x3  }
0x92: {  	_ =	strace s17  }
0x93: {  	s2 =	sld [smem:$0x3FFC];
	_ =	sdelay $0x3  }
0x94: {  	_ =	strace s2  }
0x95: {  	s2 =	sld [smem:$0x3FFD];
	_ =	sdelay $0x3  }
0x96: {  	_ =	strace s2  }
0x97: {  	_ =	strace $0x8FFFFFFF  }
0x98: {  	s18 =	sld [smem:$0x3FDB];
	_ =	sdelay $0x1  }
0x99: {  	s19 =	simm.s32 $_scs_section_size  }
0x9a: {  	s4 =	simm.s32 $_size__tile_overlayer_lowered;
	s5 =	simm.s32 $_tile_overlayer_lowered  }
0x9b: {  	s22 =	simm.s32 $0x1BFF;
	s21 =	sshll.u32 s5, $0x1;
	s2 =	sadd.s32 s19, s18  }
0x9c: {  	s6 =	simm.s32 $0x0;
	s20 =	sshll.u32 s4, $0x1;
	s4 =	sadd.s32 s21, s2  }
0x9d: {  	[timem:s6], [sflag:s22] =	dma.local [hbm:s4], s20  }
0x9e: {  	_ =	swait.ge [sflag:s22], s20  }
0x9f: {  	s3 =	ssub.s32 $0x0, s20;
	[sflag:s22] =	ssyncset.done $0x0  }
0xa0: {  	[sflag:s22] =	ssyncadd.s32 s3;
	_ =	sdelay $0x1  }
0xa1: {  	s23 =	simm.s32 $0x1B8B  }
0xa2: {  	_ =	swait.ge [sflag:s23], $0x1  }
0xa3: {  	[sflag:s23] =	ssyncset.done $0x0  }
0xa4: {  	s25 =	simm.s32 $0x1B8E;
	s24 =	sld [smem:$0x3FFE];
	[sflag:s23] =	ssyncadd.s32 $0xFFFFFFFF  }
0xa5: {  	s26 =	simm.s32 $execute0_lowered;
	[smem:$0x3FD2] =	sst s25  }
0xa6: {  	s4 =	sshll.u32 s26, $0x1;
	_ =	strace $0x80000046;
	[dreg:$0x1] =	wrdreg $0xFFFFFFFF  }
0xa7: {  	s28 =	simm.s32 $_size_execute0_lowered;
	s2 =	sadd.s32 s2, s4;
	[dreg:$0x0] =	wrdreg $0x0  }
0xa8: {  	s4 =	sshll.u32 s28, $0x1;
	[dreg:$0x2] =	wrdreg s2  }
0xa9: {  	[dreg:$0x3] =	wrdreg s4  }
0xaa: {  	[dreg:$0x4] =	wrdreg $0xC0  }
0xab: {  	_ =	task [dreg:s6], $0x5FFFF  }
0xac: {  	[dreg:$0x1] =	wrdreg $0xFFFFFFFF  }
0xad: {  	[dreg:$0x0] =	wrdreg $0x60  }
0xae: {  	[dreg:$0x2] =	wrdreg s24  }
0xaf: {  	[dreg:$0x3] =	wrdreg $0x4000  }
0xb0: {  	[dreg:$0x4] =	wrdreg $0x6800  }
0xb1: {  	[dreg:$0x5] =	wrdreg $0x7C00  }
0xb2: {  	[dreg:$0x6] =	wrdreg $0x9  }
0xb3: {  	_ =	task.clear_ibuf [dreg:s6], $0x7FFFF;
	_ =	strace $0x90000046  }
0xb4: {  	s29 =	simm.s32 $0x9;
	_ =	strace $0x80000048  }
0xb5: {  	_ =	swait.ge [sflag:s29], $0x1  }
0xb6: {  	[sflag:s29] =	ssyncadd.s32 $0xFFFFFFFF  }
0xb7: {  	_ =	strace $0x90000048  }
0xb8: {  	_ =	sfence  }
0xb9: {  	s30 =	sld [smem:$0x0];
	_ =	sdelay $0x2  }
0xba: {  	s31 =	sshll.u32 s1, $0xD;
	s1 =	sshrl.u32 s1, $0x2  }
0xbb: {  	s3 =	sand.u32 $0x4000, s31;
	s1 =	sadd.s32 s1, s30  }
0xbc: {  	s0 =	sor.u32 s3, s0;
	s1 =	sshll.u32 s1, $0x11  }
0xbd: {  	s0 =	sor.u32 s1, s0  }
0xbe: {  	s0 =	sadd.s32 $0x8F2B, s0  }
0xbf: {  	[sflag:s0] =	ssyncadd.remote.s32 $0x1  }
0xc0: {  	_ =	sfence.sel $0xFFFF  }
0xc1: {  	[dreg:$0x0] =	wrdreg $0xFFFFFFFF;
	(pc) =	sbr.abs _section_cstart, $3  }
0xc2: {  	[dreg:$0x1] =	wrdreg $0xFFFFFFFF  }
0xc3: {  	_ =	task.clear_ibuf [dreg:s6], $0x2FFFF;
	_ =	strace $0x9FFFFFFF  }
0xc4: {  	(tm) =	ssettm $0x7FFFFFFF  }
0xc5: {  	_ =	shalt  }
tec
execute0_lowered:
.L_overlay_start_1:
0x0: {  	(tag) =	ssettag $0x1  }
0x1: {  	s0 =	srdreg.scid;
	s8 =	rddreg [dreg:$0x0]  }
0x2: {  	s2 =	rddreg [dreg:$0x1];
	s6 =	sand.u32 $0x1, s0  }
0x3: {  	s0 =	stileid.u32;
	s7 =	smul.u32 $0x27100, s6  }
0x4: {  	s3 =	rddreg [dreg:$0x2];
	s9 =	smul.u32 $0x2710, s0  }
0x5: {  	s4 =	rddreg [dreg:$0x3];
	s10 =	smul.u32 $0x280, s0  }
0x6: {  	s1 =	rddreg [dreg:$0x4];
	s11 =	smul.u32 $0x2800, s6  }
0x7: {  	s5 =	simm.s32 $0x0;
	s17 =	simm.s32 $0x100;
	s12 =	smul.u32 $0x140, s0  }
0x8: {  	s18 =	simm.s32 $0x80;
	s19 =	simm.s32 $0x0;
	s13 =	smul.u32 $0x1400, s6  }
0x9: {  	[smem:$0x7FF] =	sst s5;
	s14 =	smul.u32 $0xA00, s6;
	s6 =	ssub.s32 $0x2, s6  }
0xa: {  	s25 =	smul.u32 $0xA0, s0;
	_ =	strace $0x80000047;
	s31 =	sshrl.u32 s6, $0x1  }
0xb: {  	s7 =	sadd.s32 s9, s7;
	s11 =	sadd.s32 s10, s11;
	s28 =	sadd.s32 s12, s13  }
0xc: {  	s29 =	sadd.s32 s25, s14;
	s16 =	ssub.s32 s6, s31;
	s6 =	sadd.s32 s10, s2  }
0xd: {  	s14 =	simm.s32 $0x180;
	s7 =	sshrl.u32 s7, $0x3;
	s26 =	sshrl.u32 s11, $0x3  }
0xe: {  	s13 =	sshrl.u32 s29, $0x3;
	s15 =	sadd.s32 s7, s8;
	s7 =	sshrl.u32 s28, $0x3  }
0xf: {  	s11 =	sadd.s32 s26, s8;
	s13 =	sadd.s32 s13, s8;
	s30 =	sadd.s32 s7, s8  }
0x10: {  	s7 =	sadd.s32 s12, s3;
	s8 =	sadd.s32 s25, s4;
	s9 =	sadd.s32 $0x18E00, s11  }
0x11: {  	s11 =	sadd.s32 $0x19E00, s13;
	s12 =	smax.u32 s16, $0x1;
	s13 =	sadd.s32 $0xF000, s15  }
0x12: {  	v0 =	vimm.f32 $0.0e+00;
	v1 =	vimm.f32 $1.000000000e+00;
	s15 =	simm.s32 $0x1;
	s16 =	simm.s32 $0x50;
	s10 =	sadd.s32 $0x19800, s30  }
.LBB2_1:
0x13: {  	[tilespmem:$0x180] =	vst v0  }
0x14: {  	[tilespmem:$0x190] =	vst v0  }
0x15: {  	[tilespmem:$0x1A0] =	vst v0  }
0x16: {  	[tilespmem:$0x1B0] =	vst v0  }
0x17: {  	[tilespmem:$0x1C0] =	vst v0  }
0x18: {  	[tilespmem:$0x1D0] =	vst v0  }
0x19: {  	[tilespmem:$0x1E0] =	vst v0  }
0x1a: {  	[tilespmem:$0x1F0] =	vst v0  }
0x1b: {  	[tilespmem:$0x200] =	vst v0  }
0x1c: {  	[tilespmem:$0x210] =	vst v0  }
0x1d: {  	[tilespmem:$0x220] =	vst v0  }
0x1e: {  	[tilespmem:$0x230] =	vst v0  }
0x1f: {  	[tilespmem:$0x240] =	vst v0  }
0x20: {  	[tilespmem:$0x250] =	vst v0  }
0x21: {  	[tilespmem:$0x260] =	vst v0  }
0x22: {  	[tilespmem:$0x270] =	vst v0  }
0x23: {  	[tilespmem:$0x280] =	vst v0  }
0x24: {  	[tilespmem:$0x290] =	vst v0  }
0x25: {  	[tilespmem:$0x2A0] =	vst v0  }
0x26: {  	[tilespmem:$0x2B0] =	vst v0  }
0x27: {  	[tilespmem:$0x2C0] =	vst v0  }
0x28: {  	[tilespmem:$0x2D0] =	vst v0  }
0x29: {  	[tilespmem:$0x2E0] =	vst v0  }
0x2a: {  	[tilespmem:$0x2F0] =	vst v0  }
0x2b: {  	[tilespmem:$0x300] =	vst v0  }
0x2c: {  	[tilespmem:$0x310] =	vst v0  }
0x2d: {  	[tilespmem:$0x320] =	vst v0  }
0x2e: {  	[tilespmem:$0x330] =	vst v0  }
0x2f: {  	[tilespmem:$0x340] =	vst v0  }
0x30: {  	[tilespmem:$0x350] =	vst v0  }
0x31: {  	[tilespmem:$0x360] =	vst v0  }
0x32: {  	[tilespmem:$0x370] =	vst v0  }
0x33: {  	[tilespmem:$0x380] =	vst v0  }
0x34: {  	[tilespmem:$0x390] =	vst v0  }
0x35: {  	[tilespmem:$0x3A0] =	vst v0  }
0x36: {  	[tilespmem:$0x3B0] =	vst v0  }
0x37: {  	[tilespmem:$0x3C0] =	vst v0  }
0x38: {  	[tilespmem:$0x3D0] =	vst v0  }
0x39: {  	[tilespmem:$0x3E0] =	vst v0  }
0x3a: {  	[tilespmem:$0x3F0] =	vst v0  }
0x3b: {  	[tilespmem:$0x100] =	vst v1  }
0x3c: {  	[tilespmem:$0x110] =	vst v1  }
0x3d: {  	[tilespmem:$0x120] =	vst v1  }
0x3e: {  	[tilespmem:$0x130] =	vst v1  }
0x3f: {  	[tilespmem:$0x140] =	vst v1  }
0x40: {  	[spmem:s6] =	stream.linear.scatter [tilespmem:s14], [sflag:$0x1], $0x280, $0x38;
	[tilespmem:$0x860] =	vst v63  }
0x41: {  	_ =	swait.ge [sflag:s15], $0x280  }
0x42: {  	[sflag:s15] =	ssyncset.done $0x0  }
0x43: {  	[sflag:s15] =	ssyncadd.s32 $0xFFFFFD80  }
0x44: {  	[spmem:s7] =	stream.linear.scatter [tilespmem:s14], [sflag:$0x1], $0x140, $0x38;
	[tilespmem:$0x860] =	vst v63  }
0x45: {  	_ =	swait.ge [sflag:s15], $0x140  }
0x46: {  	[sflag:s15] =	ssyncset.done $0x0  }
0x47: {  	[sflag:s15] =	ssyncadd.s32 $0xFFFFFEC0  }
0x48: {  	[spmem:s8] =	stream.linear.scatter [tilespmem:s14], [sflag:$0x1], $0xA0, $0x38;
	[tilespmem:$0x860] =	vst v63  }
0x49: {  	_ =	swait.ge [sflag:s15], $0xA0  }
0x4a: {  	[sflag:s15] =	ssyncset.done $0x0  }
0x4b: {  	[sflag:s15] =	ssyncadd.s32 $0xFFFFFF60  }
0x4c: {  	s20 =	sadd.s32 $0x0, s13;
	[bflag:$0x0] =	sbarrier.arrive $0xFFFF  }
0x4d: {  	[tilespmem:s5], [sflag:$0x1] =	stream.linear.gather [hbm4b:s20+s5], $0x50, $0x38;
	[tilespmem:$0x860] =	vst v63  }
0x4e: {  	_ =	swait.ge [sflag:s15], $0x50  }
0x4f: {  	[sflag:s15] =	ssyncset.done $0x0  }
0x50: {  	[sflag:s15] =	ssyncadd.s32 $0xFFFFFFB0  }
0x51: {  	[spmem:s2] =	stream.indirect.scatter.add.f32 [tilespmem:s17], [sflag:$0x1], $0x1, s5, s16, $0xb8;
	[tilespmem:$0x860] =	vst v63  }
0x52: {  	_ =	swait.ge [sflag:s15], $0x50  }
0x53: {  	[sflag:s15] =	ssyncset.done $0x0  }
0x54: {  	[sflag:s15] =	ssyncadd.s32 $0xFFFFFFB0  }
0x55: {  	v2 =	vld [tilespmem:$0x30]  }
0x56: {  	v3 =	vld [tilespmem:$0x20]  }
0x57: {  	v4 =	vld [tilespmem:$0x40]  }
0x58: {  	v5 =	vld [tilespmem:$0x10]  }
0x59: {  	v6 =	vld [tilespmem:$0x0]  }
0x5a: {  	v2 =	vshrl.u32 v2, $0x1  }
0x5b: {  	v3 =	vshrl.u32 v3, $0x1;
	[tilespmem:$0xB0] =	vst v2  }
0x5c: {  	[tilespmem:$0xA0] =	vst v3;
	v2 =	vshrl.u32 v4, $0x1  }
0x5d: {  	v3 =	vshrl.u32 v5, $0x1;
	[tilespmem:$0xC0] =	vst v2  }
0x5e: {  	s20 =	simm.s32 $0xA;
	v2 =	vshrl.u32 v6, $0x1;
	[tilespmem:$0x90] =	vst v3  }
.LBB2_2:
0x5f: {  	p0 =	sne.s32 s20, $0x4D8;
	[tilespmem:$0x80] =	vst v2;
	s21 =	smov.u32 s20;
	s20 =	sadd.s32 $0xA, s20  }
0x60: {  	[spmem:s3] =	stream.indirect.scatter.add.f32 [tilespmem:s17], [sflag:$0x1], $0x1, s18, s16, $0xb8;
	[tilespmem:$0x860] =	vst v63  }
0x61: {  	_ =	swait.ge [sflag:s15], $0x50  }
0x62: {  	[sflag:s15] =	ssyncset.done $0x0  }
0x63: {  	[sflag:s15] =	ssyncadd.s32 $0xFFFFFFB0  }
0x64: {  	v2 =	vld [tilespmem:$0x80]  }
0x65: {  	v3 =	vld [tilespmem:$0xB0]  }
0x66: {  	v4 =	vld [tilespmem:$0xA0]  }
0x67: {  	v5 =	vld [tilespmem:$0xC0]  }
0x68: {  	v6 =	vld [tilespmem:$0x90]  }
0x69: {  	v2 =	vshrl.u32 v2, $0x1  }
0x6a: {  	[tilespmem:$0x80] =	vst v2;
	v2 =	vshrl.u32 v3, $0x1  }
0x6b: {  	v3 =	vshrl.u32 v4, $0x1;
	[tilespmem:$0xB0] =	vst v2  }
0x6c: {  	[tilespmem:$0xA0] =	vst v3;
	v2 =	vshrl.u32 v5, $0x1  }
0x6d: {  	v3 =	vshrl.u32 v6, $0x1;
	[tilespmem:$0xC0] =	vst v2  }
0x6e: {  	[tilespmem:$0x90] =	vst v3  }
0x6f: {  	[spmem:s4] =	stream.indirect.scatter.add.f32 [tilespmem:s17], [sflag:$0x1], $0x1, s18, s16, $0xb8;
	[tilespmem:$0x860] =	vst v63  }
0x70: {  	_ =	swait.ge [sflag:s15], $0x50  }
0x71: {  	[sflag:s15] =	ssyncset.done $0x0  }
0x72: {  	s21 =	sadd.s32 s21, s13;
	[sflag:s15] =	ssyncadd.s32 $0xFFFFFFB0  }
0x73: {  	[tilespmem:s5], [sflag:$0x1] =	stream.linear.gather [hbm4b:s21+s5], $0x50, $0x38;
	[tilespmem:$0x860] =	vst v63  }
0x74: {  	_ =	swait.ge [sflag:s15], $0x50  }
0x75: {  	[sflag:s15] =	ssyncset.done $0x0  }
0x76: {  	[sflag:s15] =	ssyncadd.s32 $0xFFFFFFB0  }
0x77: {  	[spmem:s2] =	stream.indirect.scatter.add.f32 [tilespmem:s17], [sflag:$0x1], $0x1, s5, s16, $0xb8;
	[tilespmem:$0x860] =	vst v63  }
0x78: {  	_ =	swait.ge [sflag:s15], $0x50  }
0x79: {  	[sflag:s15] =	ssyncset.done $0x0  }
0x7a: {  	[sflag:s15] =	ssyncadd.s32 $0xFFFFFFB0  }
0x7b: {  	v2 =	vld [tilespmem:$0x30]  }
0x7c: {  	v3 =	vld [tilespmem:$0x20]  }
0x7d: {  	v4 =	vld [tilespmem:$0x40]  }
0x7e: {  	v5 =	vld [tilespmem:$0x10]  }
0x7f: {  	v6 =	vld [tilespmem:$0x0]  }
.Ltmp0:
0x80: {  	v2 =	vshrl.u32 v2, $0x1;
	(pc) =	sbr.rel @p0 .LBB2_2-.Ltmp0, $4  }
0x81: {  	v3 =	vshrl.u32 v3, $0x1;
	[tilespmem:$0xB0] =	vst v2  }
0x82: {  	[tilespmem:$0xA0] =	vst v3;
	v2 =	vshrl.u32 v4, $0x1  }
0x83: {  	v3 =	vshrl.u32 v5, $0x1;
	[tilespmem:$0xC0] =	vst v2  }
0x84: {  	v2 =	vshrl.u32 v6, $0x1;
	[tilespmem:$0x90] =	vst v3  }
0x85: {  	[tilespmem:$0x80] =	vst v2  }
0x86: {  	[spmem:s3] =	stream.indirect.scatter.add.f32 [tilespmem:s17], [sflag:$0x1], $0x1, s18, s16, $0xb8;
	[tilespmem:$0x860] =	vst v63  }
0x87: {  	_ =	swait.ge [sflag:s15], $0x50  }
0x88: {  	[sflag:s15] =	ssyncset.done $0x0  }
0x89: {  	[sflag:s15] =	ssyncadd.s32 $0xFFFFFFB0  }
0x8a: {  	v2 =	vld [tilespmem:$0x80]  }
0x8b: {  	v3 =	vld [tilespmem:$0xB0]  }
0x8c: {  	v4 =	vld [tilespmem:$0xA0]  }
0x8d: {  	v5 =	vld [tilespmem:$0xC0]  }
0x8e: {  	v6 =	vld [tilespmem:$0x90]  }
0x8f: {  	v2 =	vshrl.u32 v2, $0x1  }
0x90: {  	[tilespmem:$0x80] =	vst v2;
	v2 =	vshrl.u32 v3, $0x1  }
0x91: {  	v3 =	vshrl.u32 v4, $0x1;
	[tilespmem:$0xB0] =	vst v2  }
0x92: {  	[tilespmem:$0xA0] =	vst v3;
	v2 =	vshrl.u32 v5, $0x1  }
0x93: {  	v3 =	vshrl.u32 v6, $0x1;
	[tilespmem:$0xC0] =	vst v2  }
0x94: {  	[tilespmem:$0x90] =	vst v3  }
0x95: {  	[spmem:s4] =	stream.indirect.scatter.add.f32 [tilespmem:s17], [sflag:$0x1], $0x1, s18, s16, $0xb8;
	[tilespmem:$0x860] =	vst v63  }
0x96: {  	_ =	swait.ge [sflag:s15], $0x50  }
0x97: {  	[sflag:s15] =	ssyncset.done $0x0  }
0x98: {  	[sflag:s15] =	ssyncadd.s32 $0xFFFFFFB0  }
0x99: {  	[bflag:$0x0] =	sbarrier.arrive $0xFFFF  }
0x9a: {  	[tilespmem:s14], [sflag:$0x1] =	stream.linear.gather [spmem:s6], $0x280, $0x38;
	[tilespmem:$0x860] =	vst v63  }
0x9b: {  	_ =	swait.ge [sflag:s15], $0x280  }
0x9c: {  	[sflag:s15] =	ssyncset.done $0x0  }
0x9d: {  	[sflag:s15] =	ssyncadd.s32 $0xFFFFFD80  }
0x9e: {  	[hbm4b:s9+s5] =	stream.linear.scatter [tilespmem:s14], [sflag:$0x1], $0x280, $0x38;
	[tilespmem:$0x860] =	vst v63  }
0x9f: {  	_ =	swait.ge [sflag:s15], $0x280  }
0xa0: {  	[sflag:s15] =	ssyncset.done $0x0  }
0xa1: {  	[sflag:s15] =	ssyncadd.s32 $0xFFFFFD80  }
0xa2: {  	[tilespmem:s14], [sflag:$0x1] =	stream.linear.gather [spmem:s7], $0x140, $0x38;
	[tilespmem:$0x860] =	vst v63  }
0xa3: {  	_ =	swait.ge [sflag:s15], $0x140  }
0xa4: {  	[sflag:s15] =	ssyncset.done $0x0  }
0xa5: {  	[sflag:s15] =	ssyncadd.s32 $0xFFFFFEC0  }
0xa6: {  	[hbm4b:s10+s5] =	stream.linear.scatter [tilespmem:s14], [sflag:$0x1], $0x140, $0x38;
	[tilespmem:$0x860] =	vst v63  }
0xa7: {  	_ =	swait.ge [sflag:s15], $0x140  }
0xa8: {  	[sflag:s15] =	ssyncset.done $0x0  }
0xa9: {  	[sflag:s15] =	ssyncadd.s32 $0xFFFFFEC0  }
0xaa: {  	[tilespmem:s14], [sflag:$0x1] =	stream.linear.gather [spmem:s8], $0xA0, $0x38;
	[tilespmem:$0x860] =	vst v63  }
0xab: {  	s19 =	sadd.s32 $0x1, s19;
	_ =	swait.ge [sflag:s15], $0xA0  }
0xac: {  	p0 =	sne.s32 s19, s12;
	[sflag:s15] =	ssyncset.done $0x0  }
.Ltmp1:
0xad: {  	[sflag:s15] =	ssyncadd.s32 $0xFFFFFF60;
	(pc) =	sbr.rel @p0 .LBB2_1-.Ltmp1, $4  }
0xae: {  	[hbm4b:s11+s5] =	stream.linear.scatter [tilespmem:s14], [sflag:$0x1], $0xA0, $0x38;
	[tilespmem:$0x860] =	vst v63  }
0xaf: {  	_ =	swait.ge [sflag:s15], $0xA0  }
0xb0: {  	[sflag:s15] =	ssyncset.done $0x0  }
0xb1: {  	[sflag:s15] =	ssyncadd.s32 $0xFFFFFF60  }
0xb2: {  	_ =	sfence.sel $0x180000  }
0xb3: {  	[bflag:$0x0] =	sbarrier.arrive $0xFFFF  }
0xb4: {  	p0 =	sne.s32 s0, $0x0;
	_ =	strace $0x90000047  }
0xb5: {  	s0 =	sadd.s32 @!p0 $0x100000, s1;
	[bflag:$0x2] =	sbarrier.arrive $0xFFFF  }
0xb6: {  	[sflag:s0] =	ssyncadd.tile.s32 @!p0 $0x1;
	_ =	shalt  }
.Lfunc_end2:
_tile_overlayer_lowered:
.L_overlay_start_2:
0xb7: {  	(tag) =	ssettag $0x2  }
0xb8: {  	s0 =	rddreg [dreg:$0x0];
	s2 =	stileid.u32  }
0xb9: {  	s1 =	rddreg [dreg:$0x1];
	p0 =	sne.s32 s2, $0x0  }
0xba: {  	s3 =	rddreg [dreg:$0x2];
	[bflag:$0x3] =	sbarrier.arrive $0xFFFF;
	s2 =	simm.s32 @!p0 $0x1C01  }
0xbb: {  	[timem:s3], [sflag:s2] =	dma.local @!p0 [hbm:s0], s1  }
0xbc: {  	s0 =	simm.s32 @!p0 $0x1  }
0xbd: {  	_ =	swait.ge @!p0 [sflag:s0], s1  }
0xbe: {  	s1 =	ssub.s32 @!p0 $0x0, s1;
	[sflag:s0] =	ssyncset.done @!p0 $0x0  }
0xbf: {  	[sflag:s0] =	ssyncadd.s32 @!p0 s1  }
0xc0: {  	[bflag:$0x3] =	sbarrier.arrive $0xFFFF  }
0xc1: {  	_ =	shalt  }

// kernel: kernel.21.cloned.1.call-start
scs
__scs_entry_jumppad:
0x0: {  	(pc) =	sbr.rel $0x88, $3  }
0x1: {  	(tag) =	ssettag $0x0;
	lr =	simm.s32 $0x1  }
0x2: {  	[smem:$0x3F93] =	sst lr;
	_ =	strace $0xD0000000  }
0x3: {  	_ = 	snop  }
0x4: {  	_ = 	snop  }
0x5: {  	_ = 	snop  }
0x6: {  	_ = 	snop  }
0x7: {  	_ = 	snop  }
__scs_overlays_trampoline_lowered:
0x8: {  	[smem:$0x3FA2] =	sst s0  }
0x9: {  	[smem:$0x3FA3] =	sst s1  }
0xa: {  	[smem:$0x3FA4] =	sst s2  }
0xb: {  	[smem:$0x3FA5] =	sst s3  }
0xc: {  	[smem:$0x3FA6] =	sst s4  }
0xd: {  	[smem:$0x3FA7] =	sst s5  }
0xe: {  	[smem:$0x3FA8] =	sst s6  }
0xf: {  	[smem:$0x3FA9] =	sst s7  }
0x10: {  	[smem:$0x3FAA] =	sst s8  }
0x11: {  	[smem:$0x3FAB] =	sst s9;
	s0 =	simm.s32 @!p0 $0x0  }
0x12: {  	s1 =	sld [smem:$0x3F91];
	s0 =	simm.s32 @p0 $0x1  }
0x13: {  	[smem:$0x3FAC] =	sst s0;
	s0 =	simm.s32 @!p1 $0x0  }
0x14: {  	s2 =	sld [smem:$0x3F90];
	s0 =	simm.s32 @p1 $0x1  }
0x15: {  	[smem:$0x3FAD] =	sst s0;
	s0 =	simm.s32 @!p2 $0x0  }
0x16: {  	s3 =	sld [smem:$0x3FDB];
	s0 =	simm.s32 @p2 $0x1  }
0x17: {  	s4 =	simm.s32 $0x1BF5;
	[smem:$0x3FAF] =	sst s0  }
0x18: {  	s0 =	sld [smem:$0x3F92];
	_ =	swait.ge [sflag:s4], $0x0  }
0x19: {  	s7 =	sld [smem:$0x3F93]  }
0x1a: {  	s8 =	sadd.s32 $0xFFFFE003, lr  }
0x1b: {  	s9 =	sadd.s32 $0xFFFFFEF7, lr;
	s5 =	simm.s32 $0xFFFFFFFF;
	p2 =	slt.u32 s8, $0xFFFFF086  }
0x1c: {  	p1 =	slt.u32 s9, $0xF7A;
	s5 =	simm.s32 @!p2 $0x0  }
0x1d: {  	s5 =	simm.s32 @p1 $0x1;
	p0 =	seq.s32 s7, s2  }
0x1e: {  	s7 =	smul.u32 @!p0 $0xF7A, s2;
	p2 =	seq.s32 @!p0 s5, $0x0  }
0x1f: {  	s9 =	smul.u32 $0xF7A, s1;
	s8 =	simm.s32 @!p0 $0x1BF5;
	p2 =	por !p2, p0  }
0x20: {  	[sflag:s8] =	ssyncset.s32 @!p0 $0xFFFFF086;
	s6 =	sadd.s32 @!p0 s3, s7;
	s7 =	simm.s32 @!p0 $0x108  }
0x21: {  	s3 =	sadd.s32 s3, s9;
	s6 =	sadd.s32 @!p0 $0x88, s6;
	s7 =	simm.s32 @p2 $0x1082  }
0x22: {  	[simem:s7], [sflag:s8] =	dma.local @!p0 [hbm:s6], $0xF7A  }
0x23: {  	s9 =	sor.u32 $0xD0000000, s2;
	s6 =	simm.s32 $0x108;
	_ =	swait.ge @!p0 [sflag:s8], $0x0  }
0x24: {  	s3 =	sadd.s32 $0x88, s3;
	s6 =	simm.s32 @!p1 $0x1082;
	[sflag:s4] =	ssyncset.s32 $0xFFFFF086  }
0x25: {  	[simem:s6], [sflag:s4] =	dma.local [hbm:s3], $0xF7A  }
0x26: {  	[smem:$0x3F93] =	sst s1;
	(tag) =	ssettag s2;
	_ =	strace s9  }
0x27: {  	s1 =	sld [smem:$0x3FA3]  }
0x28: {  	s2 =	sld [smem:$0x3FA4]  }
0x29: {  	s4 =	sld [smem:$0x3FA6]  }
0x2a: {  	p0 =	seq.s32 s5, $0x0;
	s5 =	sld [smem:$0x3FA7]  }
0x2b: {  	s6 =	sld [smem:$0x3FA8]  }
0x2c: {  	s7 =	sld [smem:$0x3FA9]  }
0x2d: {  	s3 =	simm.s32 $0x108;
	s8 =	sld [smem:$0x3FAA]  }
0x2e: {  	s3 =	simm.s32 @!p0 $0x1082;
	s9 =	sld [smem:$0x3FAB]  }
0x2f: {  	lr =	sadd.s32 s0, s3;
	s0 =	sld [smem:$0x3FA2]  }
0x30: {  	s3 =	sld [smem:$0x3FA5]  }
0x31: {  	[smem:$0x3FAE] =	sst s10  }
0x32: {  	s10 =	sld [smem:$0x3FAC];
	_ =	sdelay $0x3  }
0x33: {  	p0 =	seq.s32 s10, $0x1;
	s10 =	sld [smem:$0x3FAE];
	_ =	sdelay $0x3  }
0x34: {  	[smem:$0x3FAE] =	sst s10  }
0x35: {  	s10 =	sld [smem:$0x3FAD];
	_ =	sdelay $0x3  }
0x36: {  	p1 =	seq.s32 s10, $0x1;
	s10 =	sld [smem:$0x3FAE];
	_ =	sdelay $0x3  }
0x37: {  	[smem:$0x3FAE] =	sst s10  }
0x38: {  	s10 =	sld [smem:$0x3FAF]  }
0x39: {  	_ = 	snop;
	(pc) =	sbr.ind lr, $3  }
0x3a: {  	_ = 	snop  }
0x3b: {  	_ = 	snop  }
0x3c: {  	p2 =	seq.s32 s10, $0x1;
	s10 =	sld [smem:$0x3FAE]  }
0x3d: {  	_ =	shalt  }
0x3e: {  	_ =	shalt  }
0x3f: {  	_ =	shalt  }
0x40: {  	_ =	shalt  }
0x41: {  	_ =	shalt  }
0x42: {  	_ =	shalt  }
0x43: {  	_ =	shalt  }
0x44: {  	_ =	shalt  }
0x45: {  	_ =	shalt  }
0x46: {  	_ =	shalt  }
0x47: {  	_ =	shalt  }
0x48: {  	_ =	shalt  }
0x49: {  	_ =	shalt  }
0x4a: {  	_ =	shalt  }
0x4b: {  	_ =	shalt  }
0x4c: {  	_ =	shalt  }
0x4d: {  	_ =	shalt  }
0x4e: {  	_ =	shalt  }
0x4f: {  	_ =	shalt  }
0x50: {  	_ =	shalt  }
0x51: {  	_ =	shalt  }
0x52: {  	_ =	shalt  }
0x53: {  	_ =	shalt  }
0x54: {  	_ =	shalt  }
0x55: {  	_ =	shalt  }
0x56: {  	_ =	shalt  }
0x57: {  	_ =	shalt  }
0x58: {  	_ =	shalt  }
0x59: {  	_ =	shalt  }
0x5a: {  	_ =	shalt  }
0x5b: {  	_ =	shalt  }
0x5c: {  	_ =	shalt  }
0x5d: {  	_ =	shalt  }
0x5e: {  	_ =	shalt  }
0x5f: {  	_ =	shalt  }
0x60: {  	_ =	shalt  }
0x61: {  	_ =	shalt  }
0x62: {  	_ =	shalt  }
0x63: {  	_ =	shalt  }
0x64: {  	_ =	shalt  }
0x65: {  	_ =	shalt  }
0x66: {  	_ =	shalt  }
0x67: {  	_ =	shalt  }
0x68: {  	_ =	shalt  }
0x69: {  	_ =	shalt  }
0x6a: {  	_ =	shalt  }
0x6b: {  	_ =	shalt  }
0x6c: {  	_ =	shalt  }
0x6d: {  	_ =	shalt  }
0x6e: {  	_ =	shalt  }
0x6f: {  	_ =	shalt  }
0x70: {  	_ =	shalt  }
0x71: {  	_ =	shalt  }
0x72: {  	_ =	shalt  }
0x73: {  	_ =	shalt  }
0x74: {  	_ =	shalt  }
0x75: {  	_ =	shalt  }
0x76: {  	_ =	shalt  }
0x77: {  	_ =	shalt  }
0x78: {  	_ =	shalt  }
0x79: {  	_ =	shalt  }
0x7a: {  	_ =	shalt  }
0x7b: {  	_ =	shalt  }
0x7c: {  	_ =	shalt  }
0x7d: {  	_ =	shalt  }
0x7e: {  	_ =	shalt  }
0x7f: {  	_ =	shalt  }
0x80: {  	_ =	shalt  }
0x81: {  	_ =	shalt  }
0x82: {  	_ =	shalt  }
0x83: {  	_ =	shalt  }
0x84: {  	_ =	shalt  }
0x85: {  	_ =	shalt  }
0x86: {  	_ =	shalt  }
0x87: {  	_ =	shalt  }
.Lfunc_end0:
.L_simem_size_0:
called_computation.1_lowered:
.L_overlay_start_0:
0x88: {  	s2 =	sld [smem:$0x3FD9]  }
0x89: {  	s3 =	sld [smem:$0x3FFE];
	_ =	sdelay $0x1  }
0x8a: {  	s1 =	srdreg.scid  }
0x8b: {  	s0 =	sand.u32 $0x1, s1  }
0x8c: {  	s16 =	sshll.u32 s0, $0xA;
	s2 =	sadd.s32 s3, s2  }
0x8d: {  	s2 =	sadd.s32 s2, s16  }
0x8e: {  	[smem:$0x3FBA] =	sst s2  }
0x8f: {  	_ = 	snop  }
0x90: {  	(tm) =	ssettm $0x1  }
0x91: {  	s17 =	sld [smem:$0x3FFB];
	_ =	sdelay $0x3  }
0x92: {  	_ =	strace s17  }
0x93: {  	s2 =	sld [smem:$0x3FFC];
	_ =	sdelay $0x3  }
0x94: {  	_ =	strace s2  }
0x95: {  	s2 =	sld [smem:$0x3FFD];
	_ =	sdelay $0x3  }
0x96: {  	_ =	strace s2  }
0x97: {  	_ =	strace $0x8FFFFFFF  }
0x98: {  	s18 =	sld [smem:$0x3FDB];
	_ =	sdelay $0x1  }
0x99: {  	s19 =	simm.s32 $_scs_section_size  }
0x9a: {  	s4 =	simm.s32 $_size__tile_overlayer_lowered;
	s5 =	simm.s32 $_tile_overlayer_lowered  }
0x9b: {  	s22 =	simm.s32 $0x1BFF;
	s21 =	sshll.u32 s5, $0x1;
	s2 =	sadd.s32 s19, s18  }
0x9c: {  	s6 =	simm.s32 $0x0;
	s20 =	sshll.u32 s4, $0x1;
	s4 =	sadd.s32 s21, s2  }
0x9d: {  	[timem:s6], [sflag:s22] =	dma.local [hbm:s4], s20  }
0x9e: {  	_ =	swait.ge [sflag:s22], s20  }
0x9f: {  	s3 =	ssub.s32 $0x0, s20;
	[sflag:s22] =	ssyncset.done $0x0  }
0xa0: {  	[sflag:s22] =	ssyncadd.s32 s3;
	_ =	sdelay $0x1  }
0xa1: {  	s23 =	simm.s32 $0x1B8B  }
0xa2: {  	_ =	swait.ge [sflag:s23], $0x1  }
0xa3: {  	[sflag:s23] =	ssyncset.done $0x0  }
0xa4: {  	s25 =	simm.s32 $0x1B8E;
	s24 =	sld [smem:$0x3FFE];
	[sflag:s23] =	ssyncadd.s32 $0xFFFFFFFF  }
0xa5: {  	s26 =	simm.s32 $execute0_lowered;
	[smem:$0x3FD2] =	sst s25  }
0xa6: {  	s4 =	sshll.u32 s26, $0x1;
	_ =	strace $0x80000049;
	[dreg:$0x1] =	wrdreg $0xFFFFFFFF  }
0xa7: {  	s28 =	simm.s32 $_size_execute0_lowered;
	s2 =	sadd.s32 s2, s4;
	[dreg:$0x0] =	wrdreg $0x0  }
0xa8: {  	s4 =	sshll.u32 s28, $0x1;
	[dreg:$0x2] =	wrdreg s2  }
0xa9: {  	[dreg:$0x3] =	wrdreg s4  }
0xaa: {  	[dreg:$0x4] =	wrdreg $0xC0  }
0xab: {  	_ =	task [dreg:s6], $0x5FFFF  }
0xac: {  	[dreg:$0x1] =	wrdreg $0xFFFFFFFF  }
0xad: {  	[dreg:$0x0] =	wrdreg $0x60  }
0xae: {  	[dreg:$0x2] =	wrdreg s24  }
0xaf: {  	[dreg:$0x3] =	wrdreg $0x5A000  }
0xb0: {  	[dreg:$0x4] =	wrdreg $0x9  }
0xb1: {  	_ =	task.clear_ibuf [dreg:s6], $0x5FFFF;
	_ =	strace $0x90000049  }
0xb2: {  	s29 =	simm.s32 $0x9;
	_ =	strace $0x8000004B  }
0xb3: {  	_ =	swait.ge [sflag:s29], $0x1  }
0xb4: {  	[sflag:s29] =	ssyncadd.s32 $0xFFFFFFFF  }
0xb5: {  	_ =	strace $0x9000004B  }
0xb6: {  	_ =	sfence  }
0xb7: {  	s30 =	sld [smem:$0x0];
	_ =	sdelay $0x2  }
0xb8: {  	s31 =	sshll.u32 s1, $0xD;
	s1 =	sshrl.u32 s1, $0x2  }
0xb9: {  	s3 =	sand.u32 $0x4000, s31;
	s1 =	sadd.s32 s1, s30  }
0xba: {  	s0 =	sor.u32 s3, s0;
	s1 =	sshll.u32 s1, $0x11  }
0xbb: {  	s0 =	sor.u32 s1, s0  }
0xbc: {  	s0 =	sadd.s32 $0x8F2B, s0  }
0xbd: {  	[sflag:s0] =	ssyncadd.remote.s32 $0x1  }
0xbe: {  	_ =	sfence.sel $0xFFFF  }
0xbf: {  	[dreg:$0x0] =	wrdreg $0xFFFFFFFF;
	(pc) =	sbr.abs _section_cstart, $3  }
0xc0: {  	[dreg:$0x1] =	wrdreg $0xFFFFFFFF  }
0xc1: {  	_ =	task.clear_ibuf [dreg:s6], $0x2FFFF;
	_ =	strace $0x9FFFFFFF  }
0xc2: {  	(tm) =	ssettm $0x7FFFFFFF  }
0xc3: {  	_ =	shalt  }
tec
execute0_lowered:
.L_overlay_start_1:
0x0: {  	(tag) =	ssettag $0x1  }
0x1: {  	s7 =	rddreg [dreg:$0x0]  }
0x2: {  	s2 =	rddreg [dreg:$0x1];
	s1 =	srdreg.scid  }
0x3: {  	s3 =	simm.s32 $0x0;
	s16 =	simm.s32 $0x3;
	s17 =	simm.s32 $0x80  }
0x4: {  	s18 =	simm.s32 $0x50;
	s19 =	simm.s32 $0x200;
	s20 =	simm.s32 $0x100  }
0x5: {  	s21 =	simm.s32 $0x180;
	s22 =	simm.s32 $0x2A00;
	s6 =	sand.u32 $0x1, s1  }
0x6: {  	s23 =	simm.s32 $0x1;
	s1 =	stileid.u32;
	s8 =	smul.u32 $0x28000, s6  }
0x7: {  	s24 =	simm.s32 $0x2;
	s25 =	simm.s32 $0x0;
	s9 =	smul.u32 $0x2800, s1  }
0x8: {  	[smem:$0x7FF] =	sst s3;
	s4 =	sshll.u32 s6, $0x4;
	s10 =	smul.u32 $0x50000, s1  }
0x9: {  	_ =	strace $0x8000004A;
	s12 =	ssub.s32 $0x2, s6;
	s13 =	smul.u32 $0x27100, s6  }
0xa: {  	s14 =	smul.u32 $0x2710, s1;
	s6 =	sadd.s32 $0xF000, s7;
	s5 =	sor.u32 s1, s4  }
0xb: {  	s4 =	sadd.s32 $0x9C200, s7;
	s26 =	sshrl.u32 s12, $0x1;
	s11 =	smul.u32 $0x2710, s5  }
0xc: {  	s5 =	sadd.s32 $0x5200, s7;
	s8 =	sadd.s32 s9, s8;
	s12 =	ssub.s32 s12, s26  }
0xd: {  	s28 =	sshrl.u32 s10, $0x2;
	s13 =	sadd.s32 s14, s13;
	s15 =	sadd.s32 s8, s7  }
0xe: {  	s7 =	sadd.s32 s28, s2;
	s30 =	sadd.s32 $0x50, s13;
	s29 =	sshrl.u32 s11, $0x3  }
0xf: {  	s10 =	sadd.s32 $0xC4200, s15;
	s31 =	sshrl.u32 s30, $0x3;
	s11 =	smax.u32 s12, $0x1  }
0x10: {  	s12 =	sadd.s32 $0xA0, s13;
	s15 =	simm.s32 $0x5200;
	s8 =	sadd.s32 s5, s29  }
0x11: {  	v0 =	vimm.f32 $0.0e+00;
	s9 =	sadd.s32 s6, s29;
	s13 =	sadd.s32 s31, s6;
	s14 =	sadd.s32 s31, s5  }
.LBB2_1:
0x12: {  	s26 =	simm.s32 $0x0;
	s28 =	simm.s32 $0x0  }
.LBB2_2:
0x13: {  	p0 =	sne.s32 s28, $0x1FC0  }
.Ltmp0:
0x14: {  	_ = 	snop;
	(pc) =	sbr.rel @p0 .LBB2_2-.Ltmp0, $4  }
0x15: {  	s29 =	sand.u32 $0x1E00, s28  }
0x16: {  	s30 =	sand.u32 $0x70, s26;
	s29 =	sshrl.u32 s29, $0x2  }
0x17: {  	s29 =	sor.u32 s30, s29  }
0x18: {  	s26 =	sadd.s32 $0x10, s26;
	s28 =	sadd.s32 $0x40, s28;
	[tilespmem:s29+$0x5200] =	vst v0  }
0x19: {  	s26 =	sadd.s32 $0x0, s7  }
0x1a: {  	[spmem:s26] =	stream.linear.scatter [tilespmem:s15], [sflag:$0x3], $0x800, $0x38;
	[tilespmem:$0x19A00] =	vst v63  }
0x1b: {  	s26 =	simm.s32 $0x2000;
	_ =	swait.ge [sflag:s16], $0x800  }
.LBB2_4:
0x1c: {  	s28 =	sshra.s32 s26, $0x2;
	[sflag:s16] =	ssyncset.done $0x0;
	p0 =	sne.s32 s26, $0x4E000  }
.Ltmp1:
0x1d: {  	s28 =	sadd.s32 s28, s7;
	[sflag:s16] =	ssyncadd.s32 $0xFFFFF800;
	(pc) =	sbr.rel @p0 .LBB2_4-.Ltmp1, $3  }
0x1e: {  	[spmem:s28] =	stream.linear.scatter [tilespmem:s15], [sflag:$0x3], $0x800, $0x38;
	[tilespmem:$0x19A00] =	vst v63  }
0x1f: {  	s26 =	sadd.s32 $0x2000, s26;
	_ =	sdelay $0x1  }
0x20: {  	_ =	swait.ge [sflag:s16], $0x800  }
0x21: {  	[sflag:s16] =	ssyncset.done $0x0  }
0x22: {  	[sflag:s16] =	ssyncadd.s32 $0xFFFFF800  }
0x23: {  	s26 =	simm.s32 $0x0;
	[bflag:$0x0] =	sbarrier.arrive $0xFFFF  }
0x24: {  	[tilespmem:s26], [sflag:$0x3] =	stream.linear.gather [hbm4b:s8+s26], $0x50, $0x38;
	[tilespmem:$0x19A00] =	vst v63  }
0x25: {  	_ =	swait.ge [sflag:s16], $0x50  }
0x26: {  	[sflag:s16] =	ssyncset.done $0x0  }
0x27: {  	[sflag:s16] =	ssyncadd.s32 $0xFFFFFFB0  }
0x28: {  	[tilespmem:s17], [sflag:$0x3] =	stream.linear.gather [hbm4b:s9+s26], $0x50, $0x38;
	[tilespmem:$0x19A00] =	vst v63  }
0x29: {  	_ =	swait.ge [sflag:s16], $0x50  }
0x2a: {  	[sflag:s16] =	ssyncset.done $0x0  }
0x2b: {  	[sflag:s16] =	ssyncadd.s32 $0xFFFFFFB0  }
0x2c: {  	[tilespmem:s19], [sflag:$0x1] =	stream.indirect.gather [hbm4b:s4+s18], $0x80, s26, s18, $0xb8;
	[tilespmem:$0x19A00] =	vst v63  }
0x2d: {  	s0 =	sadd.s32 $0x0, s14  }
0x2e: {  	[tilespmem:s20], [sflag:$0x3] =	stream.linear.gather [hbm4b:s0+s3], $0x50, $0x38;
	[tilespmem:$0x19A00] =	vst v63  }
0x2f: {  	_ =	swait.ge [sflag:s16], $0x50  }
0x30: {  	[sflag:s16] =	ssyncset.done $0x0  }
0x31: {  	s29 =	sadd.s32 $0x0, s13;
	[sflag:s16] =	ssyncadd.s32 $0xFFFFFFB0  }
0x32: {  	[tilespmem:s21], [sflag:$0x3] =	stream.linear.gather [hbm4b:s29+s3], $0x50, $0x38;
	[tilespmem:$0x19A00] =	vst v63  }
0x33: {  	_ =	swait.ge [sflag:s16], $0x50  }
0x34: {  	[sflag:s16] =	ssyncset.done $0x0  }
0x35: {  	[sflag:s16] =	ssyncadd.s32 $0xFFFFFFB0  }
0x36: {  	[tilespmem:s22], [sflag:$0x2] =	stream.indirect.gather [hbm4b:s4+s18], $0x80, s20, s18, $0xb8;
	[tilespmem:$0x19A00] =	vst v63  }
0x37: {  	_ =	swait.ge [sflag:s23], $0x2800  }
0x38: {  	[sflag:s23] =	ssyncset.done $0x0  }
0x39: {  	[sflag:s23] =	ssyncadd.s32 $0xFFFFD800  }
0x3a: {  	[spmem:s2] =	stream.indirect.scatter.add.f32 [tilespmem:s19], [sflag:$0x3], $0x80, s17, s18, $0xb8;
	[tilespmem:$0x19A00] =	vst v63  }
0x3b: {  	_ =	swait.ge [sflag:s16], $0x2800  }
0x3c: {  	s31 =	sshrl.u32 s12, $0x3;
	[sflag:s16] =	ssyncset.done $0x0  }
0x3d: {  	s28 =	sadd.s32 s5, s31;
	[sflag:s16] =	ssyncadd.s32 $0xFFFFD800  }
0x3e: {  	[tilespmem:s3], [sflag:$0x3] =	stream.linear.gather [hbm4b:s28+s3], $0x50, $0x38;
	[tilespmem:$0x19A00] =	vst v63  }
0x3f: {  	_ =	swait.ge [sflag:s16], $0x50  }
0x40: {  	[sflag:s16] =	ssyncset.done $0x0  }
0x41: {  	s26 =	sadd.s32 s6, s31;
	[sflag:s16] =	ssyncadd.s32 $0xFFFFFFB0  }
0x42: {  	[tilespmem:s17], [sflag:$0x3] =	stream.linear.gather [hbm4b:s26+s3], $0x50, $0x38;
	[tilespmem:$0x19A00] =	vst v63  }
0x43: {  	_ =	swait.ge [sflag:s16], $0x50  }
0x44: {  	[sflag:s16] =	ssyncset.done $0x0  }
0x45: {  	[sflag:s16] =	ssyncadd.s32 $0xFFFFFFB0  }
0x46: {  	[tilespmem:s19], [sflag:$0x1] =	stream.indirect.gather [hbm4b:s4+s18], $0x80, s3, s18, $0xb8;
	[tilespmem:$0x19A00] =	vst v63  }
0x47: {  	_ =	swait.ge [sflag:s24], $0x2800  }
0x48: {  	[sflag:s24] =	ssyncset.done $0x0  }
0x49: {  	[sflag:s24] =	ssyncadd.s32 $0xFFFFD800  }
0x4a: {  	[spmem:s2] =	stream.indirect.scatter.add.f32 [tilespmem:s22], [sflag:$0x3], $0x80, s21, s18, $0xb8;
	[tilespmem:$0x19A00] =	vst v63  }
0x4b: {  	s30 =	simm.s32 $0x28;
	_ =	swait.ge [sflag:s16], $0x2800  }
0x4c: {  	s28 =	simm.s32 $0x14;
	s26 =	sadd.s32 $0xA0, s12;
	[sflag:s16] =	ssyncset.done $0x0  }
.LBB2_6:
0x4d: {  	s31 =	sadd.s32 s28, s14  }
0x4e: {  	[sflag:s16] =	ssyncadd.s32 $0xFFFFD800;
	s0 =	smov.u32 s30;
	s29 =	sadd.s32 $0x14, s30  }
0x4f: {  	[tilespmem:s20], [sflag:$0x3] =	stream.linear.gather [hbm4b:s31+s3], $0x50, $0x38;
	[tilespmem:$0x19A00] =	vst v63  }
0x50: {  	p0 =	sne.s32 s30, $0x4C4;
	_ =	swait.ge [sflag:s16], $0x50  }
0x51: {  	[sflag:s16] =	ssyncset.done $0x0  }
0x52: {  	s30 =	sadd.s32 s28, s13;
	s28 =	smov.u32 s0;
	[sflag:s16] =	ssyncadd.s32 $0xFFFFFFB0  }
0x53: {  	[tilespmem:s21], [sflag:$0x3] =	stream.linear.gather [hbm4b:s30+s3], $0x50, $0x38;
	[tilespmem:$0x19A00] =	vst v63  }
0x54: {  	_ =	swait.ge [sflag:s16], $0x50  }
0x55: {  	[sflag:s16] =	ssyncset.done $0x0  }
0x56: {  	[sflag:s16] =	ssyncadd.s32 $0xFFFFFFB0  }
0x57: {  	[tilespmem:s22], [sflag:$0x2] =	stream.indirect.gather [hbm4b:s4+s18], $0x80, s20, s18, $0xb8;
	[tilespmem:$0x19A00] =	vst v63  }
0x58: {  	_ =	swait.ge [sflag:s23], $0x2800  }
0x59: {  	[sflag:s23] =	ssyncset.done $0x0  }
0x5a: {  	[sflag:s23] =	ssyncadd.s32 $0xFFFFD800  }
0x5b: {  	[spmem:s2] =	stream.indirect.scatter.add.f32 [tilespmem:s19], [sflag:$0x3], $0x80, s17, s18, $0xb8;
	[tilespmem:$0x19A00] =	vst v63  }
0x5c: {  	_ =	swait.ge [sflag:s16], $0x2800  }
0x5d: {  	s0 =	sshrl.u32 s26, $0x3;
	[sflag:s16] =	ssyncset.done $0x0  }
0x5e: {  	s30 =	sadd.s32 s5, s0;
	[sflag:s16] =	ssyncadd.s32 $0xFFFFD800  }
0x5f: {  	[tilespmem:s3], [sflag:$0x3] =	stream.linear.gather [hbm4b:s30+s3], $0x50, $0x38;
	[tilespmem:$0x19A00] =	vst v63  }
0x60: {  	_ =	swait.ge [sflag:s16], $0x50  }
0x61: {  	[sflag:s16] =	ssyncset.done $0x0  }
0x62: {  	s0 =	sadd.s32 s6, s0;
	[sflag:s16] =	ssyncadd.s32 $0xFFFFFFB0  }
0x63: {  	[tilespmem:s17], [sflag:$0x3] =	stream.linear.gather [hbm4b:s0+s3], $0x50, $0x38;
	[tilespmem:$0x19A00] =	vst v63  }
0x64: {  	_ =	swait.ge [sflag:s16], $0x50  }
0x65: {  	[sflag:s16] =	ssyncset.done $0x0  }
0x66: {  	[sflag:s16] =	ssyncadd.s32 $0xFFFFFFB0  }
0x67: {  	[tilespmem:s19], [sflag:$0x1] =	stream.indirect.gather [hbm4b:s4+s18], $0x80, s3, s18, $0xb8;
	[tilespmem:$0x19A00] =	vst v63  }
0x68: {  	_ =	swait.ge [sflag:s24], $0x2800  }
.Ltmp2:
0x69: {  	[sflag:s24] =	ssyncset.done $0x0;
	(pc) =	sbr.rel @p0 .LBB2_6-.Ltmp2, $4  }
0x6a: {  	[sflag:s24] =	ssyncadd.s32 $0xFFFFD800  }
0x6b: {  	[spmem:s2] =	stream.indirect.scatter.add.f32 [tilespmem:s22], [sflag:$0x3], $0x80, s21, s18, $0xb8;
	[tilespmem:$0x19A00] =	vst v63  }
0x6c: {  	_ =	swait.ge [sflag:s16], $0x2800  }
0x6d: {  	s26 =	sadd.s32 $0xA0, s26;
	s30 =	smov.u32 s29;
	[sflag:s16] =	ssyncset.done $0x0  }
0x6e: {  	s0 =	sadd.s32 s28, s14;
	[sflag:s16] =	ssyncadd.s32 $0xFFFFD800  }
0x6f: {  	[tilespmem:s20], [sflag:$0x3] =	stream.linear.gather [hbm4b:s0+s3], $0x50, $0x38;
	[tilespmem:$0x19A00] =	vst v63  }
0x70: {  	_ =	swait.ge [sflag:s16], $0x50  }
0x71: {  	[sflag:s16] =	ssyncset.done $0x0  }
0x72: {  	s28 =	sadd.s32 s28, s13;
	[sflag:s16] =	ssyncadd.s32 $0xFFFFFFB0  }
0x73: {  	[tilespmem:s21], [sflag:$0x3] =	stream.linear.gather [hbm4b:s28+s3], $0x50, $0x38;
	[tilespmem:$0x19A00] =	vst v63  }
0x74: {  	_ =	swait.ge [sflag:s16], $0x50  }
0x75: {  	[sflag:s16] =	ssyncset.done $0x0  }
0x76: {  	[sflag:s16] =	ssyncadd.s32 $0xFFFFFFB0  }
0x77: {  	[tilespmem:s22], [sflag:$0x2] =	stream.indirect.gather [hbm4b:s4+s18], $0x80, s20, s18, $0xb8;
	[tilespmem:$0x19A00] =	vst v63  }
0x78: {  	_ =	swait.ge [sflag:s23], $0x2800  }
0x79: {  	[sflag:s23] =	ssyncset.done $0x0  }
0x7a: {  	[sflag:s23] =	ssyncadd.s32 $0xFFFFD800  }
0x7b: {  	[spmem:s2] =	stream.indirect.scatter.add.f32 [tilespmem:s19], [sflag:$0x3], $0x80, s17, s18, $0xb8;
	[tilespmem:$0x19A00] =	vst v63  }
0x7c: {  	_ =	swait.ge [sflag:s16], $0x2800  }
0x7d: {  	s29 =	sshrl.u32 s26, $0x3;
	[sflag:s16] =	ssyncset.done $0x0  }
0x7e: {  	s26 =	sadd.s32 s5, s29;
	[sflag:s16] =	ssyncadd.s32 $0xFFFFD800  }
0x7f: {  	[tilespmem:s3], [sflag:$0x3] =	stream.linear.gather [hbm4b:s26+s3], $0x50, $0x38;
	[tilespmem:$0x19A00] =	vst v63  }
0x80: {  	_ =	swait.ge [sflag:s16], $0x50  }
0x81: {  	[sflag:s16] =	ssyncset.done $0x0  }
0x82: {  	s0 =	sadd.s32 s6, s29;
	[sflag:s16] =	ssyncadd.s32 $0xFFFFFFB0  }
0x83: {  	[tilespmem:s17], [sflag:$0x3] =	stream.linear.gather [hbm4b:s0+s3], $0x50, $0x38;
	[tilespmem:$0x19A00] =	vst v63  }
0x84: {  	_ =	swait.ge [sflag:s16], $0x50  }
0x85: {  	[sflag:s16] =	ssyncset.done $0x0  }
0x86: {  	[sflag:s16] =	ssyncadd.s32 $0xFFFFFFB0  }
0x87: {  	[tilespmem:s19], [sflag:$0x1] =	stream.indirect.gather [hbm4b:s4+s18], $0x80, s3, s18, $0xb8;
	[tilespmem:$0x19A00] =	vst v63  }
0x88: {  	_ =	swait.ge [sflag:s24], $0x2800  }
0x89: {  	[sflag:s24] =	ssyncset.done $0x0  }
0x8a: {  	[sflag:s24] =	ssyncadd.s32 $0xFFFFD800  }
0x8b: {  	[spmem:s2] =	stream.indirect.scatter.add.f32 [tilespmem:s22], [sflag:$0x3], $0x80, s21, s18, $0xb8;
	[tilespmem:$0x19A00] =	vst v63  }
0x8c: {  	_ =	swait.ge [sflag:s16], $0x2800  }
0x8d: {  	[sflag:s16] =	ssyncset.done $0x0  }
0x8e: {  	[sflag:s16] =	ssyncadd.s32 $0xFFFFD800  }
0x8f: {  	_ =	swait.ge [sflag:s23], $0x2800  }
0x90: {  	[sflag:s23] =	ssyncset.done $0x0  }
0x91: {  	[sflag:s23] =	ssyncadd.s32 $0xFFFFD800  }
0x92: {  	[spmem:s2] =	stream.indirect.scatter.add.f32 [tilespmem:s19], [sflag:$0x3], $0x80, s17, s18, $0xb8;
	[tilespmem:$0x19A00] =	vst v63  }
0x93: {  	_ =	swait.ge [sflag:s16], $0x2800  }
0x94: {  	s30 =	sshll.u32 s1, $0x6;
	s25 =	sadd.s32 $0x1, s25;
	[sflag:s16] =	ssyncset.done $0x0  }
0x95: {  	s31 =	sshrl.u32 s7, $0x3;
	p0 =	sne.s32 s25, s11;
	[sflag:s16] =	ssyncadd.s32 $0xFFFFD800  }
.Ltmp3:
0x96: {  	s0 =	sor.u32 $0x1C03, s30;
	[bflag:$0x0] =	sbarrier.arrive $0xFFFF;
	(pc) =	sbr.rel @p0 .LBB2_1-.Ltmp3, $4  }
0x97: {  	[hbm:s10], [sflag:s0] =	dma.local [spmem:s31], $0x2800  }
0x98: {  	_ =	swait.ge [sflag:s16], $0x2800  }
0x99: {  	[sflag:s16] =	ssyncset.done $0x0  }
0x9a: {  	[sflag:s16] =	ssyncadd.s32 $0xFFFFD800  }
0x9b: {  	_ =	sfence.sel $0x180000  }
0x9c: {  	[bflag:$0x0] =	sbarrier.arrive $0xFFFF  }
0x9d: {  	_ =	strace $0x9000004A  }
0x9e: {  	[bflag:$0x2] =	sbarrier.arrive $0xFFFF  }
0x9f: {  	p0 =	sne.s32 s1, $0x0;
	s0 =	rddreg [dreg:$0x2]  }
0xa0: {  	s0 =	sadd.s32 @!p0 $0x100000, s0  }
0xa1: {  	[sflag:s0] =	ssyncadd.tile.s32 @!p0 $0x1;
	_ =	shalt  }
.Lfunc_end2:
_tile_overlayer_lowered:
.L_overlay_start_2:
0xa2: {  	(tag) =	ssettag $0x2  }
0xa3: {  	s0 =	rddreg [dreg:$0x0];
	s2 =	stileid.u32  }
0xa4: {  	s1 =	rddreg [dreg:$0x1];
	p0 =	sne.s32 s2, $0x0  }
0xa5: {  	s3 =	rddreg [dreg:$0x2];
	[bflag:$0x3] =	sbarrier.arrive $0xFFFF;
	s2 =	simm.s32 @!p0 $0x1C03  }
0xa6: {  	[timem:s3], [sflag:s2] =	dma.local @!p0 [hbm:s0], s1  }
0xa7: {  	s0 =	simm.s32 @!p0 $0x3  }
0xa8: {  	_ =	swait.ge @!p0 [sflag:s0], s1  }
0xa9: {  	s1 =	ssub.s32 @!p0 $0x0, s1;
	[sflag:s0] =	ssyncset.done @!p0 $0x0  }
0xaa: {  	[sflag:s0] =	ssyncadd.s32 @!p0 s1  }
0xab: {  	[bflag:$0x3] =	sbarrier.arrive $0xFFFF  }
0xac: {  	_ =	shalt  }

// kernel: kernel.24.cloned.1.call-start
scs
__scs_entry_jumppad:
0x0: {  	(pc) =	sbr.rel $0x88, $3  }
0x1: {  	(tag) =	ssettag $0x0;
	lr =	simm.s32 $0x1  }
0x2: {  	[smem:$0x3F93] =	sst lr;
	_ =	strace $0xD0000000  }
0x3: {  	_ = 	snop  }
0x4: {  	_ = 	snop  }
0x5: {  	_ = 	snop  }
0x6: {  	_ = 	snop  }
0x7: {  	_ = 	snop  }
__scs_overlays_trampoline_lowered:
0x8: {  	[smem:$0x3FA2] =	sst s0  }
0x9: {  	[smem:$0x3FA3] =	sst s1  }
0xa: {  	[smem:$0x3FA4] =	sst s2  }
0xb: {  	[smem:$0x3FA5] =	sst s3  }
0xc: {  	[smem:$0x3FA6] =	sst s4  }
0xd: {  	[smem:$0x3FA7] =	sst s5  }
0xe: {  	[smem:$0x3FA8] =	sst s6  }
0xf: {  	[smem:$0x3FA9] =	sst s7  }
0x10: {  	[smem:$0x3FAA] =	sst s8  }
0x11: {  	[smem:$0x3FAB] =	sst s9;
	s0 =	simm.s32 @!p0 $0x0  }
0x12: {  	s1 =	sld [smem:$0x3F91];
	s0 =	simm.s32 @p0 $0x1  }
0x13: {  	[smem:$0x3FAC] =	sst s0;
	s0 =	simm.s32 @!p1 $0x0  }
0x14: {  	s2 =	sld [smem:$0x3F90];
	s0 =	simm.s32 @p1 $0x1  }
0x15: {  	[smem:$0x3FAD] =	sst s0;
	s0 =	simm.s32 @!p2 $0x0  }
0x16: {  	s3 =	sld [smem:$0x3FDB];
	s0 =	simm.s32 @p2 $0x1  }
0x17: {  	s4 =	simm.s32 $0x1BF5;
	[smem:$0x3FAF] =	sst s0  }
0x18: {  	s0 =	sld [smem:$0x3F92];
	_ =	swait.ge [sflag:s4], $0x0  }
0x19: {  	s7 =	sld [smem:$0x3F93]  }
0x1a: {  	s8 =	sadd.s32 $0xFFFFE003, lr  }
0x1b: {  	s9 =	sadd.s32 $0xFFFFFEF7, lr;
	s5 =	simm.s32 $0xFFFFFFFF;
	p2 =	slt.u32 s8, $0xFFFFF086  }
0x1c: {  	p1 =	slt.u32 s9, $0xF7A;
	s5 =	simm.s32 @!p2 $0x0  }
0x1d: {  	s5 =	simm.s32 @p1 $0x1;
	p0 =	seq.s32 s7, s2  }
0x1e: {  	s7 =	smul.u32 @!p0 $0xF7A, s2;
	p2 =	seq.s32 @!p0 s5, $0x0  }
0x1f: {  	s9 =	smul.u32 $0xF7A, s1;
	s8 =	simm.s32 @!p0 $0x1BF5;
	p2 =	por !p2, p0  }
0x20: {  	[sflag:s8] =	ssyncset.s32 @!p0 $0xFFFFF086;
	s6 =	sadd.s32 @!p0 s3, s7;
	s7 =	simm.s32 @!p0 $0x108  }
0x21: {  	s3 =	sadd.s32 s3, s9;
	s6 =	sadd.s32 @!p0 $0x88, s6;
	s7 =	simm.s32 @p2 $0x1082  }
0x22: {  	[simem:s7], [sflag:s8] =	dma.local @!p0 [hbm:s6], $0xF7A  }
0x23: {  	s9 =	sor.u32 $0xD0000000, s2;
	s6 =	simm.s32 $0x108;
	_ =	swait.ge @!p0 [sflag:s8], $0x0  }
0x24: {  	s3 =	sadd.s32 $0x88, s3;
	s6 =	simm.s32 @!p1 $0x1082;
	[sflag:s4] =	ssyncset.s32 $0xFFFFF086  }
0x25: {  	[simem:s6], [sflag:s4] =	dma.local [hbm:s3], $0xF7A  }
0x26: {  	[smem:$0x3F93] =	sst s1;
	(tag) =	ssettag s2;
	_ =	strace s9  }
0x27: {  	s1 =	sld [smem:$0x3FA3]  }
0x28: {  	s2 =	sld [smem:$0x3FA4]  }
0x29: {  	s4 =	sld [smem:$0x3FA6]  }
0x2a: {  	p0 =	seq.s32 s5, $0x0;
	s5 =	sld [smem:$0x3FA7]  }
0x2b: {  	s6 =	sld [smem:$0x3FA8]  }
0x2c: {  	s7 =	sld [smem:$0x3FA9]  }
0x2d: {  	s3 =	simm.s32 $0x108;
	s8 =	sld [smem:$0x3FAA]  }
0x2e: {  	s3 =	simm.s32 @!p0 $0x1082;
	s9 =	sld [smem:$0x3FAB]  }
0x2f: {  	lr =	sadd.s32 s0, s3;
	s0 =	sld [smem:$0x3FA2]  }
0x30: {  	s3 =	sld [smem:$0x3FA5]  }
0x31: {  	[smem:$0x3FAE] =	sst s10  }
0x32: {  	s10 =	sld [smem:$0x3FAC];
	_ =	sdelay $0x3  }
0x33: {  	p0 =	seq.s32 s10, $0x1;
	s10 =	sld [smem:$0x3FAE];
	_ =	sdelay $0x3  }
0x34: {  	[smem:$0x3FAE] =	sst s10  }
0x35: {  	s10 =	sld [smem:$0x3FAD];
	_ =	sdelay $0x3  }
0x36: {  	p1 =	seq.s32 s10, $0x1;
	s10 =	sld [smem:$0x3FAE];
	_ =	sdelay $0x3  }
0x37: {  	[smem:$0x3FAE] =	sst s10  }
0x38: {  	s10 =	sld [smem:$0x3FAF]  }
0x39: {  	_ = 	snop;
	(pc) =	sbr.ind lr, $3  }
0x3a: {  	_ = 	snop  }
0x3b: {  	_ = 	snop  }
0x3c: {  	p2 =	seq.s32 s10, $0x1;
	s10 =	sld [smem:$0x3FAE]  }
0x3d: {  	_ =	shalt  }
0x3e: {  	_ =	shalt  }
0x3f: {  	_ =	shalt  }
0x40: {  	_ =	shalt  }
0x41: {  	_ =	shalt  }
0x42: {  	_ =	shalt  }
0x43: {  	_ =	shalt  }
0x44: {  	_ =	shalt  }
0x45: {  	_ =	shalt  }
0x46: {  	_ =	shalt  }
0x47: {  	_ =	shalt  }
0x48: {  	_ =	shalt  }
0x49: {  	_ =	shalt  }
0x4a: {  	_ =	shalt  }
0x4b: {  	_ =	shalt  }
0x4c: {  	_ =	shalt  }
0x4d: {  	_ =	shalt  }
0x4e: {  	_ =	shalt  }
0x4f: {  	_ =	shalt  }
0x50: {  	_ =	shalt  }
0x51: {  	_ =	shalt  }
0x52: {  	_ =	shalt  }
0x53: {  	_ =	shalt  }
0x54: {  	_ =	shalt  }
0x55: {  	_ =	shalt  }
0x56: {  	_ =	shalt  }
0x57: {  	_ =	shalt  }
0x58: {  	_ =	shalt  }
0x59: {  	_ =	shalt  }
0x5a: {  	_ =	shalt  }
0x5b: {  	_ =	shalt  }
0x5c: {  	_ =	shalt  }
0x5d: {  	_ =	shalt  }
0x5e: {  	_ =	shalt  }
0x5f: {  	_ =	shalt  }
0x60: {  	_ =	shalt  }
0x61: {  	_ =	shalt  }
0x62: {  	_ =	shalt  }
0x63: {  	_ =	shalt  }
0x64: {  	_ =	shalt  }
0x65: {  	_ =	shalt  }
0x66: {  	_ =	shalt  }
0x67: {  	_ =	shalt  }
0x68: {  	_ =	shalt  }
0x69: {  	_ =	shalt  }
0x6a: {  	_ =	shalt  }
0x6b: {  	_ =	shalt  }
0x6c: {  	_ =	shalt  }
0x6d: {  	_ =	shalt  }
0x6e: {  	_ =	shalt  }
0x6f: {  	_ =	shalt  }
0x70: {  	_ =	shalt  }
0x71: {  	_ =	shalt  }
0x72: {  	_ =	shalt  }
0x73: {  	_ =	shalt  }
0x74: {  	_ =	shalt  }
0x75: {  	_ =	shalt  }
0x76: {  	_ =	shalt  }
0x77: {  	_ =	shalt  }
0x78: {  	_ =	shalt  }
0x79: {  	_ =	shalt  }
0x7a: {  	_ =	shalt  }
0x7b: {  	_ =	shalt  }
0x7c: {  	_ =	shalt  }
0x7d: {  	_ =	shalt  }
0x7e: {  	_ =	shalt  }
0x7f: {  	_ =	shalt  }
0x80: {  	_ =	shalt  }
0x81: {  	_ =	shalt  }
0x82: {  	_ =	shalt  }
0x83: {  	_ =	shalt  }
0x84: {  	_ =	shalt  }
0x85: {  	_ =	shalt  }
0x86: {  	_ =	shalt  }
0x87: {  	_ =	shalt  }
.Lfunc_end0:
.L_simem_size_0:
called_computation.2_lowered:
.L_overlay_start_0:
0x88: {  	s2 =	sld [smem:$0x3FD9]  }
0x89: {  	s3 =	sld [smem:$0x3FFE];
	_ =	sdelay $0x1  }
0x8a: {  	s1 =	srdreg.scid  }
0x8b: {  	s0 =	sand.u32 $0x1, s1  }
0x8c: {  	s16 =	sshll.u32 s0, $0xA;
	s2 =	sadd.s32 s3, s2  }
0x8d: {  	s2 =	sadd.s32 s2, s16  }
0x8e: {  	[smem:$0x3FBA] =	sst s2  }
0x8f: {  	_ = 	snop  }
0x90: {  	(tm) =	ssettm $0x1  }
0x91: {  	s17 =	sld [smem:$0x3FFB];
	_ =	sdelay $0x3  }
0x92: {  	_ =	strace s17  }
0x93: {  	s2 =	sld [smem:$0x3FFC];
	_ =	sdelay $0x3  }
0x94: {  	_ =	strace s2  }
0x95: {  	s2 =	sld [smem:$0x3FFD];
	_ =	sdelay $0x3  }
0x96: {  	_ =	strace s2  }
0x97: {  	_ =	strace $0x8FFFFFFF  }
0x98: {  	s18 =	sld [smem:$0x3FDB];
	_ =	sdelay $0x1  }
0x99: {  	s19 =	simm.s32 $_scs_section_size  }
0x9a: {  	s4 =	simm.s32 $_size__tile_overlayer_lowered;
	s5 =	simm.s32 $_tile_overlayer_lowered  }
0x9b: {  	s22 =	simm.s32 $0x1BFF;
	s21 =	sshll.u32 s5, $0x1;
	s2 =	sadd.s32 s19, s18  }
0x9c: {  	s6 =	simm.s32 $0x0;
	s20 =	sshll.u32 s4, $0x1;
	s4 =	sadd.s32 s21, s2  }
0x9d: {  	[timem:s6], [sflag:s22] =	dma.local [hbm:s4], s20  }
0x9e: {  	_ =	swait.ge [sflag:s22], s20  }
0x9f: {  	s3 =	ssub.s32 $0x0, s20;
	[sflag:s22] =	ssyncset.done $0x0  }
0xa0: {  	[sflag:s22] =	ssyncadd.s32 s3;
	_ =	sdelay $0x1  }
0xa1: {  	s23 =	simm.s32 $0x1B8B  }
0xa2: {  	_ =	swait.ge [sflag:s23], $0x1  }
0xa3: {  	[sflag:s23] =	ssyncset.done $0x0  }
0xa4: {  	s25 =	simm.s32 $0x1B8E;
	s24 =	sld [smem:$0x3FFE];
	[sflag:s23] =	ssyncadd.s32 $0xFFFFFFFF  }
0xa5: {  	s26 =	simm.s32 $execute0_lowered;
	[smem:$0x3FD2] =	sst s25  }
0xa6: {  	s4 =	sshll.u32 s26, $0x1;
	_ =	strace $0x8000004C;
	[dreg:$0x1] =	wrdreg $0xFFFFFFFF  }
0xa7: {  	s28 =	simm.s32 $_size_execute0_lowered;
	s2 =	sadd.s32 s2, s4;
	[dreg:$0x0] =	wrdreg $0x0  }
0xa8: {  	s4 =	sshll.u32 s28, $0x1;
	[dreg:$0x2] =	wrdreg s2  }
0xa9: {  	[dreg:$0x3] =	wrdreg s4  }
0xaa: {  	[dreg:$0x4] =	wrdreg $0xC0  }
0xab: {  	_ =	task [dreg:s6], $0x5FFFF  }
0xac: {  	[dreg:$0x1] =	wrdreg $0xFFFFFFFF  }
0xad: {  	[dreg:$0x0] =	wrdreg $0x60  }
0xae: {  	[dreg:$0x2] =	wrdreg s24  }
0xaf: {  	[dreg:$0x3] =	wrdreg $0x54000  }
0xb0: {  	[dreg:$0x4] =	wrdreg $0x9  }
0xb1: {  	_ =	task.clear_ibuf [dreg:s6], $0x5FFFF;
	_ =	strace $0x9000004C  }
0xb2: {  	s29 =	simm.s32 $0x9;
	_ =	strace $0x8000004E  }
0xb3: {  	_ =	swait.ge [sflag:s29], $0x1  }
0xb4: {  	[sflag:s29] =	ssyncadd.s32 $0xFFFFFFFF  }
0xb5: {  	_ =	strace $0x9000004E  }
0xb6: {  	_ =	sfence  }
0xb7: {  	s30 =	sld [smem:$0x0];
	_ =	sdelay $0x2  }
0xb8: {  	s31 =	sshll.u32 s1, $0xD;
	s1 =	sshrl.u32 s1, $0x2  }
0xb9: {  	s3 =	sand.u32 $0x4000, s31;
	s1 =	sadd.s32 s1, s30  }
0xba: {  	s0 =	sor.u32 s3, s0;
	s1 =	sshll.u32 s1, $0x11  }
0xbb: {  	s0 =	sor.u32 s1, s0  }
0xbc: {  	s0 =	sadd.s32 $0x8F2B, s0  }
0xbd: {  	[sflag:s0] =	ssyncadd.remote.s32 $0x1  }
0xbe: {  	_ =	sfence.sel $0xFFFF  }
0xbf: {  	[dreg:$0x0] =	wrdreg $0xFFFFFFFF;
	(pc) =	sbr.abs _section_cstart, $3  }
0xc0: {  	[dreg:$0x1] =	wrdreg $0xFFFFFFFF  }
0xc1: {  	_ =	task.clear_ibuf [dreg:s6], $0x2FFFF;
	_ =	strace $0x9FFFFFFF  }
0xc2: {  	(tm) =	ssettm $0x7FFFFFFF  }
0xc3: {  	_ =	shalt  }
tec
execute0_lowered:
.L_overlay_start_1:
0x0: {  	(tag) =	ssettag $0x1  }
0x1: {  	s6 =	rddreg [dreg:$0x0];
	s0 =	srdreg.scid  }
0x2: {  	s2 =	rddreg [dreg:$0x1];
	s1 =	stileid.u32  }
0x3: {  	s3 =	simm.s32 $0x0;
	s12 =	simm.s32 $0x1;
	s13 =	simm.s32 $0x2980  }
0x4: {  	s14 =	simm.s32 $0x5180;
	s15 =	simm.s32 $0x80;
	s9 =	smul.u32 $0x2710, s1  }
0x5: {  	s16 =	simm.s32 $0x50;
	s7 =	sand.u32 $0x1, s0;
	s10 =	smul.u32 $0x280, s1  }
0x6: {  	s17 =	simm.s32 $0x100;
	s0 =	rddreg [dreg:$0x2];
	s8 =	smul.u32 $0x27100, s7  }
0x7: {  	s18 =	simm.s32 $0x0;
	[smem:$0x7FF] =	sst s3;
	s11 =	smul.u32 $0x2800, s7  }
0x8: {  	s4 =	sadd.s32 $0x68E00, s6;
	s5 =	sadd.s32 $0x69400, s6;
	_ =	strace $0x8000004D  }
0x9: {  	s7 =	ssub.s32 $0x2, s7;
	s8 =	sadd.s32 s9, s8;
	s28 =	sadd.s32 s10, s11  }
0xa: {  	s31 =	sshrl.u32 s7, $0x1;
	s8 =	sshrl.u32 s8, $0x3;
	s30 =	sshrl.u32 s28, $0x3  }
0xb: {  	s9 =	ssub.s32 s7, s31;
	s29 =	sadd.s32 s8, s6;
	s8 =	sadd.s32 s30, s6  }
0xc: {  	s11 =	simm.s32 $0x180;
	s6 =	sadd.s32 s10, s2;
	s7 =	sadd.s32 $0x9C200, s8  }
0xd: {  	v0 =	vimm.f32 $0.0e+00;
	s8 =	smax.u32 s9, $0x1;
	s9 =	sadd.s32 $0xF000, s29;
	s10 =	sadd.s32 $0x5200, s29  }
.LBB2_1:
0xe: {  	[tilespmem:s11], [sflag:$0x1] =	stream.linear.gather [hbm4b:s4+s3], $0x2800, $0x38;
	[tilespmem:$0x5680] =	vst v63  }
0xf: {  	_ =	swait.ge [sflag:s12], $0x2800  }
0x10: {  	[sflag:s12] =	ssyncset.done $0x0  }
0x11: {  	[sflag:s12] =	ssyncadd.s32 $0xFFFFD800  }
0x12: {  	[tilespmem:s13], [sflag:$0x1] =	stream.linear.gather [hbm4b:s5+s3], $0x2800, $0x38;
	[tilespmem:$0x5680] =	vst v63  }
0x13: {  	_ =	swait.ge [sflag:s12], $0x2800  }
0x14: {  	[sflag:s12] =	ssyncset.done $0x0  }
0x15: {  	[sflag:s12] =	ssyncadd.s32 $0xFFFFD800  }
0x16: {  	[tilespmem:$0x5180] =	vst v0  }
0x17: {  	[tilespmem:$0x5190] =	vst v0  }
0x18: {  	[tilespmem:$0x51A0] =	vst v0  }
0x19: {  	[tilespmem:$0x51B0] =	vst v0  }
0x1a: {  	[tilespmem:$0x51C0] =	vst v0  }
0x1b: {  	[tilespmem:$0x51D0] =	vst v0  }
0x1c: {  	[tilespmem:$0x51E0] =	vst v0  }
0x1d: {  	[tilespmem:$0x51F0] =	vst v0  }
0x1e: {  	[tilespmem:$0x5200] =	vst v0  }
0x1f: {  	[tilespmem:$0x5210] =	vst v0  }
0x20: {  	[tilespmem:$0x5220] =	vst v0  }
0x21: {  	[tilespmem:$0x5230] =	vst v0  }
0x22: {  	[tilespmem:$0x5240] =	vst v0  }
0x23: {  	[tilespmem:$0x5250] =	vst v0  }
0x24: {  	[tilespmem:$0x5260] =	vst v0  }
0x25: {  	[tilespmem:$0x5270] =	vst v0  }
0x26: {  	[tilespmem:$0x5280] =	vst v0  }
0x27: {  	[tilespmem:$0x5290] =	vst v0  }
0x28: {  	[tilespmem:$0x52A0] =	vst v0  }
0x29: {  	[tilespmem:$0x52B0] =	vst v0  }
0x2a: {  	[tilespmem:$0x52C0] =	vst v0  }
0x2b: {  	[tilespmem:$0x52D0] =	vst v0  }
0x2c: {  	[tilespmem:$0x52E0] =	vst v0  }
0x2d: {  	[tilespmem:$0x52F0] =	vst v0  }
0x2e: {  	[tilespmem:$0x5300] =	vst v0  }
0x2f: {  	[tilespmem:$0x5310] =	vst v0  }
0x30: {  	[tilespmem:$0x5320] =	vst v0  }
0x31: {  	[tilespmem:$0x5330] =	vst v0  }
0x32: {  	[tilespmem:$0x5340] =	vst v0  }
0x33: {  	[tilespmem:$0x5350] =	vst v0  }
0x34: {  	[tilespmem:$0x5360] =	vst v0  }
0x35: {  	[tilespmem:$0x5370] =	vst v0  }
0x36: {  	[tilespmem:$0x5380] =	vst v0  }
0x37: {  	[tilespmem:$0x5390] =	vst v0  }
0x38: {  	[tilespmem:$0x53A0] =	vst v0  }
0x39: {  	[tilespmem:$0x53B0] =	vst v0  }
0x3a: {  	[tilespmem:$0x53C0] =	vst v0  }
0x3b: {  	[tilespmem:$0x53D0] =	vst v0  }
0x3c: {  	[tilespmem:$0x53E0] =	vst v0  }
0x3d: {  	[tilespmem:$0x53F0] =	vst v0  }
0x3e: {  	[spmem:s6] =	stream.linear.scatter [tilespmem:s14], [sflag:$0x1], $0x280, $0x38;
	[tilespmem:$0x5680] =	vst v63  }
0x3f: {  	_ =	swait.ge [sflag:s12], $0x280  }
0x40: {  	[sflag:s12] =	ssyncset.done $0x0  }
0x41: {  	[sflag:s12] =	ssyncadd.s32 $0xFFFFFD80  }
0x42: {  	s19 =	sadd.s32 $0x0, s10;
	[bflag:$0x0] =	sbarrier.arrive $0xFFFF  }
0x43: {  	[tilespmem:s3], [sflag:$0x1] =	stream.linear.gather [hbm4b:s19+s3], $0x50, $0x38;
	[tilespmem:$0x5680] =	vst v63  }
0x44: {  	_ =	swait.ge [sflag:s12], $0x50  }
0x45: {  	[sflag:s12] =	ssyncset.done $0x0  }
0x46: {  	s31 =	sadd.s32 $0x0, s9;
	[sflag:s12] =	ssyncadd.s32 $0xFFFFFFB0  }
0x47: {  	[tilespmem:s15], [sflag:$0x1] =	stream.linear.gather [hbm4b:s31+s3], $0x50, $0x38;
	[tilespmem:$0x5680] =	vst v63  }
0x48: {  	_ =	swait.ge [sflag:s12], $0x50  }
0x49: {  	[sflag:s12] =	ssyncset.done $0x0  }
0x4a: {  	[sflag:s12] =	ssyncadd.s32 $0xFFFFFFB0  }
0x4b: {  	v1 =	vld [tilespmem:$0x0]  }
0x4c: {  	v2 =	vld [tilespmem:$0x80];
	_ =	sdelay $0x6  }
0x4d: {  	v1 =	vld.idx.msk [tilespmem:v1+s11+$0x0], $0xffff  }
0x4e: {  	v2 =	vld.idx.msk [tilespmem:v2+s13+$0x0], $0xffff;
	_ =	sdelay $0x4  }
0x4f: {  	v1 =	vadd.f32 v2, v1;
	_ =	sdelay $0x1  }
0x50: {  	v1 =	vsub.f32 $0.0e+00, v1;
	_ =	sdelay $0x1  }
0x51: {  	v1 =	vmul.f32 $1.442695020e+00, v1;
	_ =	sdelay $0x1  }
0x52: {  	(erf) = vpow2.f32 v1;
	_ =	sdelay $0x8  }
0x53: {  	v1 =	vpop (erf)  }
0x54: {  	v1 =	vadd.f32 $1.000000000e+00, v1;
	_ =	sdelay $0x1  }
0x55: {  	(erf) = vrcp.f32 v1;
	_ =	sdelay $0x2  }
0x56: {  	v1 =	vld [tilespmem:$0x10]  }
0x57: {  	v2 =	vld [tilespmem:$0x90];
	_ =	sdelay $0x4  }
0x58: {  	v3 =	vpop (erf)  }
0x59: {  	[tilespmem:$0x100] =	vst v3  }
0x5a: {  	v1 =	vld.idx.msk [tilespmem:v1+s11+$0x0], $0xffff  }
0x5b: {  	v2 =	vld.idx.msk [tilespmem:v2+s13+$0x0], $0xffff;
	_ =	sdelay $0x4  }
0x5c: {  	v1 =	vadd.f32 v2, v1;
	_ =	sdelay $0x1  }
0x5d: {  	v1 =	vsub.f32 $0.0e+00, v1;
	_ =	sdelay $0x1  }
0x5e: {  	v1 =	vmul.f32 $1.442695020e+00, v1;
	_ =	sdelay $0x1  }
0x5f: {  	(erf) = vpow2.f32 v1;
	_ =	sdelay $0x8  }
0x60: {  	v1 =	vpop (erf)  }
0x61: {  	v1 =	vadd.f32 $1.000000000e+00, v1;
	_ =	sdelay $0x1  }
0x62: {  	(erf) = vrcp.f32 v1;
	_ =	sdelay $0x2  }
0x63: {  	v1 =	vld [tilespmem:$0x20]  }
0x64: {  	v2 =	vld [tilespmem:$0xA0];
	_ =	sdelay $0x4  }
0x65: {  	v3 =	vpop (erf)  }
0x66: {  	[tilespmem:$0x110] =	vst v3  }
0x67: {  	v1 =	vld.idx.msk [tilespmem:v1+s11+$0x0], $0xffff  }
0x68: {  	v2 =	vld.idx.msk [tilespmem:v2+s13+$0x0], $0xffff;
	_ =	sdelay $0x4  }
0x69: {  	v1 =	vadd.f32 v2, v1;
	_ =	sdelay $0x1  }
0x6a: {  	v1 =	vsub.f32 $0.0e+00, v1;
	_ =	sdelay $0x1  }
0x6b: {  	v1 =	vmul.f32 $1.442695020e+00, v1;
	_ =	sdelay $0x1  }
0x6c: {  	(erf) = vpow2.f32 v1;
	_ =	sdelay $0x8  }
0x6d: {  	v1 =	vpop (erf)  }
0x6e: {  	v1 =	vadd.f32 $1.000000000e+00, v1;
	_ =	sdelay $0x1  }
0x6f: {  	(erf) = vrcp.f32 v1;
	_ =	sdelay $0x2  }
0x70: {  	v1 =	vld [tilespmem:$0x30]  }
0x71: {  	v2 =	vld [tilespmem:$0xB0];
	_ =	sdelay $0x4  }
0x72: {  	v3 =	vpop (erf)  }
0x73: {  	[tilespmem:$0x120] =	vst v3  }
0x74: {  	v1 =	vld.idx.msk [tilespmem:v1+s11+$0x0], $0xffff  }
0x75: {  	v2 =	vld.idx.msk [tilespmem:v2+s13+$0x0], $0xffff;
	_ =	sdelay $0x4  }
0x76: {  	v1 =	vadd.f32 v2, v1;
	_ =	sdelay $0x1  }
0x77: {  	v1 =	vsub.f32 $0.0e+00, v1;
	_ =	sdelay $0x1  }
0x78: {  	v1 =	vmul.f32 $1.442695020e+00, v1;
	_ =	sdelay $0x1  }
0x79: {  	(erf) = vpow2.f32 v1;
	_ =	sdelay $0x8  }
0x7a: {  	v1 =	vpop (erf)  }
0x7b: {  	v1 =	vadd.f32 $1.000000000e+00, v1;
	_ =	sdelay $0x1  }
0x7c: {  	(erf) = vrcp.f32 v1;
	_ =	sdelay $0x2  }
0x7d: {  	v1 =	vld [tilespmem:$0x40]  }
0x7e: {  	v2 =	vld [tilespmem:$0xC0];
	_ =	sdelay $0x4  }
0x7f: {  	v3 =	vpop (erf)  }
0x80: {  	[tilespmem:$0x130] =	vst v3  }
0x81: {  	v1 =	vld.idx.msk [tilespmem:v1+s11+$0x0], $0xffff  }
0x82: {  	v2 =	vld.idx.msk [tilespmem:v2+s13+$0x0], $0xffff;
	_ =	sdelay $0x4  }
0x83: {  	v1 =	vadd.f32 v2, v1;
	_ =	sdelay $0x1  }
0x84: {  	v1 =	vsub.f32 $0.0e+00, v1;
	_ =	sdelay $0x1  }
0x85: {  	v1 =	vmul.f32 $1.442695020e+00, v1;
	_ =	sdelay $0x1  }
0x86: {  	(erf) = vpow2.f32 v1;
	_ =	sdelay $0x8  }
0x87: {  	v1 =	vpop (erf)  }
0x88: {  	v1 =	vadd.f32 $1.000000000e+00, v1;
	_ =	sdelay $0x1  }
0x89: {  	s19 =	simm.s32 $0xA;
	(erf) = vrcp.f32 v1  }
.LBB2_2:
0x8a: {  	_ =	sdelay $0x7  }
0x8b: {  	p0 =	sne.s32 s19, $0x4D8;
	s20 =	smov.u32 s19;
	s19 =	sadd.s32 $0xA, s19;
	v1 =	vpop (erf)  }
0x8c: {  	[tilespmem:$0x140] =	vst v1  }
0x8d: {  	[spmem:s2] =	stream.indirect.scatter.add.f32 [tilespmem:s17], [sflag:$0x1], $0x1, s15, s16, $0xb8;
	[tilespmem:$0x5680] =	vst v63  }
0x8e: {  	_ =	swait.ge [sflag:s12], $0x50  }
0x8f: {  	[sflag:s12] =	ssyncset.done $0x0  }
0x90: {  	s21 =	sadd.s32 s20, s10;
	[sflag:s12] =	ssyncadd.s32 $0xFFFFFFB0  }
0x91: {  	[tilespmem:s3], [sflag:$0x1] =	stream.linear.gather [hbm4b:s21+s3], $0x50, $0x38;
	[tilespmem:$0x5680] =	vst v63  }
0x92: {  	_ =	swait.ge [sflag:s12], $0x50  }
0x93: {  	[sflag:s12] =	ssyncset.done $0x0  }
0x94: {  	s20 =	sadd.s32 s20, s9;
	[sflag:s12] =	ssyncadd.s32 $0xFFFFFFB0  }
0x95: {  	[tilespmem:s15], [sflag:$0x1] =	stream.linear.gather [hbm4b:s20+s3], $0x50, $0x38;
	[tilespmem:$0x5680] =	vst v63  }
0x96: {  	_ =	swait.ge [sflag:s12], $0x50  }
0x97: {  	[sflag:s12] =	ssyncset.done $0x0  }
0x98: {  	[sflag:s12] =	ssyncadd.s32 $0xFFFFFFB0  }
0x99: {  	v1 =	vld [tilespmem:$0x0]  }
0x9a: {  	v2 =	vld [tilespmem:$0x80];
	_ =	sdelay $0x6  }
0x9b: {  	v1 =	vld.idx.msk [tilespmem:v1+s11+$0x0], $0xffff  }
0x9c: {  	v2 =	vld.idx.msk [tilespmem:v2+s13+$0x0], $0xffff;
	_ =	sdelay $0x5  }
0x9d: {  	v1 =	vadd.f32 v2, v1;
	_ =	sdelay $0x1  }
0x9e: {  	v1 =	vsub.f32 $0.0e+00, v1;
	_ =	sdelay $0x1  }
0x9f: {  	v1 =	vmul.f32 $1.442695020e+00, v1;
	_ =	sdelay $0x1  }
0xa0: {  	(erf) = vpow2.f32 v1;
	_ =	sdelay $0x8  }
0xa1: {  	v1 =	vpop (erf)  }
0xa2: {  	v1 =	vadd.f32 $1.000000000e+00, v1;
	_ =	sdelay $0x1  }
0xa3: {  	(erf) = vrcp.f32 v1;
	_ =	sdelay $0x1  }
0xa4: {  	v1 =	vld [tilespmem:$0x90]  }
0xa5: {  	v2 =	vld [tilespmem:$0x10];
	_ =	sdelay $0x5  }
0xa6: {  	v3 =	vpop (erf)  }
0xa7: {  	[tilespmem:$0x100] =	vst v3  }
0xa8: {  	v2 =	vld.idx.msk [tilespmem:v2+s11+$0x0], $0xffff  }
0xa9: {  	v1 =	vld.idx.msk [tilespmem:v1+s13+$0x0], $0xffff;
	_ =	sdelay $0x5  }
0xaa: {  	v1 =	vadd.f32 v1, v2;
	_ =	sdelay $0x1  }
0xab: {  	v1 =	vsub.f32 $0.0e+00, v1;
	_ =	sdelay $0x1  }
0xac: {  	v1 =	vmul.f32 $1.442695020e+00, v1;
	_ =	sdelay $0x1  }
0xad: {  	(erf) = vpow2.f32 v1;
	_ =	sdelay $0x8  }
0xae: {  	v1 =	vpop (erf)  }
0xaf: {  	v1 =	vadd.f32 $1.000000000e+00, v1;
	_ =	sdelay $0x1  }
0xb0: {  	(erf) = vrcp.f32 v1;
	_ =	sdelay $0x1  }
0xb1: {  	v1 =	vld [tilespmem:$0xA0]  }
0xb2: {  	v2 =	vld [tilespmem:$0x20];
	_ =	sdelay $0x5  }
0xb3: {  	v3 =	vpop (erf)  }
0xb4: {  	[tilespmem:$0x110] =	vst v3  }
0xb5: {  	v2 =	vld.idx.msk [tilespmem:v2+s11+$0x0], $0xffff  }
0xb6: {  	v1 =	vld.idx.msk [tilespmem:v1+s13+$0x0], $0xffff;
	_ =	sdelay $0x5  }
0xb7: {  	v1 =	vadd.f32 v1, v2;
	_ =	sdelay $0x1  }
0xb8: {  	v1 =	vsub.f32 $0.0e+00, v1;
	_ =	sdelay $0x1  }
0xb9: {  	v1 =	vmul.f32 $1.442695020e+00, v1;
	_ =	sdelay $0x1  }
0xba: {  	(erf) = vpow2.f32 v1;
	_ =	sdelay $0x8  }
0xbb: {  	v1 =	vpop (erf)  }
0xbc: {  	v1 =	vadd.f32 $1.000000000e+00, v1;
	_ =	sdelay $0x1  }
0xbd: {  	(erf) = vrcp.f32 v1;
	_ =	sdelay $0x1  }
0xbe: {  	v1 =	vld [tilespmem:$0xB0]  }
0xbf: {  	v2 =	vld [tilespmem:$0x30];
	_ =	sdelay $0x5  }
0xc0: {  	v3 =	vpop (erf)  }
0xc1: {  	[tilespmem:$0x120] =	vst v3  }
0xc2: {  	v2 =	vld.idx.msk [tilespmem:v2+s11+$0x0], $0xffff  }
0xc3: {  	v1 =	vld.idx.msk [tilespmem:v1+s13+$0x0], $0xffff;
	_ =	sdelay $0x5  }
0xc4: {  	v1 =	vadd.f32 v1, v2;
	_ =	sdelay $0x1  }
0xc5: {  	v1 =	vsub.f32 $0.0e+00, v1;
	_ =	sdelay $0x1  }
0xc6: {  	v1 =	vmul.f32 $1.442695020e+00, v1;
	_ =	sdelay $0x1  }
0xc7: {  	(erf) = vpow2.f32 v1;
	_ =	sdelay $0x8  }
0xc8: {  	v1 =	vpop (erf)  }
0xc9: {  	v1 =	vadd.f32 $1.000000000e+00, v1;
	_ =	sdelay $0x1  }
0xca: {  	(erf) = vrcp.f32 v1;
	_ =	sdelay $0x1  }
0xcb: {  	v1 =	vld [tilespmem:$0xC0]  }
0xcc: {  	v2 =	vld [tilespmem:$0x40];
	_ =	sdelay $0x5  }
0xcd: {  	v3 =	vpop (erf)  }
0xce: {  	[tilespmem:$0x130] =	vst v3  }
0xcf: {  	v2 =	vld.idx.msk [tilespmem:v2+s11+$0x0], $0xffff  }
0xd0: {  	v1 =	vld.idx.msk [tilespmem:v1+s13+$0x0], $0xffff;
	_ =	sdelay $0x5  }
0xd1: {  	v1 =	vadd.f32 v1, v2;
	_ =	sdelay $0x1  }
0xd2: {  	v1 =	vsub.f32 $0.0e+00, v1;
	_ =	sdelay $0x1  }
0xd3: {  	v1 =	vmul.f32 $1.442695020e+00, v1;
	_ =	sdelay $0x1  }
0xd4: {  	(erf) = vpow2.f32 v1;
	_ =	sdelay $0x7  }
.Ltmp0:
0xd5: {  	(pc) =	sbr.rel @p0 .LBB2_2-.Ltmp0, $3  }
0xd6: {  	v1 =	vpop (erf)  }
0xd7: {  	v1 =	vadd.f32 $1.000000000e+00, v1;
	_ =	sdelay $0x1  }
0xd8: {  	(erf) = vrcp.f32 v1  }
0xd9: {  	_ =	sdelay $0x7  }
0xda: {  	v1 =	vpop (erf)  }
0xdb: {  	[tilespmem:$0x140] =	vst v1  }
0xdc: {  	[spmem:s2] =	stream.indirect.scatter.add.f32 [tilespmem:s17], [sflag:$0x1], $0x1, s15, s16, $0xb8;
	[tilespmem:$0x5680] =	vst v63  }
0xdd: {  	_ =	swait.ge [sflag:s12], $0x50  }
0xde: {  	[sflag:s12] =	ssyncset.done $0x0  }
0xdf: {  	[sflag:s12] =	ssyncadd.s32 $0xFFFFFFB0  }
0xe0: {  	[bflag:$0x0] =	sbarrier.arrive $0xFFFF  }
0xe1: {  	[tilespmem:s14], [sflag:$0x1] =	stream.linear.gather [spmem:s6], $0x280, $0x38;
	[tilespmem:$0x5680] =	vst v63  }
0xe2: {  	s18 =	sadd.s32 $0x1, s18;
	_ =	swait.ge [sflag:s12], $0x280  }
0xe3: {  	p0 =	sne.s32 s18, s8;
	[sflag:s12] =	ssyncset.done $0x0  }
.Ltmp1:
0xe4: {  	[sflag:s12] =	ssyncadd.s32 $0xFFFFFD80;
	(pc) =	sbr.rel @p0 .LBB2_1-.Ltmp1, $4  }
0xe5: {  	[hbm4b:s7+s3] =	stream.linear.scatter [tilespmem:s14], [sflag:$0x1], $0x280, $0x38;
	[tilespmem:$0x5680] =	vst v63  }
0xe6: {  	_ =	swait.ge [sflag:s12], $0x280  }
0xe7: {  	[sflag:s12] =	ssyncset.done $0x0  }
0xe8: {  	[sflag:s12] =	ssyncadd.s32 $0xFFFFFD80  }
0xe9: {  	_ =	sfence.sel $0x180000  }
0xea: {  	[bflag:$0x0] =	sbarrier.arrive $0xFFFF  }
0xeb: {  	p0 =	sne.s32 s1, $0x0;
	_ =	strace $0x9000004D  }
0xec: {  	s0 =	sadd.s32 @!p0 $0x100000, s0;
	[bflag:$0x2] =	sbarrier.arrive $0xFFFF  }
0xed: {  	[sflag:s0] =	ssyncadd.tile.s32 @!p0 $0x1;
	_ =	shalt  }
.Lfunc_end2:
_tile_overlayer_lowered:
.L_overlay_start_2:
0xee: {  	(tag) =	ssettag $0x2  }
0xef: {  	s0 =	rddreg [dreg:$0x0];
	s2 =	stileid.u32  }
0xf0: {  	s1 =	rddreg [dreg:$0x1];
	p0 =	sne.s32 s2, $0x0  }
0xf1: {  	s3 =	rddreg [dreg:$0x2];
	[bflag:$0x3] =	sbarrier.arrive $0xFFFF;
	s2 =	simm.s32 @!p0 $0x1C01  }
0xf2: {  	[timem:s3], [sflag:s2] =	dma.local @!p0 [hbm:s0], s1  }
0xf3: {  	s0 =	simm.s32 @!p0 $0x1  }
0xf4: {  	_ =	swait.ge @!p0 [sflag:s0], s1  }
0xf5: {  	s1 =	ssub.s32 @!p0 $0x0, s1;
	[sflag:s0] =	ssyncset.done @!p0 $0x0  }
0xf6: {  	[sflag:s0] =	ssyncadd.s32 @!p0 s1  }
0xf7: {  	[bflag:$0x3] =	sbarrier.arrive $0xFFFF  }
0xf8: {  	_ =	shalt  }

// kernel: kernel.27.cloned.1.call-start
scs
__scs_entry_jumppad:
0x0: {  	(pc) =	sbr.rel $0x88, $3  }
0x1: {  	(tag) =	ssettag $0x0;
	lr =	simm.s32 $0x1  }
0x2: {  	[smem:$0x3F93] =	sst lr;
	_ =	strace $0xD0000000  }
0x3: {  	_ = 	snop  }
0x4: {  	_ = 	snop  }
0x5: {  	_ = 	snop  }
0x6: {  	_ = 	snop  }
0x7: {  	_ = 	snop  }
__scs_overlays_trampoline_lowered:
0x8: {  	[smem:$0x3FA2] =	sst s0  }
0x9: {  	[smem:$0x3FA3] =	sst s1  }
0xa: {  	[smem:$0x3FA4] =	sst s2  }
0xb: {  	[smem:$0x3FA5] =	sst s3  }
0xc: {  	[smem:$0x3FA6] =	sst s4  }
0xd: {  	[smem:$0x3FA7] =	sst s5  }
0xe: {  	[smem:$0x3FA8] =	sst s6  }
0xf: {  	[smem:$0x3FA9] =	sst s7  }
0x10: {  	[smem:$0x3FAA] =	sst s8  }
0x11: {  	[smem:$0x3FAB] =	sst s9;
	s0 =	simm.s32 @!p0 $0x0  }
0x12: {  	s1 =	sld [smem:$0x3F91];
	s0 =	simm.s32 @p0 $0x1  }
0x13: {  	[smem:$0x3FAC] =	sst s0;
	s0 =	simm.s32 @!p1 $0x0  }
0x14: {  	s2 =	sld [smem:$0x3F90];
	s0 =	simm.s32 @p1 $0x1  }
0x15: {  	[smem:$0x3FAD] =	sst s0;
	s0 =	simm.s32 @!p2 $0x0  }
0x16: {  	s3 =	sld [smem:$0x3FDB];
	s0 =	simm.s32 @p2 $0x1  }
0x17: {  	s4 =	simm.s32 $0x1BF5;
	[smem:$0x3FAF] =	sst s0  }
0x18: {  	s0 =	sld [smem:$0x3F92];
	_ =	swait.ge [sflag:s4], $0x0  }
0x19: {  	s7 =	sld [smem:$0x3F93]  }
0x1a: {  	s8 =	sadd.s32 $0xFFFFE003, lr  }
0x1b: {  	s9 =	sadd.s32 $0xFFFFFEF7, lr;
	s5 =	simm.s32 $0xFFFFFFFF;
	p2 =	slt.u32 s8, $0xFFFFF086  }
0x1c: {  	p1 =	slt.u32 s9, $0xF7A;
	s5 =	simm.s32 @!p2 $0x0  }
0x1d: {  	s5 =	simm.s32 @p1 $0x1;
	p0 =	seq.s32 s7, s2  }
0x1e: {  	s7 =	smul.u32 @!p0 $0xF7A, s2;
	p2 =	seq.s32 @!p0 s5, $0x0  }
0x1f: {  	s9 =	smul.u32 $0xF7A, s1;
	s8 =	simm.s32 @!p0 $0x1BF5;
	p2 =	por !p2, p0  }
0x20: {  	[sflag:s8] =	ssyncset.s32 @!p0 $0xFFFFF086;
	s6 =	sadd.s32 @!p0 s3, s7;
	s7 =	simm.s32 @!p0 $0x108  }
0x21: {  	s3 =	sadd.s32 s3, s9;
	s6 =	sadd.s32 @!p0 $0x88, s6;
	s7 =	simm.s32 @p2 $0x1082  }
0x22: {  	[simem:s7], [sflag:s8] =	dma.local @!p0 [hbm:s6], $0xF7A  }
0x23: {  	s9 =	sor.u32 $0xD0000000, s2;
	s6 =	simm.s32 $0x108;
	_ =	swait.ge @!p0 [sflag:s8], $0x0  }
0x24: {  	s3 =	sadd.s32 $0x88, s3;
	s6 =	simm.s32 @!p1 $0x1082;
	[sflag:s4] =	ssyncset.s32 $0xFFFFF086  }
0x25: {  	[simem:s6], [sflag:s4] =	dma.local [hbm:s3], $0xF7A  }
0x26: {  	[smem:$0x3F93] =	sst s1;
	(tag) =	ssettag s2;
	_ =	strace s9  }
0x27: {  	s1 =	sld [smem:$0x3FA3]  }
0x28: {  	s2 =	sld [smem:$0x3FA4]  }
0x29: {  	s4 =	sld [smem:$0x3FA6]  }
0x2a: {  	p0 =	seq.s32 s5, $0x0;
	s5 =	sld [smem:$0x3FA7]  }
0x2b: {  	s6 =	sld [smem:$0x3FA8]  }
0x2c: {  	s7 =	sld [smem:$0x3FA9]  }
0x2d: {  	s3 =	simm.s32 $0x108;
	s8 =	sld [smem:$0x3FAA]  }
0x2e: {  	s3 =	simm.s32 @!p0 $0x1082;
	s9 =	sld [smem:$0x3FAB]  }
0x2f: {  	lr =	sadd.s32 s0, s3;
	s0 =	sld [smem:$0x3FA2]  }
0x30: {  	s3 =	sld [smem:$0x3FA5]  }
0x31: {  	[smem:$0x3FAE] =	sst s10  }
0x32: {  	s10 =	sld [smem:$0x3FAC];
	_ =	sdelay $0x3  }
0x33: {  	p0 =	seq.s32 s10, $0x1;
	s10 =	sld [smem:$0x3FAE];
	_ =	sdelay $0x3  }
0x34: {  	[smem:$0x3FAE] =	sst s10  }
0x35: {  	s10 =	sld [smem:$0x3FAD];
	_ =	sdelay $0x3  }
0x36: {  	p1 =	seq.s32 s10, $0x1;
	s10 =	sld [smem:$0x3FAE];
	_ =	sdelay $0x3  }
0x37: {  	[smem:$0x3FAE] =	sst s10  }
0x38: {  	s10 =	sld [smem:$0x3FAF]  }
0x39: {  	_ = 	snop;
	(pc) =	sbr.ind lr, $3  }
0x3a: {  	_ = 	snop  }
0x3b: {  	_ = 	snop  }
0x3c: {  	p2 =	seq.s32 s10, $0x1;
	s10 =	sld [smem:$0x3FAE]  }
0x3d: {  	_ =	shalt  }
0x3e: {  	_ =	shalt  }
0x3f: {  	_ =	shalt  }
0x40: {  	_ =	shalt  }
0x41: {  	_ =	shalt  }
0x42: {  	_ =	shalt  }
0x43: {  	_ =	shalt  }
0x44: {  	_ =	shalt  }
0x45: {  	_ =	shalt  }
0x46: {  	_ =	shalt  }
0x47: {  	_ =	shalt  }
0x48: {  	_ =	shalt  }
0x49: {  	_ =	shalt  }
0x4a: {  	_ =	shalt  }
0x4b: {  	_ =	shalt  }
0x4c: {  	_ =	shalt  }
0x4d: {  	_ =	shalt  }
0x4e: {  	_ =	shalt  }
0x4f: {  	_ =	shalt  }
0x50: {  	_ =	shalt  }
0x51: {  	_ =	shalt  }
0x52: {  	_ =	shalt  }
0x53: {  	_ =	shalt  }
0x54: {  	_ =	shalt  }
0x55: {  	_ =	shalt  }
0x56: {  	_ =	shalt  }
0x57: {  	_ =	shalt  }
0x58: {  	_ =	shalt  }
0x59: {  	_ =	shalt  }
0x5a: {  	_ =	shalt  }
0x5b: {  	_ =	shalt  }
0x5c: {  	_ =	shalt  }
0x5d: {  	_ =	shalt  }
0x5e: {  	_ =	shalt  }
0x5f: {  	_ =	shalt  }
0x60: {  	_ =	shalt  }
0x61: {  	_ =	shalt  }
0x62: {  	_ =	shalt  }
0x63: {  	_ =	shalt  }
0x64: {  	_ =	shalt  }
0x65: {  	_ =	shalt  }
0x66: {  	_ =	shalt  }
0x67: {  	_ =	shalt  }
0x68: {  	_ =	shalt  }
0x69: {  	_ =	shalt  }
0x6a: {  	_ =	shalt  }
0x6b: {  	_ =	shalt  }
0x6c: {  	_ =	shalt  }
0x6d: {  	_ =	shalt  }
0x6e: {  	_ =	shalt  }
0x6f: {  	_ =	shalt  }
0x70: {  	_ =	shalt  }
0x71: {  	_ =	shalt  }
0x72: {  	_ =	shalt  }
0x73: {  	_ =	shalt  }
0x74: {  	_ =	shalt  }
0x75: {  	_ =	shalt  }
0x76: {  	_ =	shalt  }
0x77: {  	_ =	shalt  }
0x78: {  	_ =	shalt  }
0x79: {  	_ =	shalt  }
0x7a: {  	_ =	shalt  }
0x7b: {  	_ =	shalt  }
0x7c: {  	_ =	shalt  }
0x7d: {  	_ =	shalt  }
0x7e: {  	_ =	shalt  }
0x7f: {  	_ =	shalt  }
0x80: {  	_ =	shalt  }
0x81: {  	_ =	shalt  }
0x82: {  	_ =	shalt  }
0x83: {  	_ =	shalt  }
0x84: {  	_ =	shalt  }
0x85: {  	_ =	shalt  }
0x86: {  	_ =	shalt  }
0x87: {  	_ =	shalt  }
.Lfunc_end0:
.L_simem_size_0:
called_computation.3_lowered:
.L_overlay_start_0:
0x88: {  	s2 =	sld [smem:$0x3FD9]  }
0x89: {  	s3 =	sld [smem:$0x3FFE];
	_ =	sdelay $0x1  }
0x8a: {  	s1 =	srdreg.scid  }
0x8b: {  	s0 =	sand.u32 $0x1, s1  }
0x8c: {  	s16 =	sshll.u32 s0, $0xA;
	s2 =	sadd.s32 s3, s2  }
0x8d: {  	s2 =	sadd.s32 s2, s16  }
0x8e: {  	[smem:$0x3FBA] =	sst s2  }
0x8f: {  	_ = 	snop  }
0x90: {  	(tm) =	ssettm $0x1  }
0x91: {  	s17 =	sld [smem:$0x3FFB];
	_ =	sdelay $0x3  }
0x92: {  	_ =	strace s17  }
0x93: {  	s2 =	sld [smem:$0x3FFC];
	_ =	sdelay $0x3  }
0x94: {  	_ =	strace s2  }
0x95: {  	s2 =	sld [smem:$0x3FFD];
	_ =	sdelay $0x3  }
0x96: {  	_ =	strace s2  }
0x97: {  	_ =	strace $0x8FFFFFFF  }
0x98: {  	s18 =	sld [smem:$0x3FDB];
	_ =	sdelay $0x1  }
0x99: {  	s19 =	simm.s32 $_scs_section_size  }
0x9a: {  	s4 =	simm.s32 $_size__tile_overlayer_lowered;
	s5 =	simm.s32 $_tile_overlayer_lowered  }
0x9b: {  	s22 =	simm.s32 $0x1BFF;
	s21 =	sshll.u32 s5, $0x1;
	s2 =	sadd.s32 s19, s18  }
0x9c: {  	s6 =	simm.s32 $0x0;
	s20 =	sshll.u32 s4, $0x1;
	s4 =	sadd.s32 s21, s2  }
0x9d: {  	[timem:s6], [sflag:s22] =	dma.local [hbm:s4], s20  }
0x9e: {  	_ =	swait.ge [sflag:s22], s20  }
0x9f: {  	s3 =	ssub.s32 $0x0, s20;
	[sflag:s22] =	ssyncset.done $0x0  }
0xa0: {  	[sflag:s22] =	ssyncadd.s32 s3;
	_ =	sdelay $0x1  }
0xa1: {  	s23 =	simm.s32 $0x1B8B  }
0xa2: {  	_ =	swait.ge [sflag:s23], $0x1  }
0xa3: {  	[sflag:s23] =	ssyncset.done $0x0  }
0xa4: {  	s25 =	simm.s32 $0x1B8E;
	s24 =	sld [smem:$0x3FFE];
	[sflag:s23] =	ssyncadd.s32 $0xFFFFFFFF  }
0xa5: {  	s26 =	simm.s32 $execute0_lowered;
	[smem:$0x3FD2] =	sst s25  }
0xa6: {  	s4 =	sshll.u32 s26, $0x1;
	_ =	strace $0x8000004F;
	[dreg:$0x1] =	wrdreg $0xFFFFFFFF  }
0xa7: {  	s28 =	simm.s32 $_size_execute0_lowered;
	s2 =	sadd.s32 s2, s4;
	[dreg:$0x0] =	wrdreg $0x0  }
0xa8: {  	s4 =	sshll.u32 s28, $0x1;
	[dreg:$0x2] =	wrdreg s2  }
0xa9: {  	[dreg:$0x3] =	wrdreg s4  }
0xaa: {  	[dreg:$0x4] =	wrdreg $0xC0  }
0xab: {  	_ =	task [dreg:s6], $0x5FFFF  }
0xac: {  	[dreg:$0x1] =	wrdreg $0xFFFFFFFF  }
0xad: {  	[dreg:$0x0] =	wrdreg $0x60  }
0xae: {  	[dreg:$0x2] =	wrdreg s24  }
0xaf: {  	[dreg:$0x3] =	wrdreg $0x5A000  }
0xb0: {  	[dreg:$0x4] =	wrdreg $0x9  }
0xb1: {  	_ =	task.clear_ibuf [dreg:s6], $0x5FFFF;
	_ =	strace $0x9000004F  }
0xb2: {  	s29 =	simm.s32 $0x9;
	_ =	strace $0x80000051  }
0xb3: {  	_ =	swait.ge [sflag:s29], $0x1  }
0xb4: {  	[sflag:s29] =	ssyncadd.s32 $0xFFFFFFFF  }
0xb5: {  	_ =	strace $0x90000051  }
0xb6: {  	_ =	sfence  }
0xb7: {  	s30 =	sld [smem:$0x0];
	_ =	sdelay $0x2  }
0xb8: {  	s31 =	sshll.u32 s1, $0xD;
	s1 =	sshrl.u32 s1, $0x2  }
0xb9: {  	s3 =	sand.u32 $0x4000, s31;
	s1 =	sadd.s32 s1, s30  }
0xba: {  	s0 =	sor.u32 s3, s0;
	s1 =	sshll.u32 s1, $0x11  }
0xbb: {  	s0 =	sor.u32 s1, s0  }
0xbc: {  	s0 =	sadd.s32 $0x8F2B, s0  }
0xbd: {  	[sflag:s0] =	ssyncadd.remote.s32 $0x1  }
0xbe: {  	_ =	sfence.sel $0xFFFF  }
0xbf: {  	[dreg:$0x0] =	wrdreg $0xFFFFFFFF;
	(pc) =	sbr.abs _section_cstart, $3  }
0xc0: {  	[dreg:$0x1] =	wrdreg $0xFFFFFFFF  }
0xc1: {  	_ =	task.clear_ibuf [dreg:s6], $0x2FFFF;
	_ =	strace $0x9FFFFFFF  }
0xc2: {  	(tm) =	ssettm $0x7FFFFFFF  }
0xc3: {  	_ =	shalt  }
tec
execute0_lowered:
.L_overlay_start_1:
0x0: {  	(tag) =	ssettag $0x1  }
0x1: {  	s0 =	rddreg [dreg:$0x0]  }
0x2: {  	s1 =	rddreg [dreg:$0x1];
	s11 =	stileid.u32  }
0x3: {  	s2 =	simm.s32 $0x0;
	s3 =	srdreg.scid;
	s8 =	smul.u32 $0x1400, s11  }
0x4: {  	[smem:$0x7FF] =	sst s2;
	s10 =	smul.u32 $0x28000, s11  }
0x5: {  	s3 =	sand.u32 $0x1, s3;
	s4 =	sadd.s32 $0x68E00, s0;
	s15 =	smul.u32 $0x2710, s11  }
0x6: {  	s5 =	sadd.s32 $0x5200, s0;
	s6 =	sadd.s32 $0xF000, s0;
	s7 =	smul.u32 $0x14000, s3  }
0x7: {  	_ =	strace $0x80000050;
	s9 =	sshll.u32 s3, $0x4;
	s24 =	ssub.s32 $0x2, s3  }
0x8: {  	s12 =	smul.u32 $0x27100, s3;
	s9 =	sor.u32 s11, s9;
	s7 =	sadd.s32 s8, s7  }
0x9: {  	s25 =	sshrl.u32 s24, $0x1;
	s10 =	sshrl.u32 s10, $0x2;
	s0 =	sadd.s32 s7, s0  }
0xa: {  	s11 =	simm.s32 $0x80;
	s7 =	sadd.s32 s10, s1;
	s0 =	sadd.s32 $0x18E00, s0  }
0xb: {  	s9 =	smul.u32 $0x2710, s9;
	s10 =	sadd.s32 $0x800, s7;
	[dreg:$0x5] =	wrdreg s0  }
0xc: {  	s8 =	ssub.s32 s24, s25;
	s13 =	sadd.s32 $0x1000, s7;
	[dreg:$0x7] =	wrdreg s10  }
0xd: {  	s9 =	sshrl.u32 s9, $0x3;
	s14 =	sadd.s32 $0x1800, s7;
	[dreg:$0x8] =	wrdreg s13  }
0xe: {  	s16 =	sadd.s32 $0x2000, s7;
	s17 =	sadd.s32 $0x2800, s7;
	[dreg:$0x9] =	wrdreg s14  }
0xf: {  	s18 =	sadd.s32 $0x3000, s7;
	s19 =	sadd.s32 $0x3800, s7;
	[dreg:$0xa] =	wrdreg s16  }
0x10: {  	s20 =	sadd.s32 $0x4000, s7;
	s21 =	sadd.s32 $0x4800, s7;
	[dreg:$0xb] =	wrdreg s17  }
0x11: {  	s22 =	sadd.s32 $0x5000, s7;
	s24 =	sadd.s32 $0x5800, s7;
	[dreg:$0xc] =	wrdreg s18  }
0x12: {  	s28 =	sadd.s32 $0x6800, s7;
	s29 =	sadd.s32 $0x7000, s7;
	[dreg:$0xd] =	wrdreg s19  }
0x13: {  	s30 =	sadd.s32 $0x7800, s7;
	s31 =	sadd.s32 $0x8000, s7;
	[dreg:$0xe] =	wrdreg s20  }
0x14: {  	s3 =	sadd.s32 $0x9000, s7;
	s26 =	sadd.s32 s5, s9;
	[dreg:$0xf] =	wrdreg s21  }
0x15: {  	s9 =	sadd.s32 s6, s9;
	s0 =	sadd.s32 s15, s12;
	[dreg:$0x10] =	wrdreg s22  }
0x16: {  	[dreg:$0x11] =	wrdreg s24;
	s10 =	simm.s32 $0x3;
	s12 =	simm.s32 $0x50  }
0x17: {  	s13 =	simm.s32 $0x200;
	s14 =	simm.s32 $0x100;
	s15 =	simm.s32 $0x180  }
0x18: {  	s16 =	simm.s32 $0x2A00;
	s17 =	simm.s32 $0x1;
	[dreg:$0x3] =	wrdreg s26  }
0x19: {  	s18 =	simm.s32 $0x2;
	s19 =	simm.s32 $0x0;
	[dreg:$0x4] =	wrdreg s9  }
0x1a: {  	s9 =	smax.u32 s8, $0x1;
	s23 =	sadd.s32 $0x50, s0;
	s21 =	sadd.s32 $0xA0, s0  }
0x1b: {  	s26 =	sadd.s32 $0x6000, s7;
	s0 =	sadd.s32 $0x8800, s7;
	[dreg:$0x6] =	wrdreg s9  }
0x1c: {  	s8 =	sadd.s32 $0x9800, s7;
	s25 =	sshrl.u32 s23, $0x3;
	[dreg:$0x12] =	wrdreg s26  }
0x1d: {  	v0 =	vimm.f32 $0.0e+00;
	s9 =	simm.s32 $0x5200;
	s24 =	sadd.s32 s25, s6;
	s25 =	sadd.s32 s25, s5  }
.LBB2_1:
0x1e: {  	s20 =	sand.u32 $0x1E00, s2  }
0x1f: {  	s22 =	sand.u32 $0x70, s2;
	s23 =	sshrl.u32 s20, $0x2  }
0x20: {  	s20 =	simm.s32 $0x40;
	s23 =	sor.u32 s22, s23;
	s22 =	simm.s32 $0x0  }
.LBB2_2:
0x21: {  	p0 =	sne.s32 s20, $0x1FC0  }
0x22: {  	[tilespmem:s23+$0x5200] =	vst v0;
	s22 =	sadd.s32 $0x10, s22;
	s23 =	smov.u32 s20;
	s20 =	sadd.s32 $0x40, s20  }
.Ltmp0:
0x23: {  	(pc) =	sbr.rel @p0 .LBB2_2-.Ltmp0, $4  }
0x24: {  	_ = 	snop  }
0x25: {  	s23 =	sand.u32 $0x1E00, s23  }
0x26: {  	s26 =	sand.u32 $0x70, s22;
	s23 =	sshrl.u32 s23, $0x2  }
0x27: {  	s23 =	sor.u32 s26, s23  }
0x28: {  	[tilespmem:s23+$0x5200] =	vst v0  }
0x29: {  	[spmem:s7] =	stream.linear.scatter [tilespmem:s9], [sflag:$0x3], $0x800, $0x38;
	[tilespmem:$0xFA00] =	vst v63  }
0x2a: {  	_ =	swait.ge [sflag:s10], $0x800  }
0x2b: {  	[sflag:s10] =	ssyncset.done $0x0  }
0x2c: {  	s20 =	rddreg [dreg:$0x7];
	[sflag:s10] =	ssyncadd.s32 $0xFFFFF800  }
0x2d: {  	[spmem:s20] =	stream.linear.scatter [tilespmem:s9], [sflag:$0x3], $0x800, $0x38;
	[tilespmem:$0xFA00] =	vst v63  }
0x2e: {  	_ =	swait.ge [sflag:s10], $0x800  }
0x2f: {  	[sflag:s10] =	ssyncset.done $0x0  }
0x30: {  	s22 =	rddreg [dreg:$0x8];
	[sflag:s10] =	ssyncadd.s32 $0xFFFFF800  }
0x31: {  	[spmem:s22] =	stream.linear.scatter [tilespmem:s9], [sflag:$0x3], $0x800, $0x38;
	[tilespmem:$0xFA00] =	vst v63  }
0x32: {  	_ =	swait.ge [sflag:s10], $0x800  }
0x33: {  	[sflag:s10] =	ssyncset.done $0x0  }
0x34: {  	s23 =	rddreg [dreg:$0x9];
	[sflag:s10] =	ssyncadd.s32 $0xFFFFF800  }
0x35: {  	[spmem:s23] =	stream.linear.scatter [tilespmem:s9], [sflag:$0x3], $0x800, $0x38;
	[tilespmem:$0xFA00] =	vst v63  }
0x36: {  	_ =	swait.ge [sflag:s10], $0x800  }
0x37: {  	[sflag:s10] =	ssyncset.done $0x0  }
0x38: {  	s26 =	rddreg [dreg:$0xa];
	[sflag:s10] =	ssyncadd.s32 $0xFFFFF800  }
0x39: {  	[spmem:s26] =	stream.linear.scatter [tilespmem:s9], [sflag:$0x3], $0x800, $0x38;
	[tilespmem:$0xFA00] =	vst v63  }
0x3a: {  	_ =	swait.ge [sflag:s10], $0x800  }
0x3b: {  	[sflag:s10] =	ssyncset.done $0x0  }
0x3c: {  	s22 =	rddreg [dreg:$0xb];
	[sflag:s10] =	ssyncadd.s32 $0xFFFFF800  }
0x3d: {  	[spmem:s22] =	stream.linear.scatter [tilespmem:s9], [sflag:$0x3], $0x800, $0x38;
	[tilespmem:$0xFA00] =	vst v63  }
0x3e: {  	_ =	swait.ge [sflag:s10], $0x800  }
0x3f: {  	[sflag:s10] =	ssyncset.done $0x0  }
0x40: {  	s23 =	rddreg [dreg:$0xc];
	[sflag:s10] =	ssyncadd.s32 $0xFFFFF800  }
0x41: {  	[spmem:s23] =	stream.linear.scatter [tilespmem:s9], [sflag:$0x3], $0x800, $0x38;
	[tilespmem:$0xFA00] =	vst v63  }
0x42: {  	_ =	swait.ge [sflag:s10], $0x800  }
0x43: {  	[sflag:s10] =	ssyncset.done $0x0  }
0x44: {  	s26 =	rddreg [dreg:$0xd];
	[sflag:s10] =	ssyncadd.s32 $0xFFFFF800  }
0x45: {  	[spmem:s26] =	stream.linear.scatter [tilespmem:s9], [sflag:$0x3], $0x800, $0x38;
	[tilespmem:$0xFA00] =	vst v63  }
0x46: {  	_ =	swait.ge [sflag:s10], $0x800  }
0x47: {  	[sflag:s10] =	ssyncset.done $0x0  }
0x48: {  	s22 =	rddreg [dreg:$0xe];
	[sflag:s10] =	ssyncadd.s32 $0xFFFFF800  }
0x49: {  	[spmem:s22] =	stream.linear.scatter [tilespmem:s9], [sflag:$0x3], $0x800, $0x38;
	[tilespmem:$0xFA00] =	vst v63  }
0x4a: {  	_ =	swait.ge [sflag:s10], $0x800  }
0x4b: {  	[sflag:s10] =	ssyncset.done $0x0  }
0x4c: {  	s23 =	rddreg [dreg:$0xf];
	[sflag:s10] =	ssyncadd.s32 $0xFFFFF800  }
0x4d: {  	[spmem:s23] =	stream.linear.scatter [tilespmem:s9], [sflag:$0x3], $0x800, $0x38;
	[tilespmem:$0xFA00] =	vst v63  }
0x4e: {  	_ =	swait.ge [sflag:s10], $0x800  }
0x4f: {  	[sflag:s10] =	ssyncset.done $0x0  }
0x50: {  	s26 =	rddreg [dreg:$0x10];
	[sflag:s10] =	ssyncadd.s32 $0xFFFFF800  }
0x51: {  	[spmem:s26] =	stream.linear.scatter [tilespmem:s9], [sflag:$0x3], $0x800, $0x38;
	[tilespmem:$0xFA00] =	vst v63  }
0x52: {  	_ =	swait.ge [sflag:s10], $0x800  }
0x53: {  	[sflag:s10] =	ssyncset.done $0x0  }
0x54: {  	s22 =	rddreg [dreg:$0x11];
	[sflag:s10] =	ssyncadd.s32 $0xFFFFF800  }
0x55: {  	[spmem:s22] =	stream.linear.scatter [tilespmem:s9], [sflag:$0x3], $0x800, $0x38;
	[tilespmem:$0xFA00] =	vst v63  }
0x56: {  	_ =	swait.ge [sflag:s10], $0x800  }
0x57: {  	[sflag:s10] =	ssyncset.done $0x0  }
0x58: {  	s23 =	rddreg [dreg:$0x12];
	[sflag:s10] =	ssyncadd.s32 $0xFFFFF800  }
0x59: {  	[spmem:s23] =	stream.linear.scatter [tilespmem:s9], [sflag:$0x3], $0x800, $0x38;
	[tilespmem:$0xFA00] =	vst v63  }
0x5a: {  	_ =	swait.ge [sflag:s10], $0x800  }
0x5b: {  	[sflag:s10] =	ssyncset.done $0x0  }
0x5c: {  	[sflag:s10] =	ssyncadd.s32 $0xFFFFF800  }
0x5d: {  	[spmem:s28] =	stream.linear.scatter [tilespmem:s9], [sflag:$0x3], $0x800, $0x38;
	[tilespmem:$0xFA00] =	vst v63  }
0x5e: {  	_ =	swait.ge [sflag:s10], $0x800  }
0x5f: {  	[sflag:s10] =	ssyncset.done $0x0  }
0x60: {  	[sflag:s10] =	ssyncadd.s32 $0xFFFFF800  }
0x61: {  	[spmem:s29] =	stream.linear.scatter [tilespmem:s9], [sflag:$0x3], $0x800, $0x38;
	[tilespmem:$0xFA00] =	vst v63  }
0x62: {  	_ =	swait.ge [sflag:s10], $0x800  }
0x63: {  	[sflag:s10] =	ssyncset.done $0x0  }
0x64: {  	[sflag:s10] =	ssyncadd.s32 $0xFFFFF800  }
0x65: {  	[spmem:s30] =	stream.linear.scatter [tilespmem:s9], [sflag:$0x3], $0x800, $0x38;
	[tilespmem:$0xFA00] =	vst v63  }
0x66: {  	_ =	swait.ge [sflag:s10], $0x800  }
0x67: {  	[sflag:s10] =	ssyncset.done $0x0  }
0x68: {  	[sflag:s10] =	ssyncadd.s32 $0xFFFFF800  }
0x69: {  	[spmem:s31] =	stream.linear.scatter [tilespmem:s9], [sflag:$0x3], $0x800, $0x38;
	[tilespmem:$0xFA00] =	vst v63  }
0x6a: {  	_ =	swait.ge [sflag:s10], $0x800  }
0x6b: {  	[sflag:s10] =	ssyncset.done $0x0  }
0x6c: {  	[sflag:s10] =	ssyncadd.s32 $0xFFFFF800  }
0x6d: {  	[spmem:s0] =	stream.linear.scatter [tilespmem:s9], [sflag:$0x3], $0x800, $0x38;
	[tilespmem:$0xFA00] =	vst v63  }
0x6e: {  	_ =	swait.ge [sflag:s10], $0x800  }
0x6f: {  	[sflag:s10] =	ssyncset.done $0x0  }
0x70: {  	[sflag:s10] =	ssyncadd.s32 $0xFFFFF800  }
0x71: {  	[spmem:s3] =	stream.linear.scatter [tilespmem:s9], [sflag:$0x3], $0x800, $0x38;
	[tilespmem:$0xFA00] =	vst v63  }
0x72: {  	_ =	swait.ge [sflag:s10], $0x800  }
0x73: {  	[sflag:s10] =	ssyncset.done $0x0  }
0x74: {  	[sflag:s10] =	ssyncadd.s32 $0xFFFFF800  }
0x75: {  	[spmem:s8] =	stream.linear.scatter [tilespmem:s9], [sflag:$0x3], $0x800, $0x38;
	[tilespmem:$0xFA00] =	vst v63  }
0x76: {  	_ =	swait.ge [sflag:s10], $0x800  }
0x77: {  	[sflag:s10] =	ssyncset.done $0x0  }
0x78: {  	[sflag:s10] =	ssyncadd.s32 $0xFFFFF800  }
0x79: {  	[bflag:$0x0] =	sbarrier.arrive $0xFFFF  }
0x7a: {  	s26 =	simm.s32 $0x0;
	s22 =	rddreg [dreg:$0x3]  }
0x7b: {  	[tilespmem:s26], [sflag:$0x3] =	stream.linear.gather [hbm4b:s22+s26], $0x50, $0x38;
	[tilespmem:$0xFA00] =	vst v63  }
0x7c: {  	_ =	swait.ge [sflag:s10], $0x50  }
0x7d: {  	[sflag:s10] =	ssyncset.done $0x0  }
0x7e: {  	s23 =	rddreg [dreg:$0x4];
	[sflag:s10] =	ssyncadd.s32 $0xFFFFFFB0  }
0x7f: {  	[tilespmem:s11], [sflag:$0x3] =	stream.linear.gather [hbm4b:s23+s26], $0x50, $0x38;
	[tilespmem:$0xFA00] =	vst v63  }
0x80: {  	_ =	swait.ge [sflag:s10], $0x50  }
0x81: {  	[sflag:s10] =	ssyncset.done $0x0  }
0x82: {  	[sflag:s10] =	ssyncadd.s32 $0xFFFFFFB0  }
0x83: {  	v1 =	vld [tilespmem:$0x0]  }
0x84: {  	v2 =	vld [tilespmem:$0x80]  }
0x85: {  	v3 =	vld [tilespmem:$0x10]  }
0x86: {  	v4 =	vld [tilespmem:$0x90]  }
0x87: {  	v5 =	vld [tilespmem:$0x20]  }
0x88: {  	v6 =	vld [tilespmem:$0xA0];
	v1 =	vshrl.u32 v1, $0x1  }
0x89: {  	[tilespmem:$0x0] =	vst v1;
	v1 =	vshrl.u32 v2, $0x1;
	v2 =	vld [tilespmem:$0x30]  }
0x8a: {  	[tilespmem:$0x80] =	vst v1;
	v1 =	vshrl.u32 v3, $0x1;
	v3 =	vld [tilespmem:$0xB0]  }
0x8b: {  	[tilespmem:$0x10] =	vst v1;
	v1 =	vshrl.u32 v4, $0x1;
	v4 =	vld [tilespmem:$0x40]  }
0x8c: {  	[tilespmem:$0x90] =	vst v1;
	v1 =	vshrl.u32 v5, $0x1;
	v5 =	vld [tilespmem:$0xC0]  }
0x8d: {  	[tilespmem:$0x20] =	vst v1;
	v1 =	vshrl.u32 v6, $0x1  }
0x8e: {  	[tilespmem:$0xA0] =	vst v1;
	v1 =	vshrl.u32 v2, $0x1  }
0x8f: {  	[tilespmem:$0x30] =	vst v1;
	v1 =	vshrl.u32 v3, $0x1  }
0x90: {  	[tilespmem:$0xB0] =	vst v1;
	v1 =	vshrl.u32 v4, $0x1  }
0x91: {  	[tilespmem:$0x40] =	vst v1;
	v1 =	vshrl.u32 v5, $0x1  }
0x92: {  	[tilespmem:$0xC0] =	vst v1  }
0x93: {  	[tilespmem:s13], [sflag:$0x1] =	stream.indirect.gather [hbm4b:s4+s12], $0x80, s26, s12, $0xb8;
	[tilespmem:$0xFA00] =	vst v63  }
0x94: {  	s26 =	sadd.s32 $0x0, s25  }
0x95: {  	[tilespmem:s14], [sflag:$0x3] =	stream.linear.gather [hbm4b:s26+s2], $0x50, $0x38;
	[tilespmem:$0xFA00] =	vst v63  }
0x96: {  	_ =	swait.ge [sflag:s10], $0x50  }
0x97: {  	[sflag:s10] =	ssyncset.done $0x0  }
0x98: {  	s22 =	sadd.s32 $0x0, s24;
	[sflag:s10] =	ssyncadd.s32 $0xFFFFFFB0  }
0x99: {  	[tilespmem:s15], [sflag:$0x3] =	stream.linear.gather [hbm4b:s22+s2], $0x50, $0x38;
	[tilespmem:$0xFA00] =	vst v63  }
0x9a: {  	_ =	swait.ge [sflag:s10], $0x50  }
0x9b: {  	[sflag:s10] =	ssyncset.done $0x0  }
0x9c: {  	[sflag:s10] =	ssyncadd.s32 $0xFFFFFFB0  }
0x9d: {  	v1 =	vld [tilespmem:$0x1C0]  }
0x9e: {  	v2 =	vld [tilespmem:$0x190]  }
0x9f: {  	v3 =	vld [tilespmem:$0x180]  }
0xa0: {  	v4 =	vld [tilespmem:$0x100]  }
0xa1: {  	v5 =	vld [tilespmem:$0x1A0]  }
0xa2: {  	v63 =	vld [tilespmem:$0x110];
	v1 =	vshrl.u32 v1, $0x1  }
0xa3: {  	v2 =	vshrl.u32 v2, $0x1;
	[tilespmem:$0x1C0] =	vst v1;
	v1 =	vld [tilespmem:$0x1B0]  }
0xa4: {  	v3 =	vshrl.u32 v3, $0x1;
	[tilespmem:$0x190] =	vst v2;
	v2 =	vld [tilespmem:$0x130]  }
0xa5: {  	v7 =	vld [tilespmem:$0x120];
	v4 =	vshrl.u32 v4, $0x1;
	[tilespmem:$0x180] =	vst v3  }
0xa6: {  	v3 =	vld [tilespmem:$0x140];
	[tilespmem:$0x100] =	vst v4;
	v4 =	vshrl.u32 v5, $0x1  }
0xa7: {  	v5 =	vshrl.u32 v63, $0x1;
	[tilespmem:$0x1A0] =	vst v4  }
0xa8: {  	[tilespmem:$0x110] =	vst v5;
	v1 =	vshrl.u32 v1, $0x1  }
0xa9: {  	v2 =	vshrl.u32 v2, $0x1;
	[tilespmem:$0x1B0] =	vst v1  }
0xaa: {  	v1 =	vshrl.u32 v7, $0x1;
	[tilespmem:$0x130] =	vst v2  }
0xab: {  	v2 =	vshrl.u32 v3, $0x1;
	[tilespmem:$0x120] =	vst v1  }
0xac: {  	[tilespmem:$0x140] =	vst v2  }
0xad: {  	[tilespmem:s16], [sflag:$0x2] =	stream.indirect.gather [hbm4b:s4+s12], $0x80, s14, s12, $0xb8;
	[tilespmem:$0xFA00] =	vst v63  }
0xae: {  	_ =	swait.ge [sflag:s17], $0x2800  }
0xaf: {  	[sflag:s17] =	ssyncset.done $0x0  }
0xb0: {  	[sflag:s17] =	ssyncadd.s32 $0xFFFFD800  }
0xb1: {  	[spmem:s1] =	stream.indirect.scatter.add.f32 [tilespmem:s13], [sflag:$0x3], $0x80, s11, s12, $0xb8;
	[tilespmem:$0xFA00] =	vst v63  }
0xb2: {  	_ =	swait.ge [sflag:s10], $0x2800  }
0xb3: {  	s23 =	sshrl.u32 s21, $0x3;
	[sflag:s10] =	ssyncset.done $0x0  }
0xb4: {  	s26 =	sadd.s32 s5, s23;
	[sflag:s10] =	ssyncadd.s32 $0xFFFFD800  }
0xb5: {  	[tilespmem:s2], [sflag:$0x3] =	stream.linear.gather [hbm4b:s26+s2], $0x50, $0x38;
	[tilespmem:$0xFA00] =	vst v63  }
0xb6: {  	_ =	swait.ge [sflag:s10], $0x50  }
0xb7: {  	[sflag:s10] =	ssyncset.done $0x0  }
0xb8: {  	s20 =	sadd.s32 s6, s23;
	[sflag:s10] =	ssyncadd.s32 $0xFFFFFFB0  }
0xb9: {  	[tilespmem:s11], [sflag:$0x3] =	stream.linear.gather [hbm4b:s20+s2], $0x50, $0x38;
	[tilespmem:$0xFA00] =	vst v63  }
0xba: {  	_ =	swait.ge [sflag:s10], $0x50  }
0xbb: {  	[sflag:s10] =	ssyncset.done $0x0  }
0xbc: {  	[sflag:s10] =	ssyncadd.s32 $0xFFFFFFB0  }
0xbd: {  	v3 =	vld [tilespmem:$0xA0]  }
0xbe: {  	v2 =	vld [tilespmem:$0x80]  }
0xbf: {  	s23 =	smov.u32 s21;
	s20 =	simm.s32 $0x14;
	v1 =	vld [tilespmem:$0x10]  }
.LBB2_4:
0xc0: {  	p0 =	sne.s32 s20, $0x4C4  }
0xc1: {  	v4 =	vld [tilespmem:$0x0];
	s23 =	sadd.s32 $0xA0, s23;
	s22 =	smov.u32 s20;
	s20 =	sadd.s32 $0x14, s20  }
0xc2: {  	v5 =	vld [tilespmem:$0x20]  }
0xc3: {  	v3 =	vshrl.u32 v3, $0x1;
	v6 =	vld [tilespmem:$0x30]  }
0xc4: {  	v2 =	vshrl.u32 v2, $0x1;
	v7 =	vld [tilespmem:$0x90];
	[tilespmem:$0xA0] =	vst v3  }
0xc5: {  	[tilespmem:$0x80] =	vst v2;
	v1 =	vshrl.u32 v1, $0x1;
	v2 =	vld [tilespmem:$0xB0]  }
0xc6: {  	v3 =	vshrl.u32 v4, $0x1;
	[tilespmem:$0x10] =	vst v1;
	v1 =	vld [tilespmem:$0x40]  }
0xc7: {  	v4 =	vshrl.u32 v5, $0x1;
	v5 =	vld [tilespmem:$0xC0]  }
0xc8: {  	[tilespmem:$0x20] =	vst v4  }
0xc9: {  	[tilespmem:$0x0] =	vst v3;
	v3 =	vshrl.u32 v7, $0x1  }
0xca: {  	[tilespmem:$0x90] =	vst v3;
	v2 =	vshrl.u32 v2, $0x1  }
0xcb: {  	v3 =	vshrl.u32 v6, $0x1;
	[tilespmem:$0xB0] =	vst v2;
	v1 =	vshrl.u32 v1, $0x1  }
0xcc: {  	[tilespmem:$0x40] =	vst v1;
	v1 =	vshrl.u32 v5, $0x1  }
0xcd: {  	[tilespmem:$0xC0] =	vst v1  }
0xce: {  	[tilespmem:$0x30] =	vst v3  }
0xcf: {  	[tilespmem:s13], [sflag:$0x1] =	stream.indirect.gather [hbm4b:s4+s12], $0x80, s2, s12, $0xb8;
	[tilespmem:$0xFA00] =	vst v63  }
0xd0: {  	_ =	swait.ge [sflag:s18], $0x2800  }
0xd1: {  	[sflag:s18] =	ssyncset.done $0x0  }
0xd2: {  	[sflag:s18] =	ssyncadd.s32 $0xFFFFD800  }
0xd3: {  	[spmem:s1] =	stream.indirect.scatter.add.f32 [tilespmem:s16], [sflag:$0x3], $0x80, s15, s12, $0xb8;
	[tilespmem:$0xFA00] =	vst v63  }
0xd4: {  	_ =	swait.ge [sflag:s10], $0x2800  }
0xd5: {  	[sflag:s10] =	ssyncset.done $0x0  }
0xd6: {  	s26 =	sadd.s32 s22, s25;
	[sflag:s10] =	ssyncadd.s32 $0xFFFFD800  }
0xd7: {  	[tilespmem:s14], [sflag:$0x3] =	stream.linear.gather [hbm4b:s26+s2], $0x50, $0x38;
	[tilespmem:$0xFA00] =	vst v63  }
0xd8: {  	_ =	swait.ge [sflag:s10], $0x50  }
0xd9: {  	[sflag:s10] =	ssyncset.done $0x0  }
0xda: {  	s22 =	sadd.s32 s22, s24;
	[sflag:s10] =	ssyncadd.s32 $0xFFFFFFB0  }
0xdb: {  	[tilespmem:s15], [sflag:$0x3] =	stream.linear.gather [hbm4b:s22+s2], $0x50, $0x38;
	[tilespmem:$0xFA00] =	vst v63  }
0xdc: {  	_ =	swait.ge [sflag:s10], $0x50  }
0xdd: {  	[sflag:s10] =	ssyncset.done $0x0  }
0xde: {  	[sflag:s10] =	ssyncadd.s32 $0xFFFFFFB0  }
0xdf: {  	v1 =	vld [tilespmem:$0x1C0]  }
0xe0: {  	v2 =	vld [tilespmem:$0x190]  }
0xe1: {  	v3 =	vld [tilespmem:$0x120]  }
0xe2: {  	v4 =	vld [tilespmem:$0x110]  }
0xe3: {  	v5 =	vld [tilespmem:$0x180]  }
0xe4: {  	v6 =	vld [tilespmem:$0x100];
	v1 =	vshrl.u32 v1, $0x1  }
0xe5: {  	v2 =	vshrl.u32 v2, $0x1;
	v7 =	vld [tilespmem:$0x1A0];
	[tilespmem:$0x1C0] =	vst v1  }
0xe6: {  	[tilespmem:$0x190] =	vst v2;
	v1 =	vld [tilespmem:$0x130]  }
0xe7: {  	v2 =	vld [tilespmem:$0x1B0]  }
0xe8: {  	v4 =	vshrl.u32 v4, $0x1;
	v5 =	vshrl.u32 v5, $0x1;
	v8 =	vld [tilespmem:$0x140]  }
0xe9: {  	v3 =	vshrl.u32 v3, $0x1;
	v6 =	vshrl.u32 v6, $0x1;
	[tilespmem:$0x180] =	vst v5  }
0xea: {  	[tilespmem:$0x100] =	vst v6;
	v5 =	vshrl.u32 v7, $0x1  }
0xeb: {  	[tilespmem:$0x1A0] =	vst v5;
	v1 =	vshrl.u32 v1, $0x1  }
0xec: {  	[tilespmem:$0x110] =	vst v4;
	v2 =	vshrl.u32 v2, $0x1  }
0xed: {  	[tilespmem:$0x1B0] =	vst v2;
	v2 =	vshrl.u32 v8, $0x1  }
0xee: {  	[tilespmem:$0x130] =	vst v1  }
0xef: {  	[tilespmem:$0x120] =	vst v3  }
0xf0: {  	[tilespmem:$0x140] =	vst v2  }
0xf1: {  	[tilespmem:s16], [sflag:$0x2] =	stream.indirect.gather [hbm4b:s4+s12], $0x80, s14, s12, $0xb8;
	[tilespmem:$0xFA00] =	vst v63  }
0xf2: {  	_ =	swait.ge [sflag:s17], $0x2800  }
0xf3: {  	[sflag:s17] =	ssyncset.done $0x0  }
0xf4: {  	[sflag:s17] =	ssyncadd.s32 $0xFFFFD800  }
0xf5: {  	[spmem:s1] =	stream.indirect.scatter.add.f32 [tilespmem:s13], [sflag:$0x3], $0x80, s11, s12, $0xb8;
	[tilespmem:$0xFA00] =	vst v63  }
0xf6: {  	_ =	swait.ge [sflag:s10], $0x2800  }
0xf7: {  	s22 =	sshrl.u32 s23, $0x3;
	[sflag:s10] =	ssyncset.done $0x0  }
0xf8: {  	s26 =	sadd.s32 s5, s22;
	[sflag:s10] =	ssyncadd.s32 $0xFFFFD800  }
0xf9: {  	[tilespmem:s2], [sflag:$0x3] =	stream.linear.gather [hbm4b:s26+s2], $0x50, $0x38;
	[tilespmem:$0xFA00] =	vst v63  }
0xfa: {  	_ =	swait.ge [sflag:s10], $0x50  }
0xfb: {  	[sflag:s10] =	ssyncset.done $0x0  }
0xfc: {  	s22 =	sadd.s32 s6, s22;
	[sflag:s10] =	ssyncadd.s32 $0xFFFFFFB0  }
0xfd: {  	[tilespmem:s11], [sflag:$0x3] =	stream.linear.gather [hbm4b:s22+s2], $0x50, $0x38;
	[tilespmem:$0xFA00] =	vst v63  }
0xfe: {  	_ =	swait.ge [sflag:s10], $0x50  }
.Ltmp1:
0xff: {  	[sflag:s10] =	ssyncset.done $0x0;
	(pc) =	sbr.rel @p0 .LBB2_4-.Ltmp1, $4  }
0x100: {  	[sflag:s10] =	ssyncadd.s32 $0xFFFFFFB0  }
0x101: {  	v3 =	vld [tilespmem:$0xA0]  }
0x102: {  	v2 =	vld [tilespmem:$0x80]  }
0x103: {  	v1 =	vld [tilespmem:$0x10]  }
0x104: {  	v4 =	vld [tilespmem:$0x20]  }
0x105: {  	v5 =	vld [tilespmem:$0x0]  }
0x106: {  	v6 =	vld [tilespmem:$0x90];
	v3 =	vshrl.u32 v3, $0x1  }
0x107: {  	v2 =	vshrl.u32 v2, $0x1;
	[tilespmem:$0xA0] =	vst v3;
	v3 =	vld [tilespmem:$0xB0]  }
0x108: {  	[tilespmem:$0x80] =	vst v2;
	v1 =	vshrl.u32 v1, $0x1;
	v2 =	vld [tilespmem:$0x40]  }
0x109: {  	v7 =	vld [tilespmem:$0x30];
	[tilespmem:$0x10] =	vst v1;
	v1 =	vshrl.u32 v4, $0x1  }
0x10a: {  	v63 =	vld [tilespmem:$0xC0];
	v5 =	vshrl.u32 v5, $0x1;
	[tilespmem:$0x20] =	vst v1  }
0x10b: {  	[tilespmem:$0x0] =	vst v5;
	v1 =	vshrl.u32 v6, $0x1  }
0x10c: {  	[tilespmem:$0x90] =	vst v1;
	v1 =	vshrl.u32 v3, $0x1  }
0x10d: {  	[tilespmem:$0xB0] =	vst v1;
	v1 =	vshrl.u32 v2, $0x1  }
0x10e: {  	v2 =	vshrl.u32 v7, $0x1;
	[tilespmem:$0x40] =	vst v1  }
0x10f: {  	v1 =	vshrl.u32 v63, $0x1;
	[tilespmem:$0x30] =	vst v2  }
0x110: {  	[tilespmem:$0xC0] =	vst v1  }
0x111: {  	[tilespmem:s13], [sflag:$0x1] =	stream.indirect.gather [hbm4b:s4+s12], $0x80, s2, s12, $0xb8;
	[tilespmem:$0xFA00] =	vst v63  }
0x112: {  	_ =	swait.ge [sflag:s18], $0x2800  }
0x113: {  	[sflag:s18] =	ssyncset.done $0x0  }
0x114: {  	[sflag:s18] =	ssyncadd.s32 $0xFFFFD800  }
0x115: {  	[spmem:s1] =	stream.indirect.scatter.add.f32 [tilespmem:s16], [sflag:$0x3], $0x80, s15, s12, $0xb8;
	[tilespmem:$0xFA00] =	vst v63  }
0x116: {  	_ =	swait.ge [sflag:s10], $0x2800  }
0x117: {  	[sflag:s10] =	ssyncset.done $0x0  }
0x118: {  	[sflag:s10] =	ssyncadd.s32 $0xFFFFD800  }
0x119: {  	_ =	swait.ge [sflag:s17], $0x2800  }
0x11a: {  	[sflag:s17] =	ssyncset.done $0x0  }
0x11b: {  	[sflag:s17] =	ssyncadd.s32 $0xFFFFD800  }
0x11c: {  	[spmem:s1] =	stream.indirect.scatter.add.f32 [tilespmem:s13], [sflag:$0x3], $0x80, s11, s12, $0xb8;
	[tilespmem:$0xFA00] =	vst v63  }
0x11d: {  	_ =	swait.ge [sflag:s10], $0x2800  }
0x11e: {  	[sflag:s10] =	ssyncset.done $0x0  }
0x11f: {  	s20 =	stileid.u32;
	[sflag:s10] =	ssyncadd.s32 $0xFFFFD800  }
0x120: {  	s20 =	sshll.u32 s20, $0x6;
	[bflag:$0x0] =	sbarrier.arrive $0xFFFF  }
0x121: {  	s22 =	sshrl.u32 s7, $0x3;
	s20 =	sor.u32 $0x1C03, s20;
	s23 =	rddreg [dreg:$0x5]  }
0x122: {  	[hbm:s23], [sflag:s20] =	dma.local [spmem:s22], $0x1400  }
0x123: {  	_ =	swait.ge [sflag:s10], $0x1400  }
0x124: {  	s19 =	sadd.s32 $0x1, s19;
	s26 =	rddreg [dreg:$0x6]  }
0x125: {  	p0 =	sne.s32 s19, s26  }
.Ltmp2:
0x126: {  	_ = 	snop;
	(pc) =	sbr.rel @p0 .LBB2_1-.Ltmp2, $3  }
0x127: {  	_ =	sdelay $0x1  }
0x128: {  	[sflag:s10] =	ssyncset.done $0x0  }
0x129: {  	[sflag:s10] =	ssyncadd.s32 $0xFFFFEC00  }
0x12a: {  	_ =	sfence.sel $0x180000  }
0x12b: {  	[bflag:$0x0] =	sbarrier.arrive $0xFFFF  }
0x12c: {  	_ =	strace $0x90000050  }
0x12d: {  	s0 =	stileid.u32;
	[bflag:$0x2] =	sbarrier.arrive $0xFFFF  }
0x12e: {  	p0 =	sne.s32 s0, $0x0;
	s0 =	rddreg [dreg:$0x2]  }
0x12f: {  	s0 =	sadd.s32 @!p0 $0x100000, s0  }
0x130: {  	[sflag:s0] =	ssyncadd.tile.s32 @!p0 $0x1;
	_ =	shalt  }
.Lfunc_end2:
_tile_overlayer_lowered:
.L_overlay_start_2:
0x131: {  	(tag) =	ssettag $0x2  }
0x132: {  	s0 =	rddreg [dreg:$0x0];
	s2 =	stileid.u32  }
0x133: {  	s1 =	rddreg [dreg:$0x1];
	p0 =	sne.s32 s2, $0x0  }
0x134: {  	s3 =	rddreg [dreg:$0x2];
	[bflag:$0x3] =	sbarrier.arrive $0xFFFF;
	s2 =	simm.s32 @!p0 $0x1C03  }
0x135: {  	[timem:s3], [sflag:s2] =	dma.local @!p0 [hbm:s0], s1  }
0x136: {  	s0 =	simm.s32 @!p0 $0x3  }
0x137: {  	_ =	swait.ge @!p0 [sflag:s0], s1  }
0x138: {  	s1 =	ssub.s32 @!p0 $0x0, s1;
	[sflag:s0] =	ssyncset.done @!p0 $0x0  }
0x139: {  	[sflag:s0] =	ssyncadd.s32 @!p0 s1  }
0x13a: {  	[bflag:$0x3] =	sbarrier.arrive $0xFFFF  }
0x13b: {  	_ =	shalt  }

// kernel: kernel.30.cloned.1.call-start
scs
__scs_entry_jumppad:
0x0: {  	(pc) =	sbr.rel $0x88, $3  }
0x1: {  	(tag) =	ssettag $0x0;
	lr =	simm.s32 $0x1  }
0x2: {  	[smem:$0x3F93] =	sst lr;
	_ =	strace $0xD0000000  }
0x3: {  	_ = 	snop  }
0x4: {  	_ = 	snop  }
0x5: {  	_ = 	snop  }
0x6: {  	_ = 	snop  }
0x7: {  	_ = 	snop  }
__scs_overlays_trampoline_lowered:
0x8: {  	[smem:$0x3FA2] =	sst s0  }
0x9: {  	[smem:$0x3FA3] =	sst s1  }
0xa: {  	[smem:$0x3FA4] =	sst s2  }
0xb: {  	[smem:$0x3FA5] =	sst s3  }
0xc: {  	[smem:$0x3FA6] =	sst s4  }
0xd: {  	[smem:$0x3FA7] =	sst s5  }
0xe: {  	[smem:$0x3FA8] =	sst s6  }
0xf: {  	[smem:$0x3FA9] =	sst s7  }
0x10: {  	[smem:$0x3FAA] =	sst s8  }
0x11: {  	[smem:$0x3FAB] =	sst s9;
	s0 =	simm.s32 @!p0 $0x0  }
0x12: {  	s1 =	sld [smem:$0x3F91];
	s0 =	simm.s32 @p0 $0x1  }
0x13: {  	[smem:$0x3FAC] =	sst s0;
	s0 =	simm.s32 @!p1 $0x0  }
0x14: {  	s2 =	sld [smem:$0x3F90];
	s0 =	simm.s32 @p1 $0x1  }
0x15: {  	[smem:$0x3FAD] =	sst s0;
	s0 =	simm.s32 @!p2 $0x0  }
0x16: {  	s3 =	sld [smem:$0x3FDB];
	s0 =	simm.s32 @p2 $0x1  }
0x17: {  	s4 =	simm.s32 $0x1BF5;
	[smem:$0x3FAF] =	sst s0  }
0x18: {  	s0 =	sld [smem:$0x3F92];
	_ =	swait.ge [sflag:s4], $0x0  }
0x19: {  	s7 =	sld [smem:$0x3F93]  }
0x1a: {  	s8 =	sadd.s32 $0xFFFFE003, lr  }
0x1b: {  	s9 =	sadd.s32 $0xFFFFFEF7, lr;
	s5 =	simm.s32 $0xFFFFFFFF;
	p2 =	slt.u32 s8, $0xFFFFF086  }
0x1c: {  	p1 =	slt.u32 s9, $0xF7A;
	s5 =	simm.s32 @!p2 $0x0  }
0x1d: {  	s5 =	simm.s32 @p1 $0x1;
	p0 =	seq.s32 s7, s2  }
0x1e: {  	s7 =	smul.u32 @!p0 $0xF7A, s2;
	p2 =	seq.s32 @!p0 s5, $0x0  }
0x1f: {  	s9 =	smul.u32 $0xF7A, s1;
	s8 =	simm.s32 @!p0 $0x1BF5;
	p2 =	por !p2, p0  }
0x20: {  	[sflag:s8] =	ssyncset.s32 @!p0 $0xFFFFF086;
	s6 =	sadd.s32 @!p0 s3, s7;
	s7 =	simm.s32 @!p0 $0x108  }
0x21: {  	s3 =	sadd.s32 s3, s9;
	s6 =	sadd.s32 @!p0 $0x88, s6;
	s7 =	simm.s32 @p2 $0x1082  }
0x22: {  	[simem:s7], [sflag:s8] =	dma.local @!p0 [hbm:s6], $0xF7A  }
0x23: {  	s9 =	sor.u32 $0xD0000000, s2;
	s6 =	simm.s32 $0x108;
	_ =	swait.ge @!p0 [sflag:s8], $0x0  }
0x24: {  	s3 =	sadd.s32 $0x88, s3;
	s6 =	simm.s32 @!p1 $0x1082;
	[sflag:s4] =	ssyncset.s32 $0xFFFFF086  }
0x25: {  	[simem:s6], [sflag:s4] =	dma.local [hbm:s3], $0xF7A  }
0x26: {  	[smem:$0x3F93] =	sst s1;
	(tag) =	ssettag s2;
	_ =	strace s9  }
0x27: {  	s1 =	sld [smem:$0x3FA3]  }
0x28: {  	s2 =	sld [smem:$0x3FA4]  }
0x29: {  	s4 =	sld [smem:$0x3FA6]  }
0x2a: {  	p0 =	seq.s32 s5, $0x0;
	s5 =	sld [smem:$0x3FA7]  }
0x2b: {  	s6 =	sld [smem:$0x3FA8]  }
0x2c: {  	s7 =	sld [smem:$0x3FA9]  }
0x2d: {  	s3 =	simm.s32 $0x108;
	s8 =	sld [smem:$0x3FAA]  }
0x2e: {  	s3 =	simm.s32 @!p0 $0x1082;
	s9 =	sld [smem:$0x3FAB]  }
0x2f: {  	lr =	sadd.s32 s0, s3;
	s0 =	sld [smem:$0x3FA2]  }
0x30: {  	s3 =	sld [smem:$0x3FA5]  }
0x31: {  	[smem:$0x3FAE] =	sst s10  }
0x32: {  	s10 =	sld [smem:$0x3FAC];
	_ =	sdelay $0x3  }
0x33: {  	p0 =	seq.s32 s10, $0x1;
	s10 =	sld [smem:$0x3FAE];
	_ =	sdelay $0x3  }
0x34: {  	[smem:$0x3FAE] =	sst s10  }
0x35: {  	s10 =	sld [smem:$0x3FAD];
	_ =	sdelay $0x3  }
0x36: {  	p1 =	seq.s32 s10, $0x1;
	s10 =	sld [smem:$0x3FAE];
	_ =	sdelay $0x3  }
0x37: {  	[smem:$0x3FAE] =	sst s10  }
0x38: {  	s10 =	sld [smem:$0x3FAF]  }
0x39: {  	_ = 	snop;
	(pc) =	sbr.ind lr, $3  }
0x3a: {  	_ = 	snop  }
0x3b: {  	_ = 	snop  }
0x3c: {  	p2 =	seq.s32 s10, $0x1;
	s10 =	sld [smem:$0x3FAE]  }
0x3d: {  	_ =	shalt  }
0x3e: {  	_ =	shalt  }
0x3f: {  	_ =	shalt  }
0x40: {  	_ =	shalt  }
0x41: {  	_ =	shalt  }
0x42: {  	_ =	shalt  }
0x43: {  	_ =	shalt  }
0x44: {  	_ =	shalt  }
0x45: {  	_ =	shalt  }
0x46: {  	_ =	shalt  }
0x47: {  	_ =	shalt  }
0x48: {  	_ =	shalt  }
0x49: {  	_ =	shalt  }
0x4a: {  	_ =	shalt  }
0x4b: {  	_ =	shalt  }
0x4c: {  	_ =	shalt  }
0x4d: {  	_ =	shalt  }
0x4e: {  	_ =	shalt  }
0x4f: {  	_ =	shalt  }
0x50: {  	_ =	shalt  }
0x51: {  	_ =	shalt  }
0x52: {  	_ =	shalt  }
0x53: {  	_ =	shalt  }
0x54: {  	_ =	shalt  }
0x55: {  	_ =	shalt  }
0x56: {  	_ =	shalt  }
0x57: {  	_ =	shalt  }
0x58: {  	_ =	shalt  }
0x59: {  	_ =	shalt  }
0x5a: {  	_ =	shalt  }
0x5b: {  	_ =	shalt  }
0x5c: {  	_ =	shalt  }
0x5d: {  	_ =	shalt  }
0x5e: {  	_ =	shalt  }
0x5f: {  	_ =	shalt  }
0x60: {  	_ =	shalt  }
0x61: {  	_ =	shalt  }
0x62: {  	_ =	shalt  }
0x63: {  	_ =	shalt  }
0x64: {  	_ =	shalt  }
0x65: {  	_ =	shalt  }
0x66: {  	_ =	shalt  }
0x67: {  	_ =	shalt  }
0x68: {  	_ =	shalt  }
0x69: {  	_ =	shalt  }
0x6a: {  	_ =	shalt  }
0x6b: {  	_ =	shalt  }
0x6c: {  	_ =	shalt  }
0x6d: {  	_ =	shalt  }
0x6e: {  	_ =	shalt  }
0x6f: {  	_ =	shalt  }
0x70: {  	_ =	shalt  }
0x71: {  	_ =	shalt  }
0x72: {  	_ =	shalt  }
0x73: {  	_ =	shalt  }
0x74: {  	_ =	shalt  }
0x75: {  	_ =	shalt  }
0x76: {  	_ =	shalt  }
0x77: {  	_ =	shalt  }
0x78: {  	_ =	shalt  }
0x79: {  	_ =	shalt  }
0x7a: {  	_ =	shalt  }
0x7b: {  	_ =	shalt  }
0x7c: {  	_ =	shalt  }
0x7d: {  	_ =	shalt  }
0x7e: {  	_ =	shalt  }
0x7f: {  	_ =	shalt  }
0x80: {  	_ =	shalt  }
0x81: {  	_ =	shalt  }
0x82: {  	_ =	shalt  }
0x83: {  	_ =	shalt  }
0x84: {  	_ =	shalt  }
0x85: {  	_ =	shalt  }
0x86: {  	_ =	shalt  }
0x87: {  	_ =	shalt  }
.Lfunc_end0:
.L_simem_size_0:
called_computation.4_lowered:
.L_overlay_start_0:
0x88: {  	s2 =	sld [smem:$0x3FD9]  }
0x89: {  	s3 =	sld [smem:$0x3FFE];
	_ =	sdelay $0x1  }
0x8a: {  	s1 =	srdreg.scid  }
0x8b: {  	s0 =	sand.u32 $0x1, s1  }
0x8c: {  	s16 =	sshll.u32 s0, $0xA;
	s2 =	sadd.s32 s3, s2  }
0x8d: {  	s2 =	sadd.s32 s2, s16  }
0x8e: {  	[smem:$0x3FBA] =	sst s2  }
0x8f: {  	_ = 	snop  }
0x90: {  	(tm) =	ssettm $0x1  }
0x91: {  	s17 =	sld [smem:$0x3FFB];
	_ =	sdelay $0x3  }
0x92: {  	_ =	strace s17  }
0x93: {  	s2 =	sld [smem:$0x3FFC];
	_ =	sdelay $0x3  }
0x94: {  	_ =	strace s2  }
0x95: {  	s2 =	sld [smem:$0x3FFD];
	_ =	sdelay $0x3  }
0x96: {  	_ =	strace s2  }
0x97: {  	_ =	strace $0x8FFFFFFF  }
0x98: {  	s18 =	sld [smem:$0x3FDB];
	_ =	sdelay $0x1  }
0x99: {  	s19 =	simm.s32 $_scs_section_size  }
0x9a: {  	s4 =	simm.s32 $_size__tile_overlayer_lowered;
	s5 =	simm.s32 $_tile_overlayer_lowered  }
0x9b: {  	s22 =	simm.s32 $0x1BFF;
	s21 =	sshll.u32 s5, $0x1;
	s2 =	sadd.s32 s19, s18  }
0x9c: {  	s6 =	simm.s32 $0x0;
	s20 =	sshll.u32 s4, $0x1;
	s4 =	sadd.s32 s21, s2  }
0x9d: {  	[timem:s6], [sflag:s22] =	dma.local [hbm:s4], s20  }
0x9e: {  	_ =	swait.ge [sflag:s22], s20  }
0x9f: {  	s3 =	ssub.s32 $0x0, s20;
	[sflag:s22] =	ssyncset.done $0x0  }
0xa0: {  	[sflag:s22] =	ssyncadd.s32 s3;
	_ =	sdelay $0x1  }
0xa1: {  	s23 =	simm.s32 $0x1B8B  }
0xa2: {  	_ =	swait.ge [sflag:s23], $0x1  }
0xa3: {  	[sflag:s23] =	ssyncset.done $0x0  }
0xa4: {  	s25 =	simm.s32 $0x1B8E;
	s24 =	sld [smem:$0x3FFE];
	[sflag:s23] =	ssyncadd.s32 $0xFFFFFFFF  }
0xa5: {  	s26 =	simm.s32 $execute0_lowered;
	[smem:$0x3FD2] =	sst s25  }
0xa6: {  	s4 =	sshll.u32 s26, $0x1;
	_ =	strace $0x80000052;
	[dreg:$0x1] =	wrdreg $0xFFFFFFFF  }
0xa7: {  	s28 =	simm.s32 $_size_execute0_lowered;
	s2 =	sadd.s32 s2, s4;
	[dreg:$0x0] =	wrdreg $0x0  }
0xa8: {  	s4 =	sshll.u32 s28, $0x1;
	[dreg:$0x2] =	wrdreg s2  }
0xa9: {  	[dreg:$0x3] =	wrdreg s4  }
0xaa: {  	[dreg:$0x4] =	wrdreg $0xC0  }
0xab: {  	_ =	task [dreg:s6], $0x5FFFF  }
0xac: {  	[dreg:$0x1] =	wrdreg $0xFFFFFFFF  }
0xad: {  	[dreg:$0x0] =	wrdreg $0x60  }
0xae: {  	[dreg:$0x2] =	wrdreg s24  }
0xaf: {  	[dreg:$0x3] =	wrdreg $0x2B000  }
0xb0: {  	[dreg:$0x4] =	wrdreg $0x9  }
0xb1: {  	_ =	task.clear_ibuf [dreg:s6], $0x5FFFF;
	_ =	strace $0x90000052  }
0xb2: {  	s29 =	simm.s32 $0x9;
	_ =	strace $0x80000054  }
0xb3: {  	_ =	swait.ge [sflag:s29], $0x1  }
0xb4: {  	[sflag:s29] =	ssyncadd.s32 $0xFFFFFFFF  }
0xb5: {  	_ =	strace $0x90000054  }
0xb6: {  	_ =	sfence  }
0xb7: {  	s30 =	sld [smem:$0x0];
	_ =	sdelay $0x2  }
0xb8: {  	s31 =	sshll.u32 s1, $0xD;
	s1 =	sshrl.u32 s1, $0x2  }
0xb9: {  	s3 =	sand.u32 $0x4000, s31;
	s1 =	sadd.s32 s1, s30  }
0xba: {  	s0 =	sor.u32 s3, s0;
	s1 =	sshll.u32 s1, $0x11  }
0xbb: {  	s0 =	sor.u32 s1, s0  }
0xbc: {  	s0 =	sadd.s32 $0x8F2B, s0  }
0xbd: {  	[sflag:s0] =	ssyncadd.remote.s32 $0x1  }
0xbe: {  	_ =	sfence.sel $0xFFFF  }
0xbf: {  	[dreg:$0x0] =	wrdreg $0xFFFFFFFF;
	(pc) =	sbr.abs _section_cstart, $3  }
0xc0: {  	[dreg:$0x1] =	wrdreg $0xFFFFFFFF  }
0xc1: {  	_ =	task.clear_ibuf [dreg:s6], $0x2FFFF;
	_ =	strace $0x9FFFFFFF  }
0xc2: {  	(tm) =	ssettm $0x7FFFFFFF  }
0xc3: {  	_ =	shalt  }
tec
execute0_lowered:
.L_overlay_start_1:
0x0: {  	(tag) =	ssettag $0x1  }
0x1: {  	s6 =	rddreg [dreg:$0x0];
	s0 =	srdreg.scid  }
0x2: {  	s2 =	rddreg [dreg:$0x1];
	s1 =	stileid.u32  }
0x3: {  	s3 =	simm.s32 $0x0;
	s12 =	simm.s32 $0x1;
	s13 =	simm.s32 $0x1580  }
0x4: {  	s14 =	simm.s32 $0x2980;
	s15 =	simm.s32 $0x80;
	s9 =	smul.u32 $0x2710, s1  }
0x5: {  	s16 =	simm.s32 $0x50;
	s7 =	sand.u32 $0x1, s0;
	s10 =	smul.u32 $0x140, s1  }
0x6: {  	s17 =	simm.s32 $0x100;
	s0 =	rddreg [dreg:$0x2];
	s8 =	smul.u32 $0x27100, s7  }
0x7: {  	s18 =	simm.s32 $0x0;
	[smem:$0x7FF] =	sst s3;
	s11 =	smul.u32 $0x1400, s7  }
0x8: {  	s4 =	sadd.s32 $0x68E00, s6;
	s5 =	sadd.s32 $0x69200, s6;
	_ =	strace $0x80000053  }
0x9: {  	s7 =	ssub.s32 $0x2, s7;
	s8 =	sadd.s32 s9, s8;
	s28 =	sadd.s32 s10, s11  }
0xa: {  	s31 =	sshrl.u32 s7, $0x1;
	s8 =	sshrl.u32 s8, $0x3;
	s30 =	sshrl.u32 s28, $0x3  }
0xb: {  	s9 =	ssub.s32 s7, s31;
	s29 =	sadd.s32 s8, s6;
	s8 =	sadd.s32 s30, s6  }
0xc: {  	s11 =	simm.s32 $0x180;
	s6 =	sadd.s32 s10, s2;
	s7 =	sadd.s32 $0x69600, s8  }
0xd: {  	v0 =	vimm.f32 $0.0e+00;
	s8 =	smax.u32 s9, $0x1;
	s9 =	sadd.s32 $0xF000, s29;
	s10 =	sadd.s32 $0x5200, s29  }
.LBB2_1:
0xe: {  	[tilespmem:s11], [sflag:$0x1] =	stream.linear.gather [hbm4b:s4+s3], $0x1400, $0x38;
	[tilespmem:$0x2C40] =	vst v63  }
0xf: {  	_ =	swait.ge [sflag:s12], $0x1400  }
0x10: {  	[sflag:s12] =	ssyncset.done $0x0  }
0x11: {  	[sflag:s12] =	ssyncadd.s32 $0xFFFFEC00  }
0x12: {  	[tilespmem:s13], [sflag:$0x1] =	stream.linear.gather [hbm4b:s5+s3], $0x1400, $0x38;
	[tilespmem:$0x2C40] =	vst v63  }
0x13: {  	_ =	swait.ge [sflag:s12], $0x1400  }
0x14: {  	[sflag:s12] =	ssyncset.done $0x0  }
0x15: {  	[sflag:s12] =	ssyncadd.s32 $0xFFFFEC00  }
0x16: {  	[tilespmem:$0x2980] =	vst v0  }
0x17: {  	[tilespmem:$0x2990] =	vst v0  }
0x18: {  	[tilespmem:$0x29A0] =	vst v0  }
0x19: {  	[tilespmem:$0x29B0] =	vst v0  }
0x1a: {  	[tilespmem:$0x29C0] =	vst v0  }
0x1b: {  	[tilespmem:$0x29D0] =	vst v0  }
0x1c: {  	[tilespmem:$0x29E0] =	vst v0  }
0x1d: {  	[tilespmem:$0x29F0] =	vst v0  }
0x1e: {  	[tilespmem:$0x2A00] =	vst v0  }
0x1f: {  	[tilespmem:$0x2A10] =	vst v0  }
0x20: {  	[tilespmem:$0x2A20] =	vst v0  }
0x21: {  	[tilespmem:$0x2A30] =	vst v0  }
0x22: {  	[tilespmem:$0x2A40] =	vst v0  }
0x23: {  	[tilespmem:$0x2A50] =	vst v0  }
0x24: {  	[tilespmem:$0x2A60] =	vst v0  }
0x25: {  	[tilespmem:$0x2A70] =	vst v0  }
0x26: {  	[tilespmem:$0x2A80] =	vst v0  }
0x27: {  	[tilespmem:$0x2A90] =	vst v0  }
0x28: {  	[tilespmem:$0x2AA0] =	vst v0  }
0x29: {  	[tilespmem:$0x2AB0] =	vst v0  }
0x2a: {  	[spmem:s6] =	stream.linear.scatter [tilespmem:s14], [sflag:$0x1], $0x140, $0x38;
	[tilespmem:$0x2C40] =	vst v63  }
0x2b: {  	_ =	swait.ge [sflag:s12], $0x140  }
0x2c: {  	[sflag:s12] =	ssyncset.done $0x0  }
0x2d: {  	[sflag:s12] =	ssyncadd.s32 $0xFFFFFEC0  }
0x2e: {  	s19 =	sadd.s32 $0x0, s10;
	[bflag:$0x0] =	sbarrier.arrive $0xFFFF  }
0x2f: {  	[tilespmem:s3], [sflag:$0x1] =	stream.linear.gather [hbm4b:s19+s3], $0x50, $0x38;
	[tilespmem:$0x2C40] =	vst v63  }
0x30: {  	_ =	swait.ge [sflag:s12], $0x50  }
0x31: {  	[sflag:s12] =	ssyncset.done $0x0  }
0x32: {  	s31 =	sadd.s32 $0x0, s9;
	[sflag:s12] =	ssyncadd.s32 $0xFFFFFFB0  }
0x33: {  	[tilespmem:s15], [sflag:$0x1] =	stream.linear.gather [hbm4b:s31+s3], $0x50, $0x38;
	[tilespmem:$0x2C40] =	vst v63  }
0x34: {  	_ =	swait.ge [sflag:s12], $0x50  }
0x35: {  	[sflag:s12] =	ssyncset.done $0x0  }
0x36: {  	[sflag:s12] =	ssyncadd.s32 $0xFFFFFFB0  }
0x37: {  	v1 =	vld [tilespmem:$0x0]  }
0x38: {  	v2 =	vld [tilespmem:$0x80];
	_ =	sdelay $0x3  }
0x39: {  	v1 =	vshrl.u32 v1, $0x1  }
0x3a: {  	v2 =	vshrl.u32 v2, $0x1;
	_ =	sdelay $0x2  }
0x3b: {  	[tilespmem:$0x80] =	vst v2  }
0x3c: {  	v1 =	vld.idx.msk [tilespmem:v1+s11+$0x0], $0xffff  }
0x3d: {  	v2 =	vld.idx.msk [tilespmem:v2+s13+$0x0], $0xffff;
	_ =	sdelay $0x4  }
0x3e: {  	v1 =	vadd.f32 v2, v1;
	_ =	sdelay $0x1  }
0x3f: {  	v1 =	vsub.f32 $0.0e+00, v1;
	_ =	sdelay $0x1  }
0x40: {  	v1 =	vmul.f32 $1.442695020e+00, v1;
	_ =	sdelay $0x1  }
0x41: {  	(erf) = vpow2.f32 v1;
	_ =	sdelay $0x8  }
0x42: {  	v1 =	vpop (erf)  }
0x43: {  	v1 =	vadd.f32 $1.000000000e+00, v1;
	_ =	sdelay $0x1  }
0x44: {  	(erf) = vrcp.f32 v1  }
0x45: {  	v1 =	vld [tilespmem:$0x10]  }
0x46: {  	v2 =	vld [tilespmem:$0x90];
	_ =	sdelay $0x3  }
0x47: {  	v1 =	vshrl.u32 v1, $0x1  }
0x48: {  	v2 =	vshrl.u32 v2, $0x1;
	_ =	sdelay $0x1  }
0x49: {  	[tilespmem:$0x90] =	vst v2;
	v3 =	vpop (erf)  }
0x4a: {  	[tilespmem:$0x100] =	vst v3  }
0x4b: {  	v1 =	vld.idx.msk [tilespmem:v1+s11+$0x0], $0xffff  }
0x4c: {  	v2 =	vld.idx.msk [tilespmem:v2+s13+$0x0], $0xffff;
	_ =	sdelay $0x4  }
0x4d: {  	v1 =	vadd.f32 v2, v1;
	_ =	sdelay $0x1  }
0x4e: {  	v1 =	vsub.f32 $0.0e+00, v1;
	_ =	sdelay $0x1  }
0x4f: {  	v1 =	vmul.f32 $1.442695020e+00, v1;
	_ =	sdelay $0x1  }
0x50: {  	(erf) = vpow2.f32 v1;
	_ =	sdelay $0x8  }
0x51: {  	v1 =	vpop (erf)  }
0x52: {  	v1 =	vadd.f32 $1.000000000e+00, v1;
	_ =	sdelay $0x1  }
0x53: {  	(erf) = vrcp.f32 v1  }
0x54: {  	v1 =	vld [tilespmem:$0x20]  }
0x55: {  	v2 =	vld [tilespmem:$0xA0];
	_ =	sdelay $0x3  }
0x56: {  	v1 =	vshrl.u32 v1, $0x1  }
0x57: {  	v2 =	vshrl.u32 v2, $0x1;
	_ =	sdelay $0x1  }
0x58: {  	[tilespmem:$0xA0] =	vst v2;
	v3 =	vpop (erf)  }
0x59: {  	[tilespmem:$0x110] =	vst v3  }
0x5a: {  	v1 =	vld.idx.msk [tilespmem:v1+s11+$0x0], $0xffff  }
0x5b: {  	v2 =	vld.idx.msk [tilespmem:v2+s13+$0x0], $0xffff;
	_ =	sdelay $0x4  }
0x5c: {  	v1 =	vadd.f32 v2, v1;
	_ =	sdelay $0x1  }
0x5d: {  	v1 =	vsub.f32 $0.0e+00, v1;
	_ =	sdelay $0x1  }
0x5e: {  	v1 =	vmul.f32 $1.442695020e+00, v1;
	_ =	sdelay $0x1  }
0x5f: {  	(erf) = vpow2.f32 v1;
	_ =	sdelay $0x8  }
0x60: {  	v1 =	vpop (erf)  }
0x61: {  	v1 =	vadd.f32 $1.000000000e+00, v1;
	_ =	sdelay $0x1  }
0x62: {  	(erf) = vrcp.f32 v1  }
0x63: {  	v1 =	vld [tilespmem:$0x30]  }
0x64: {  	v2 =	vld [tilespmem:$0xB0];
	_ =	sdelay $0x3  }
0x65: {  	v1 =	vshrl.u32 v1, $0x1  }
0x66: {  	v2 =	vshrl.u32 v2, $0x1;
	_ =	sdelay $0x1  }
0x67: {  	[tilespmem:$0xB0] =	vst v2;
	v3 =	vpop (erf)  }
0x68: {  	[tilespmem:$0x120] =	vst v3  }
0x69: {  	v1 =	vld.idx.msk [tilespmem:v1+s11+$0x0], $0xffff  }
0x6a: {  	v2 =	vld.idx.msk [tilespmem:v2+s13+$0x0], $0xffff;
	_ =	sdelay $0x4  }
0x6b: {  	v1 =	vadd.f32 v2, v1;
	_ =	sdelay $0x1  }
0x6c: {  	v1 =	vsub.f32 $0.0e+00, v1;
	_ =	sdelay $0x1  }
0x6d: {  	v1 =	vmul.f32 $1.442695020e+00, v1;
	_ =	sdelay $0x1  }
0x6e: {  	(erf) = vpow2.f32 v1;
	_ =	sdelay $0x8  }
0x6f: {  	v1 =	vpop (erf)  }
0x70: {  	v1 =	vadd.f32 $1.000000000e+00, v1;
	_ =	sdelay $0x1  }
0x71: {  	(erf) = vrcp.f32 v1  }
0x72: {  	v1 =	vld [tilespmem:$0x40]  }
0x73: {  	v2 =	vld [tilespmem:$0xC0];
	_ =	sdelay $0x3  }
0x74: {  	v1 =	vshrl.u32 v1, $0x1  }
0x75: {  	v2 =	vshrl.u32 v2, $0x1;
	_ =	sdelay $0x1  }
0x76: {  	[tilespmem:$0xC0] =	vst v2;
	v3 =	vpop (erf)  }
0x77: {  	[tilespmem:$0x130] =	vst v3  }
0x78: {  	v1 =	vld.idx.msk [tilespmem:v1+s11+$0x0], $0xffff  }
0x79: {  	v2 =	vld.idx.msk [tilespmem:v2+s13+$0x0], $0xffff;
	_ =	sdelay $0x4  }
0x7a: {  	v1 =	vadd.f32 v2, v1;
	_ =	sdelay $0x1  }
0x7b: {  	v1 =	vsub.f32 $0.0e+00, v1;
	_ =	sdelay $0x1  }
0x7c: {  	v1 =	vmul.f32 $1.442695020e+00, v1;
	_ =	sdelay $0x1  }
0x7d: {  	(erf) = vpow2.f32 v1;
	_ =	sdelay $0x8  }
0x7e: {  	v1 =	vpop (erf)  }
0x7f: {  	v1 =	vadd.f32 $1.000000000e+00, v1;
	_ =	sdelay $0x1  }
0x80: {  	s19 =	simm.s32 $0xA;
	(erf) = vrcp.f32 v1  }
.LBB2_2:
0x81: {  	_ =	sdelay $0x7  }
0x82: {  	p0 =	sne.s32 s19, $0x4D8;
	s20 =	smov.u32 s19;
	s19 =	sadd.s32 $0xA, s19;
	v1 =	vpop (erf)  }
0x83: {  	[tilespmem:$0x140] =	vst v1  }
0x84: {  	[spmem:s2] =	stream.indirect.scatter.add.f32 [tilespmem:s17], [sflag:$0x1], $0x1, s15, s16, $0xb8;
	[tilespmem:$0x2C40] =	vst v63  }
0x85: {  	_ =	swait.ge [sflag:s12], $0x50  }
0x86: {  	[sflag:s12] =	ssyncset.done $0x0  }
0x87: {  	s21 =	sadd.s32 s20, s10;
	[sflag:s12] =	ssyncadd.s32 $0xFFFFFFB0  }
0x88: {  	[tilespmem:s3], [sflag:$0x1] =	stream.linear.gather [hbm4b:s21+s3], $0x50, $0x38;
	[tilespmem:$0x2C40] =	vst v63  }
0x89: {  	_ =	swait.ge [sflag:s12], $0x50  }
0x8a: {  	[sflag:s12] =	ssyncset.done $0x0  }
0x8b: {  	s20 =	sadd.s32 s20, s9;
	[sflag:s12] =	ssyncadd.s32 $0xFFFFFFB0  }
0x8c: {  	[tilespmem:s15], [sflag:$0x1] =	stream.linear.gather [hbm4b:s20+s3], $0x50, $0x38;
	[tilespmem:$0x2C40] =	vst v63  }
0x8d: {  	_ =	swait.ge [sflag:s12], $0x50  }
0x8e: {  	[sflag:s12] =	ssyncset.done $0x0  }
0x8f: {  	[sflag:s12] =	ssyncadd.s32 $0xFFFFFFB0  }
0x90: {  	v1 =	vld [tilespmem:$0x0]  }
0x91: {  	v3 =	vld [tilespmem:$0x80]  }
0x92: {  	v4 =	vld [tilespmem:$0x10]  }
0x93: {  	v5 =	vld [tilespmem:$0x20]  }
0x94: {  	v2 =	vld [tilespmem:$0x30]  }
0x95: {  	v6 =	vshrl.u32 v1, $0x1;
	v1 =	vld [tilespmem:$0x40]  }
0x96: {  	v3 =	vshrl.u32 v3, $0x1;
	_ =	sdelay $0x2  }
0x97: {  	[tilespmem:$0x80] =	vst v3  }
0x98: {  	v6 =	vld.idx.msk [tilespmem:v6+s11+$0x0], $0xffff  }
0x99: {  	v3 =	vld.idx.msk [tilespmem:v3+s13+$0x0], $0xffff;
	_ =	sdelay $0x5  }
0x9a: {  	v3 =	vadd.f32 v3, v6;
	_ =	sdelay $0x1  }
0x9b: {  	v3 =	vsub.f32 $0.0e+00, v3;
	_ =	sdelay $0x1  }
0x9c: {  	v3 =	vmul.f32 $1.442695020e+00, v3;
	_ =	sdelay $0x1  }
0x9d: {  	(erf) = vpow2.f32 v3;
	_ =	sdelay $0x8  }
0x9e: {  	v3 =	vpop (erf)  }
0x9f: {  	v3 =	vadd.f32 $1.000000000e+00, v3;
	_ =	sdelay $0x1  }
0xa0: {  	(erf) = vrcp.f32 v3;
	_ =	sdelay $0x1  }
0xa1: {  	v3 =	vld [tilespmem:$0x90];
	_ =	sdelay $0x3  }
0xa2: {  	v4 =	vshrl.u32 v4, $0x1  }
0xa3: {  	v3 =	vshrl.u32 v3, $0x1;
	_ =	sdelay $0x1  }
0xa4: {  	[tilespmem:$0x90] =	vst v3;
	v6 =	vpop (erf)  }
0xa5: {  	[tilespmem:$0x100] =	vst v6  }
0xa6: {  	v4 =	vld.idx.msk [tilespmem:v4+s11+$0x0], $0xffff  }
0xa7: {  	v3 =	vld.idx.msk [tilespmem:v3+s13+$0x0], $0xffff;
	_ =	sdelay $0x5  }
0xa8: {  	v3 =	vadd.f32 v3, v4;
	_ =	sdelay $0x1  }
0xa9: {  	v3 =	vsub.f32 $0.0e+00, v3;
	_ =	sdelay $0x1  }
0xaa: {  	v3 =	vmul.f32 $1.442695020e+00, v3;
	_ =	sdelay $0x1  }
0xab: {  	(erf) = vpow2.f32 v3;
	_ =	sdelay $0x8  }
0xac: {  	v3 =	vpop (erf)  }
0xad: {  	v3 =	vadd.f32 $1.000000000e+00, v3;
	_ =	sdelay $0x1  }
0xae: {  	(erf) = vrcp.f32 v3;
	_ =	sdelay $0x1  }
0xaf: {  	v3 =	vld [tilespmem:$0xA0];
	_ =	sdelay $0x3  }
0xb0: {  	v4 =	vshrl.u32 v5, $0x1  }
0xb1: {  	v3 =	vshrl.u32 v3, $0x1;
	v5 =	vld [tilespmem:$0xB0];
	_ =	sdelay $0x1  }
0xb2: {  	[tilespmem:$0xA0] =	vst v3;
	v6 =	vpop (erf)  }
0xb3: {  	[tilespmem:$0x110] =	vst v6  }
0xb4: {  	v4 =	vld.idx.msk [tilespmem:v4+s11+$0x0], $0xffff  }
0xb5: {  	v3 =	vld.idx.msk [tilespmem:v3+s13+$0x0], $0xffff;
	v5 =	vshrl.u32 v5, $0x1  }
0xb6: {  	[tilespmem:$0xB0] =	vst v5;
	_ =	sdelay $0x4  }
0xb7: {  	v3 =	vadd.f32 v3, v4;
	_ =	sdelay $0x1  }
0xb8: {  	v3 =	vsub.f32 $0.0e+00, v3;
	_ =	sdelay $0x1  }
0xb9: {  	v3 =	vmul.f32 $1.442695020e+00, v3;
	_ =	sdelay $0x1  }
0xba: {  	(erf) = vpow2.f32 v3;
	_ =	sdelay $0x8  }
0xbb: {  	v3 =	vpop (erf)  }
0xbc: {  	v3 =	vadd.f32 $1.000000000e+00, v3;
	_ =	sdelay $0x1  }
0xbd: {  	(erf) = vrcp.f32 v3;
	_ =	sdelay $0x5  }
0xbe: {  	v2 =	vshrl.u32 v2, $0x1  }
0xbf: {  	v3 =	vld [tilespmem:$0xC0];
	_ =	sdelay $0x1  }
0xc0: {  	v4 =	vpop (erf)  }
0xc1: {  	[tilespmem:$0x120] =	vst v4  }
0xc2: {  	v2 =	vld.idx.msk [tilespmem:v2+s11+$0x0], $0xffff  }
0xc3: {  	v4 =	vld.idx.msk [tilespmem:v5+s13+$0x0], $0xffff;
	v3 =	vshrl.u32 v3, $0x1  }
0xc4: {  	[tilespmem:$0xC0] =	vst v3;
	_ =	sdelay $0x4  }
0xc5: {  	v2 =	vadd.f32 v4, v2;
	_ =	sdelay $0x1  }
0xc6: {  	v2 =	vsub.f32 $0.0e+00, v2;
	_ =	sdelay $0x1  }
0xc7: {  	v2 =	vmul.f32 $1.442695020e+00, v2;
	_ =	sdelay $0x1  }
0xc8: {  	(erf) = vpow2.f32 v2;
	_ =	sdelay $0x8  }
0xc9: {  	v2 =	vpop (erf)  }
0xca: {  	v2 =	vadd.f32 $1.000000000e+00, v2;
	_ =	sdelay $0x1  }
0xcb: {  	(erf) = vrcp.f32 v2;
	_ =	sdelay $0x5  }
0xcc: {  	v1 =	vshrl.u32 v1, $0x1;
	_ =	sdelay $0x2  }
0xcd: {  	v2 =	vpop (erf)  }
0xce: {  	[tilespmem:$0x130] =	vst v2  }
0xcf: {  	v1 =	vld.idx.msk [tilespmem:v1+s11+$0x0], $0xffff  }
0xd0: {  	v2 =	vld.idx.msk [tilespmem:v3+s13+$0x0], $0xffff;
	_ =	sdelay $0x5  }
0xd1: {  	v1 =	vadd.f32 v2, v1;
	_ =	sdelay $0x1  }
0xd2: {  	v1 =	vsub.f32 $0.0e+00, v1;
	_ =	sdelay $0x1  }
0xd3: {  	v1 =	vmul.f32 $1.442695020e+00, v1;
	_ =	sdelay $0x1  }
0xd4: {  	(erf) = vpow2.f32 v1;
	_ =	sdelay $0x7  }
.Ltmp0:
0xd5: {  	(pc) =	sbr.rel @p0 .LBB2_2-.Ltmp0, $3  }
0xd6: {  	v1 =	vpop (erf)  }
0xd7: {  	v1 =	vadd.f32 $1.000000000e+00, v1;
	_ =	sdelay $0x1  }
0xd8: {  	(erf) = vrcp.f32 v1  }
0xd9: {  	_ =	sdelay $0x7  }
0xda: {  	v1 =	vpop (erf)  }
0xdb: {  	[tilespmem:$0x140] =	vst v1  }
0xdc: {  	[spmem:s2] =	stream.indirect.scatter.add.f32 [tilespmem:s17], [sflag:$0x1], $0x1, s15, s16, $0xb8;
	[tilespmem:$0x2C40] =	vst v63  }
0xdd: {  	_ =	swait.ge [sflag:s12], $0x50  }
0xde: {  	[sflag:s12] =	ssyncset.done $0x0  }
0xdf: {  	[sflag:s12] =	ssyncadd.s32 $0xFFFFFFB0  }
0xe0: {  	[bflag:$0x0] =	sbarrier.arrive $0xFFFF  }
0xe1: {  	[tilespmem:s14], [sflag:$0x1] =	stream.linear.gather [spmem:s6], $0x140, $0x38;
	[tilespmem:$0x2C40] =	vst v63  }
0xe2: {  	s18 =	sadd.s32 $0x1, s18;
	_ =	swait.ge [sflag:s12], $0x140  }
0xe3: {  	p0 =	sne.s32 s18, s8;
	[sflag:s12] =	ssyncset.done $0x0  }
.Ltmp1:
0xe4: {  	[sflag:s12] =	ssyncadd.s32 $0xFFFFFEC0;
	(pc) =	sbr.rel @p0 .LBB2_1-.Ltmp1, $4  }
0xe5: {  	[hbm4b:s7+s3] =	stream.linear.scatter [tilespmem:s14], [sflag:$0x1], $0x140, $0x38;
	[tilespmem:$0x2C40] =	vst v63  }
0xe6: {  	_ =	swait.ge [sflag:s12], $0x140  }
0xe7: {  	[sflag:s12] =	ssyncset.done $0x0  }
0xe8: {  	[sflag:s12] =	ssyncadd.s32 $0xFFFFFEC0  }
0xe9: {  	_ =	sfence.sel $0x180000  }
0xea: {  	[bflag:$0x0] =	sbarrier.arrive $0xFFFF  }
0xeb: {  	p0 =	sne.s32 s1, $0x0;
	_ =	strace $0x90000053  }
0xec: {  	s0 =	sadd.s32 @!p0 $0x100000, s0;
	[bflag:$0x2] =	sbarrier.arrive $0xFFFF  }
0xed: {  	[sflag:s0] =	ssyncadd.tile.s32 @!p0 $0x1;
	_ =	shalt  }
.Lfunc_end2:
_tile_overlayer_lowered:
.L_overlay_start_2:
0xee: {  	(tag) =	ssettag $0x2  }
0xef: {  	s0 =	rddreg [dreg:$0x0];
	s2 =	stileid.u32  }
0xf0: {  	s1 =	rddreg [dreg:$0x1];
	p0 =	sne.s32 s2, $0x0  }
0xf1: {  	s3 =	rddreg [dreg:$0x2];
	[bflag:$0x3] =	sbarrier.arrive $0xFFFF;
	s2 =	simm.s32 @!p0 $0x1C01  }
0xf2: {  	[timem:s3], [sflag:s2] =	dma.local @!p0 [hbm:s0], s1  }
0xf3: {  	s0 =	simm.s32 @!p0 $0x1  }
0xf4: {  	_ =	swait.ge @!p0 [sflag:s0], s1  }
0xf5: {  	s1 =	ssub.s32 @!p0 $0x0, s1;
	[sflag:s0] =	ssyncset.done @!p0 $0x0  }
0xf6: {  	[sflag:s0] =	ssyncadd.s32 @!p0 s1  }
0xf7: {  	[bflag:$0x3] =	sbarrier.arrive $0xFFFF  }
0xf8: {  	_ =	shalt  }

// kernel: kernel.33.cloned.1.call-start
scs
__scs_entry_jumppad:
0x0: {  	(pc) =	sbr.rel $0x88, $3  }
0x1: {  	(tag) =	ssettag $0x0;
	lr =	simm.s32 $0x1  }
0x2: {  	[smem:$0x3F93] =	sst lr;
	_ =	strace $0xD0000000  }
0x3: {  	_ = 	snop  }
0x4: {  	_ = 	snop  }
0x5: {  	_ = 	snop  }
0x6: {  	_ = 	snop  }
0x7: {  	_ = 	snop  }
__scs_overlays_trampoline_lowered:
0x8: {  	[smem:$0x3FA2] =	sst s0  }
0x9: {  	[smem:$0x3FA3] =	sst s1  }
0xa: {  	[smem:$0x3FA4] =	sst s2  }
0xb: {  	[smem:$0x3FA5] =	sst s3  }
0xc: {  	[smem:$0x3FA6] =	sst s4  }
0xd: {  	[smem:$0x3FA7] =	sst s5  }
0xe: {  	[smem:$0x3FA8] =	sst s6  }
0xf: {  	[smem:$0x3FA9] =	sst s7  }
0x10: {  	[smem:$0x3FAA] =	sst s8  }
0x11: {  	[smem:$0x3FAB] =	sst s9;
	s0 =	simm.s32 @!p0 $0x0  }
0x12: {  	s1 =	sld [smem:$0x3F91];
	s0 =	simm.s32 @p0 $0x1  }
0x13: {  	[smem:$0x3FAC] =	sst s0;
	s0 =	simm.s32 @!p1 $0x0  }
0x14: {  	s2 =	sld [smem:$0x3F90];
	s0 =	simm.s32 @p1 $0x1  }
0x15: {  	[smem:$0x3FAD] =	sst s0;
	s0 =	simm.s32 @!p2 $0x0  }
0x16: {  	s3 =	sld [smem:$0x3FDB];
	s0 =	simm.s32 @p2 $0x1  }
0x17: {  	s4 =	simm.s32 $0x1BF5;
	[smem:$0x3FAF] =	sst s0  }
0x18: {  	s0 =	sld [smem:$0x3F92];
	_ =	swait.ge [sflag:s4], $0x0  }
0x19: {  	s7 =	sld [smem:$0x3F93]  }
0x1a: {  	s8 =	sadd.s32 $0xFFFFE003, lr  }
0x1b: {  	s9 =	sadd.s32 $0xFFFFFEF7, lr;
	s5 =	simm.s32 $0xFFFFFFFF;
	p2 =	slt.u32 s8, $0xFFFFF086  }
0x1c: {  	p1 =	slt.u32 s9, $0xF7A;
	s5 =	simm.s32 @!p2 $0x0  }
0x1d: {  	s5 =	simm.s32 @p1 $0x1;
	p0 =	seq.s32 s7, s2  }
0x1e: {  	s7 =	smul.u32 @!p0 $0xF7A, s2;
	p2 =	seq.s32 @!p0 s5, $0x0  }
0x1f: {  	s9 =	smul.u32 $0xF7A, s1;
	s8 =	simm.s32 @!p0 $0x1BF5;
	p2 =	por !p2, p0  }
0x20: {  	[sflag:s8] =	ssyncset.s32 @!p0 $0xFFFFF086;
	s6 =	sadd.s32 @!p0 s3, s7;
	s7 =	simm.s32 @!p0 $0x108  }
0x21: {  	s3 =	sadd.s32 s3, s9;
	s6 =	sadd.s32 @!p0 $0x88, s6;
	s7 =	simm.s32 @p2 $0x1082  }
0x22: {  	[simem:s7], [sflag:s8] =	dma.local @!p0 [hbm:s6], $0xF7A  }
0x23: {  	s9 =	sor.u32 $0xD0000000, s2;
	s6 =	simm.s32 $0x108;
	_ =	swait.ge @!p0 [sflag:s8], $0x0  }
0x24: {  	s3 =	sadd.s32 $0x88, s3;
	s6 =	simm.s32 @!p1 $0x1082;
	[sflag:s4] =	ssyncset.s32 $0xFFFFF086  }
0x25: {  	[simem:s6], [sflag:s4] =	dma.local [hbm:s3], $0xF7A  }
0x26: {  	[smem:$0x3F93] =	sst s1;
	(tag) =	ssettag s2;
	_ =	strace s9  }
0x27: {  	s1 =	sld [smem:$0x3FA3]  }
0x28: {  	s2 =	sld [smem:$0x3FA4]  }
0x29: {  	s4 =	sld [smem:$0x3FA6]  }
0x2a: {  	p0 =	seq.s32 s5, $0x0;
	s5 =	sld [smem:$0x3FA7]  }
0x2b: {  	s6 =	sld [smem:$0x3FA8]  }
0x2c: {  	s7 =	sld [smem:$0x3FA9]  }
0x2d: {  	s3 =	simm.s32 $0x108;
	s8 =	sld [smem:$0x3FAA]  }
0x2e: {  	s3 =	simm.s32 @!p0 $0x1082;
	s9 =	sld [smem:$0x3FAB]  }
0x2f: {  	lr =	sadd.s32 s0, s3;
	s0 =	sld [smem:$0x3FA2]  }
0x30: {  	s3 =	sld [smem:$0x3FA5]  }
0x31: {  	[smem:$0x3FAE] =	sst s10  }
0x32: {  	s10 =	sld [smem:$0x3FAC];
	_ =	sdelay $0x3  }
0x33: {  	p0 =	seq.s32 s10, $0x1;
	s10 =	sld [smem:$0x3FAE];
	_ =	sdelay $0x3  }
0x34: {  	[smem:$0x3FAE] =	sst s10  }
0x35: {  	s10 =	sld [smem:$0x3FAD];
	_ =	sdelay $0x3  }
0x36: {  	p1 =	seq.s32 s10, $0x1;
	s10 =	sld [smem:$0x3FAE];
	_ =	sdelay $0x3  }
0x37: {  	[smem:$0x3FAE] =	sst s10  }
0x38: {  	s10 =	sld [smem:$0x3FAF]  }
0x39: {  	_ = 	snop;
	(pc) =	sbr.ind lr, $3  }
0x3a: {  	_ = 	snop  }
0x3b: {  	_ = 	snop  }
0x3c: {  	p2 =	seq.s32 s10, $0x1;
	s10 =	sld [smem:$0x3FAE]  }
0x3d: {  	_ =	shalt  }
0x3e: {  	_ =	shalt  }
0x3f: {  	_ =	shalt  }
0x40: {  	_ =	shalt  }
0x41: {  	_ =	shalt  }
0x42: {  	_ =	shalt  }
0x43: {  	_ =	shalt  }
0x44: {  	_ =	shalt  }
0x45: {  	_ =	shalt  }
0x46: {  	_ =	shalt  }
0x47: {  	_ =	shalt  }
0x48: {  	_ =	shalt  }
0x49: {  	_ =	shalt  }
0x4a: {  	_ =	shalt  }
0x4b: {  	_ =	shalt  }
0x4c: {  	_ =	shalt  }
0x4d: {  	_ =	shalt  }
0x4e: {  	_ =	shalt  }
0x4f: {  	_ =	shalt  }
0x50: {  	_ =	shalt  }
0x51: {  	_ =	shalt  }
0x52: {  	_ =	shalt  }
0x53: {  	_ =	shalt  }
0x54: {  	_ =	shalt  }
0x55: {  	_ =	shalt  }
0x56: {  	_ =	shalt  }
0x57: {  	_ =	shalt  }
0x58: {  	_ =	shalt  }
0x59: {  	_ =	shalt  }
0x5a: {  	_ =	shalt  }
0x5b: {  	_ =	shalt  }
0x5c: {  	_ =	shalt  }
0x5d: {  	_ =	shalt  }
0x5e: {  	_ =	shalt  }
0x5f: {  	_ =	shalt  }
0x60: {  	_ =	shalt  }
0x61: {  	_ =	shalt  }
0x62: {  	_ =	shalt  }
0x63: {  	_ =	shalt  }
0x64: {  	_ =	shalt  }
0x65: {  	_ =	shalt  }
0x66: {  	_ =	shalt  }
0x67: {  	_ =	shalt  }
0x68: {  	_ =	shalt  }
0x69: {  	_ =	shalt  }
0x6a: {  	_ =	shalt  }
0x6b: {  	_ =	shalt  }
0x6c: {  	_ =	shalt  }
0x6d: {  	_ =	shalt  }
0x6e: {  	_ =	shalt  }
0x6f: {  	_ =	shalt  }
0x70: {  	_ =	shalt  }
0x71: {  	_ =	shalt  }
0x72: {  	_ =	shalt  }
0x73: {  	_ =	shalt  }
0x74: {  	_ =	shalt  }
0x75: {  	_ =	shalt  }
0x76: {  	_ =	shalt  }
0x77: {  	_ =	shalt  }
0x78: {  	_ =	shalt  }
0x79: {  	_ =	shalt  }
0x7a: {  	_ =	shalt  }
0x7b: {  	_ =	shalt  }
0x7c: {  	_ =	shalt  }
0x7d: {  	_ =	shalt  }
0x7e: {  	_ =	shalt  }
0x7f: {  	_ =	shalt  }
0x80: {  	_ =	shalt  }
0x81: {  	_ =	shalt  }
0x82: {  	_ =	shalt  }
0x83: {  	_ =	shalt  }
0x84: {  	_ =	shalt  }
0x85: {  	_ =	shalt  }
0x86: {  	_ =	shalt  }
0x87: {  	_ =	shalt  }
.Lfunc_end0:
.L_simem_size_0:
called_computation.5_lowered:
.L_overlay_start_0:
0x88: {  	s2 =	sld [smem:$0x3FD9]  }
0x89: {  	s3 =	sld [smem:$0x3FFE];
	_ =	sdelay $0x1  }
0x8a: {  	s1 =	srdreg.scid  }
0x8b: {  	s0 =	sand.u32 $0x1, s1  }
0x8c: {  	s16 =	sshll.u32 s0, $0xA;
	s2 =	sadd.s32 s3, s2  }
0x8d: {  	s2 =	sadd.s32 s2, s16  }
0x8e: {  	[smem:$0x3FBA] =	sst s2  }
0x8f: {  	_ = 	snop  }
0x90: {  	(tm) =	ssettm $0x1  }
0x91: {  	s17 =	sld [smem:$0x3FFB];
	_ =	sdelay $0x3  }
0x92: {  	_ =	strace s17  }
0x93: {  	s2 =	sld [smem:$0x3FFC];
	_ =	sdelay $0x3  }
0x94: {  	_ =	strace s2  }
0x95: {  	s2 =	sld [smem:$0x3FFD];
	_ =	sdelay $0x3  }
0x96: {  	_ =	strace s2  }
0x97: {  	_ =	strace $0x8FFFFFFF  }
0x98: {  	s18 =	sld [smem:$0x3FDB];
	_ =	sdelay $0x1  }
0x99: {  	s19 =	simm.s32 $_scs_section_size  }
0x9a: {  	s4 =	simm.s32 $_size__tile_overlayer_lowered;
	s5 =	simm.s32 $_tile_overlayer_lowered  }
0x9b: {  	s22 =	simm.s32 $0x1BFF;
	s21 =	sshll.u32 s5, $0x1;
	s2 =	sadd.s32 s19, s18  }
0x9c: {  	s6 =	simm.s32 $0x0;
	s20 =	sshll.u32 s4, $0x1;
	s4 =	sadd.s32 s21, s2  }
0x9d: {  	[timem:s6], [sflag:s22] =	dma.local [hbm:s4], s20  }
0x9e: {  	_ =	swait.ge [sflag:s22], s20  }
0x9f: {  	s3 =	ssub.s32 $0x0, s20;
	[sflag:s22] =	ssyncset.done $0x0  }
0xa0: {  	[sflag:s22] =	ssyncadd.s32 s3;
	_ =	sdelay $0x1  }
0xa1: {  	s23 =	simm.s32 $0x1B8B  }
0xa2: {  	_ =	swait.ge [sflag:s23], $0x1  }
0xa3: {  	[sflag:s23] =	ssyncset.done $0x0  }
0xa4: {  	s25 =	simm.s32 $0x1B8E;
	s24 =	sld [smem:$0x3FFE];
	[sflag:s23] =	ssyncadd.s32 $0xFFFFFFFF  }
0xa5: {  	s26 =	simm.s32 $execute0_lowered;
	[smem:$0x3FD2] =	sst s25  }
0xa6: {  	s4 =	sshll.u32 s26, $0x1;
	_ =	strace $0x80000055;
	[dreg:$0x1] =	wrdreg $0xFFFFFFFF  }
0xa7: {  	s28 =	simm.s32 $_size_execute0_lowered;
	s2 =	sadd.s32 s2, s4;
	[dreg:$0x0] =	wrdreg $0x0  }
0xa8: {  	s4 =	sshll.u32 s28, $0x1;
	[dreg:$0x2] =	wrdreg s2  }
0xa9: {  	[dreg:$0x3] =	wrdreg s4  }
0xaa: {  	[dreg:$0x4] =	wrdreg $0xC0  }
0xab: {  	_ =	task [dreg:s6], $0x5FFFF  }
0xac: {  	[dreg:$0x1] =	wrdreg $0xFFFFFFFF  }
0xad: {  	[dreg:$0x0] =	wrdreg $0x60  }
0xae: {  	[dreg:$0x2] =	wrdreg s24  }
0xaf: {  	[dreg:$0x3] =	wrdreg $0x5A000  }
0xb0: {  	[dreg:$0x4] =	wrdreg $0x9  }
0xb1: {  	_ =	task.clear_ibuf [dreg:s6], $0x5FFFF;
	_ =	strace $0x90000055  }
0xb2: {  	s29 =	simm.s32 $0x9;
	_ =	strace $0x80000057  }
0xb3: {  	_ =	swait.ge [sflag:s29], $0x1  }
0xb4: {  	[sflag:s29] =	ssyncadd.s32 $0xFFFFFFFF  }
0xb5: {  	_ =	strace $0x90000057  }
0xb6: {  	_ =	sfence  }
0xb7: {  	s30 =	sld [smem:$0x0];
	_ =	sdelay $0x2  }
0xb8: {  	s31 =	sshll.u32 s1, $0xD;
	s1 =	sshrl.u32 s1, $0x2  }
0xb9: {  	s3 =	sand.u32 $0x4000, s31;
	s1 =	sadd.s32 s1, s30  }
0xba: {  	s0 =	sor.u32 s3, s0;
	s1 =	sshll.u32 s1, $0x11  }
0xbb: {  	s0 =	sor.u32 s1, s0  }
0xbc: {  	s0 =	sadd.s32 $0x8F2B, s0  }
0xbd: {  	[sflag:s0] =	ssyncadd.remote.s32 $0x1  }
0xbe: {  	_ =	sfence.sel $0xFFFF  }
0xbf: {  	[dreg:$0x0] =	wrdreg $0xFFFFFFFF;
	(pc) =	sbr.abs _section_cstart, $3  }
0xc0: {  	[dreg:$0x1] =	wrdreg $0xFFFFFFFF  }
0xc1: {  	_ =	task.clear_ibuf [dreg:s6], $0x2FFFF;
	_ =	strace $0x9FFFFFFF  }
0xc2: {  	(tm) =	ssettm $0x7FFFFFFF  }
0xc3: {  	_ =	shalt  }
tec
execute0_lowered:
.L_overlay_start_1:
0x0: {  	(tag) =	ssettag $0x1  }
0x1: {  	s0 =	rddreg [dreg:$0x0]  }
0x2: {  	s1 =	rddreg [dreg:$0x1];
	s2 =	simm.s32 $0x0  }
0x3: {  	s3 =	srdreg.scid;
	s11 =	stileid.u32;
	s28 =	simm.s32 $0x50  }
0x4: {  	s29 =	simm.s32 $0x200;
	s30 =	simm.s32 $0x100;
	s7 =	smul.u32 $0xA00, s11  }
0x5: {  	s31 =	simm.s32 $0x180;
	[smem:$0x7FF] =	sst s2;
	s9 =	smul.u32 $0x14000, s11  }
0x6: {  	s3 =	sand.u32 $0x1, s3;
	s4 =	sadd.s32 $0x18E00, s0;
	s23 =	smul.u32 $0x2710, s11  }
0x7: {  	s5 =	sadd.s32 $0x5200, s0;
	_ =	strace $0x80000056;
	s6 =	smul.u32 $0xA000, s3  }
0x8: {  	s8 =	sshll.u32 s3, $0x4;
	s10 =	ssub.s32 $0x2, s3;
	s3 =	smul.u32 $0x27100, s3  }
0x9: {  	s8 =	sor.u32 s11, s8;
	s20 =	sshrl.u32 s10, $0x1;
	s21 =	sshrl.u32 s9, $0x2  }
0xa: {  	s9 =	simm.s32 $0x0;
	s7 =	sadd.s32 s7, s6;
	s8 =	smul.u32 $0x2710, s8  }
0xb: {  	s6 =	sadd.s32 $0xF000, s0;
	s10 =	ssub.s32 s10, s20;
	s0 =	sadd.s32 s7, s0  }
0xc: {  	s7 =	sadd.s32 s21, s1;
	s24 =	smax.u32 s10, $0x1;
	s8 =	sshrl.u32 s8, $0x3  }
0xd: {  	s0 =	sadd.s32 $0x22E00, s0;
	[dreg:$0x6] =	wrdreg s24;
	s25 =	sadd.s32 $0x800, s7  }
0xe: {  	s26 =	sadd.s32 $0x1000, s7;
	s14 =	sadd.s32 $0x1800, s7;
	s15 =	sadd.s32 $0x2000, s7  }
0xf: {  	s16 =	sadd.s32 $0x2800, s7;
	s17 =	sadd.s32 $0x3000, s7;
	s18 =	sadd.s32 $0x3800, s7  }
0x10: {  	s19 =	sadd.s32 $0x4000, s7;
	s20 =	sadd.s32 $0x4800, s7;
	[dreg:$0x5] =	wrdreg s0  }
0x11: {  	s24 =	simm.s32 $0x5200;
	s22 =	sadd.s32 s5, s8;
	[dreg:$0x7] =	wrdreg s25  }
0x12: {  	s8 =	sadd.s32 s6, s8;
	[dreg:$0x8] =	wrdreg s26;
	s0 =	sadd.s32 s23, s3  }
0x13: {  	s25 =	simm.s32 $0x3;
	s26 =	simm.s32 $0x80;
	[dreg:$0x3] =	wrdreg s22  }
0x14: {  	[dreg:$0x4] =	wrdreg s8;
	s3 =	sadd.s32 $0x50, s0;
	s11 =	sadd.s32 $0xA0, s0  }
0x15: {  	s0 =	simm.s32 $0x2A00;
	s8 =	simm.s32 $0x2;
	s3 =	sshrl.u32 s3, $0x3  }
0x16: {  	v0 =	vimm.f32 $0.0e+00;
	s22 =	sadd.s32 s3, s6;
	s23 =	sadd.s32 s3, s5;
	s3 =	simm.s32 $0x1  }
.LBB2_1:
0x17: {  	s10 =	sand.u32 $0x1E00, s2  }
0x18: {  	s12 =	sand.u32 $0x70, s2;
	s21 =	sshrl.u32 s10, $0x2  }
0x19: {  	s10 =	simm.s32 $0x40;
	s21 =	sor.u32 s12, s21;
	s12 =	simm.s32 $0x0  }
.LBB2_2:
0x1a: {  	p0 =	sne.s32 s10, $0x1FC0  }
0x1b: {  	[tilespmem:s21+$0x5200] =	vst v0;
	s12 =	sadd.s32 $0x10, s12;
	s21 =	smov.u32 s10;
	s10 =	sadd.s32 $0x40, s10  }
.Ltmp0:
0x1c: {  	(pc) =	sbr.rel @p0 .LBB2_2-.Ltmp0, $4  }
0x1d: {  	_ = 	snop  }
0x1e: {  	s21 =	sand.u32 $0x1E00, s21  }
0x1f: {  	s13 =	sand.u32 $0x70, s12;
	s21 =	sshrl.u32 s21, $0x2  }
0x20: {  	s21 =	sor.u32 s13, s21  }
0x21: {  	[tilespmem:s21+$0x5200] =	vst v0  }
0x22: {  	[spmem:s7] =	stream.linear.scatter [tilespmem:s24], [sflag:$0x3], $0x800, $0x38;
	[tilespmem:$0xAA00] =	vst v63  }
0x23: {  	_ =	swait.ge [sflag:s25], $0x800  }
0x24: {  	[sflag:s25] =	ssyncset.done $0x0  }
0x25: {  	s10 =	rddreg [dreg:$0x7];
	[sflag:s25] =	ssyncadd.s32 $0xFFFFF800  }
0x26: {  	[spmem:s10] =	stream.linear.scatter [tilespmem:s24], [sflag:$0x3], $0x800, $0x38;
	[tilespmem:$0xAA00] =	vst v63  }
0x27: {  	_ =	swait.ge [sflag:s25], $0x800  }
0x28: {  	[sflag:s25] =	ssyncset.done $0x0  }
0x29: {  	s13 =	rddreg [dreg:$0x8];
	[sflag:s25] =	ssyncadd.s32 $0xFFFFF800  }
0x2a: {  	[spmem:s13] =	stream.linear.scatter [tilespmem:s24], [sflag:$0x3], $0x800, $0x38;
	[tilespmem:$0xAA00] =	vst v63  }
0x2b: {  	_ =	swait.ge [sflag:s25], $0x800  }
0x2c: {  	[sflag:s25] =	ssyncset.done $0x0  }
0x2d: {  	[sflag:s25] =	ssyncadd.s32 $0xFFFFF800  }
0x2e: {  	[spmem:s14] =	stream.linear.scatter [tilespmem:s24], [sflag:$0x3], $0x800, $0x38;
	[tilespmem:$0xAA00] =	vst v63  }
0x2f: {  	_ =	swait.ge [sflag:s25], $0x800  }
0x30: {  	[sflag:s25] =	ssyncset.done $0x0  }
0x31: {  	[sflag:s25] =	ssyncadd.s32 $0xFFFFF800  }
0x32: {  	[spmem:s15] =	stream.linear.scatter [tilespmem:s24], [sflag:$0x3], $0x800, $0x38;
	[tilespmem:$0xAA00] =	vst v63  }
0x33: {  	_ =	swait.ge [sflag:s25], $0x800  }
0x34: {  	[sflag:s25] =	ssyncset.done $0x0  }
0x35: {  	[sflag:s25] =	ssyncadd.s32 $0xFFFFF800  }
0x36: {  	[spmem:s16] =	stream.linear.scatter [tilespmem:s24], [sflag:$0x3], $0x800, $0x38;
	[tilespmem:$0xAA00] =	vst v63  }
0x37: {  	_ =	swait.ge [sflag:s25], $0x800  }
0x38: {  	[sflag:s25] =	ssyncset.done $0x0  }
0x39: {  	[sflag:s25] =	ssyncadd.s32 $0xFFFFF800  }
0x3a: {  	[spmem:s17] =	stream.linear.scatter [tilespmem:s24], [sflag:$0x3], $0x800, $0x38;
	[tilespmem:$0xAA00] =	vst v63  }
0x3b: {  	_ =	swait.ge [sflag:s25], $0x800  }
0x3c: {  	[sflag:s25] =	ssyncset.done $0x0  }
0x3d: {  	[sflag:s25] =	ssyncadd.s32 $0xFFFFF800  }
0x3e: {  	[spmem:s18] =	stream.linear.scatter [tilespmem:s24], [sflag:$0x3], $0x800, $0x38;
	[tilespmem:$0xAA00] =	vst v63  }
0x3f: {  	_ =	swait.ge [sflag:s25], $0x800  }
0x40: {  	[sflag:s25] =	ssyncset.done $0x0  }
0x41: {  	[sflag:s25] =	ssyncadd.s32 $0xFFFFF800  }
0x42: {  	[spmem:s19] =	stream.linear.scatter [tilespmem:s24], [sflag:$0x3], $0x800, $0x38;
	[tilespmem:$0xAA00] =	vst v63  }
0x43: {  	_ =	swait.ge [sflag:s25], $0x800  }
0x44: {  	[sflag:s25] =	ssyncset.done $0x0  }
0x45: {  	[sflag:s25] =	ssyncadd.s32 $0xFFFFF800  }
0x46: {  	[spmem:s20] =	stream.linear.scatter [tilespmem:s24], [sflag:$0x3], $0x800, $0x38;
	[tilespmem:$0xAA00] =	vst v63  }
0x47: {  	_ =	swait.ge [sflag:s25], $0x800  }
0x48: {  	[sflag:s25] =	ssyncset.done $0x0  }
0x49: {  	[sflag:s25] =	ssyncadd.s32 $0xFFFFF800  }
0x4a: {  	[bflag:$0x0] =	sbarrier.arrive $0xFFFF  }
0x4b: {  	s21 =	simm.s32 $0x0;
	s12 =	rddreg [dreg:$0x3]  }
0x4c: {  	[tilespmem:s21], [sflag:$0x3] =	stream.linear.gather [hbm4b:s12+s21], $0x50, $0x38;
	[tilespmem:$0xAA00] =	vst v63  }
0x4d: {  	_ =	swait.ge [sflag:s25], $0x50  }
0x4e: {  	[sflag:s25] =	ssyncset.done $0x0  }
0x4f: {  	s13 =	rddreg [dreg:$0x4];
	[sflag:s25] =	ssyncadd.s32 $0xFFFFFFB0  }
0x50: {  	[tilespmem:s26], [sflag:$0x3] =	stream.linear.gather [hbm4b:s13+s21], $0x50, $0x38;
	[tilespmem:$0xAA00] =	vst v63  }
0x51: {  	_ =	swait.ge [sflag:s25], $0x50  }
0x52: {  	[sflag:s25] =	ssyncset.done $0x0  }
0x53: {  	[sflag:s25] =	ssyncadd.s32 $0xFFFFFFB0  }
0x54: {  	v1 =	vld [tilespmem:$0x0]  }
0x55: {  	v2 =	vld [tilespmem:$0x80]  }
0x56: {  	v3 =	vld [tilespmem:$0x10]  }
0x57: {  	v4 =	vld [tilespmem:$0x90]  }
0x58: {  	v5 =	vld [tilespmem:$0x20]  }
0x59: {  	v6 =	vld [tilespmem:$0xA0];
	v1 =	vshrl.u32 v1, $0x2  }
0x5a: {  	[tilespmem:$0x0] =	vst v1;
	v1 =	vshrl.u32 v2, $0x2;
	v2 =	vld [tilespmem:$0x30]  }
0x5b: {  	[tilespmem:$0x80] =	vst v1;
	v1 =	vshrl.u32 v3, $0x2;
	v3 =	vld [tilespmem:$0xB0]  }
0x5c: {  	[tilespmem:$0x10] =	vst v1;
	v1 =	vshrl.u32 v4, $0x2;
	v4 =	vld [tilespmem:$0x40]  }
0x5d: {  	[tilespmem:$0x90] =	vst v1;
	v1 =	vshrl.u32 v5, $0x2;
	v5 =	vld [tilespmem:$0xC0]  }
0x5e: {  	[tilespmem:$0x20] =	vst v1;
	v1 =	vshrl.u32 v6, $0x2  }
0x5f: {  	[tilespmem:$0xA0] =	vst v1;
	v1 =	vshrl.u32 v2, $0x2  }
0x60: {  	[tilespmem:$0x30] =	vst v1;
	v1 =	vshrl.u32 v3, $0x2  }
0x61: {  	[tilespmem:$0xB0] =	vst v1;
	v1 =	vshrl.u32 v4, $0x2  }
0x62: {  	[tilespmem:$0x40] =	vst v1;
	v1 =	vshrl.u32 v5, $0x2  }
0x63: {  	[tilespmem:$0xC0] =	vst v1  }
0x64: {  	[tilespmem:s29], [sflag:$0x1] =	stream.indirect.gather [hbm4b:s4+s28], $0x80, s21, s28, $0xb8;
	[tilespmem:$0xAA00] =	vst v63  }
0x65: {  	s21 =	sadd.s32 $0x0, s23  }
0x66: {  	[tilespmem:s30], [sflag:$0x3] =	stream.linear.gather [hbm4b:s21+s2], $0x50, $0x38;
	[tilespmem:$0xAA00] =	vst v63  }
0x67: {  	_ =	swait.ge [sflag:s25], $0x50  }
0x68: {  	[sflag:s25] =	ssyncset.done $0x0  }
0x69: {  	s12 =	sadd.s32 $0x0, s22;
	[sflag:s25] =	ssyncadd.s32 $0xFFFFFFB0  }
0x6a: {  	[tilespmem:s31], [sflag:$0x3] =	stream.linear.gather [hbm4b:s12+s2], $0x50, $0x38;
	[tilespmem:$0xAA00] =	vst v63  }
0x6b: {  	_ =	swait.ge [sflag:s25], $0x50  }
0x6c: {  	[sflag:s25] =	ssyncset.done $0x0  }
0x6d: {  	[sflag:s25] =	ssyncadd.s32 $0xFFFFFFB0  }
0x6e: {  	v1 =	vld [tilespmem:$0x1C0]  }
0x6f: {  	v2 =	vld [tilespmem:$0x190]  }
0x70: {  	v3 =	vld [tilespmem:$0x180]  }
0x71: {  	v4 =	vld [tilespmem:$0x100]  }
0x72: {  	v5 =	vld [tilespmem:$0x1A0]  }
0x73: {  	v63 =	vld [tilespmem:$0x110];
	v1 =	vshrl.u32 v1, $0x2  }
0x74: {  	v2 =	vshrl.u32 v2, $0x2;
	[tilespmem:$0x1C0] =	vst v1;
	v1 =	vld [tilespmem:$0x1B0]  }
0x75: {  	v3 =	vshrl.u32 v3, $0x2;
	[tilespmem:$0x190] =	vst v2;
	v2 =	vld [tilespmem:$0x130]  }
0x76: {  	v7 =	vld [tilespmem:$0x120];
	v4 =	vshrl.u32 v4, $0x2;
	[tilespmem:$0x180] =	vst v3  }
0x77: {  	v3 =	vld [tilespmem:$0x140];
	[tilespmem:$0x100] =	vst v4;
	v4 =	vshrl.u32 v5, $0x2  }
0x78: {  	v5 =	vshrl.u32 v63, $0x2;
	[tilespmem:$0x1A0] =	vst v4  }
0x79: {  	[tilespmem:$0x110] =	vst v5;
	v1 =	vshrl.u32 v1, $0x2  }
0x7a: {  	v2 =	vshrl.u32 v2, $0x2;
	[tilespmem:$0x1B0] =	vst v1  }
0x7b: {  	v1 =	vshrl.u32 v7, $0x2;
	[tilespmem:$0x130] =	vst v2  }
0x7c: {  	v2 =	vshrl.u32 v3, $0x2;
	[tilespmem:$0x120] =	vst v1  }
0x7d: {  	[tilespmem:$0x140] =	vst v2  }
0x7e: {  	[tilespmem:s0], [sflag:$0x2] =	stream.indirect.gather [hbm4b:s4+s28], $0x80, s30, s28, $0xb8;
	[tilespmem:$0xAA00] =	vst v63  }
0x7f: {  	_ =	swait.ge [sflag:s3], $0x2800  }
0x80: {  	[sflag:s3] =	ssyncset.done $0x0  }
0x81: {  	[sflag:s3] =	ssyncadd.s32 $0xFFFFD800  }
0x82: {  	[spmem:s1] =	stream.indirect.scatter.add.f32 [tilespmem:s29], [sflag:$0x3], $0x80, s26, s28, $0xb8;
	[tilespmem:$0xAA00] =	vst v63  }
0x83: {  	_ =	swait.ge [sflag:s25], $0x2800  }
0x84: {  	s13 =	sshrl.u32 s11, $0x3;
	[sflag:s25] =	ssyncset.done $0x0  }
0x85: {  	s21 =	sadd.s32 s5, s13;
	[sflag:s25] =	ssyncadd.s32 $0xFFFFD800  }
0x86: {  	[tilespmem:s2], [sflag:$0x3] =	stream.linear.gather [hbm4b:s21+s2], $0x50, $0x38;
	[tilespmem:$0xAA00] =	vst v63  }
0x87: {  	_ =	swait.ge [sflag:s25], $0x50  }
0x88: {  	[sflag:s25] =	ssyncset.done $0x0  }
0x89: {  	s10 =	sadd.s32 s6, s13;
	[sflag:s25] =	ssyncadd.s32 $0xFFFFFFB0  }
0x8a: {  	[tilespmem:s26], [sflag:$0x3] =	stream.linear.gather [hbm4b:s10+s2], $0x50, $0x38;
	[tilespmem:$0xAA00] =	vst v63  }
0x8b: {  	_ =	swait.ge [sflag:s25], $0x50  }
0x8c: {  	[sflag:s25] =	ssyncset.done $0x0  }
0x8d: {  	[sflag:s25] =	ssyncadd.s32 $0xFFFFFFB0  }
0x8e: {  	v3 =	vld [tilespmem:$0xA0]  }
0x8f: {  	v2 =	vld [tilespmem:$0x80]  }
0x90: {  	s21 =	smov.u32 s11;
	s10 =	simm.s32 $0x14;
	v1 =	vld [tilespmem:$0x10]  }
.LBB2_4:
0x91: {  	p0 =	sne.s32 s10, $0x4C4  }
0x92: {  	v4 =	vld [tilespmem:$0x0];
	s21 =	sadd.s32 $0xA0, s21;
	s12 =	smov.u32 s10;
	s10 =	sadd.s32 $0x14, s10  }
0x93: {  	v5 =	vld [tilespmem:$0x20]  }
0x94: {  	v3 =	vshrl.u32 v3, $0x2;
	v6 =	vld [tilespmem:$0x30]  }
0x95: {  	v2 =	vshrl.u32 v2, $0x2;
	v7 =	vld [tilespmem:$0x90];
	[tilespmem:$0xA0] =	vst v3  }
0x96: {  	[tilespmem:$0x80] =	vst v2;
	v1 =	vshrl.u32 v1, $0x2;
	v2 =	vld [tilespmem:$0xB0]  }
0x97: {  	v3 =	vshrl.u32 v4, $0x2;
	[tilespmem:$0x10] =	vst v1;
	v1 =	vld [tilespmem:$0x40]  }
0x98: {  	v4 =	vshrl.u32 v5, $0x2;
	v5 =	vld [tilespmem:$0xC0]  }
0x99: {  	[tilespmem:$0x20] =	vst v4  }
0x9a: {  	[tilespmem:$0x0] =	vst v3;
	v3 =	vshrl.u32 v7, $0x2  }
0x9b: {  	[tilespmem:$0x90] =	vst v3;
	v2 =	vshrl.u32 v2, $0x2  }
0x9c: {  	v3 =	vshrl.u32 v6, $0x2;
	[tilespmem:$0xB0] =	vst v2;
	v1 =	vshrl.u32 v1, $0x2  }
0x9d: {  	[tilespmem:$0x40] =	vst v1;
	v1 =	vshrl.u32 v5, $0x2  }
0x9e: {  	[tilespmem:$0xC0] =	vst v1  }
0x9f: {  	[tilespmem:$0x30] =	vst v3  }
0xa0: {  	[tilespmem:s29], [sflag:$0x1] =	stream.indirect.gather [hbm4b:s4+s28], $0x80, s2, s28, $0xb8;
	[tilespmem:$0xAA00] =	vst v63  }
0xa1: {  	_ =	swait.ge [sflag:s8], $0x2800  }
0xa2: {  	[sflag:s8] =	ssyncset.done $0x0  }
0xa3: {  	[sflag:s8] =	ssyncadd.s32 $0xFFFFD800  }
0xa4: {  	[spmem:s1] =	stream.indirect.scatter.add.f32 [tilespmem:s0], [sflag:$0x3], $0x80, s31, s28, $0xb8;
	[tilespmem:$0xAA00] =	vst v63  }
0xa5: {  	_ =	swait.ge [sflag:s25], $0x2800  }
0xa6: {  	[sflag:s25] =	ssyncset.done $0x0  }
0xa7: {  	s13 =	sadd.s32 s12, s23;
	[sflag:s25] =	ssyncadd.s32 $0xFFFFD800  }
0xa8: {  	[tilespmem:s30], [sflag:$0x3] =	stream.linear.gather [hbm4b:s13+s2], $0x50, $0x38;
	[tilespmem:$0xAA00] =	vst v63  }
0xa9: {  	_ =	swait.ge [sflag:s25], $0x50  }
0xaa: {  	[sflag:s25] =	ssyncset.done $0x0  }
0xab: {  	s12 =	sadd.s32 s12, s22;
	[sflag:s25] =	ssyncadd.s32 $0xFFFFFFB0  }
0xac: {  	[tilespmem:s31], [sflag:$0x3] =	stream.linear.gather [hbm4b:s12+s2], $0x50, $0x38;
	[tilespmem:$0xAA00] =	vst v63  }
0xad: {  	_ =	swait.ge [sflag:s25], $0x50  }
0xae: {  	[sflag:s25] =	ssyncset.done $0x0  }
0xaf: {  	[sflag:s25] =	ssyncadd.s32 $0xFFFFFFB0  }
0xb0: {  	v1 =	vld [tilespmem:$0x1C0]  }
0xb1: {  	v2 =	vld [tilespmem:$0x190]  }
0xb2: {  	v3 =	vld [tilespmem:$0x120]  }
0xb3: {  	v4 =	vld [tilespmem:$0x110]  }
0xb4: {  	v5 =	vld [tilespmem:$0x180]  }
0xb5: {  	v6 =	vld [tilespmem:$0x100];
	v1 =	vshrl.u32 v1, $0x2  }
0xb6: {  	v2 =	vshrl.u32 v2, $0x2;
	v7 =	vld [tilespmem:$0x1A0];
	[tilespmem:$0x1C0] =	vst v1  }
0xb7: {  	[tilespmem:$0x190] =	vst v2;
	v1 =	vld [tilespmem:$0x130]  }
0xb8: {  	v2 =	vld [tilespmem:$0x1B0]  }
0xb9: {  	v4 =	vshrl.u32 v4, $0x2;
	v5 =	vshrl.u32 v5, $0x2;
	v8 =	vld [tilespmem:$0x140]  }
0xba: {  	v3 =	vshrl.u32 v3, $0x2;
	v6 =	vshrl.u32 v6, $0x2;
	[tilespmem:$0x180] =	vst v5  }
0xbb: {  	[tilespmem:$0x100] =	vst v6;
	v5 =	vshrl.u32 v7, $0x2  }
0xbc: {  	[tilespmem:$0x1A0] =	vst v5;
	v1 =	vshrl.u32 v1, $0x2  }
0xbd: {  	[tilespmem:$0x110] =	vst v4;
	v2 =	vshrl.u32 v2, $0x2  }
0xbe: {  	[tilespmem:$0x1B0] =	vst v2;
	v2 =	vshrl.u32 v8, $0x2  }
0xbf: {  	[tilespmem:$0x130] =	vst v1  }
0xc0: {  	[tilespmem:$0x120] =	vst v3  }
0xc1: {  	[tilespmem:$0x140] =	vst v2  }
0xc2: {  	[tilespmem:s0], [sflag:$0x2] =	stream.indirect.gather [hbm4b:s4+s28], $0x80, s30, s28, $0xb8;
	[tilespmem:$0xAA00] =	vst v63  }
0xc3: {  	_ =	swait.ge [sflag:s3], $0x2800  }
0xc4: {  	[sflag:s3] =	ssyncset.done $0x0  }
0xc5: {  	[sflag:s3] =	ssyncadd.s32 $0xFFFFD800  }
0xc6: {  	[spmem:s1] =	stream.indirect.scatter.add.f32 [tilespmem:s29], [sflag:$0x3], $0x80, s26, s28, $0xb8;
	[tilespmem:$0xAA00] =	vst v63  }
0xc7: {  	_ =	swait.ge [sflag:s25], $0x2800  }
0xc8: {  	s12 =	sshrl.u32 s21, $0x3;
	[sflag:s25] =	ssyncset.done $0x0  }
0xc9: {  	s13 =	sadd.s32 s5, s12;
	[sflag:s25] =	ssyncadd.s32 $0xFFFFD800  }
0xca: {  	[tilespmem:s2], [sflag:$0x3] =	stream.linear.gather [hbm4b:s13+s2], $0x50, $0x38;
	[tilespmem:$0xAA00] =	vst v63  }
0xcb: {  	_ =	swait.ge [sflag:s25], $0x50  }
0xcc: {  	[sflag:s25] =	ssyncset.done $0x0  }
0xcd: {  	s12 =	sadd.s32 s6, s12;
	[sflag:s25] =	ssyncadd.s32 $0xFFFFFFB0  }
0xce: {  	[tilespmem:s26], [sflag:$0x3] =	stream.linear.gather [hbm4b:s12+s2], $0x50, $0x38;
	[tilespmem:$0xAA00] =	vst v63  }
0xcf: {  	_ =	swait.ge [sflag:s25], $0x50  }
.Ltmp1:
0xd0: {  	[sflag:s25] =	ssyncset.done $0x0;
	(pc) =	sbr.rel @p0 .LBB2_4-.Ltmp1, $4  }
0xd1: {  	[sflag:s25] =	ssyncadd.s32 $0xFFFFFFB0  }
0xd2: {  	v3 =	vld [tilespmem:$0xA0]  }
0xd3: {  	v2 =	vld [tilespmem:$0x80]  }
0xd4: {  	v1 =	vld [tilespmem:$0x10]  }
0xd5: {  	v4 =	vld [tilespmem:$0x20]  }
0xd6: {  	v5 =	vld [tilespmem:$0x0]  }
0xd7: {  	v6 =	vld [tilespmem:$0x90];
	v3 =	vshrl.u32 v3, $0x2  }
0xd8: {  	v2 =	vshrl.u32 v2, $0x2;
	[tilespmem:$0xA0] =	vst v3;
	v3 =	vld [tilespmem:$0xB0]  }
0xd9: {  	[tilespmem:$0x80] =	vst v2;
	v1 =	vshrl.u32 v1, $0x2;
	v2 =	vld [tilespmem:$0x40]  }
0xda: {  	v7 =	vld [tilespmem:$0x30];
	[tilespmem:$0x10] =	vst v1;
	v1 =	vshrl.u32 v4, $0x2  }
0xdb: {  	v63 =	vld [tilespmem:$0xC0];
	v5 =	vshrl.u32 v5, $0x2;
	[tilespmem:$0x20] =	vst v1  }
0xdc: {  	[tilespmem:$0x0] =	vst v5;
	v1 =	vshrl.u32 v6, $0x2  }
0xdd: {  	[tilespmem:$0x90] =	vst v1;
	v1 =	vshrl.u32 v3, $0x2  }
0xde: {  	[tilespmem:$0xB0] =	vst v1;
	v1 =	vshrl.u32 v2, $0x2  }
0xdf: {  	v2 =	vshrl.u32 v7, $0x2;
	[tilespmem:$0x40] =	vst v1  }
0xe0: {  	v1 =	vshrl.u32 v63, $0x2;
	[tilespmem:$0x30] =	vst v2  }
0xe1: {  	[tilespmem:$0xC0] =	vst v1  }
0xe2: {  	[tilespmem:s29], [sflag:$0x1] =	stream.indirect.gather [hbm4b:s4+s28], $0x80, s2, s28, $0xb8;
	[tilespmem:$0xAA00] =	vst v63  }
0xe3: {  	_ =	swait.ge [sflag:s8], $0x2800  }
0xe4: {  	[sflag:s8] =	ssyncset.done $0x0  }
0xe5: {  	[sflag:s8] =	ssyncadd.s32 $0xFFFFD800  }
0xe6: {  	[spmem:s1] =	stream.indirect.scatter.add.f32 [tilespmem:s0], [sflag:$0x3], $0x80, s31, s28, $0xb8;
	[tilespmem:$0xAA00] =	vst v63  }
0xe7: {  	_ =	swait.ge [sflag:s25], $0x2800  }
0xe8: {  	[sflag:s25] =	ssyncset.done $0x0  }
0xe9: {  	[sflag:s25] =	ssyncadd.s32 $0xFFFFD800  }
0xea: {  	_ =	swait.ge [sflag:s3], $0x2800  }
0xeb: {  	[sflag:s3] =	ssyncset.done $0x0  }
0xec: {  	[sflag:s3] =	ssyncadd.s32 $0xFFFFD800  }
0xed: {  	[spmem:s1] =	stream.indirect.scatter.add.f32 [tilespmem:s29], [sflag:$0x3], $0x80, s26, s28, $0xb8;
	[tilespmem:$0xAA00] =	vst v63  }
0xee: {  	_ =	swait.ge [sflag:s25], $0x2800  }
0xef: {  	[sflag:s25] =	ssyncset.done $0x0  }
0xf0: {  	s10 =	stileid.u32;
	[sflag:s25] =	ssyncadd.s32 $0xFFFFD800  }
0xf1: {  	s10 =	sshll.u32 s10, $0x6;
	[bflag:$0x0] =	sbarrier.arrive $0xFFFF  }
0xf2: {  	s12 =	sshrl.u32 s7, $0x3;
	s10 =	sor.u32 $0x1C03, s10;
	s13 =	rddreg [dreg:$0x5]  }
0xf3: {  	[hbm:s13], [sflag:s10] =	dma.local [spmem:s12], $0xA00  }
0xf4: {  	_ =	swait.ge [sflag:s25], $0xA00  }
0xf5: {  	s9 =	sadd.s32 $0x1, s9;
	s21 =	rddreg [dreg:$0x6]  }
0xf6: {  	p0 =	sne.s32 s9, s21  }
.Ltmp2:
0xf7: {  	_ = 	snop;
	(pc) =	sbr.rel @p0 .LBB2_1-.Ltmp2, $3  }
0xf8: {  	_ =	sdelay $0x1  }
0xf9: {  	[sflag:s25] =	ssyncset.done $0x0  }
0xfa: {  	[sflag:s25] =	ssyncadd.s32 $0xFFFFF600  }
0xfb: {  	_ =	sfence.sel $0x180000  }
0xfc: {  	[bflag:$0x0] =	sbarrier.arrive $0xFFFF  }
0xfd: {  	_ =	strace $0x90000056  }
0xfe: {  	s0 =	stileid.u32;
	[bflag:$0x2] =	sbarrier.arrive $0xFFFF  }
0xff: {  	p0 =	sne.s32 s0, $0x0;
	s0 =	rddreg [dreg:$0x2]  }
0x100: {  	s0 =	sadd.s32 @!p0 $0x100000, s0  }
0x101: {  	[sflag:s0] =	ssyncadd.tile.s32 @!p0 $0x1;
	_ =	shalt  }
.Lfunc_end2:
_tile_overlayer_lowered:
.L_overlay_start_2:
0x102: {  	(tag) =	ssettag $0x2  }
0x103: {  	s0 =	rddreg [dreg:$0x0];
	s2 =	stileid.u32  }
0x104: {  	s1 =	rddreg [dreg:$0x1];
	p0 =	sne.s32 s2, $0x0  }
0x105: {  	s3 =	rddreg [dreg:$0x2];
	[bflag:$0x3] =	sbarrier.arrive $0xFFFF;
	s2 =	simm.s32 @!p0 $0x1C03  }
0x106: {  	[timem:s3], [sflag:s2] =	dma.local @!p0 [hbm:s0], s1  }
0x107: {  	s0 =	simm.s32 @!p0 $0x3  }
0x108: {  	_ =	swait.ge @!p0 [sflag:s0], s1  }
0x109: {  	s1 =	ssub.s32 @!p0 $0x0, s1;
	[sflag:s0] =	ssyncset.done @!p0 $0x0  }
0x10a: {  	[sflag:s0] =	ssyncadd.s32 @!p0 s1  }
0x10b: {  	[bflag:$0x3] =	sbarrier.arrive $0xFFFF  }
0x10c: {  	_ =	shalt  }

// kernel: kernel.36.cloned.1.call-start
scs
__scs_entry_jumppad:
0x0: {  	(pc) =	sbr.rel $0x88, $3  }
0x1: {  	(tag) =	ssettag $0x0;
	lr =	simm.s32 $0x1  }
0x2: {  	[smem:$0x3F93] =	sst lr;
	_ =	strace $0xD0000000  }
0x3: {  	_ = 	snop  }
0x4: {  	_ = 	snop  }
0x5: {  	_ = 	snop  }
0x6: {  	_ = 	snop  }
0x7: {  	_ = 	snop  }
__scs_overlays_trampoline_lowered:
0x8: {  	[smem:$0x3FA2] =	sst s0  }
0x9: {  	[smem:$0x3FA3] =	sst s1  }
0xa: {  	[smem:$0x3FA4] =	sst s2  }
0xb: {  	[smem:$0x3FA5] =	sst s3  }
0xc: {  	[smem:$0x3FA6] =	sst s4  }
0xd: {  	[smem:$0x3FA7] =	sst s5  }
0xe: {  	[smem:$0x3FA8] =	sst s6  }
0xf: {  	[smem:$0x3FA9] =	sst s7  }
0x10: {  	[smem:$0x3FAA] =	sst s8  }
0x11: {  	[smem:$0x3FAB] =	sst s9;
	s0 =	simm.s32 @!p0 $0x0  }
0x12: {  	s1 =	sld [smem:$0x3F91];
	s0 =	simm.s32 @p0 $0x1  }
0x13: {  	[smem:$0x3FAC] =	sst s0;
	s0 =	simm.s32 @!p1 $0x0  }
0x14: {  	s2 =	sld [smem:$0x3F90];
	s0 =	simm.s32 @p1 $0x1  }
0x15: {  	[smem:$0x3FAD] =	sst s0;
	s0 =	simm.s32 @!p2 $0x0  }
0x16: {  	s3 =	sld [smem:$0x3FDB];
	s0 =	simm.s32 @p2 $0x1  }
0x17: {  	s4 =	simm.s32 $0x1BF5;
	[smem:$0x3FAF] =	sst s0  }
0x18: {  	s0 =	sld [smem:$0x3F92];
	_ =	swait.ge [sflag:s4], $0x0  }
0x19: {  	s7 =	sld [smem:$0x3F93]  }
0x1a: {  	s8 =	sadd.s32 $0xFFFFE003, lr  }
0x1b: {  	s9 =	sadd.s32 $0xFFFFFEF7, lr;
	s5 =	simm.s32 $0xFFFFFFFF;
	p2 =	slt.u32 s8, $0xFFFFF086  }
0x1c: {  	p1 =	slt.u32 s9, $0xF7A;
	s5 =	simm.s32 @!p2 $0x0  }
0x1d: {  	s5 =	simm.s32 @p1 $0x1;
	p0 =	seq.s32 s7, s2  }
0x1e: {  	s7 =	smul.u32 @!p0 $0xF7A, s2;
	p2 =	seq.s32 @!p0 s5, $0x0  }
0x1f: {  	s9 =	smul.u32 $0xF7A, s1;
	s8 =	simm.s32 @!p0 $0x1BF5;
	p2 =	por !p2, p0  }
0x20: {  	[sflag:s8] =	ssyncset.s32 @!p0 $0xFFFFF086;
	s6 =	sadd.s32 @!p0 s3, s7;
	s7 =	simm.s32 @!p0 $0x108  }
0x21: {  	s3 =	sadd.s32 s3, s9;
	s6 =	sadd.s32 @!p0 $0x88, s6;
	s7 =	simm.s32 @p2 $0x1082  }
0x22: {  	[simem:s7], [sflag:s8] =	dma.local @!p0 [hbm:s6], $0xF7A  }
0x23: {  	s9 =	sor.u32 $0xD0000000, s2;
	s6 =	simm.s32 $0x108;
	_ =	swait.ge @!p0 [sflag:s8], $0x0  }
0x24: {  	s3 =	sadd.s32 $0x88, s3;
	s6 =	simm.s32 @!p1 $0x1082;
	[sflag:s4] =	ssyncset.s32 $0xFFFFF086  }
0x25: {  	[simem:s6], [sflag:s4] =	dma.local [hbm:s3], $0xF7A  }
0x26: {  	[smem:$0x3F93] =	sst s1;
	(tag) =	ssettag s2;
	_ =	strace s9  }
0x27: {  	s1 =	sld [smem:$0x3FA3]  }
0x28: {  	s2 =	sld [smem:$0x3FA4]  }
0x29: {  	s4 =	sld [smem:$0x3FA6]  }
0x2a: {  	p0 =	seq.s32 s5, $0x0;
	s5 =	sld [smem:$0x3FA7]  }
0x2b: {  	s6 =	sld [smem:$0x3FA8]  }
0x2c: {  	s7 =	sld [smem:$0x3FA9]  }
0x2d: {  	s3 =	simm.s32 $0x108;
	s8 =	sld [smem:$0x3FAA]  }
0x2e: {  	s3 =	simm.s32 @!p0 $0x1082;
	s9 =	sld [smem:$0x3FAB]  }
0x2f: {  	lr =	sadd.s32 s0, s3;
	s0 =	sld [smem:$0x3FA2]  }
0x30: {  	s3 =	sld [smem:$0x3FA5]  }
0x31: {  	[smem:$0x3FAE] =	sst s10  }
0x32: {  	s10 =	sld [smem:$0x3FAC];
	_ =	sdelay $0x3  }
0x33: {  	p0 =	seq.s32 s10, $0x1;
	s10 =	sld [smem:$0x3FAE];
	_ =	sdelay $0x3  }
0x34: {  	[smem:$0x3FAE] =	sst s10  }
0x35: {  	s10 =	sld [smem:$0x3FAD];
	_ =	sdelay $0x3  }
0x36: {  	p1 =	seq.s32 s10, $0x1;
	s10 =	sld [smem:$0x3FAE];
	_ =	sdelay $0x3  }
0x37: {  	[smem:$0x3FAE] =	sst s10  }
0x38: {  	s10 =	sld [smem:$0x3FAF]  }
0x39: {  	_ = 	snop;
	(pc) =	sbr.ind lr, $3  }
0x3a: {  	_ = 	snop  }
0x3b: {  	_ = 	snop  }
0x3c: {  	p2 =	seq.s32 s10, $0x1;
	s10 =	sld [smem:$0x3FAE]  }
0x3d: {  	_ =	shalt  }
0x3e: {  	_ =	shalt  }
0x3f: {  	_ =	shalt  }
0x40: {  	_ =	shalt  }
0x41: {  	_ =	shalt  }
0x42: {  	_ =	shalt  }
0x43: {  	_ =	shalt  }
0x44: {  	_ =	shalt  }
0x45: {  	_ =	shalt  }
0x46: {  	_ =	shalt  }
0x47: {  	_ =	shalt  }
0x48: {  	_ =	shalt  }
0x49: {  	_ =	shalt  }
0x4a: {  	_ =	shalt  }
0x4b: {  	_ =	shalt  }
0x4c: {  	_ =	shalt  }
0x4d: {  	_ =	shalt  }
0x4e: {  	_ =	shalt  }
0x4f: {  	_ =	shalt  }
0x50: {  	_ =	shalt  }
0x51: {  	_ =	shalt  }
0x52: {  	_ =	shalt  }
0x53: {  	_ =	shalt  }
0x54: {  	_ =	shalt  }
0x55: {  	_ =	shalt  }
0x56: {  	_ =	shalt  }
0x57: {  	_ =	shalt  }
0x58: {  	_ =	shalt  }
0x59: {  	_ =	shalt  }
0x5a: {  	_ =	shalt  }
0x5b: {  	_ =	shalt  }
0x5c: {  	_ =	shalt  }
0x5d: {  	_ =	shalt  }
0x5e: {  	_ =	shalt  }
0x5f: {  	_ =	shalt  }
0x60: {  	_ =	shalt  }
0x61: {  	_ =	shalt  }
0x62: {  	_ =	shalt  }
0x63: {  	_ =	shalt  }
0x64: {  	_ =	shalt  }
0x65: {  	_ =	shalt  }
0x66: {  	_ =	shalt  }
0x67: {  	_ =	shalt  }
0x68: {  	_ =	shalt  }
0x69: {  	_ =	shalt  }
0x6a: {  	_ =	shalt  }
0x6b: {  	_ =	shalt  }
0x6c: {  	_ =	shalt  }
0x6d: {  	_ =	shalt  }
0x6e: {  	_ =	shalt  }
0x6f: {  	_ =	shalt  }
0x70: {  	_ =	shalt  }
0x71: {  	_ =	shalt  }
0x72: {  	_ =	shalt  }
0x73: {  	_ =	shalt  }
0x74: {  	_ =	shalt  }
0x75: {  	_ =	shalt  }
0x76: {  	_ =	shalt  }
0x77: {  	_ =	shalt  }
0x78: {  	_ =	shalt  }
0x79: {  	_ =	shalt  }
0x7a: {  	_ =	shalt  }
0x7b: {  	_ =	shalt  }
0x7c: {  	_ =	shalt  }
0x7d: {  	_ =	shalt  }
0x7e: {  	_ =	shalt  }
0x7f: {  	_ =	shalt  }
0x80: {  	_ =	shalt  }
0x81: {  	_ =	shalt  }
0x82: {  	_ =	shalt  }
0x83: {  	_ =	shalt  }
0x84: {  	_ =	shalt  }
0x85: {  	_ =	shalt  }
0x86: {  	_ =	shalt  }
0x87: {  	_ =	shalt  }
.Lfunc_end0:
.L_simem_size_0:
called_computation.6_lowered:
.L_overlay_start_0:
0x88: {  	s2 =	sld [smem:$0x3FD9]  }
0x89: {  	s3 =	sld [smem:$0x3FFE];
	_ =	sdelay $0x1  }
0x8a: {  	s1 =	srdreg.scid  }
0x8b: {  	s0 =	sand.u32 $0x1, s1  }
0x8c: {  	s16 =	sshll.u32 s0, $0xA;
	s2 =	sadd.s32 s3, s2  }
0x8d: {  	s2 =	sadd.s32 s2, s16  }
0x8e: {  	[smem:$0x3FBA] =	sst s2  }
0x8f: {  	_ = 	snop  }
0x90: {  	(tm) =	ssettm $0x1  }
0x91: {  	s17 =	sld [smem:$0x3FFB];
	_ =	sdelay $0x3  }
0x92: {  	_ =	strace s17  }
0x93: {  	s2 =	sld [smem:$0x3FFC];
	_ =	sdelay $0x3  }
0x94: {  	_ =	strace s2  }
0x95: {  	s2 =	sld [smem:$0x3FFD];
	_ =	sdelay $0x3  }
0x96: {  	_ =	strace s2  }
0x97: {  	_ =	strace $0x8FFFFFFF  }
0x98: {  	s18 =	sld [smem:$0x3FDB];
	_ =	sdelay $0x1  }
0x99: {  	s19 =	simm.s32 $_scs_section_size  }
0x9a: {  	s4 =	simm.s32 $_size__tile_overlayer_lowered;
	s5 =	simm.s32 $_tile_overlayer_lowered  }
0x9b: {  	s22 =	simm.s32 $0x1BFF;
	s21 =	sshll.u32 s5, $0x1;
	s2 =	sadd.s32 s19, s18  }
0x9c: {  	s6 =	simm.s32 $0x0;
	s20 =	sshll.u32 s4, $0x1;
	s4 =	sadd.s32 s21, s2  }
0x9d: {  	[timem:s6], [sflag:s22] =	dma.local [hbm:s4], s20  }
0x9e: {  	_ =	swait.ge [sflag:s22], s20  }
0x9f: {  	s3 =	ssub.s32 $0x0, s20;
	[sflag:s22] =	ssyncset.done $0x0  }
0xa0: {  	[sflag:s22] =	ssyncadd.s32 s3;
	_ =	sdelay $0x1  }
0xa1: {  	s23 =	simm.s32 $0x1B8B  }
0xa2: {  	_ =	swait.ge [sflag:s23], $0x1  }
0xa3: {  	[sflag:s23] =	ssyncset.done $0x0  }
0xa4: {  	s25 =	simm.s32 $0x1B8E;
	s24 =	sld [smem:$0x3FFE];
	[sflag:s23] =	ssyncadd.s32 $0xFFFFFFFF  }
0xa5: {  	s26 =	simm.s32 $execute0_lowered;
	[smem:$0x3FD2] =	sst s25  }
0xa6: {  	s4 =	sshll.u32 s26, $0x1;
	_ =	strace $0x80000058;
	[dreg:$0x1] =	wrdreg $0xFFFFFFFF  }
0xa7: {  	s28 =	simm.s32 $_size_execute0_lowered;
	s2 =	sadd.s32 s2, s4;
	[dreg:$0x0] =	wrdreg $0x0  }
0xa8: {  	s4 =	sshll.u32 s28, $0x1;
	[dreg:$0x2] =	wrdreg s2  }
0xa9: {  	[dreg:$0x3] =	wrdreg s4  }
0xaa: {  	[dreg:$0x4] =	wrdreg $0xC0  }
0xab: {  	_ =	task [dreg:s6], $0x5FFFF  }
0xac: {  	[dreg:$0x1] =	wrdreg $0xFFFFFFFF  }
0xad: {  	[dreg:$0x0] =	wrdreg $0x60  }
0xae: {  	[dreg:$0x2] =	wrdreg s24  }
0xaf: {  	[dreg:$0x3] =	wrdreg $0x16800  }
0xb0: {  	[dreg:$0x4] =	wrdreg $0x9  }
0xb1: {  	_ =	task.clear_ibuf [dreg:s6], $0x5FFFF;
	_ =	strace $0x90000058  }
0xb2: {  	s29 =	simm.s32 $0x9;
	_ =	strace $0x8000005A  }
0xb3: {  	_ =	swait.ge [sflag:s29], $0x1  }
0xb4: {  	[sflag:s29] =	ssyncadd.s32 $0xFFFFFFFF  }
0xb5: {  	_ =	strace $0x9000005A  }
0xb6: {  	_ =	sfence  }
0xb7: {  	s30 =	sld [smem:$0x0];
	_ =	sdelay $0x2  }
0xb8: {  	s31 =	sshll.u32 s1, $0xD;
	s1 =	sshrl.u32 s1, $0x2  }
0xb9: {  	s3 =	sand.u32 $0x4000, s31;
	s1 =	sadd.s32 s1, s30  }
0xba: {  	s0 =	sor.u32 s3, s0;
	s1 =	sshll.u32 s1, $0x11  }
0xbb: {  	s0 =	sor.u32 s1, s0  }
0xbc: {  	s0 =	sadd.s32 $0x8F2B, s0  }
0xbd: {  	[sflag:s0] =	ssyncadd.remote.s32 $0x1  }
0xbe: {  	_ =	sfence.sel $0xFFFF  }
0xbf: {  	[dreg:$0x0] =	wrdreg $0xFFFFFFFF;
	(pc) =	sbr.abs _section_cstart, $3  }
0xc0: {  	[dreg:$0x1] =	wrdreg $0xFFFFFFFF  }
0xc1: {  	_ =	task.clear_ibuf [dreg:s6], $0x2FFFF;
	_ =	strace $0x9FFFFFFF  }
0xc2: {  	(tm) =	ssettm $0x7FFFFFFF  }
0xc3: {  	_ =	shalt  }
tec
execute0_lowered:
.L_overlay_start_1:
0x0: {  	(tag) =	ssettag $0x1  }
0x1: {  	s6 =	rddreg [dreg:$0x0];
	s0 =	srdreg.scid  }
0x2: {  	s2 =	rddreg [dreg:$0x1];
	s1 =	stileid.u32  }
0x3: {  	s3 =	simm.s32 $0x0;
	s12 =	simm.s32 $0x1;
	s13 =	simm.s32 $0xB80  }
0x4: {  	s14 =	simm.s32 $0x1580;
	s15 =	simm.s32 $0x80;
	s9 =	smul.u32 $0x2710, s1  }
0x5: {  	s16 =	simm.s32 $0x50;
	s7 =	sand.u32 $0x1, s0;
	s10 =	smul.u32 $0xA0, s1  }
0x6: {  	s17 =	simm.s32 $0x100;
	s0 =	rddreg [dreg:$0x2];
	s8 =	smul.u32 $0x27100, s7  }
0x7: {  	s18 =	simm.s32 $0x0;
	[smem:$0x7FF] =	sst s3;
	s11 =	smul.u32 $0xA00, s7  }
0x8: {  	s4 =	sadd.s32 $0x18E00, s6;
	s5 =	sadd.s32 $0x19000, s6;
	_ =	strace $0x80000059  }
0x9: {  	s7 =	ssub.s32 $0x2, s7;
	s8 =	sadd.s32 s9, s8;
	s28 =	sadd.s32 s10, s11  }
0xa: {  	s31 =	sshrl.u32 s7, $0x1;
	s8 =	sshrl.u32 s8, $0x3;
	s30 =	sshrl.u32 s28, $0x3  }
0xb: {  	s9 =	ssub.s32 s7, s31;
	s29 =	sadd.s32 s8, s6;
	s8 =	sadd.s32 s30, s6  }
0xc: {  	s11 =	simm.s32 $0x180;
	s6 =	sadd.s32 s10, s2;
	s7 =	sadd.s32 $0x19200, s8  }
0xd: {  	v0 =	vimm.f32 $0.0e+00;
	s8 =	smax.u32 s9, $0x1;
	s9 =	sadd.s32 $0xF000, s29;
	s10 =	sadd.s32 $0x5200, s29  }
.LBB2_1:
0xe: {  	[tilespmem:s11], [sflag:$0x1] =	stream.linear.gather [hbm4b:s4+s3], $0xA00, $0x38;
	[tilespmem:$0x1720] =	vst v63  }
0xf: {  	_ =	swait.ge [sflag:s12], $0xA00  }
0x10: {  	[sflag:s12] =	ssyncset.done $0x0  }
0x11: {  	[sflag:s12] =	ssyncadd.s32 $0xFFFFF600  }
0x12: {  	[tilespmem:s13], [sflag:$0x1] =	stream.linear.gather [hbm4b:s5+s3], $0xA00, $0x38;
	[tilespmem:$0x1720] =	vst v63  }
0x13: {  	_ =	swait.ge [sflag:s12], $0xA00  }
0x14: {  	[sflag:s12] =	ssyncset.done $0x0  }
0x15: {  	[sflag:s12] =	ssyncadd.s32 $0xFFFFF600  }
0x16: {  	[tilespmem:$0x1580] =	vst v0  }
0x17: {  	[tilespmem:$0x1590] =	vst v0  }
0x18: {  	[tilespmem:$0x15A0] =	vst v0  }
0x19: {  	[tilespmem:$0x15B0] =	vst v0  }
0x1a: {  	[tilespmem:$0x15C0] =	vst v0  }
0x1b: {  	[tilespmem:$0x15D0] =	vst v0  }
0x1c: {  	[tilespmem:$0x15E0] =	vst v0  }
0x1d: {  	[tilespmem:$0x15F0] =	vst v0  }
0x1e: {  	[tilespmem:$0x1600] =	vst v0  }
0x1f: {  	[tilespmem:$0x1610] =	vst v0  }
0x20: {  	[spmem:s6] =	stream.linear.scatter [tilespmem:s14], [sflag:$0x1], $0xA0, $0x38;
	[tilespmem:$0x1720] =	vst v63  }
0x21: {  	_ =	swait.ge [sflag:s12], $0xA0  }
0x22: {  	[sflag:s12] =	ssyncset.done $0x0  }
0x23: {  	[sflag:s12] =	ssyncadd.s32 $0xFFFFFF60  }
0x24: {  	s19 =	sadd.s32 $0x0, s10;
	[bflag:$0x0] =	sbarrier.arrive $0xFFFF  }
0x25: {  	[tilespmem:s3], [sflag:$0x1] =	stream.linear.gather [hbm4b:s19+s3], $0x50, $0x38;
	[tilespmem:$0x1720] =	vst v63  }
0x26: {  	_ =	swait.ge [sflag:s12], $0x50  }
0x27: {  	[sflag:s12] =	ssyncset.done $0x0  }
0x28: {  	s31 =	sadd.s32 $0x0, s9;
	[sflag:s12] =	ssyncadd.s32 $0xFFFFFFB0  }
0x29: {  	[tilespmem:s15], [sflag:$0x1] =	stream.linear.gather [hbm4b:s31+s3], $0x50, $0x38;
	[tilespmem:$0x1720] =	vst v63  }
0x2a: {  	_ =	swait.ge [sflag:s12], $0x50  }
0x2b: {  	[sflag:s12] =	ssyncset.done $0x0  }
0x2c: {  	[sflag:s12] =	ssyncadd.s32 $0xFFFFFFB0  }
0x2d: {  	v1 =	vld [tilespmem:$0x0]  }
0x2e: {  	v2 =	vld [tilespmem:$0x80];
	_ =	sdelay $0x3  }
0x2f: {  	v1 =	vshrl.u32 v1, $0x2  }
0x30: {  	v2 =	vshrl.u32 v2, $0x2;
	_ =	sdelay $0x2  }
0x31: {  	[tilespmem:$0x80] =	vst v2  }
0x32: {  	v1 =	vld.idx.msk [tilespmem:v1+s11+$0x0], $0xffff  }
0x33: {  	v2 =	vld.idx.msk [tilespmem:v2+s13+$0x0], $0xffff;
	_ =	sdelay $0x4  }
0x34: {  	v1 =	vadd.f32 v2, v1;
	_ =	sdelay $0x1  }
0x35: {  	v1 =	vsub.f32 $0.0e+00, v1;
	_ =	sdelay $0x1  }
0x36: {  	v1 =	vmul.f32 $1.442695020e+00, v1;
	_ =	sdelay $0x1  }
0x37: {  	(erf) = vpow2.f32 v1;
	_ =	sdelay $0x8  }
0x38: {  	v1 =	vpop (erf)  }
0x39: {  	v1 =	vadd.f32 $1.000000000e+00, v1;
	_ =	sdelay $0x1  }
0x3a: {  	(erf) = vrcp.f32 v1  }
0x3b: {  	v1 =	vld [tilespmem:$0x10]  }
0x3c: {  	v2 =	vld [tilespmem:$0x90];
	_ =	sdelay $0x3  }
0x3d: {  	v1 =	vshrl.u32 v1, $0x2  }
0x3e: {  	v2 =	vshrl.u32 v2, $0x2;
	_ =	sdelay $0x1  }
0x3f: {  	[tilespmem:$0x90] =	vst v2;
	v3 =	vpop (erf)  }
0x40: {  	[tilespmem:$0x100] =	vst v3  }
0x41: {  	v1 =	vld.idx.msk [tilespmem:v1+s11+$0x0], $0xffff  }
0x42: {  	v2 =	vld.idx.msk [tilespmem:v2+s13+$0x0], $0xffff;
	_ =	sdelay $0x4  }
0x43: {  	v1 =	vadd.f32 v2, v1;
	_ =	sdelay $0x1  }
0x44: {  	v1 =	vsub.f32 $0.0e+00, v1;
	_ =	sdelay $0x1  }
0x45: {  	v1 =	vmul.f32 $1.442695020e+00, v1;
	_ =	sdelay $0x1  }
0x46: {  	(erf) = vpow2.f32 v1;
	_ =	sdelay $0x8  }
0x47: {  	v1 =	vpop (erf)  }
0x48: {  	v1 =	vadd.f32 $1.000000000e+00, v1;
	_ =	sdelay $0x1  }
0x49: {  	(erf) = vrcp.f32 v1  }
0x4a: {  	v1 =	vld [tilespmem:$0x20]  }
0x4b: {  	v2 =	vld [tilespmem:$0xA0];
	_ =	sdelay $0x3  }
0x4c: {  	v1 =	vshrl.u32 v1, $0x2  }
0x4d: {  	v2 =	vshrl.u32 v2, $0x2;
	_ =	sdelay $0x1  }
0x4e: {  	[tilespmem:$0xA0] =	vst v2;
	v3 =	vpop (erf)  }
0x4f: {  	[tilespmem:$0x110] =	vst v3  }
0x50: {  	v1 =	vld.idx.msk [tilespmem:v1+s11+$0x0], $0xffff  }
0x51: {  	v2 =	vld.idx.msk [tilespmem:v2+s13+$0x0], $0xffff;
	_ =	sdelay $0x4  }
0x52: {  	v1 =	vadd.f32 v2, v1;
	_ =	sdelay $0x1  }
0x53: {  	v1 =	vsub.f32 $0.0e+00, v1;
	_ =	sdelay $0x1  }
0x54: {  	v1 =	vmul.f32 $1.442695020e+00, v1;
	_ =	sdelay $0x1  }
0x55: {  	(erf) = vpow2.f32 v1;
	_ =	sdelay $0x8  }
0x56: {  	v1 =	vpop (erf)  }
0x57: {  	v1 =	vadd.f32 $1.000000000e+00, v1;
	_ =	sdelay $0x1  }
0x58: {  	(erf) = vrcp.f32 v1  }
0x59: {  	v1 =	vld [tilespmem:$0x30]  }
0x5a: {  	v2 =	vld [tilespmem:$0xB0];
	_ =	sdelay $0x3  }
0x5b: {  	v1 =	vshrl.u32 v1, $0x2  }
0x5c: {  	v2 =	vshrl.u32 v2, $0x2;
	_ =	sdelay $0x1  }
0x5d: {  	[tilespmem:$0xB0] =	vst v2;
	v3 =	vpop (erf)  }
0x5e: {  	[tilespmem:$0x120] =	vst v3  }
0x5f: {  	v1 =	vld.idx.msk [tilespmem:v1+s11+$0x0], $0xffff  }
0x60: {  	v2 =	vld.idx.msk [tilespmem:v2+s13+$0x0], $0xffff;
	_ =	sdelay $0x4  }
0x61: {  	v1 =	vadd.f32 v2, v1;
	_ =	sdelay $0x1  }
0x62: {  	v1 =	vsub.f32 $0.0e+00, v1;
	_ =	sdelay $0x1  }
0x63: {  	v1 =	vmul.f32 $1.442695020e+00, v1;
	_ =	sdelay $0x1  }
0x64: {  	(erf) = vpow2.f32 v1;
	_ =	sdelay $0x8  }
0x65: {  	v1 =	vpop (erf)  }
0x66: {  	v1 =	vadd.f32 $1.000000000e+00, v1;
	_ =	sdelay $0x1  }
0x67: {  	(erf) = vrcp.f32 v1  }
0x68: {  	v1 =	vld [tilespmem:$0x40]  }
0x69: {  	v2 =	vld [tilespmem:$0xC0];
	_ =	sdelay $0x3  }
0x6a: {  	v1 =	vshrl.u32 v1, $0x2  }
0x6b: {  	v2 =	vshrl.u32 v2, $0x2;
	_ =	sdelay $0x1  }
0x6c: {  	[tilespmem:$0xC0] =	vst v2;
	v3 =	vpop (erf)  }
0x6d: {  	[tilespmem:$0x130] =	vst v3  }
0x6e: {  	v1 =	vld.idx.msk [tilespmem:v1+s11+$0x0], $0xffff  }
0x6f: {  	v2 =	vld.idx.msk [tilespmem:v2+s13+$0x0], $0xffff;
	_ =	sdelay $0x4  }
0x70: {  	v1 =	vadd.f32 v2, v1;
	_ =	sdelay $0x1  }
0x71: {  	v1 =	vsub.f32 $0.0e+00, v1;
	_ =	sdelay $0x1  }
0x72: {  	v1 =	vmul.f32 $1.442695020e+00, v1;
	_ =	sdelay $0x1  }
0x73: {  	(erf) = vpow2.f32 v1;
	_ =	sdelay $0x8  }
0x74: {  	v1 =	vpop (erf)  }
0x75: {  	v1 =	vadd.f32 $1.000000000e+00, v1;
	_ =	sdelay $0x1  }
0x76: {  	s19 =	simm.s32 $0xA;
	(erf) = vrcp.f32 v1  }
.LBB2_2:
0x77: {  	_ =	sdelay $0x7  }
0x78: {  	p0 =	sne.s32 s19, $0x4D8;
	s20 =	smov.u32 s19;
	s19 =	sadd.s32 $0xA, s19;
	v1 =	vpop (erf)  }
0x79: {  	[tilespmem:$0x140] =	vst v1  }
0x7a: {  	[spmem:s2] =	stream.indirect.scatter.add.f32 [tilespmem:s17], [sflag:$0x1], $0x1, s15, s16, $0xb8;
	[tilespmem:$0x1720] =	vst v63  }
0x7b: {  	_ =	swait.ge [sflag:s12], $0x50  }
0x7c: {  	[sflag:s12] =	ssyncset.done $0x0  }
0x7d: {  	s21 =	sadd.s32 s20, s10;
	[sflag:s12] =	ssyncadd.s32 $0xFFFFFFB0  }
0x7e: {  	[tilespmem:s3], [sflag:$0x1] =	stream.linear.gather [hbm4b:s21+s3], $0x50, $0x38;
	[tilespmem:$0x1720] =	vst v63  }
0x7f: {  	_ =	swait.ge [sflag:s12], $0x50  }
0x80: {  	[sflag:s12] =	ssyncset.done $0x0  }
0x81: {  	s20 =	sadd.s32 s20, s9;
	[sflag:s12] =	ssyncadd.s32 $0xFFFFFFB0  }
0x82: {  	[tilespmem:s15], [sflag:$0x1] =	stream.linear.gather [hbm4b:s20+s3], $0x50, $0x38;
	[tilespmem:$0x1720] =	vst v63  }
0x83: {  	_ =	swait.ge [sflag:s12], $0x50  }
0x84: {  	[sflag:s12] =	ssyncset.done $0x0  }
0x85: {  	[sflag:s12] =	ssyncadd.s32 $0xFFFFFFB0  }
0x86: {  	v1 =	vld [tilespmem:$0x0]  }
0x87: {  	v3 =	vld [tilespmem:$0x80]  }
0x88: {  	v4 =	vld [tilespmem:$0x10]  }
0x89: {  	v5 =	vld [tilespmem:$0x20]  }
0x8a: {  	v2 =	vld [tilespmem:$0x30]  }
0x8b: {  	v6 =	vshrl.u32 v1, $0x2;
	v1 =	vld [tilespmem:$0x40]  }
0x8c: {  	v3 =	vshrl.u32 v3, $0x2;
	_ =	sdelay $0x2  }
0x8d: {  	[tilespmem:$0x80] =	vst v3  }
0x8e: {  	v6 =	vld.idx.msk [tilespmem:v6+s11+$0x0], $0xffff  }
0x8f: {  	v3 =	vld.idx.msk [tilespmem:v3+s13+$0x0], $0xffff;
	_ =	sdelay $0x5  }
0x90: {  	v3 =	vadd.f32 v3, v6;
	_ =	sdelay $0x1  }
0x91: {  	v3 =	vsub.f32 $0.0e+00, v3;
	_ =	sdelay $0x1  }
0x92: {  	v3 =	vmul.f32 $1.442695020e+00, v3;
	_ =	sdelay $0x1  }
0x93: {  	(erf) = vpow2.f32 v3;
	_ =	sdelay $0x8  }
0x94: {  	v3 =	vpop (erf)  }
0x95: {  	v3 =	vadd.f32 $1.000000000e+00, v3;
	_ =	sdelay $0x1  }
0x96: {  	(erf) = vrcp.f32 v3;
	_ =	sdelay $0x1  }
0x97: {  	v3 =	vld [tilespmem:$0x90];
	_ =	sdelay $0x3  }
0x98: {  	v4 =	vshrl.u32 v4, $0x2  }
0x99: {  	v3 =	vshrl.u32 v3, $0x2;
	_ =	sdelay $0x1  }
0x9a: {  	[tilespmem:$0x90] =	vst v3;
	v6 =	vpop (erf)  }
0x9b: {  	[tilespmem:$0x100] =	vst v6  }
0x9c: {  	v4 =	vld.idx.msk [tilespmem:v4+s11+$0x0], $0xffff  }
0x9d: {  	v3 =	vld.idx.msk [tilespmem:v3+s13+$0x0], $0xffff;
	_ =	sdelay $0x5  }
0x9e: {  	v3 =	vadd.f32 v3, v4;
	_ =	sdelay $0x1  }
0x9f: {  	v3 =	vsub.f32 $0.0e+00, v3;
	_ =	sdelay $0x1  }
0xa0: {  	v3 =	vmul.f32 $1.442695020e+00, v3;
	_ =	sdelay $0x1  }
0xa1: {  	(erf) = vpow2.f32 v3;
	_ =	sdelay $0x8  }
0xa2: {  	v3 =	vpop (erf)  }
0xa3: {  	v3 =	vadd.f32 $1.000000000e+00, v3;
	_ =	sdelay $0x1  }
0xa4: {  	(erf) = vrcp.f32 v3;
	_ =	sdelay $0x1  }
0xa5: {  	v3 =	vld [tilespmem:$0xA0];
	_ =	sdelay $0x3  }
0xa6: {  	v4 =	vshrl.u32 v5, $0x2  }
0xa7: {  	v3 =	vshrl.u32 v3, $0x2;
	v5 =	vld [tilespmem:$0xB0];
	_ =	sdelay $0x1  }
0xa8: {  	[tilespmem:$0xA0] =	vst v3;
	v6 =	vpop (erf)  }
0xa9: {  	[tilespmem:$0x110] =	vst v6  }
0xaa: {  	v4 =	vld.idx.msk [tilespmem:v4+s11+$0x0], $0xffff  }
0xab: {  	v3 =	vld.idx.msk [tilespmem:v3+s13+$0x0], $0xffff;
	v5 =	vshrl.u32 v5, $0x2  }
0xac: {  	[tilespmem:$0xB0] =	vst v5;
	_ =	sdelay $0x4  }
0xad: {  	v3 =	vadd.f32 v3, v4;
	_ =	sdelay $0x1  }
0xae: {  	v3 =	vsub.f32 $0.0e+00, v3;
	_ =	sdelay $0x1  }
0xaf: {  	v3 =	vmul.f32 $1.442695020e+00, v3;
	_ =	sdelay $0x1  }
0xb0: {  	(erf) = vpow2.f32 v3;
	_ =	sdelay $0x8  }
0xb1: {  	v3 =	vpop (erf)  }
0xb2: {  	v3 =	vadd.f32 $1.000000000e+00, v3;
	_ =	sdelay $0x1  }
0xb3: {  	(erf) = vrcp.f32 v3;
	_ =	sdelay $0x5  }
0xb4: {  	v2 =	vshrl.u32 v2, $0x2  }
0xb5: {  	v3 =	vld [tilespmem:$0xC0];
	_ =	sdelay $0x1  }
0xb6: {  	v4 =	vpop (erf)  }
0xb7: {  	[tilespmem:$0x120] =	vst v4  }
0xb8: {  	v2 =	vld.idx.msk [tilespmem:v2+s11+$0x0], $0xffff  }
0xb9: {  	v4 =	vld.idx.msk [tilespmem:v5+s13+$0x0], $0xffff;
	v3 =	vshrl.u32 v3, $0x2  }
0xba: {  	[tilespmem:$0xC0] =	vst v3;
	_ =	sdelay $0x4  }
0xbb: {  	v2 =	vadd.f32 v4, v2;
	_ =	sdelay $0x1  }
0xbc: {  	v2 =	vsub.f32 $0.0e+00, v2;
	_ =	sdelay $0x1  }
0xbd: {  	v2 =	vmul.f32 $1.442695020e+00, v2;
	_ =	sdelay $0x1  }
0xbe: {  	(erf) = vpow2.f32 v2;
	_ =	sdelay $0x8  }
0xbf: {  	v2 =	vpop (erf)  }
0xc0: {  	v2 =	vadd.f32 $1.000000000e+00, v2;
	_ =	sdelay $0x1  }
0xc1: {  	(erf) = vrcp.f32 v2;
	_ =	sdelay $0x5  }
0xc2: {  	v1 =	vshrl.u32 v1, $0x2;
	_ =	sdelay $0x2  }
0xc3: {  	v2 =	vpop (erf)  }
0xc4: {  	[tilespmem:$0x130] =	vst v2  }
0xc5: {  	v1 =	vld.idx.msk [tilespmem:v1+s11+$0x0], $0xffff  }
0xc6: {  	v2 =	vld.idx.msk [tilespmem:v3+s13+$0x0], $0xffff;
	_ =	sdelay $0x5  }
0xc7: {  	v1 =	vadd.f32 v2, v1;
	_ =	sdelay $0x1  }
0xc8: {  	v1 =	vsub.f32 $0.0e+00, v1;
	_ =	sdelay $0x1  }
0xc9: {  	v1 =	vmul.f32 $1.442695020e+00, v1;
	_ =	sdelay $0x1  }
0xca: {  	(erf) = vpow2.f32 v1;
	_ =	sdelay $0x7  }
.Ltmp0:
0xcb: {  	(pc) =	sbr.rel @p0 .LBB2_2-.Ltmp0, $3  }
0xcc: {  	v1 =	vpop (erf)  }
0xcd: {  	v1 =	vadd.f32 $1.000000000e+00, v1;
	_ =	sdelay $0x1  }
0xce: {  	(erf) = vrcp.f32 v1  }
0xcf: {  	_ =	sdelay $0x7  }
0xd0: {  	v1 =	vpop (erf)  }
0xd1: {  	[tilespmem:$0x140] =	vst v1  }
0xd2: {  	[spmem:s2] =	stream.indirect.scatter.add.f32 [tilespmem:s17], [sflag:$0x1], $0x1, s15, s16, $0xb8;
	[tilespmem:$0x1720] =	vst v63  }
0xd3: {  	_ =	swait.ge [sflag:s12], $0x50  }
0xd4: {  	[sflag:s12] =	ssyncset.done $0x0  }
0xd5: {  	[sflag:s12] =	ssyncadd.s32 $0xFFFFFFB0  }
0xd6: {  	[bflag:$0x0] =	sbarrier.arrive $0xFFFF  }
0xd7: {  	[tilespmem:s14], [sflag:$0x1] =	stream.linear.gather [spmem:s6], $0xA0, $0x38;
	[tilespmem:$0x1720] =	vst v63  }
0xd8: {  	s18 =	sadd.s32 $0x1, s18;
	_ =	swait.ge [sflag:s12], $0xA0  }
0xd9: {  	p0 =	sne.s32 s18, s8;
	[sflag:s12] =	ssyncset.done $0x0  }
.Ltmp1:
0xda: {  	[sflag:s12] =	ssyncadd.s32 $0xFFFFFF60;
	(pc) =	sbr.rel @p0 .LBB2_1-.Ltmp1, $4  }
0xdb: {  	[hbm4b:s7+s3] =	stream.linear.scatter [tilespmem:s14], [sflag:$0x1], $0xA0, $0x38;
	[tilespmem:$0x1720] =	vst v63  }
0xdc: {  	_ =	swait.ge [sflag:s12], $0xA0  }
0xdd: {  	[sflag:s12] =	ssyncset.done $0x0  }
0xde: {  	[sflag:s12] =	ssyncadd.s32 $0xFFFFFF60  }
0xdf: {  	_ =	sfence.sel $0x180000  }
0xe0: {  	[bflag:$0x0] =	sbarrier.arrive $0xFFFF  }
0xe1: {  	p0 =	sne.s32 s1, $0x0;
	_ =	strace $0x90000059  }
0xe2: {  	s0 =	sadd.s32 @!p0 $0x100000, s0;
	[bflag:$0x2] =	sbarrier.arrive $0xFFFF  }
0xe3: {  	[sflag:s0] =	ssyncadd.tile.s32 @!p0 $0x1;
	_ =	shalt  }
.Lfunc_end2:
_tile_overlayer_lowered:
.L_overlay_start_2:
0xe4: {  	(tag) =	ssettag $0x2  }
0xe5: {  	s0 =	rddreg [dreg:$0x0];
	s2 =	stileid.u32  }
0xe6: {  	s1 =	rddreg [dreg:$0x1];
	p0 =	sne.s32 s2, $0x0  }
0xe7: {  	s3 =	rddreg [dreg:$0x2];
	[bflag:$0x3] =	sbarrier.arrive $0xFFFF;
	s2 =	simm.s32 @!p0 $0x1C01  }
0xe8: {  	[timem:s3], [sflag:s2] =	dma.local @!p0 [hbm:s0], s1  }
0xe9: {  	s0 =	simm.s32 @!p0 $0x1  }
0xea: {  	_ =	swait.ge @!p0 [sflag:s0], s1  }
0xeb: {  	s1 =	ssub.s32 @!p0 $0x0, s1;
	[sflag:s0] =	ssyncset.done @!p0 $0x0  }
0xec: {  	[sflag:s0] =	ssyncadd.s32 @!p0 s1  }
0xed: {  	[bflag:$0x3] =	sbarrier.arrive $0xFFFF  }
0xee: {  	_ =	shalt  }

</sc_bundles>
